<compile_context>
chip_gen: v7x
topology: tpu7x:2x2x1
jax: 0.10.2.dev20260603
libtpu: 0.0.44.dev20260713+nightly
codegen_flags: <defaults>
</compile_context>

<pallas_src>
import jax
import jax.numpy as jnp
from jax import lax
from jax.experimental import pallas as pl
from jax.experimental.pallas import tpu as pltpu
from jax.experimental.pallas import tpu_sc as plsc

_B = 1024
_H = 19
_W = 19
_HW = _H * _W
_F = 64
_V = 2380
_L = 16
_NFULL = _HW // _L
_NC = 2
_NS = 16
_BPT = _B // _NS
_FH = _F // _NC
_FP = _FH // 2
_OC = 3 + _F
_VR = _V + 1
_ZROW = _V
_TWORDS = _VR * _FP


def _splat(v):
    return jnp.full((_L,), v, jnp.int32)


def _unpack_pair(g):
    lo = plsc.bitcast(g << 16, jnp.float32)
    hi = plsc.bitcast(g & jnp.int32(-65536), jnp.float32)
    return lo, hi


def _sc_body(brdp_hbm, stm_hbm, idxp_hbm, tbl2_hbm, out_hbm,
             table_v, outb_v, idx_v, brd_v, stm_v, sem_out0, sem_out1):
    cid = lax.axis_index("c")
    sid = lax.axis_index("s")
    bbase = sid * _BPT
    sem_out = (sem_out0, sem_out1)

    pltpu.sync_copy(tbl2_hbm.at[cid], table_v)
    pltpu.sync_copy(idxp_hbm.at[pl.ds(bbase, _BPT)], idx_v)
    pltpu.sync_copy(brdp_hbm.at[pl.ds(bbase, _BPT)], brd_v)
    pltpu.sync_copy(stm_hbm.at[pl.ds(bbase, _BPT)], stm_v)

    mask16 = jnp.int32(0xFFFF)
    hi_mask = jnp.int32(-65536)
    zsplat = _splat(_ZROW)

    def out_copy(b, t):
        return (
            pltpu.make_async_copy(outb_v.at[t],
                                  out_hbm.at[b, pl.ds(0, 3 + _FH), :],
                                  sem_out[t]),
            pltpu.make_async_copy(outb_v.at[t, pl.ds(3, _FH), :],
                                  out_hbm.at[b, pl.ds(3 + _FH, _FH), :],
                                  sem_out[t]),
        )

    def compute_sample(s, t):
        b = bbase + s
        stm16 = plsc.load_gather(stm_v, [_splat(0) + s])

        c0, c1 = out_copy(b, t)

        @pl.when((s >= 2) & (cid == 0))
        def _():
            c0.wait()

        @pl.when((s >= 2) & (cid == 1))
        def _():
            c1.wait()

        def _emit_chunk(off):
            w_i = idx_v[s, pl.ds(off, _L)]
            w_b = brd_v[s, pl.ds(off, _L)]
            occ = w_b != 0
            base0 = jnp.where(occ, zsplat, w_i & mask16)
            base1 = jnp.where(occ, zsplat,
                              lax.shift_right_logical(w_i, 16))

            gs = []
            for f2 in range(_FP):
                gs.append(plsc.load_gather(table_v, [base0 + f2 * _VR]))
                gs.append(plsc.load_gather(table_v, [base1 + f2 * _VR]))
            outs = []
            for f2 in range(_FP):
                lo0, hi0 = _unpack_pair(gs[2 * f2])
                lo1, hi1 = _unpack_pair(gs[2 * f2 + 1])
                outs.append(lo0 + lo1)
                outs.append(hi0 + hi1)

            @pl.when(cid == 0)
            def _():
                b0, b1 = _unpack_pair(w_b)
                outb_v[t, 0, pl.ds(off, _L)] = b0
                outb_v[t, 1, pl.ds(off, _L)] = b1
                outb_v[t, 2, pl.ds(off, _L)] = stm16

            for f in range(_FH):
                outb_v[t, 3 + f, pl.ds(off, _L)] = outs[f]

        def _chunk2(c, carry_c):
            _emit_chunk(c * (2 * _L))
            _emit_chunk(c * (2 * _L) + _L)
            return carry_c

        lax.fori_loop(0, _NFULL // 2, _chunk2, 0)
        _emit_chunk(jnp.int32(_HW - _L))

        plsc.subcore_barrier()

        c0, c1 = out_copy(b, t)

        @pl.when(cid == 0)
        def _():
            c0.start()

        @pl.when(cid == 1)
        def _():
            c1.start()

    def sample_pair(j, carry):
        compute_sample(j * 2, 0)
        compute_sample(j * 2 + 1, 1)
        return carry

    lax.fori_loop(0, _BPT // 2, sample_pair, 0)

    for t in range(2):
        c0, c1 = out_copy(bbase + _BPT - 2 + t, t)

        @pl.when(cid == 0)
        def _():
            c0.wait()

        @pl.when(cid == 1)
        def _():
            c1.wait()


@jax.jit
def _sc_call(brd_packed, stm, idx_packed, tbl2):
    mesh = plsc.VectorSubcoreMesh(core_axis_name="c", subcore_axis_name="s",
                                  num_cores=_NC, num_subcores=_NS)
    return pl.kernel(
        _sc_body,
        out_type=jax.ShapeDtypeStruct((_B, _OC, _HW), jnp.float32),
        mesh=mesh,
        compiler_params=pltpu.CompilerParams(use_tc_tiling_on_sc=False,
                                             needs_layout_passes=False,
                                             disable_bounds_checks=True),
        scratch_types=[
            pltpu.VMEM((_TWORDS,), jnp.int32),
            pltpu.VMEM((2, 3 + _FH, _HW), jnp.float32),
            pltpu.VMEM((_BPT, _HW), jnp.int32),
            pltpu.VMEM((_BPT, _HW), jnp.int32),
            pltpu.VMEM((_BPT,), jnp.float32),
            pltpu.SemaphoreType.DMA,
            pltpu.SemaphoreType.DMA,
        ],
    )(brd_packed, stm, idx_packed, tbl2)


def kernel(board_input, stm_input, sparse_feature_input, sparse_feature_dim,
           pcode_embedding):
    del sparse_feature_dim
    sparse3 = sparse_feature_input.reshape(_B, 12, _HW)
    idx_packed = sparse3[:, 10, :] | (sparse3[:, 11, :] << 16)
    brd_packed = jax.lax.bitcast_convert_type(
        board_input.reshape(_B, 2, _HW).transpose(0, 2, 1)
        .astype(jnp.bfloat16), jnp.int32)
    tbl = jnp.concatenate(
        [pcode_embedding, jnp.zeros((1, _F), jnp.float32)], axis=0)
    tbl_pairs = jax.lax.bitcast_convert_type(
        tbl.astype(jnp.bfloat16).reshape(_V + 1, _F // 2, 2), jnp.int32)
    tbl2 = tbl_pairs.reshape(_VR, _NC, _FP).transpose(1, 2, 0) \
        .reshape(_NC, _TWORDS)
    out = _sc_call(brd_packed, stm_input, idx_packed, tbl2)
    return out.reshape(_B, _OC, _H, _W)

# --- scband reference (transcript-rebuilt; emitter-appended) ---
"""Pipeline reference for scband-pattern-code-embedding-input-plane-26809185862271 (READ-ONLY COPY).

The authoritative reference and input builder live on the scoring server;
editing this copy changes nothing except your own understanding.
"""

import jax, jax.numpy as jnp
import numpy as np

B = 1024
H = 19
W = 19
FEATURE_DIM = 64
PCODE_DIM = 2380


def setup_inputs(seed: int = 0) -> dict:
    key = jax.random.key(seed)
    k1, k2, k3, k4 = jax.random.split(key, 4)
    # binary occupancy planes (black/white stones)
    board_input = (jax.random.uniform(k1, (B, 2, H, W)) < 0.3).astype(jnp.float32)
    stm_input = jax.random.uniform(k2, (B,), dtype=jnp.float32)
    # 12 sparse feature channels; channels 10,11 hold pattern codes in [0, PCODE_DIM)
    sparse_feature_input = jax.random.randint(k3, (B, 12, H, W), 0, PCODE_DIM, dtype=jnp.int32)
    # module asserts sparse_feature_dim[:, 10:12] == pcode_dim, so fill with the constant
    sparse_feature_dim = jnp.full((B, 12), PCODE_DIM, dtype=jnp.int32)
    # learned embedding table (nn.Embedding weight)
    pcode_embedding = jax.random.normal(k4, (PCODE_DIM, FEATURE_DIM), dtype=jnp.float32) * 0.02
    return {
        "board_input": board_input,
        "stm_input": stm_input,
        "sparse_feature_input": sparse_feature_input,
        "sparse_feature_dim": sparse_feature_dim,
        "pcode_embedding": pcode_embedding,
    }


def reference(board_input, stm_input, sparse_feature_input, sparse_feature_dim, pcode_embedding):
    # assert in torch: all(pcode_dim == sparse_feature_dim[:, 10:12]) -- holds by construction
    pcode_idx = sparse_feature_input[:, jnp.array([10, 11])].astype(jnp.int32)  # [B, 2, H, W]
    pcode_feature = jnp.take(pcode_embedding, pcode_idx, axis=0)  # [B, 2, H, W, F]
    pcode_feature = jnp.sum(pcode_feature, axis=1)  # [B, H, W, F]
    pcode_feature = jnp.transpose(pcode_feature, (0, 3, 1, 2))  # [B, F, H, W]
    non_empty_mask = (board_input[:, 0] + board_input[:, 1]) > 0  # [B, H, W]
    non_empty_mask = non_empty_mask[:, None, :, :]  # [B, 1, H, W]
    pcode_feature = jnp.where(non_empty_mask, 0.0, pcode_feature)
    # with_basic / with_stm path (both True)
    bf = board_input.astype(jnp.float32)
    Bn, C, Hh, Ww = bf.shape
    stm_plane = jnp.broadcast_to(stm_input.reshape(Bn, 1, 1, 1), (Bn, 1, Hh, Ww))
    basic_plane = jnp.concatenate([bf, stm_plane], axis=1)  # [B, 3, H, W]
    input_plane = jnp.concatenate([basic_plane, pcode_feature], axis=1)  # [B, 3+F, H, W]
    return input_plane

if __name__ == "__main__":
    import jax
    _d = setup_inputs()
    print(jax.jit(kernel)(*tuple(_d.values())))

</pallas_src>

<mosaic_0001>
#map = affine_map<(d0, d1) -> (0, 0)>
#map1 = affine_map<(d0, d1) -> (0)>
#map2 = affine_map<(d0, d1) -> (0, 0, 0)>
module attributes {stable_mosaic.version = 14 : i64} {
  func.func @_sc_body(%arg0: i32, %arg1: i32, %arg2: memref<1024x361xi32, #tpu.memory_space<hbm>>, %arg3: memref<1024xf32, #tpu.memory_space<hbm>>, %arg4: memref<1024x361xi32, #tpu.memory_space<hbm>>, %arg5: memref<2x38096xi32, #tpu.memory_space<hbm>>, %arg6: memref<1024x67x361xf32, #tpu.memory_space<hbm>>, %arg7: memref<38096xi32, #tpu.memory_space<vmem>>, %arg8: memref<2x35x361xf32, #tpu.memory_space<vmem>>, %arg9: memref<64x361xi32, #tpu.memory_space<vmem>>, %arg10: memref<64x361xi32, #tpu.memory_space<vmem>>, %arg11: memref<64xf32, #tpu.memory_space<vmem>>, %arg12: memref<!tpu.dma_semaphore, #tpu.memory_space<semaphore_mem>>, %arg13: memref<!tpu.dma_semaphore, #tpu.memory_space<semaphore_mem>>) attributes {dimension_semantics = [#tpu.dimension_semantics<core_parallel>, #tpu.dimension_semantics<subcore_parallel>], iteration_bounds = array<i64: 2, 16>, scalar_prefetch = 0 : i64, scratch_operands = 7 : i64, tpu.core_type = #tpu.core_type<sc_vector_subcore>, window_params = [{transform_indices = #map}, {transform_indices = #map1}, {transform_indices = #map}, {transform_indices = #map}, {transform_indices = #map2}]} {
    %mul3A = arith.constant 64 : i32
    %mul3A_0 = arith.muli %arg1, %mul3A : i32
    "tpu.region"() ({
      %run_scoped3A = tpu.sem_alloc : memref<!tpu.dma_semaphore, #tpu.memory_space<semaphore_mem>>
      %dma_start3A = arith.constant 0 : i32
      %dma_start3A_39 = tpu.memref_slice %arg5[%arg0, %dma_start3A] : memref<2x38096xi32, #tpu.memory_space<hbm>> -> memref<1x38096xi32, #tpu.memory_space<hbm>>
      %dma_start3A_40 = tpu.memref_squeeze %dma_start3A_39 : memref<1x38096xi32, #tpu.memory_space<hbm>> -> memref<38096xi32, #tpu.memory_space<hbm>>
      %dma_start3A_41 = arith.constant 0 : i32
      %dma_start3A_42 = tpu.memref_slice %arg5[%arg0, %dma_start3A_41] : memref<2x38096xi32, #tpu.memory_space<hbm>> -> memref<1x38096xi32, #tpu.memory_space<hbm>>
      %dma_start3A_43 = tpu.memref_squeeze %dma_start3A_42 : memref<1x38096xi32, #tpu.memory_space<hbm>> -> memref<38096xi32, #tpu.memory_space<hbm>>
      tpu.enqueue_dma source(%dma_start3A_43 : memref<38096xi32, #tpu.memory_space<hbm>>) target(%arg7 : memref<38096xi32, #tpu.memory_space<vmem>>) target_semaphore(%run_scoped3A : memref<!tpu.dma_semaphore, #tpu.memory_space<semaphore_mem>>)
      %dma_wait3A = arith.constant 0 : i32
      %dma_wait3A_44 = tpu.memref_slice %arg5[%arg0, %dma_wait3A] : memref<2x38096xi32, #tpu.memory_space<hbm>> -> memref<1x38096xi32, #tpu.memory_space<hbm>>
      %dma_wait3A_45 = tpu.memref_squeeze %dma_wait3A_44 : memref<1x38096xi32, #tpu.memory_space<hbm>> -> memref<38096xi32, #tpu.memory_space<hbm>>
      %dma_wait3A_46 = arith.constant 0 : i32
      %dma_wait3A_47 = tpu.memref_slice %arg5[%arg0, %dma_wait3A_46] : memref<2x38096xi32, #tpu.memory_space<hbm>> -> memref<1x38096xi32, #tpu.memory_space<hbm>>
      %dma_wait3A_48 = tpu.memref_squeeze %dma_wait3A_47 : memref<1x38096xi32, #tpu.memory_space<hbm>> -> memref<38096xi32, #tpu.memory_space<hbm>>
      tpu.wait_dma2 semaphore(%run_scoped3A : memref<!tpu.dma_semaphore, #tpu.memory_space<semaphore_mem>>) src(%dma_wait3A_48 : memref<38096xi32, #tpu.memory_space<hbm>>) dst(%arg7 : memref<38096xi32, #tpu.memory_space<vmem>>)
      tpu.yield
    }) : () -> ()
    "tpu.region"() ({
      %run_scoped3A = tpu.sem_alloc : memref<!tpu.dma_semaphore, #tpu.memory_space<semaphore_mem>>
      %dma_start3A = arith.constant 0 : i32
      %dma_start3A_39 = tpu.memref_slice %arg4[%mul3A_0, %dma_start3A] : memref<1024x361xi32, #tpu.memory_space<hbm>> -> memref<64x361xi32, #tpu.memory_space<hbm>>
      %dma_start3A_40 = arith.constant 0 : i32
      %dma_start3A_41 = tpu.memref_slice %arg4[%mul3A_0, %dma_start3A_40] : memref<1024x361xi32, #tpu.memory_space<hbm>> -> memref<64x361xi32, #tpu.memory_space<hbm>>
      tpu.enqueue_dma source(%dma_start3A_41 : memref<64x361xi32, #tpu.memory_space<hbm>>) target(%arg9 : memref<64x361xi32, #tpu.memory_space<vmem>>) target_semaphore(%run_scoped3A : memref<!tpu.dma_semaphore, #tpu.memory_space<semaphore_mem>>)
      %dma_wait3A = arith.constant 0 : i32
      %dma_wait3A_42 = tpu.memref_slice %arg4[%mul3A_0, %dma_wait3A] : memref<1024x361xi32, #tpu.memory_space<hbm>> -> memref<64x361xi32, #tpu.memory_space<hbm>>
      %dma_wait3A_43 = arith.constant 0 : i32
      %dma_wait3A_44 = tpu.memref_slice %arg4[%mul3A_0, %dma_wait3A_43] : memref<1024x361xi32, #tpu.memory_space<hbm>> -> memref<64x361xi32, #tpu.memory_space<hbm>>
      tpu.wait_dma2 semaphore(%run_scoped3A : memref<!tpu.dma_semaphore, #tpu.memory_space<semaphore_mem>>) src(%dma_wait3A_44 : memref<64x361xi32, #tpu.memory_space<hbm>>) dst(%arg9 : memref<64x361xi32, #tpu.memory_space<vmem>>)
      tpu.yield
    }) : () -> ()
    "tpu.region"() ({
      %run_scoped3A = tpu.sem_alloc : memref<!tpu.dma_semaphore, #tpu.memory_space<semaphore_mem>>
      %dma_start3A = arith.constant 0 : i32
      %dma_start3A_39 = tpu.memref_slice %arg2[%mul3A_0, %dma_start3A] : memref<1024x361xi32, #tpu.memory_space<hbm>> -> memref<64x361xi32, #tpu.memory_space<hbm>>
      %dma_start3A_40 = arith.constant 0 : i32
      %dma_start3A_41 = tpu.memref_slice %arg2[%mul3A_0, %dma_start3A_40] : memref<1024x361xi32, #tpu.memory_space<hbm>> -> memref<64x361xi32, #tpu.memory_space<hbm>>
      tpu.enqueue_dma source(%dma_start3A_41 : memref<64x361xi32, #tpu.memory_space<hbm>>) target(%arg10 : memref<64x361xi32, #tpu.memory_space<vmem>>) target_semaphore(%run_scoped3A : memref<!tpu.dma_semaphore, #tpu.memory_space<semaphore_mem>>)
      %dma_wait3A = arith.constant 0 : i32
      %dma_wait3A_42 = tpu.memref_slice %arg2[%mul3A_0, %dma_wait3A] : memref<1024x361xi32, #tpu.memory_space<hbm>> -> memref<64x361xi32, #tpu.memory_space<hbm>>
      %dma_wait3A_43 = arith.constant 0 : i32
      %dma_wait3A_44 = tpu.memref_slice %arg2[%mul3A_0, %dma_wait3A_43] : memref<1024x361xi32, #tpu.memory_space<hbm>> -> memref<64x361xi32, #tpu.memory_space<hbm>>
      tpu.wait_dma2 semaphore(%run_scoped3A : memref<!tpu.dma_semaphore, #tpu.memory_space<semaphore_mem>>) src(%dma_wait3A_44 : memref<64x361xi32, #tpu.memory_space<hbm>>) dst(%arg10 : memref<64x361xi32, #tpu.memory_space<vmem>>)
      tpu.yield
    }) : () -> ()
    "tpu.region"() ({
      %run_scoped3A = tpu.sem_alloc : memref<!tpu.dma_semaphore, #tpu.memory_space<semaphore_mem>>
      %dma_start3A = tpu.memref_slice %arg3[%mul3A_0] : memref<1024xf32, #tpu.memory_space<hbm>> -> memref<64xf32, #tpu.memory_space<hbm>>
      %dma_start3A_39 = tpu.memref_slice %arg3[%mul3A_0] : memref<1024xf32, #tpu.memory_space<hbm>> -> memref<64xf32, #tpu.memory_space<hbm>>
      tpu.enqueue_dma source(%dma_start3A_39 : memref<64xf32, #tpu.memory_space<hbm>>) target(%arg11 : memref<64xf32, #tpu.memory_space<vmem>>) target_semaphore(%run_scoped3A : memref<!tpu.dma_semaphore, #tpu.memory_space<semaphore_mem>>)
      %dma_wait3A = tpu.memref_slice %arg3[%mul3A_0] : memref<1024xf32, #tpu.memory_space<hbm>> -> memref<64xf32, #tpu.memory_space<hbm>>
      %dma_wait3A_40 = tpu.memref_slice %arg3[%mul3A_0] : memref<1024xf32, #tpu.memory_space<hbm>> -> memref<64xf32, #tpu.memory_space<hbm>>
      tpu.wait_dma2 semaphore(%run_scoped3A : memref<!tpu.dma_semaphore, #tpu.memory_space<semaphore_mem>>) src(%dma_wait3A_40 : memref<64xf32, #tpu.memory_space<hbm>>) dst(%arg11 : memref<64xf32, #tpu.memory_space<vmem>>)
      tpu.yield
    }) : () -> ()
    %broadcast_in_dim3A = arith.constant 2380 : i32
    %broadcast_in_dim3A_1 = vector.broadcast %broadcast_in_dim3A : i32 to vector<16xi32>
    %scan3A = arith.constant 0 : i32
    %scan3A_2 = arith.constant 65535 : i32
    %scan3A_3 = arith.constant 0 : i32
    %scan3A_4 = arith.constant 32 : i32
    %scan3A_5 = arith.addi %scan3A_3, %scan3A_4 : i32
    %scan3A_6 = arith.constant 1 : i32
    scf.for %scan3A_39 = %scan3A_3 to %scan3A_5 step %scan3A_6  : i32 {
      %mul3A_40 = arith.constant 2 : i32
      %mul3A_41 = arith.muli %scan3A_39, %mul3A_40 : i32
      %add3A_42 = arith.addi %mul3A_0, %mul3A_41 : i32
      %broadcast_in_dim3A_43 = arith.constant 0 : i32
      %broadcast_in_dim3A_44 = vector.broadcast %broadcast_in_dim3A_43 : i32 to vector<16xi32>
      %add3A_45 = vector.broadcast %mul3A_41 : i32 to vector<16xi32>
      %add3A_46 = arith.addi %broadcast_in_dim3A_44, %add3A_45 : vector<16xi32>
      %gather3A = tpu.vector_load_idx %arg11[%add3A_46] : memref<64xf32, #tpu.memory_space<vmem>>[vector<16xi32>], vector<16xf32>,
      %ge3A = arith.constant 2 : i32
      %ge3A_47 = arith.cmpi sge, %mul3A_41, %ge3A : i32
      %eq3A_48 = arith.constant 0 : i32
      %eq3A_49 = arith.cmpi eq, %arg0, %eq3A_48 : i32
      %and3A = arith.andi %ge3A_47, %eq3A_49 : i1
      %convert_element_type3A_50 = arith.extui %and3A : i1 to i32
      %cond3A_51 = arith.constant 0 : i32
      %cond3A_52 = arith.constant 0 : i32
      %cond3A_53 = arith.cmpi ne, %convert_element_type3A_50, %cond3A_52 : i32
      scf.if %cond3A_53 {
        %dma_wait3A = arith.constant 0 : i32
        %dma_wait3A_1449 = arith.constant 0 : i32
        %dma_wait3A_1450 = tpu.memref_slice %arg8[%cond3A_51, %dma_wait3A, %dma_wait3A_1449] : memref<2x35x361xf32, #tpu.memory_space<vmem>> -> memref<1x35x361xf32, #tpu.memory_space<vmem>>
        %dma_wait3A_1451 = tpu.memref_squeeze %dma_wait3A_1450 : memref<1x35x361xf32, #tpu.memory_space<vmem>> -> memref<35x361xf32, #tpu.memory_space<vmem>>
        %dma_wait3A_1452 = arith.constant 0 : i32
        %dma_wait3A_1453 = arith.constant 0 : i32
        %dma_wait3A_1454 = tpu.memref_slice %arg6[%add3A_42, %dma_wait3A_1452, %dma_wait3A_1453] : memref<1024x67x361xf32, #tpu.memory_space<hbm>> -> memref<1x35x361xf32, #tpu.memory_space<hbm>>
        %dma_wait3A_1455 = tpu.memref_squeeze %dma_wait3A_1454 : memref<1x35x361xf32, #tpu.memory_space<hbm>> -> memref<35x361xf32, #tpu.memory_space<hbm>>
        %dma_wait3A_1456 = arith.constant 0 : i32
        %dma_wait3A_1457 = arith.constant 0 : i32
        %dma_wait3A_1458 = tpu.memref_slice %arg6[%add3A_42, %dma_wait3A_1456, %dma_wait3A_1457] : memref<1024x67x361xf32, #tpu.memory_space<hbm>> -> memref<1x35x361xf32, #tpu.memory_space<hbm>>
        %dma_wait3A_1459 = tpu.memref_squeeze %dma_wait3A_1458 : memref<1x35x361xf32, #tpu.memory_space<hbm>> -> memref<35x361xf32, #tpu.memory_space<hbm>>
        %dma_wait3A_1460 = arith.constant 0 : i32
        %dma_wait3A_1461 = arith.constant 0 : i32
        %dma_wait3A_1462 = tpu.memref_slice %arg8[%cond3A_51, %dma_wait3A_1460, %dma_wait3A_1461] : memref<2x35x361xf32, #tpu.memory_space<vmem>> -> memref<1x35x361xf32, #tpu.memory_space<vmem>>
        %dma_wait3A_1463 = tpu.memref_squeeze %dma_wait3A_1462 : memref<1x35x361xf32, #tpu.memory_space<vmem>> -> memref<35x361xf32, #tpu.memory_space<vmem>>
        tpu.wait_dma2 semaphore(%arg12 : memref<!tpu.dma_semaphore, #tpu.memory_space<semaphore_mem>>) src(%dma_wait3A_1463 : memref<35x361xf32, #tpu.memory_space<vmem>>) dst(%dma_wait3A_1459 : memref<35x361xf32, #tpu.memory_space<hbm>>)
      } else {
      }
      %ge3A_54 = arith.constant 2 : i32
      %ge3A_55 = arith.cmpi sge, %mul3A_41, %ge3A_54 : i32
      %eq3A_56 = arith.constant 1 : i32
      %eq3A_57 = arith.cmpi eq, %arg0, %eq3A_56 : i32
      %and3A_58 = arith.andi %ge3A_55, %eq3A_57 : i1
      %convert_element_type3A_59 = arith.extui %and3A_58 : i1 to i32
      %cond3A_60 = arith.constant 0 : i32
      %cond3A_61 = arith.constant 0 : i32
      %cond3A_62 = arith.cmpi ne, %convert_element_type3A_59, %cond3A_61 : i32
      scf.if %cond3A_62 {
        %dma_wait3A = arith.constant 3 : i32
        %dma_wait3A_1449 = arith.constant 0 : i32
        %dma_wait3A_1450 = tpu.memref_slice %arg8[%cond3A_60, %dma_wait3A, %dma_wait3A_1449] : memref<2x35x361xf32, #tpu.memory_space<vmem>> -> memref<1x32x361xf32, #tpu.memory_space<vmem>>
        %dma_wait3A_1451 = tpu.memref_squeeze %dma_wait3A_1450 : memref<1x32x361xf32, #tpu.memory_space<vmem>> -> memref<32x361xf32, #tpu.memory_space<vmem>>
        %dma_wait3A_1452 = arith.constant 35 : i32
        %dma_wait3A_1453 = arith.constant 0 : i32
        %dma_wait3A_1454 = tpu.memref_slice %arg6[%add3A_42, %dma_wait3A_1452, %dma_wait3A_1453] : memref<1024x67x361xf32, #tpu.memory_space<hbm>> -> memref<1x32x361xf32, #tpu.memory_space<hbm>>
        %dma_wait3A_1455 = tpu.memref_squeeze %dma_wait3A_1454 : memref<1x32x361xf32, #tpu.memory_space<hbm>> -> memref<32x361xf32, #tpu.memory_space<hbm>>
        %dma_wait3A_1456 = arith.constant 35 : i32
        %dma_wait3A_1457 = arith.constant 0 : i32
        %dma_wait3A_1458 = tpu.memref_slice %arg6[%add3A_42, %dma_wait3A_1456, %dma_wait3A_1457] : memref<1024x67x361xf32, #tpu.memory_space<hbm>> -> memref<1x32x361xf32, #tpu.memory_space<hbm>>
        %dma_wait3A_1459 = tpu.memref_squeeze %dma_wait3A_1458 : memref<1x32x361xf32, #tpu.memory_space<hbm>> -> memref<32x361xf32, #tpu.memory_space<hbm>>
        %dma_wait3A_1460 = arith.constant 3 : i32
        %dma_wait3A_1461 = arith.constant 0 : i32
        %dma_wait3A_1462 = tpu.memref_slice %arg8[%cond3A_60, %dma_wait3A_1460, %dma_wait3A_1461] : memref<2x35x361xf32, #tpu.memory_space<vmem>> -> memref<1x32x361xf32, #tpu.memory_space<vmem>>
        %dma_wait3A_1463 = tpu.memref_squeeze %dma_wait3A_1462 : memref<1x32x361xf32, #tpu.memory_space<vmem>> -> memref<32x361xf32, #tpu.memory_space<vmem>>
        tpu.wait_dma2 semaphore(%arg12 : memref<!tpu.dma_semaphore, #tpu.memory_space<semaphore_mem>>) src(%dma_wait3A_1463 : memref<32x361xf32, #tpu.memory_space<vmem>>) dst(%dma_wait3A_1459 : memref<32x361xf32, #tpu.memory_space<hbm>>)
      } else {
      }
      %scan3A_63 = arith.constant 0 : i32
      %scan3A_64 = arith.constant 0 : i32
      %scan3A_65 = arith.constant 11 : i32
      %scan3A_66 = arith.addi %scan3A_64, %scan3A_65 : i32
      %scan3A_67 = arith.constant 1 : i32
      scf.for %scan3A_1449 = %scan3A_64 to %scan3A_66 step %scan3A_67  : i32 {
        %mul3A_1450 = arith.constant 32 : i32
        %mul3A_1451 = arith.muli %scan3A_1449, %mul3A_1450 : i32
        %get3A_1452 = arith.index_cast %mul3A_41 : i32 to index
        %get3A_1453 = arith.index_cast %mul3A_1451 : i32 to index
        %get3A_1454 = tpu.vector_load %arg9[%get3A_1452, %get3A_1453] {strides = array<i32>} : memref<64x361xi32, #tpu.memory_space<vmem>>, vector<16xi32>,
        %get3A_1455 = arith.index_cast %mul3A_41 : i32 to index
        %get3A_1456 = arith.index_cast %mul3A_1451 : i32 to index
        %get3A_1457 = tpu.vector_load %arg10[%get3A_1455, %get3A_1456] {strides = array<i32>} : memref<64x361xi32, #tpu.memory_space<vmem>>, vector<16xi32>,
        %ne3A_1458 = arith.constant 0 : i32
        %ne3A_1459 = vector.broadcast %ne3A_1458 : i32 to vector<16xi32>
        %ne3A_1460 = arith.cmpi ne, %get3A_1457, %ne3A_1459 : vector<16xi32>
        %and3A_1461 = vector.broadcast %scan3A_2 : i32 to vector<16xi32>
        %and3A_1462 = arith.andi %get3A_1454, %and3A_1461 : vector<16xi32>
        %select_n3A_1463 = arith.select %ne3A_1460, %broadcast_in_dim3A_1, %and3A_1462 : vector<16xi1>, vector<16xi32>
        %shift_right_logical3A_1464 = arith.constant 16 : i32
        %shift_right_logical3A_1465 = vector.broadcast %shift_right_logical3A_1464 : i32 to vector<16xi32>
        %shift_right_logical3A_1466 = arith.shrui %get3A_1454, %shift_right_logical3A_1465 : vector<16xi32>
        %select_n3A_1467 = arith.select %ne3A_1460, %broadcast_in_dim3A_1, %shift_right_logical3A_1466 : vector<16xi1>, vector<16xi32>
        %add3A_1468 = arith.constant 0 : i32
        %add3A_1469 = vector.broadcast %add3A_1468 : i32 to vector<16xi32>
        %add3A_1470 = arith.addi %select_n3A_1463, %add3A_1469 : vector<16xi32>
        %gather3A_1471 = tpu.vector_load_idx %arg7[%add3A_1470] : memref<38096xi32, #tpu.memory_space<vmem>>[vector<16xi32>], vector<16xi32>,
        %add3A_1472 = arith.constant 0 : i32
        %add3A_1473 = vector.broadcast %add3A_1472 : i32 to vector<16xi32>
        %add3A_1474 = arith.addi %select_n3A_1467, %add3A_1473 : vector<16xi32>
        %gather3A_1475 = tpu.vector_load_idx %arg7[%add3A_1474] : memref<38096xi32, #tpu.memory_space<vmem>>[vector<16xi32>], vector<16xi32>,
        %add3A_1476 = arith.constant 2381 : i32
        %add3A_1477 = vector.broadcast %add3A_1476 : i32 to vector<16xi32>
        %add3A_1478 = arith.addi %select_n3A_1463, %add3A_1477 : vector<16xi32>
        %gather3A_1479 = tpu.vector_load_idx %arg7[%add3A_1478] : memref<38096xi32, #tpu.memory_space<vmem>>[vector<16xi32>], vector<16xi32>,
        %add3A_1480 = arith.constant 2381 : i32
        %add3A_1481 = vector.broadcast %add3A_1480 : i32 to vector<16xi32>
        %add3A_1482 = arith.addi %select_n3A_1467, %add3A_1481 : vector<16xi32>
        %gather3A_1483 = tpu.vector_load_idx %arg7[%add3A_1482] : memref<38096xi32, #tpu.memory_space<vmem>>[vector<16xi32>], vector<16xi32>,
        %add3A_1484 = arith.constant 4762 : i32
        %add3A_1485 = vector.broadcast %add3A_1484 : i32 to vector<16xi32>
        %add3A_1486 = arith.addi %select_n3A_1463, %add3A_1485 : vector<16xi32>
        %gather3A_1487 = tpu.vector_load_idx %arg7[%add3A_1486] : memref<38096xi32, #tpu.memory_space<vmem>>[vector<16xi32>], vector<16xi32>,
        %add3A_1488 = arith.constant 4762 : i32
        %add3A_1489 = vector.broadcast %add3A_1488 : i32 to vector<16xi32>
        %add3A_1490 = arith.addi %select_n3A_1467, %add3A_1489 : vector<16xi32>
        %gather3A_1491 = tpu.vector_load_idx %arg7[%add3A_1490] : memref<38096xi32, #tpu.memory_space<vmem>>[vector<16xi32>], vector<16xi32>,
        %add3A_1492 = arith.constant 7143 : i32
        %add3A_1493 = vector.broadcast %add3A_1492 : i32 to vector<16xi32>
        %add3A_1494 = arith.addi %select_n3A_1463, %add3A_1493 : vector<16xi32>
        %gather3A_1495 = tpu.vector_load_idx %arg7[%add3A_1494] : memref<38096xi32, #tpu.memory_space<vmem>>[vector<16xi32>], vector<16xi32>,
        %add3A_1496 = arith.constant 7143 : i32
        %add3A_1497 = vector.broadcast %add3A_1496 : i32 to vector<16xi32>
        %add3A_1498 = arith.addi %select_n3A_1467, %add3A_1497 : vector<16xi32>
        %gather3A_1499 = tpu.vector_load_idx %arg7[%add3A_1498] : memref<38096xi32, #tpu.memory_space<vmem>>[vector<16xi32>], vector<16xi32>,
        %add3A_1500 = arith.constant 9524 : i32
        %add3A_1501 = vector.broadcast %add3A_1500 : i32 to vector<16xi32>
        %add3A_1502 = arith.addi %select_n3A_1463, %add3A_1501 : vector<16xi32>
        %gather3A_1503 = tpu.vector_load_idx %arg7[%add3A_1502] : memref<38096xi32, #tpu.memory_space<vmem>>[vector<16xi32>], vector<16xi32>,
        %add3A_1504 = arith.constant 9524 : i32
        %add3A_1505 = vector.broadcast %add3A_1504 : i32 to vector<16xi32>
        %add3A_1506 = arith.addi %select_n3A_1467, %add3A_1505 : vector<16xi32>
        %gather3A_1507 = tpu.vector_load_idx %arg7[%add3A_1506] : memref<38096xi32, #tpu.memory_space<vmem>>[vector<16xi32>], vector<16xi32>,
        %add3A_1508 = arith.constant 11905 : i32
        %add3A_1509 = vector.broadcast %add3A_1508 : i32 to vector<16xi32>
        %add3A_1510 = arith.addi %select_n3A_1463, %add3A_1509 : vector<16xi32>
        %gather3A_1511 = tpu.vector_load_idx %arg7[%add3A_1510] : memref<38096xi32, #tpu.memory_space<vmem>>[vector<16xi32>], vector<16xi32>,
        %add3A_1512 = arith.constant 11905 : i32
        %add3A_1513 = vector.broadcast %add3A_1512 : i32 to vector<16xi32>
        %add3A_1514 = arith.addi %select_n3A_1467, %add3A_1513 : vector<16xi32>
        %gather3A_1515 = tpu.vector_load_idx %arg7[%add3A_1514] : memref<38096xi32, #tpu.memory_space<vmem>>[vector<16xi32>], vector<16xi32>,
        %add3A_1516 = arith.constant 14286 : i32
        %add3A_1517 = vector.broadcast %add3A_1516 : i32 to vector<16xi32>
        %add3A_1518 = arith.addi %select_n3A_1463, %add3A_1517 : vector<16xi32>
        %gather3A_1519 = tpu.vector_load_idx %arg7[%add3A_1518] : memref<38096xi32, #tpu.memory_space<vmem>>[vector<16xi32>], vector<16xi32>,
        %add3A_1520 = arith.constant 14286 : i32
        %add3A_1521 = vector.broadcast %add3A_1520 : i32 to vector<16xi32>
        %add3A_1522 = arith.addi %select_n3A_1467, %add3A_1521 : vector<16xi32>
        %gather3A_1523 = tpu.vector_load_idx %arg7[%add3A_1522] : memref<38096xi32, #tpu.memory_space<vmem>>[vector<16xi32>], vector<16xi32>,
        %add3A_1524 = arith.constant 16667 : i32
        %add3A_1525 = vector.broadcast %add3A_1524 : i32 to vector<16xi32>
        %add3A_1526 = arith.addi %select_n3A_1463, %add3A_1525 : vector<16xi32>
        %gather3A_1527 = tpu.vector_load_idx %arg7[%add3A_1526] : memref<38096xi32, #tpu.memory_space<vmem>>[vector<16xi32>], vector<16xi32>,
        %add3A_1528 = arith.constant 16667 : i32
        %add3A_1529 = vector.broadcast %add3A_1528 : i32 to vector<16xi32>
        %add3A_1530 = arith.addi %select_n3A_1467, %add3A_1529 : vector<16xi32>
        %gather3A_1531 = tpu.vector_load_idx %arg7[%add3A_1530] : memref<38096xi32, #tpu.memory_space<vmem>>[vector<16xi32>], vector<16xi32>,
        %add3A_1532 = arith.constant 19048 : i32
        %add3A_1533 = vector.broadcast %add3A_1532 : i32 to vector<16xi32>
        %add3A_1534 = arith.addi %select_n3A_1463, %add3A_1533 : vector<16xi32>
        %gather3A_1535 = tpu.vector_load_idx %arg7[%add3A_1534] : memref<38096xi32, #tpu.memory_space<vmem>>[vector<16xi32>], vector<16xi32>,
        %add3A_1536 = arith.constant 19048 : i32
        %add3A_1537 = vector.broadcast %add3A_1536 : i32 to vector<16xi32>
        %add3A_1538 = arith.addi %select_n3A_1467, %add3A_1537 : vector<16xi32>
        %gather3A_1539 = tpu.vector_load_idx %arg7[%add3A_1538] : memref<38096xi32, #tpu.memory_space<vmem>>[vector<16xi32>], vector<16xi32>,
        %add3A_1540 = arith.constant 21429 : i32
        %add3A_1541 = vector.broadcast %add3A_1540 : i32 to vector<16xi32>
        %add3A_1542 = arith.addi %select_n3A_1463, %add3A_1541 : vector<16xi32>
        %gather3A_1543 = tpu.vector_load_idx %arg7[%add3A_1542] : memref<38096xi32, #tpu.memory_space<vmem>>[vector<16xi32>], vector<16xi32>,
        %add3A_1544 = arith.constant 21429 : i32
        %add3A_1545 = vector.broadcast %add3A_1544 : i32 to vector<16xi32>
        %add3A_1546 = arith.addi %select_n3A_1467, %add3A_1545 : vector<16xi32>
        %gather3A_1547 = tpu.vector_load_idx %arg7[%add3A_1546] : memref<38096xi32, #tpu.memory_space<vmem>>[vector<16xi32>], vector<16xi32>,
        %add3A_1548 = arith.constant 23810 : i32
        %add3A_1549 = vector.broadcast %add3A_1548 : i32 to vector<16xi32>
        %add3A_1550 = arith.addi %select_n3A_1463, %add3A_1549 : vector<16xi32>
        %gather3A_1551 = tpu.vector_load_idx %arg7[%add3A_1550] : memref<38096xi32, #tpu.memory_space<vmem>>[vector<16xi32>], vector<16xi32>,
        %add3A_1552 = arith.constant 23810 : i32
        %add3A_1553 = vector.broadcast %add3A_1552 : i32 to vector<16xi32>
        %add3A_1554 = arith.addi %select_n3A_1467, %add3A_1553 : vector<16xi32>
        %gather3A_1555 = tpu.vector_load_idx %arg7[%add3A_1554] : memref<38096xi32, #tpu.memory_space<vmem>>[vector<16xi32>], vector<16xi32>,
        %add3A_1556 = arith.constant 26191 : i32
        %add3A_1557 = vector.broadcast %add3A_1556 : i32 to vector<16xi32>
        %add3A_1558 = arith.addi %select_n3A_1463, %add3A_1557 : vector<16xi32>
        %gather3A_1559 = tpu.vector_load_idx %arg7[%add3A_1558] : memref<38096xi32, #tpu.memory_space<vmem>>[vector<16xi32>], vector<16xi32>,
        %add3A_1560 = arith.constant 26191 : i32
        %add3A_1561 = vector.broadcast %add3A_1560 : i32 to vector<16xi32>
        %add3A_1562 = arith.addi %select_n3A_1467, %add3A_1561 : vector<16xi32>
        %gather3A_1563 = tpu.vector_load_idx %arg7[%add3A_1562] : memref<38096xi32, #tpu.memory_space<vmem>>[vector<16xi32>], vector<16xi32>,
        %add3A_1564 = arith.constant 28572 : i32
        %add3A_1565 = vector.broadcast %add3A_1564 : i32 to vector<16xi32>
        %add3A_1566 = arith.addi %select_n3A_1463, %add3A_1565 : vector<16xi32>
        %gather3A_1567 = tpu.vector_load_idx %arg7[%add3A_1566] : memref<38096xi32, #tpu.memory_space<vmem>>[vector<16xi32>], vector<16xi32>,
        %add3A_1568 = arith.constant 28572 : i32
        %add3A_1569 = vector.broadcast %add3A_1568 : i32 to vector<16xi32>
        %add3A_1570 = arith.addi %select_n3A_1467, %add3A_1569 : vector<16xi32>
        %gather3A_1571 = tpu.vector_load_idx %arg7[%add3A_1570] : memref<38096xi32, #tpu.memory_space<vmem>>[vector<16xi32>], vector<16xi32>,
        %add3A_1572 = arith.constant 30953 : i32
        %add3A_1573 = vector.broadcast %add3A_1572 : i32 to vector<16xi32>
        %add3A_1574 = arith.addi %select_n3A_1463, %add3A_1573 : vector<16xi32>
        %gather3A_1575 = tpu.vector_load_idx %arg7[%add3A_1574] : memref<38096xi32, #tpu.memory_space<vmem>>[vector<16xi32>], vector<16xi32>,
        %add3A_1576 = arith.constant 30953 : i32
        %add3A_1577 = vector.broadcast %add3A_1576 : i32 to vector<16xi32>
        %add3A_1578 = arith.addi %select_n3A_1467, %add3A_1577 : vector<16xi32>
        %gather3A_1579 = tpu.vector_load_idx %arg7[%add3A_1578] : memref<38096xi32, #tpu.memory_space<vmem>>[vector<16xi32>], vector<16xi32>,
        %add3A_1580 = arith.constant 33334 : i32
        %add3A_1581 = vector.broadcast %add3A_1580 : i32 to vector<16xi32>
        %add3A_1582 = arith.addi %select_n3A_1463, %add3A_1581 : vector<16xi32>
        %gather3A_1583 = tpu.vector_load_idx %arg7[%add3A_1582] : memref<38096xi32, #tpu.memory_space<vmem>>[vector<16xi32>], vector<16xi32>,
        %add3A_1584 = arith.constant 33334 : i32
        %add3A_1585 = vector.broadcast %add3A_1584 : i32 to vector<16xi32>
        %add3A_1586 = arith.addi %select_n3A_1467, %add3A_1585 : vector<16xi32>
        %gather3A_1587 = tpu.vector_load_idx %arg7[%add3A_1586] : memref<38096xi32, #tpu.memory_space<vmem>>[vector<16xi32>], vector<16xi32>,
        %add3A_1588 = arith.constant 35715 : i32
        %add3A_1589 = vector.broadcast %add3A_1588 : i32 to vector<16xi32>
        %add3A_1590 = arith.addi %select_n3A_1463, %add3A_1589 : vector<16xi32>
        %gather3A_1591 = tpu.vector_load_idx %arg7[%add3A_1590] : memref<38096xi32, #tpu.memory_space<vmem>>[vector<16xi32>], vector<16xi32>,
        %add3A_1592 = arith.constant 35715 : i32
        %add3A_1593 = vector.broadcast %add3A_1592 : i32 to vector<16xi32>
        %add3A_1594 = arith.addi %select_n3A_1467, %add3A_1593 : vector<16xi32>
        %gather3A_1595 = tpu.vector_load_idx %arg7[%add3A_1594] : memref<38096xi32, #tpu.memory_space<vmem>>[vector<16xi32>], vector<16xi32>,
        %shift_left3A_1596 = arith.constant 16 : i32
        %shift_left3A_1597 = vector.broadcast %shift_left3A_1596 : i32 to vector<16xi32>
        %shift_left3A_1598 = arith.shli %gather3A_1471, %shift_left3A_1597 : vector<16xi32>
        %bitcast3A_1599 = vector.bitcast %shift_left3A_1598 : vector<16xi32> to vector<16xf32>
        %and3A_1600 = arith.constant -65536 : i32
        %and3A_1601 = vector.broadcast %and3A_1600 : i32 to vector<16xi32>
        %and3A_1602 = arith.andi %gather3A_1471, %and3A_1601 : vector<16xi32>
        %bitcast3A_1603 = vector.bitcast %and3A_1602 : vector<16xi32> to vector<16xf32>
        %shift_left3A_1604 = arith.constant 16 : i32
        %shift_left3A_1605 = vector.broadcast %shift_left3A_1604 : i32 to vector<16xi32>
        %shift_left3A_1606 = arith.shli %gather3A_1475, %shift_left3A_1605 : vector<16xi32>
        %bitcast3A_1607 = vector.bitcast %shift_left3A_1606 : vector<16xi32> to vector<16xf32>
        %and3A_1608 = arith.constant -65536 : i32
        %and3A_1609 = vector.broadcast %and3A_1608 : i32 to vector<16xi32>
        %and3A_1610 = arith.andi %gather3A_1475, %and3A_1609 : vector<16xi32>
        %bitcast3A_1611 = vector.bitcast %and3A_1610 : vector<16xi32> to vector<16xf32>
        %add3A_1612 = arith.addf %bitcast3A_1599, %bitcast3A_1607 : vector<16xf32>
        %add3A_1613 = arith.addf %bitcast3A_1603, %bitcast3A_1611 : vector<16xf32>
        %shift_left3A_1614 = arith.constant 16 : i32
        %shift_left3A_1615 = vector.broadcast %shift_left3A_1614 : i32 to vector<16xi32>
        %shift_left3A_1616 = arith.shli %gather3A_1479, %shift_left3A_1615 : vector<16xi32>
        %bitcast3A_1617 = vector.bitcast %shift_left3A_1616 : vector<16xi32> to vector<16xf32>
        %and3A_1618 = arith.constant -65536 : i32
        %and3A_1619 = vector.broadcast %and3A_1618 : i32 to vector<16xi32>
        %and3A_1620 = arith.andi %gather3A_1479, %and3A_1619 : vector<16xi32>
        %bitcast3A_1621 = vector.bitcast %and3A_1620 : vector<16xi32> to vector<16xf32>
        %shift_left3A_1622 = arith.constant 16 : i32
        %shift_left3A_1623 = vector.broadcast %shift_left3A_1622 : i32 to vector<16xi32>
        %shift_left3A_1624 = arith.shli %gather3A_1483, %shift_left3A_1623 : vector<16xi32>
        %bitcast3A_1625 = vector.bitcast %shift_left3A_1624 : vector<16xi32> to vector<16xf32>
        %and3A_1626 = arith.constant -65536 : i32
        %and3A_1627 = vector.broadcast %and3A_1626 : i32 to vector<16xi32>
        %and3A_1628 = arith.andi %gather3A_1483, %and3A_1627 : vector<16xi32>
        %bitcast3A_1629 = vector.bitcast %and3A_1628 : vector<16xi32> to vector<16xf32>
        %add3A_1630 = arith.addf %bitcast3A_1617, %bitcast3A_1625 : vector<16xf32>
        %add3A_1631 = arith.addf %bitcast3A_1621, %bitcast3A_1629 : vector<16xf32>
        %shift_left3A_1632 = arith.constant 16 : i32
        %shift_left3A_1633 = vector.broadcast %shift_left3A_1632 : i32 to vector<16xi32>
        %shift_left3A_1634 = arith.shli %gather3A_1487, %shift_left3A_1633 : vector<16xi32>
        %bitcast3A_1635 = vector.bitcast %shift_left3A_1634 : vector<16xi32> to vector<16xf32>
        %and3A_1636 = arith.constant -65536 : i32
        %and3A_1637 = vector.broadcast %and3A_1636 : i32 to vector<16xi32>
        %and3A_1638 = arith.andi %gather3A_1487, %and3A_1637 : vector<16xi32>
        %bitcast3A_1639 = vector.bitcast %and3A_1638 : vector<16xi32> to vector<16xf32>
        %shift_left3A_1640 = arith.constant 16 : i32
        %shift_left3A_1641 = vector.broadcast %shift_left3A_1640 : i32 to vector<16xi32>
        %shift_left3A_1642 = arith.shli %gather3A_1491, %shift_left3A_1641 : vector<16xi32>
        %bitcast3A_1643 = vector.bitcast %shift_left3A_1642 : vector<16xi32> to vector<16xf32>
        %and3A_1644 = arith.constant -65536 : i32
        %and3A_1645 = vector.broadcast %and3A_1644 : i32 to vector<16xi32>
        %and3A_1646 = arith.andi %gather3A_1491, %and3A_1645 : vector<16xi32>
        %bitcast3A_1647 = vector.bitcast %and3A_1646 : vector<16xi32> to vector<16xf32>
        %add3A_1648 = arith.addf %bitcast3A_1635, %bitcast3A_1643 : vector<16xf32>
        %add3A_1649 = arith.addf %bitcast3A_1639, %bitcast3A_1647 : vector<16xf32>
        %shift_left3A_1650 = arith.constant 16 : i32
        %shift_left3A_1651 = vector.broadcast %shift_left3A_1650 : i32 to vector<16xi32>
        %shift_left3A_1652 = arith.shli %gather3A_1495, %shift_left3A_1651 : vector<16xi32>
        %bitcast3A_1653 = vector.bitcast %shift_left3A_1652 : vector<16xi32> to vector<16xf32>
        %and3A_1654 = arith.constant -65536 : i32
        %and3A_1655 = vector.broadcast %and3A_1654 : i32 to vector<16xi32>
        %and3A_1656 = arith.andi %gather3A_1495, %and3A_1655 : vector<16xi32>
        %bitcast3A_1657 = vector.bitcast %and3A_1656 : vector<16xi32> to vector<16xf32>
        %shift_left3A_1658 = arith.constant 16 : i32
        %shift_left3A_1659 = vector.broadcast %shift_left3A_1658 : i32 to vector<16xi32>
        %shift_left3A_1660 = arith.shli %gather3A_1499, %shift_left3A_1659 : vector<16xi32>
        %bitcast3A_1661 = vector.bitcast %shift_left3A_1660 : vector<16xi32> to vector<16xf32>
        %and3A_1662 = arith.constant -65536 : i32
        %and3A_1663 = vector.broadcast %and3A_1662 : i32 to vector<16xi32>
        %and3A_1664 = arith.andi %gather3A_1499, %and3A_1663 : vector<16xi32>
        %bitcast3A_1665 = vector.bitcast %and3A_1664 : vector<16xi32> to vector<16xf32>
        %add3A_1666 = arith.addf %bitcast3A_1653, %bitcast3A_1661 : vector<16xf32>
        %add3A_1667 = arith.addf %bitcast3A_1657, %bitcast3A_1665 : vector<16xf32>
        %shift_left3A_1668 = arith.constant 16 : i32
        %shift_left3A_1669 = vector.broadcast %shift_left3A_1668 : i32 to vector<16xi32>
        %shift_left3A_1670 = arith.shli %gather3A_1503, %shift_left3A_1669 : vector<16xi32>
        %bitcast3A_1671 = vector.bitcast %shift_left3A_1670 : vector<16xi32> to vector<16xf32>
        %and3A_1672 = arith.constant -65536 : i32
        %and3A_1673 = vector.broadcast %and3A_1672 : i32 to vector<16xi32>
        %and3A_1674 = arith.andi %gather3A_1503, %and3A_1673 : vector<16xi32>
        %bitcast3A_1675 = vector.bitcast %and3A_1674 : vector<16xi32> to vector<16xf32>
        %shift_left3A_1676 = arith.constant 16 : i32
        %shift_left3A_1677 = vector.broadcast %shift_left3A_1676 : i32 to vector<16xi32>
        %shift_left3A_1678 = arith.shli %gather3A_1507, %shift_left3A_1677 : vector<16xi32>
        %bitcast3A_1679 = vector.bitcast %shift_left3A_1678 : vector<16xi32> to vector<16xf32>
        %and3A_1680 = arith.constant -65536 : i32
        %and3A_1681 = vector.broadcast %and3A_1680 : i32 to vector<16xi32>
        %and3A_1682 = arith.andi %gather3A_1507, %and3A_1681 : vector<16xi32>
        %bitcast3A_1683 = vector.bitcast %and3A_1682 : vector<16xi32> to vector<16xf32>
        %add3A_1684 = arith.addf %bitcast3A_1671, %bitcast3A_1679 : vector<16xf32>
        %add3A_1685 = arith.addf %bitcast3A_1675, %bitcast3A_1683 : vector<16xf32>
        %shift_left3A_1686 = arith.constant 16 : i32
        %shift_left3A_1687 = vector.broadcast %shift_left3A_1686 : i32 to vector<16xi32>
        %shift_left3A_1688 = arith.shli %gather3A_1511, %shift_left3A_1687 : vector<16xi32>
        %bitcast3A_1689 = vector.bitcast %shift_left3A_1688 : vector<16xi32> to vector<16xf32>
        %and3A_1690 = arith.constant -65536 : i32
        %and3A_1691 = vector.broadcast %and3A_1690 : i32 to vector<16xi32>
        %and3A_1692 = arith.andi %gather3A_1511, %and3A_1691 : vector<16xi32>
        %bitcast3A_1693 = vector.bitcast %and3A_1692 : vector<16xi32> to vector<16xf32>
        %shift_left3A_1694 = arith.constant 16 : i32
        %shift_left3A_1695 = vector.broadcast %shift_left3A_1694 : i32 to vector<16xi32>
        %shift_left3A_1696 = arith.shli %gather3A_1515, %shift_left3A_1695 : vector<16xi32>
        %bitcast3A_1697 = vector.bitcast %shift_left3A_1696 : vector<16xi32> to vector<16xf32>
        %and3A_1698 = arith.constant -65536 : i32
        %and3A_1699 = vector.broadcast %and3A_1698 : i32 to vector<16xi32>
        %and3A_1700 = arith.andi %gather3A_1515, %and3A_1699 : vector<16xi32>
        %bitcast3A_1701 = vector.bitcast %and3A_1700 : vector<16xi32> to vector<16xf32>
        %add3A_1702 = arith.addf %bitcast3A_1689, %bitcast3A_1697 : vector<16xf32>
        %add3A_1703 = arith.addf %bitcast3A_1693, %bitcast3A_1701 : vector<16xf32>
        %shift_left3A_1704 = arith.constant 16 : i32
        %shift_left3A_1705 = vector.broadcast %shift_left3A_1704 : i32 to vector<16xi32>
        %shift_left3A_1706 = arith.shli %gather3A_1519, %shift_left3A_1705 : vector<16xi32>
        %bitcast3A_1707 = vector.bitcast %shift_left3A_1706 : vector<16xi32> to vector<16xf32>
        %and3A_1708 = arith.constant -65536 : i32
        %and3A_1709 = vector.broadcast %and3A_1708 : i32 to vector<16xi32>
        %and3A_1710 = arith.andi %gather3A_1519, %and3A_1709 : vector<16xi32>
        %bitcast3A_1711 = vector.bitcast %and3A_1710 : vector<16xi32> to vector<16xf32>
        %shift_left3A_1712 = arith.constant 16 : i32
        %shift_left3A_1713 = vector.broadcast %shift_left3A_1712 : i32 to vector<16xi32>
        %shift_left3A_1714 = arith.shli %gather3A_1523, %shift_left3A_1713 : vector<16xi32>
        %bitcast3A_1715 = vector.bitcast %shift_left3A_1714 : vector<16xi32> to vector<16xf32>
        %and3A_1716 = arith.constant -65536 : i32
        %and3A_1717 = vector.broadcast %and3A_1716 : i32 to vector<16xi32>
        %and3A_1718 = arith.andi %gather3A_1523, %and3A_1717 : vector<16xi32>
        %bitcast3A_1719 = vector.bitcast %and3A_1718 : vector<16xi32> to vector<16xf32>
        %add3A_1720 = arith.addf %bitcast3A_1707, %bitcast3A_1715 : vector<16xf32>
        %add3A_1721 = arith.addf %bitcast3A_1711, %bitcast3A_1719 : vector<16xf32>
        %shift_left3A_1722 = arith.constant 16 : i32
        %shift_left3A_1723 = vector.broadcast %shift_left3A_1722 : i32 to vector<16xi32>
        %shift_left3A_1724 = arith.shli %gather3A_1527, %shift_left3A_1723 : vector<16xi32>
        %bitcast3A_1725 = vector.bitcast %shift_left3A_1724 : vector<16xi32> to vector<16xf32>
        %and3A_1726 = arith.constant -65536 : i32
        %and3A_1727 = vector.broadcast %and3A_1726 : i32 to vector<16xi32>
        %and3A_1728 = arith.andi %gather3A_1527, %and3A_1727 : vector<16xi32>
        %bitcast3A_1729 = vector.bitcast %and3A_1728 : vector<16xi32> to vector<16xf32>
        %shift_left3A_1730 = arith.constant 16 : i32
        %shift_left3A_1731 = vector.broadcast %shift_left3A_1730 : i32 to vector<16xi32>
        %shift_left3A_1732 = arith.shli %gather3A_1531, %shift_left3A_1731 : vector<16xi32>
        %bitcast3A_1733 = vector.bitcast %shift_left3A_1732 : vector<16xi32> to vector<16xf32>
        %and3A_1734 = arith.constant -65536 : i32
        %and3A_1735 = vector.broadcast %and3A_1734 : i32 to vector<16xi32>
        %and3A_1736 = arith.andi %gather3A_1531, %and3A_1735 : vector<16xi32>
        %bitcast3A_1737 = vector.bitcast %and3A_1736 : vector<16xi32> to vector<16xf32>
        %add3A_1738 = arith.addf %bitcast3A_1725, %bitcast3A_1733 : vector<16xf32>
        %add3A_1739 = arith.addf %bitcast3A_1729, %bitcast3A_1737 : vector<16xf32>
        %shift_left3A_1740 = arith.constant 16 : i32
        %shift_left3A_1741 = vector.broadcast %shift_left3A_1740 : i32 to vector<16xi32>
        %shift_left3A_1742 = arith.shli %gather3A_1535, %shift_left3A_1741 : vector<16xi32>
        %bitcast3A_1743 = vector.bitcast %shift_left3A_1742 : vector<16xi32> to vector<16xf32>
        %and3A_1744 = arith.constant -65536 : i32
        %and3A_1745 = vector.broadcast %and3A_1744 : i32 to vector<16xi32>
        %and3A_1746 = arith.andi %gather3A_1535, %and3A_1745 : vector<16xi32>
        %bitcast3A_1747 = vector.bitcast %and3A_1746 : vector<16xi32> to vector<16xf32>
        %shift_left3A_1748 = arith.constant 16 : i32
        %shift_left3A_1749 = vector.broadcast %shift_left3A_1748 : i32 to vector<16xi32>
        %shift_left3A_1750 = arith.shli %gather3A_1539, %shift_left3A_1749 : vector<16xi32>
        %bitcast3A_1751 = vector.bitcast %shift_left3A_1750 : vector<16xi32> to vector<16xf32>
        %and3A_1752 = arith.constant -65536 : i32
        %and3A_1753 = vector.broadcast %and3A_1752 : i32 to vector<16xi32>
        %and3A_1754 = arith.andi %gather3A_1539, %and3A_1753 : vector<16xi32>
        %bitcast3A_1755 = vector.bitcast %and3A_1754 : vector<16xi32> to vector<16xf32>
        %add3A_1756 = arith.addf %bitcast3A_1743, %bitcast3A_1751 : vector<16xf32>
        %add3A_1757 = arith.addf %bitcast3A_1747, %bitcast3A_1755 : vector<16xf32>
        %shift_left3A_1758 = arith.constant 16 : i32
        %shift_left3A_1759 = vector.broadcast %shift_left3A_1758 : i32 to vector<16xi32>
        %shift_left3A_1760 = arith.shli %gather3A_1543, %shift_left3A_1759 : vector<16xi32>
        %bitcast3A_1761 = vector.bitcast %shift_left3A_1760 : vector<16xi32> to vector<16xf32>
        %and3A_1762 = arith.constant -65536 : i32
        %and3A_1763 = vector.broadcast %and3A_1762 : i32 to vector<16xi32>
        %and3A_1764 = arith.andi %gather3A_1543, %and3A_1763 : vector<16xi32>
        %bitcast3A_1765 = vector.bitcast %and3A_1764 : vector<16xi32> to vector<16xf32>
        %shift_left3A_1766 = arith.constant 16 : i32
        %shift_left3A_1767 = vector.broadcast %shift_left3A_1766 : i32 to vector<16xi32>
        %shift_left3A_1768 = arith.shli %gather3A_1547, %shift_left3A_1767 : vector<16xi32>
        %bitcast3A_1769 = vector.bitcast %shift_left3A_1768 : vector<16xi32> to vector<16xf32>
        %and3A_1770 = arith.constant -65536 : i32
        %and3A_1771 = vector.broadcast %and3A_1770 : i32 to vector<16xi32>
        %and3A_1772 = arith.andi %gather3A_1547, %and3A_1771 : vector<16xi32>
        %bitcast3A_1773 = vector.bitcast %and3A_1772 : vector<16xi32> to vector<16xf32>
        %add3A_1774 = arith.addf %bitcast3A_1761, %bitcast3A_1769 : vector<16xf32>
        %add3A_1775 = arith.addf %bitcast3A_1765, %bitcast3A_1773 : vector<16xf32>
        %shift_left3A_1776 = arith.constant 16 : i32
        %shift_left3A_1777 = vector.broadcast %shift_left3A_1776 : i32 to vector<16xi32>
        %shift_left3A_1778 = arith.shli %gather3A_1551, %shift_left3A_1777 : vector<16xi32>
        %bitcast3A_1779 = vector.bitcast %shift_left3A_1778 : vector<16xi32> to vector<16xf32>
        %and3A_1780 = arith.constant -65536 : i32
        %and3A_1781 = vector.broadcast %and3A_1780 : i32 to vector<16xi32>
        %and3A_1782 = arith.andi %gather3A_1551, %and3A_1781 : vector<16xi32>
        %bitcast3A_1783 = vector.bitcast %and3A_1782 : vector<16xi32> to vector<16xf32>
        %shift_left3A_1784 = arith.constant 16 : i32
        %shift_left3A_1785 = vector.broadcast %shift_left3A_1784 : i32 to vector<16xi32>
        %shift_left3A_1786 = arith.shli %gather3A_1555, %shift_left3A_1785 : vector<16xi32>
        %bitcast3A_1787 = vector.bitcast %shift_left3A_1786 : vector<16xi32> to vector<16xf32>
        %and3A_1788 = arith.constant -65536 : i32
        %and3A_1789 = vector.broadcast %and3A_1788 : i32 to vector<16xi32>
        %and3A_1790 = arith.andi %gather3A_1555, %and3A_1789 : vector<16xi32>
        %bitcast3A_1791 = vector.bitcast %and3A_1790 : vector<16xi32> to vector<16xf32>
        %add3A_1792 = arith.addf %bitcast3A_1779, %bitcast3A_1787 : vector<16xf32>
        %add3A_1793 = arith.addf %bitcast3A_1783, %bitcast3A_1791 : vector<16xf32>
        %shift_left3A_1794 = arith.constant 16 : i32
        %shift_left3A_1795 = vector.broadcast %shift_left3A_1794 : i32 to vector<16xi32>
        %shift_left3A_1796 = arith.shli %gather3A_1559, %shift_left3A_1795 : vector<16xi32>
        %bitcast3A_1797 = vector.bitcast %shift_left3A_1796 : vector<16xi32> to vector<16xf32>
        %and3A_1798 = arith.constant -65536 : i32
        %and3A_1799 = vector.broadcast %and3A_1798 : i32 to vector<16xi32>
        %and3A_1800 = arith.andi %gather3A_1559, %and3A_1799 : vector<16xi32>
        %bitcast3A_1801 = vector.bitcast %and3A_1800 : vector<16xi32> to vector<16xf32>
        %shift_left3A_1802 = arith.constant 16 : i32
        %shift_left3A_1803 = vector.broadcast %shift_left3A_1802 : i32 to vector<16xi32>
        %shift_left3A_1804 = arith.shli %gather3A_1563, %shift_left3A_1803 : vector<16xi32>
        %bitcast3A_1805 = vector.bitcast %shift_left3A_1804 : vector<16xi32> to vector<16xf32>
        %and3A_1806 = arith.constant -65536 : i32
        %and3A_1807 = vector.broadcast %and3A_1806 : i32 to vector<16xi32>
        %and3A_1808 = arith.andi %gather3A_1563, %and3A_1807 : vector<16xi32>
        %bitcast3A_1809 = vector.bitcast %and3A_1808 : vector<16xi32> to vector<16xf32>
        %add3A_1810 = arith.addf %bitcast3A_1797, %bitcast3A_1805 : vector<16xf32>
        %add3A_1811 = arith.addf %bitcast3A_1801, %bitcast3A_1809 : vector<16xf32>
        %shift_left3A_1812 = arith.constant 16 : i32
        %shift_left3A_1813 = vector.broadcast %shift_left3A_1812 : i32 to vector<16xi32>
        %shift_left3A_1814 = arith.shli %gather3A_1567, %shift_left3A_1813 : vector<16xi32>
        %bitcast3A_1815 = vector.bitcast %shift_left3A_1814 : vector<16xi32> to vector<16xf32>
        %and3A_1816 = arith.constant -65536 : i32
        %and3A_1817 = vector.broadcast %and3A_1816 : i32 to vector<16xi32>
        %and3A_1818 = arith.andi %gather3A_1567, %and3A_1817 : vector<16xi32>
        %bitcast3A_1819 = vector.bitcast %and3A_1818 : vector<16xi32> to vector<16xf32>
        %shift_left3A_1820 = arith.constant 16 : i32
        %shift_left3A_1821 = vector.broadcast %shift_left3A_1820 : i32 to vector<16xi32>
        %shift_left3A_1822 = arith.shli %gather3A_1571, %shift_left3A_1821 : vector<16xi32>
        %bitcast3A_1823 = vector.bitcast %shift_left3A_1822 : vector<16xi32> to vector<16xf32>
        %and3A_1824 = arith.constant -65536 : i32
        %and3A_1825 = vector.broadcast %and3A_1824 : i32 to vector<16xi32>
        %and3A_1826 = arith.andi %gather3A_1571, %and3A_1825 : vector<16xi32>
        %bitcast3A_1827 = vector.bitcast %and3A_1826 : vector<16xi32> to vector<16xf32>
        %add3A_1828 = arith.addf %bitcast3A_1815, %bitcast3A_1823 : vector<16xf32>
        %add3A_1829 = arith.addf %bitcast3A_1819, %bitcast3A_1827 : vector<16xf32>
        %shift_left3A_1830 = arith.constant 16 : i32
        %shift_left3A_1831 = vector.broadcast %shift_left3A_1830 : i32 to vector<16xi32>
        %shift_left3A_1832 = arith.shli %gather3A_1575, %shift_left3A_1831 : vector<16xi32>
        %bitcast3A_1833 = vector.bitcast %shift_left3A_1832 : vector<16xi32> to vector<16xf32>
        %and3A_1834 = arith.constant -65536 : i32
        %and3A_1835 = vector.broadcast %and3A_1834 : i32 to vector<16xi32>
        %and3A_1836 = arith.andi %gather3A_1575, %and3A_1835 : vector<16xi32>
        %bitcast3A_1837 = vector.bitcast %and3A_1836 : vector<16xi32> to vector<16xf32>
        %shift_left3A_1838 = arith.constant 16 : i32
        %shift_left3A_1839 = vector.broadcast %shift_left3A_1838 : i32 to vector<16xi32>
        %shift_left3A_1840 = arith.shli %gather3A_1579, %shift_left3A_1839 : vector<16xi32>
        %bitcast3A_1841 = vector.bitcast %shift_left3A_1840 : vector<16xi32> to vector<16xf32>
        %and3A_1842 = arith.constant -65536 : i32
        %and3A_1843 = vector.broadcast %and3A_1842 : i32 to vector<16xi32>
        %and3A_1844 = arith.andi %gather3A_1579, %and3A_1843 : vector<16xi32>
        %bitcast3A_1845 = vector.bitcast %and3A_1844 : vector<16xi32> to vector<16xf32>
        %add3A_1846 = arith.addf %bitcast3A_1833, %bitcast3A_1841 : vector<16xf32>
        %add3A_1847 = arith.addf %bitcast3A_1837, %bitcast3A_1845 : vector<16xf32>
        %shift_left3A_1848 = arith.constant 16 : i32
        %shift_left3A_1849 = vector.broadcast %shift_left3A_1848 : i32 to vector<16xi32>
        %shift_left3A_1850 = arith.shli %gather3A_1583, %shift_left3A_1849 : vector<16xi32>
        %bitcast3A_1851 = vector.bitcast %shift_left3A_1850 : vector<16xi32> to vector<16xf32>
        %and3A_1852 = arith.constant -65536 : i32
        %and3A_1853 = vector.broadcast %and3A_1852 : i32 to vector<16xi32>
        %and3A_1854 = arith.andi %gather3A_1583, %and3A_1853 : vector<16xi32>
        %bitcast3A_1855 = vector.bitcast %and3A_1854 : vector<16xi32> to vector<16xf32>
        %shift_left3A_1856 = arith.constant 16 : i32
        %shift_left3A_1857 = vector.broadcast %shift_left3A_1856 : i32 to vector<16xi32>
        %shift_left3A_1858 = arith.shli %gather3A_1587, %shift_left3A_1857 : vector<16xi32>
        %bitcast3A_1859 = vector.bitcast %shift_left3A_1858 : vector<16xi32> to vector<16xf32>
        %and3A_1860 = arith.constant -65536 : i32
        %and3A_1861 = vector.broadcast %and3A_1860 : i32 to vector<16xi32>
        %and3A_1862 = arith.andi %gather3A_1587, %and3A_1861 : vector<16xi32>
        %bitcast3A_1863 = vector.bitcast %and3A_1862 : vector<16xi32> to vector<16xf32>
        %add3A_1864 = arith.addf %bitcast3A_1851, %bitcast3A_1859 : vector<16xf32>
        %add3A_1865 = arith.addf %bitcast3A_1855, %bitcast3A_1863 : vector<16xf32>
        %shift_left3A_1866 = arith.constant 16 : i32
        %shift_left3A_1867 = vector.broadcast %shift_left3A_1866 : i32 to vector<16xi32>
        %shift_left3A_1868 = arith.shli %gather3A_1591, %shift_left3A_1867 : vector<16xi32>
        %bitcast3A_1869 = vector.bitcast %shift_left3A_1868 : vector<16xi32> to vector<16xf32>
        %and3A_1870 = arith.constant -65536 : i32
        %and3A_1871 = vector.broadcast %and3A_1870 : i32 to vector<16xi32>
        %and3A_1872 = arith.andi %gather3A_1591, %and3A_1871 : vector<16xi32>
        %bitcast3A_1873 = vector.bitcast %and3A_1872 : vector<16xi32> to vector<16xf32>
        %shift_left3A_1874 = arith.constant 16 : i32
        %shift_left3A_1875 = vector.broadcast %shift_left3A_1874 : i32 to vector<16xi32>
        %shift_left3A_1876 = arith.shli %gather3A_1595, %shift_left3A_1875 : vector<16xi32>
        %bitcast3A_1877 = vector.bitcast %shift_left3A_1876 : vector<16xi32> to vector<16xf32>
        %and3A_1878 = arith.constant -65536 : i32
        %and3A_1879 = vector.broadcast %and3A_1878 : i32 to vector<16xi32>
        %and3A_1880 = arith.andi %gather3A_1595, %and3A_1879 : vector<16xi32>
        %bitcast3A_1881 = vector.bitcast %and3A_1880 : vector<16xi32> to vector<16xf32>
        %add3A_1882 = arith.addf %bitcast3A_1869, %bitcast3A_1877 : vector<16xf32>
        %add3A_1883 = arith.addf %bitcast3A_1873, %bitcast3A_1881 : vector<16xf32>
        %eq3A_1884 = arith.constant 0 : i32
        %eq3A_1885 = arith.cmpi eq, %arg0, %eq3A_1884 : i32
        %convert_element_type3A_1886 = arith.extui %eq3A_1885 : i1 to i32
        %cond3A_1887 = arith.constant 0 : i32
        %cond3A_1888 = arith.cmpi ne, %convert_element_type3A_1886, %cond3A_1887 : i32
        scf.if %cond3A_1888 {
          %shift_left3A_2714 = arith.constant 16 : i32
          %shift_left3A_2715 = vector.broadcast %shift_left3A_2714 : i32 to vector<16xi32>
          %shift_left3A_2716 = arith.shli %get3A_1457, %shift_left3A_2715 : vector<16xi32>
          %bitcast3A_2717 = vector.bitcast %shift_left3A_2716 : vector<16xi32> to vector<16xf32>
          %and3A_2718 = arith.constant -65536 : i32
          %and3A_2719 = vector.broadcast %and3A_2718 : i32 to vector<16xi32>
          %and3A_2720 = arith.andi %get3A_1457, %and3A_2719 : vector<16xi32>
          %bitcast3A_2721 = vector.bitcast %and3A_2720 : vector<16xi32> to vector<16xf32>
          %swap3A_2722 = arith.constant 0 : i32
          %swap3A_2723 = arith.constant 0 : i32
          %swap3A_2724 = arith.index_cast %swap3A_2722 : i32 to index
          %swap3A_2725 = arith.index_cast %swap3A_2723 : i32 to index
          %swap3A_2726 = arith.index_cast %mul3A_1451 : i32 to index
          %swap3A_2727 = tpu.vector_load %arg8[%swap3A_2724, %swap3A_2725, %swap3A_2726] {strides = array<i32>} : memref<2x35x361xf32, #tpu.memory_space<vmem>>, vector<16xf32>,
          tpu.vector_store %arg8[%swap3A_2724, %swap3A_2725, %swap3A_2726], %bitcast3A_2717 {strides = array<i32>} : memref<2x35x361xf32, #tpu.memory_space<vmem>>, vector<16xf32>,
          %swap3A_2728 = arith.constant 0 : i32
          %swap3A_2729 = arith.constant 1 : i32
          %swap3A_2730 = arith.index_cast %swap3A_2728 : i32 to index
          %swap3A_2731 = arith.index_cast %swap3A_2729 : i32 to index
          %swap3A_2732 = arith.index_cast %mul3A_1451 : i32 to index
          %swap3A_2733 = tpu.vector_load %arg8[%swap3A_2730, %swap3A_2731, %swap3A_2732] {strides = array<i32>} : memref<2x35x361xf32, #tpu.memory_space<vmem>>, vector<16xf32>,
          tpu.vector_store %arg8[%swap3A_2730, %swap3A_2731, %swap3A_2732], %bitcast3A_2721 {strides = array<i32>} : memref<2x35x361xf32, #tpu.memory_space<vmem>>, vector<16xf32>,
          %swap3A_2734 = arith.constant 0 : i32
          %swap3A_2735 = arith.constant 2 : i32
          %swap3A_2736 = arith.index_cast %swap3A_2734 : i32 to index
          %swap3A_2737 = arith.index_cast %swap3A_2735 : i32 to index
          %swap3A_2738 = arith.index_cast %mul3A_1451 : i32 to index
          %swap3A_2739 = tpu.vector_load %arg8[%swap3A_2736, %swap3A_2737, %swap3A_2738] {strides = array<i32>} : memref<2x35x361xf32, #tpu.memory_space<vmem>>, vector<16xf32>,
          tpu.vector_store %arg8[%swap3A_2736, %swap3A_2737, %swap3A_2738], %gather3A {strides = array<i32>} : memref<2x35x361xf32, #tpu.memory_space<vmem>>, vector<16xf32>,
        } else {
        }
        %swap3A_1889 = arith.constant 0 : i32
        %swap3A_1890 = arith.constant 3 : i32
        %swap3A_1891 = arith.index_cast %swap3A_1889 : i32 to index
        %swap3A_1892 = arith.index_cast %swap3A_1890 : i32 to index
        %swap3A_1893 = arith.index_cast %mul3A_1451 : i32 to index
        %swap3A_1894 = tpu.vector_load %arg8[%swap3A_1891, %swap3A_1892, %swap3A_1893] {strides = array<i32>} : memref<2x35x361xf32, #tpu.memory_space<vmem>>, vector<16xf32>,
        tpu.vector_store %arg8[%swap3A_1891, %swap3A_1892, %swap3A_1893], %add3A_1612 {strides = array<i32>} : memref<2x35x361xf32, #tpu.memory_space<vmem>>, vector<16xf32>,
        %swap3A_1895 = arith.constant 0 : i32
        %swap3A_1896 = arith.constant 4 : i32
        %swap3A_1897 = arith.index_cast %swap3A_1895 : i32 to index
        %swap3A_1898 = arith.index_cast %swap3A_1896 : i32 to index
        %swap3A_1899 = arith.index_cast %mul3A_1451 : i32 to index
        %swap3A_1900 = tpu.vector_load %arg8[%swap3A_1897, %swap3A_1898, %swap3A_1899] {strides = array<i32>} : memref<2x35x361xf32, #tpu.memory_space<vmem>>, vector<16xf32>,
        tpu.vector_store %arg8[%swap3A_1897, %swap3A_1898, %swap3A_1899], %add3A_1613 {strides = array<i32>} : memref<2x35x361xf32, #tpu.memory_space<vmem>>, vector<16xf32>,
        %swap3A_1901 = arith.constant 0 : i32
        %swap3A_1902 = arith.constant 5 : i32
        %swap3A_1903 = arith.index_cast %swap3A_1901 : i32 to index
        %swap3A_1904 = arith.index_cast %swap3A_1902 : i32 to index
        %swap3A_1905 = arith.index_cast %mul3A_1451 : i32 to index
        %swap3A_1906 = tpu.vector_load %arg8[%swap3A_1903, %swap3A_1904, %swap3A_1905] {strides = array<i32>} : memref<2x35x361xf32, #tpu.memory_space<vmem>>, vector<16xf32>,
        tpu.vector_store %arg8[%swap3A_1903, %swap3A_1904, %swap3A_1905], %add3A_1630 {strides = array<i32>} : memref<2x35x361xf32, #tpu.memory_space<vmem>>, vector<16xf32>,
        %swap3A_1907 = arith.constant 0 : i32
        %swap3A_1908 = arith.constant 6 : i32
        %swap3A_1909 = arith.index_cast %swap3A_1907 : i32 to index
        %swap3A_1910 = arith.index_cast %swap3A_1908 : i32 to index
        %swap3A_1911 = arith.index_cast %mul3A_1451 : i32 to index
        %swap3A_1912 = tpu.vector_load %arg8[%swap3A_1909, %swap3A_1910, %swap3A_1911] {strides = array<i32>} : memref<2x35x361xf32, #tpu.memory_space<vmem>>, vector<16xf32>,
        tpu.vector_store %arg8[%swap3A_1909, %swap3A_1910, %swap3A_1911], %add3A_1631 {strides = array<i32>} : memref<2x35x361xf32, #tpu.memory_space<vmem>>, vector<16xf32>,
        %swap3A_1913 = arith.constant 0 : i32
        %swap3A_1914 = arith.constant 7 : i32
        %swap3A_1915 = arith.index_cast %swap3A_1913 : i32 to index
        %swap3A_1916 = arith.index_cast %swap3A_1914 : i32 to index
        %swap3A_1917 = arith.index_cast %mul3A_1451 : i32 to index
        %swap3A_1918 = tpu.vector_load %arg8[%swap3A_1915, %swap3A_1916, %swap3A_1917] {strides = array<i32>} : memref<2x35x361xf32, #tpu.memory_space<vmem>>, vector<16xf32>,
        tpu.vector_store %arg8[%swap3A_1915, %swap3A_1916, %swap3A_1917], %add3A_1648 {strides = array<i32>} : memref<2x35x361xf32, #tpu.memory_space<vmem>>, vector<16xf32>,
        %swap3A_1919 = arith.constant 0 : i32
        %swap3A_1920 = arith.constant 8 : i32
        %swap3A_1921 = arith.index_cast %swap3A_1919 : i32 to index
        %swap3A_1922 = arith.index_cast %swap3A_1920 : i32 to index
        %swap3A_1923 = arith.index_cast %mul3A_1451 : i32 to index
        %swap3A_1924 = tpu.vector_load %arg8[%swap3A_1921, %swap3A_1922, %swap3A_1923] {strides = array<i32>} : memref<2x35x361xf32, #tpu.memory_space<vmem>>, vector<16xf32>,
        tpu.vector_store %arg8[%swap3A_1921, %swap3A_1922, %swap3A_1923], %add3A_1649 {strides = array<i32>} : memref<2x35x361xf32, #tpu.memory_space<vmem>>, vector<16xf32>,
        %swap3A_1925 = arith.constant 0 : i32
        %swap3A_1926 = arith.constant 9 : i32
        %swap3A_1927 = arith.index_cast %swap3A_1925 : i32 to index
        %swap3A_1928 = arith.index_cast %swap3A_1926 : i32 to index
        %swap3A_1929 = arith.index_cast %mul3A_1451 : i32 to index
        %swap3A_1930 = tpu.vector_load %arg8[%swap3A_1927, %swap3A_1928, %swap3A_1929] {strides = array<i32>} : memref<2x35x361xf32, #tpu.memory_space<vmem>>, vector<16xf32>,
        tpu.vector_store %arg8[%swap3A_1927, %swap3A_1928, %swap3A_1929], %add3A_1666 {strides = array<i32>} : memref<2x35x361xf32, #tpu.memory_space<vmem>>, vector<16xf32>,
        %swap3A_1931 = arith.constant 0 : i32
        %swap3A_1932 = arith.constant 10 : i32
        %swap3A_1933 = arith.index_cast %swap3A_1931 : i32 to index
        %swap3A_1934 = arith.index_cast %swap3A_1932 : i32 to index
        %swap3A_1935 = arith.index_cast %mul3A_1451 : i32 to index
        %swap3A_1936 = tpu.vector_load %arg8[%swap3A_1933, %swap3A_1934, %swap3A_1935] {strides = array<i32>} : memref<2x35x361xf32, #tpu.memory_space<vmem>>, vector<16xf32>,
        tpu.vector_store %arg8[%swap3A_1933, %swap3A_1934, %swap3A_1935], %add3A_1667 {strides = array<i32>} : memref<2x35x361xf32, #tpu.memory_space<vmem>>, vector<16xf32>,
        %swap3A_1937 = arith.constant 0 : i32
        %swap3A_1938 = arith.constant 11 : i32
        %swap3A_1939 = arith.index_cast %swap3A_1937 : i32 to index
        %swap3A_1940 = arith.index_cast %swap3A_1938 : i32 to index
        %swap3A_1941 = arith.index_cast %mul3A_1451 : i32 to index
        %swap3A_1942 = tpu.vector_load %arg8[%swap3A_1939, %swap3A_1940, %swap3A_1941] {strides = array<i32>} : memref<2x35x361xf32, #tpu.memory_space<vmem>>, vector<16xf32>,
        tpu.vector_store %arg8[%swap3A_1939, %swap3A_1940, %swap3A_1941], %add3A_1684 {strides = array<i32>} : memref<2x35x361xf32, #tpu.memory_space<vmem>>, vector<16xf32>,
        %swap3A_1943 = arith.constant 0 : i32
        %swap3A_1944 = arith.constant 12 : i32
        %swap3A_1945 = arith.index_cast %swap3A_1943 : i32 to index
        %swap3A_1946 = arith.index_cast %swap3A_1944 : i32 to index
        %swap3A_1947 = arith.index_cast %mul3A_1451 : i32 to index
        %swap3A_1948 = tpu.vector_load %arg8[%swap3A_1945, %swap3A_1946, %swap3A_1947] {strides = array<i32>} : memref<2x35x361xf32, #tpu.memory_space<vmem>>, vector<16xf32>,
        tpu.vector_store %arg8[%swap3A_1945, %swap3A_1946, %swap3A_1947], %add3A_1685 {strides = array<i32>} : memref<2x35x361xf32, #tpu.memory_space<vmem>>, vector<16xf32>,
        %swap3A_1949 = arith.constant 0 : i32
        %swap3A_1950 = arith.constant 13 : i32
        %swap3A_1951 = arith.index_cast %swap3A_1949 : i32 to index
        %swap3A_1952 = arith.index_cast %swap3A_1950 : i32 to index
        %swap3A_1953 = arith.index_cast %mul3A_1451 : i32 to index
        %swap3A_1954 = tpu.vector_load %arg8[%swap3A_1951, %swap3A_1952, %swap3A_1953] {strides = array<i32>} : memref<2x35x361xf32, #tpu.memory_space<vmem>>, vector<16xf32>,
        tpu.vector_store %arg8[%swap3A_1951, %swap3A_1952, %swap3A_1953], %add3A_1702 {strides = array<i32>} : memref<2x35x361xf32, #tpu.memory_space<vmem>>, vector<16xf32>,
        %swap3A_1955 = arith.constant 0 : i32
        %swap3A_1956 = arith.constant 14 : i32
        %swap3A_1957 = arith.index_cast %swap3A_1955 : i32 to index
        %swap3A_1958 = arith.index_cast %swap3A_1956 : i32 to index
        %swap3A_1959 = arith.index_cast %mul3A_1451 : i32 to index
        %swap3A_1960 = tpu.vector_load %arg8[%swap3A_1957, %swap3A_1958, %swap3A_1959] {strides = array<i32>} : memref<2x35x361xf32, #tpu.memory_space<vmem>>, vector<16xf32>,
        tpu.vector_store %arg8[%swap3A_1957, %swap3A_1958, %swap3A_1959], %add3A_1703 {strides = array<i32>} : memref<2x35x361xf32, #tpu.memory_space<vmem>>, vector<16xf32>,
        %swap3A_1961 = arith.constant 0 : i32
        %swap3A_1962 = arith.constant 15 : i32
        %swap3A_1963 = arith.index_cast %swap3A_1961 : i32 to index
        %swap3A_1964 = arith.index_cast %swap3A_1962 : i32 to index
        %swap3A_1965 = arith.index_cast %mul3A_1451 : i32 to index
        %swap3A_1966 = tpu.vector_load %arg8[%swap3A_1963, %swap3A_1964, %swap3A_1965] {strides = array<i32>} : memref<2x35x361xf32, #tpu.memory_space<vmem>>, vector<16xf32>,
        tpu.vector_store %arg8[%swap3A_1963, %swap3A_1964, %swap3A_1965], %add3A_1720 {strides = array<i32>} : memref<2x35x361xf32, #tpu.memory_space<vmem>>, vector<16xf32>,
        %swap3A_1967 = arith.constant 0 : i32
        %swap3A_1968 = arith.constant 16 : i32
        %swap3A_1969 = arith.index_cast %swap3A_1967 : i32 to index
        %swap3A_1970 = arith.index_cast %swap3A_1968 : i32 to index
        %swap3A_1971 = arith.index_cast %mul3A_1451 : i32 to index
        %swap3A_1972 = tpu.vector_load %arg8[%swap3A_1969, %swap3A_1970, %swap3A_1971] {strides = array<i32>} : memref<2x35x361xf32, #tpu.memory_space<vmem>>, vector<16xf32>,
        tpu.vector_store %arg8[%swap3A_1969, %swap3A_1970, %swap3A_1971], %add3A_1721 {strides = array<i32>} : memref<2x35x361xf32, #tpu.memory_space<vmem>>, vector<16xf32>,
        %swap3A_1973 = arith.constant 0 : i32
        %swap3A_1974 = arith.constant 17 : i32
        %swap3A_1975 = arith.index_cast %swap3A_1973 : i32 to index
        %swap3A_1976 = arith.index_cast %swap3A_1974 : i32 to index
        %swap3A_1977 = arith.index_cast %mul3A_1451 : i32 to index
        %swap3A_1978 = tpu.vector_load %arg8[%swap3A_1975, %swap3A_1976, %swap3A_1977] {strides = array<i32>} : memref<2x35x361xf32, #tpu.memory_space<vmem>>, vector<16xf32>,
        tpu.vector_store %arg8[%swap3A_1975, %swap3A_1976, %swap3A_1977], %add3A_1738 {strides = array<i32>} : memref<2x35x361xf32, #tpu.memory_space<vmem>>, vector<16xf32>,
        %swap3A_1979 = arith.constant 0 : i32
        %swap3A_1980 = arith.constant 18 : i32
        %swap3A_1981 = arith.index_cast %swap3A_1979 : i32 to index
        %swap3A_1982 = arith.index_cast %swap3A_1980 : i32 to index
        %swap3A_1983 = arith.index_cast %mul3A_1451 : i32 to index
        %swap3A_1984 = tpu.vector_load %arg8[%swap3A_1981, %swap3A_1982, %swap3A_1983] {strides = array<i32>} : memref<2x35x361xf32, #tpu.memory_space<vmem>>, vector<16xf32>,
        tpu.vector_store %arg8[%swap3A_1981, %swap3A_1982, %swap3A_1983], %add3A_1739 {strides = array<i32>} : memref<2x35x361xf32, #tpu.memory_space<vmem>>, vector<16xf32>,
        %swap3A_1985 = arith.constant 0 : i32
        %swap3A_1986 = arith.constant 19 : i32
        %swap3A_1987 = arith.index_cast %swap3A_1985 : i32 to index
        %swap3A_1988 = arith.index_cast %swap3A_1986 : i32 to index
        %swap3A_1989 = arith.index_cast %mul3A_1451 : i32 to index
        %swap3A_1990 = tpu.vector_load %arg8[%swap3A_1987, %swap3A_1988, %swap3A_1989] {strides = array<i32>} : memref<2x35x361xf32, #tpu.memory_space<vmem>>, vector<16xf32>,
        tpu.vector_store %arg8[%swap3A_1987, %swap3A_1988, %swap3A_1989], %add3A_1756 {strides = array<i32>} : memref<2x35x361xf32, #tpu.memory_space<vmem>>, vector<16xf32>,
        %swap3A_1991 = arith.constant 0 : i32
        %swap3A_1992 = arith.constant 20 : i32
        %swap3A_1993 = arith.index_cast %swap3A_1991 : i32 to index
        %swap3A_1994 = arith.index_cast %swap3A_1992 : i32 to index
        %swap3A_1995 = arith.index_cast %mul3A_1451 : i32 to index
        %swap3A_1996 = tpu.vector_load %arg8[%swap3A_1993, %swap3A_1994, %swap3A_1995] {strides = array<i32>} : memref<2x35x361xf32, #tpu.memory_space<vmem>>, vector<16xf32>,
        tpu.vector_store %arg8[%swap3A_1993, %swap3A_1994, %swap3A_1995], %add3A_1757 {strides = array<i32>} : memref<2x35x361xf32, #tpu.memory_space<vmem>>, vector<16xf32>,
        %swap3A_1997 = arith.constant 0 : i32
        %swap3A_1998 = arith.constant 21 : i32
        %swap3A_1999 = arith.index_cast %swap3A_1997 : i32 to index
        %swap3A_2000 = arith.index_cast %swap3A_1998 : i32 to index
        %swap3A_2001 = arith.index_cast %mul3A_1451 : i32 to index
        %swap3A_2002 = tpu.vector_load %arg8[%swap3A_1999, %swap3A_2000, %swap3A_2001] {strides = array<i32>} : memref<2x35x361xf32, #tpu.memory_space<vmem>>, vector<16xf32>,
        tpu.vector_store %arg8[%swap3A_1999, %swap3A_2000, %swap3A_2001], %add3A_1774 {strides = array<i32>} : memref<2x35x361xf32, #tpu.memory_space<vmem>>, vector<16xf32>,
        %swap3A_2003 = arith.constant 0 : i32
        %swap3A_2004 = arith.constant 22 : i32
        %swap3A_2005 = arith.index_cast %swap3A_2003 : i32 to index
        %swap3A_2006 = arith.index_cast %swap3A_2004 : i32 to index
        %swap3A_2007 = arith.index_cast %mul3A_1451 : i32 to index
        %swap3A_2008 = tpu.vector_load %arg8[%swap3A_2005, %swap3A_2006, %swap3A_2007] {strides = array<i32>} : memref<2x35x361xf32, #tpu.memory_space<vmem>>, vector<16xf32>,
        tpu.vector_store %arg8[%swap3A_2005, %swap3A_2006, %swap3A_2007], %add3A_1775 {strides = array<i32>} : memref<2x35x361xf32, #tpu.memory_space<vmem>>, vector<16xf32>,
        %swap3A_2009 = arith.constant 0 : i32
        %swap3A_2010 = arith.constant 23 : i32
        %swap3A_2011 = arith.index_cast %swap3A_2009 : i32 to index
        %swap3A_2012 = arith.index_cast %swap3A_2010 : i32 to index
        %swap3A_2013 = arith.index_cast %mul3A_1451 : i32 to index
        %swap3A_2014 = tpu.vector_load %arg8[%swap3A_2011, %swap3A_2012, %swap3A_2013] {strides = array<i32>} : memref<2x35x361xf32, #tpu.memory_space<vmem>>, vector<16xf32>,
        tpu.vector_store %arg8[%swap3A_2011, %swap3A_2012, %swap3A_2013], %add3A_1792 {strides = array<i32>} : memref<2x35x361xf32, #tpu.memory_space<vmem>>, vector<16xf32>,
        %swap3A_2015 = arith.constant 0 : i32
        %swap3A_2016 = arith.constant 24 : i32
        %swap3A_2017 = arith.index_cast %swap3A_2015 : i32 to index
        %swap3A_2018 = arith.index_cast %swap3A_2016 : i32 to index
        %swap3A_2019 = arith.index_cast %mul3A_1451 : i32 to index
        %swap3A_2020 = tpu.vector_load %arg8[%swap3A_2017, %swap3A_2018, %swap3A_2019] {strides = array<i32>} : memref<2x35x361xf32, #tpu.memory_space<vmem>>, vector<16xf32>,
        tpu.vector_store %arg8[%swap3A_2017, %swap3A_2018, %swap3A_2019], %add3A_1793 {strides = array<i32>} : memref<2x35x361xf32, #tpu.memory_space<vmem>>, vector<16xf32>,
        %swap3A_2021 = arith.constant 0 : i32
        %swap3A_2022 = arith.constant 25 : i32
        %swap3A_2023 = arith.index_cast %swap3A_2021 : i32 to index
        %swap3A_2024 = arith.index_cast %swap3A_2022 : i32 to index
        %swap3A_2025 = arith.index_cast %mul3A_1451 : i32 to index
        %swap3A_2026 = tpu.vector_load %arg8[%swap3A_2023, %swap3A_2024, %swap3A_2025] {strides = array<i32>} : memref<2x35x361xf32, #tpu.memory_space<vmem>>, vector<16xf32>,
        tpu.vector_store %arg8[%swap3A_2023, %swap3A_2024, %swap3A_2025], %add3A_1810 {strides = array<i32>} : memref<2x35x361xf32, #tpu.memory_space<vmem>>, vector<16xf32>,
        %swap3A_2027 = arith.constant 0 : i32
        %swap3A_2028 = arith.constant 26 : i32
        %swap3A_2029 = arith.index_cast %swap3A_2027 : i32 to index
        %swap3A_2030 = arith.index_cast %swap3A_2028 : i32 to index
        %swap3A_2031 = arith.index_cast %mul3A_1451 : i32 to index
        %swap3A_2032 = tpu.vector_load %arg8[%swap3A_2029, %swap3A_2030, %swap3A_2031] {strides = array<i32>} : memref<2x35x361xf32, #tpu.memory_space<vmem>>, vector<16xf32>,
        tpu.vector_store %arg8[%swap3A_2029, %swap3A_2030, %swap3A_2031], %add3A_1811 {strides = array<i32>} : memref<2x35x361xf32, #tpu.memory_space<vmem>>, vector<16xf32>,
        %swap3A_2033 = arith.constant 0 : i32
        %swap3A_2034 = arith.constant 27 : i32
        %swap3A_2035 = arith.index_cast %swap3A_2033 : i32 to index
        %swap3A_2036 = arith.index_cast %swap3A_2034 : i32 to index
        %swap3A_2037 = arith.index_cast %mul3A_1451 : i32 to index
        %swap3A_2038 = tpu.vector_load %arg8[%swap3A_2035, %swap3A_2036, %swap3A_2037] {strides = array<i32>} : memref<2x35x361xf32, #tpu.memory_space<vmem>>, vector<16xf32>,
        tpu.vector_store %arg8[%swap3A_2035, %swap3A_2036, %swap3A_2037], %add3A_1828 {strides = array<i32>} : memref<2x35x361xf32, #tpu.memory_space<vmem>>, vector<16xf32>,
        %swap3A_2039 = arith.constant 0 : i32
        %swap3A_2040 = arith.constant 28 : i32
        %swap3A_2041 = arith.index_cast %swap3A_2039 : i32 to index
        %swap3A_2042 = arith.index_cast %swap3A_2040 : i32 to index
        %swap3A_2043 = arith.index_cast %mul3A_1451 : i32 to index
        %swap3A_2044 = tpu.vector_load %arg8[%swap3A_2041, %swap3A_2042, %swap3A_2043] {strides = array<i32>} : memref<2x35x361xf32, #tpu.memory_space<vmem>>, vector<16xf32>,
        tpu.vector_store %arg8[%swap3A_2041, %swap3A_2042, %swap3A_2043], %add3A_1829 {strides = array<i32>} : memref<2x35x361xf32, #tpu.memory_space<vmem>>, vector<16xf32>,
        %swap3A_2045 = arith.constant 0 : i32
        %swap3A_2046 = arith.constant 29 : i32
        %swap3A_2047 = arith.index_cast %swap3A_2045 : i32 to index
        %swap3A_2048 = arith.index_cast %swap3A_2046 : i32 to index
        %swap3A_2049 = arith.index_cast %mul3A_1451 : i32 to index
        %swap3A_2050 = tpu.vector_load %arg8[%swap3A_2047, %swap3A_2048, %swap3A_2049] {strides = array<i32>} : memref<2x35x361xf32, #tpu.memory_space<vmem>>, vector<16xf32>,
        tpu.vector_store %arg8[%swap3A_2047, %swap3A_2048, %swap3A_2049], %add3A_1846 {strides = array<i32>} : memref<2x35x361xf32, #tpu.memory_space<vmem>>, vector<16xf32>,
        %swap3A_2051 = arith.constant 0 : i32
        %swap3A_2052 = arith.constant 30 : i32
        %swap3A_2053 = arith.index_cast %swap3A_2051 : i32 to index
        %swap3A_2054 = arith.index_cast %swap3A_2052 : i32 to index
        %swap3A_2055 = arith.index_cast %mul3A_1451 : i32 to index
        %swap3A_2056 = tpu.vector_load %arg8[%swap3A_2053, %swap3A_2054, %swap3A_2055] {strides = array<i32>} : memref<2x35x361xf32, #tpu.memory_space<vmem>>, vector<16xf32>,
        tpu.vector_store %arg8[%swap3A_2053, %swap3A_2054, %swap3A_2055], %add3A_1847 {strides = array<i32>} : memref<2x35x361xf32, #tpu.memory_space<vmem>>, vector<16xf32>,
        %swap3A_2057 = arith.constant 0 : i32
        %swap3A_2058 = arith.constant 31 : i32
        %swap3A_2059 = arith.index_cast %swap3A_2057 : i32 to index
        %swap3A_2060 = arith.index_cast %swap3A_2058 : i32 to index
        %swap3A_2061 = arith.index_cast %mul3A_1451 : i32 to index
        %swap3A_2062 = tpu.vector_load %arg8[%swap3A_2059, %swap3A_2060, %swap3A_2061] {strides = array<i32>} : memref<2x35x361xf32, #tpu.memory_space<vmem>>, vector<16xf32>,
        tpu.vector_store %arg8[%swap3A_2059, %swap3A_2060, %swap3A_2061], %add3A_1864 {strides = array<i32>} : memref<2x35x361xf32, #tpu.memory_space<vmem>>, vector<16xf32>,
        %swap3A_2063 = arith.constant 0 : i32
        %swap3A_2064 = arith.constant 32 : i32
        %swap3A_2065 = arith.index_cast %swap3A_2063 : i32 to index
        %swap3A_2066 = arith.index_cast %swap3A_2064 : i32 to index
        %swap3A_2067 = arith.index_cast %mul3A_1451 : i32 to index
        %swap3A_2068 = tpu.vector_load %arg8[%swap3A_2065, %swap3A_2066, %swap3A_2067] {strides = array<i32>} : memref<2x35x361xf32, #tpu.memory_space<vmem>>, vector<16xf32>,
        tpu.vector_store %arg8[%swap3A_2065, %swap3A_2066, %swap3A_2067], %add3A_1865 {strides = array<i32>} : memref<2x35x361xf32, #tpu.memory_space<vmem>>, vector<16xf32>,
        %swap3A_2069 = arith.constant 0 : i32
        %swap3A_2070 = arith.constant 33 : i32
        %swap3A_2071 = arith.index_cast %swap3A_2069 : i32 to index
        %swap3A_2072 = arith.index_cast %swap3A_2070 : i32 to index
        %swap3A_2073 = arith.index_cast %mul3A_1451 : i32 to index
        %swap3A_2074 = tpu.vector_load %arg8[%swap3A_2071, %swap3A_2072, %swap3A_2073] {strides = array<i32>} : memref<2x35x361xf32, #tpu.memory_space<vmem>>, vector<16xf32>,
        tpu.vector_store %arg8[%swap3A_2071, %swap3A_2072, %swap3A_2073], %add3A_1882 {strides = array<i32>} : memref<2x35x361xf32, #tpu.memory_space<vmem>>, vector<16xf32>,
        %swap3A_2075 = arith.constant 0 : i32
        %swap3A_2076 = arith.constant 34 : i32
        %swap3A_2077 = arith.index_cast %swap3A_2075 : i32 to index
        %swap3A_2078 = arith.index_cast %swap3A_2076 : i32 to index
        %swap3A_2079 = arith.index_cast %mul3A_1451 : i32 to index
        %swap3A_2080 = tpu.vector_load %arg8[%swap3A_2077, %swap3A_2078, %swap3A_2079] {strides = array<i32>} : memref<2x35x361xf32, #tpu.memory_space<vmem>>, vector<16xf32>,
        tpu.vector_store %arg8[%swap3A_2077, %swap3A_2078, %swap3A_2079], %add3A_1883 {strides = array<i32>} : memref<2x35x361xf32, #tpu.memory_space<vmem>>, vector<16xf32>,
        %mul3A_2081 = arith.constant 32 : i32
        %mul3A_2082 = arith.muli %scan3A_1449, %mul3A_2081 : i32
        %add3A_2083 = arith.constant 16 : i32
        %add3A_2084 = arith.addi %mul3A_2082, %add3A_2083 : i32
        %get3A_2085 = arith.index_cast %mul3A_41 : i32 to index
        %get3A_2086 = arith.index_cast %add3A_2084 : i32 to index
        %get3A_2087 = tpu.vector_load %arg9[%get3A_2085, %get3A_2086] {strides = array<i32>} : memref<64x361xi32, #tpu.memory_space<vmem>>, vector<16xi32>,
        %get3A_2088 = arith.index_cast %mul3A_41 : i32 to index
        %get3A_2089 = arith.index_cast %add3A_2084 : i32 to index
        %get3A_2090 = tpu.vector_load %arg10[%get3A_2088, %get3A_2089] {strides = array<i32>} : memref<64x361xi32, #tpu.memory_space<vmem>>, vector<16xi32>,
        %ne3A_2091 = arith.constant 0 : i32
        %ne3A_2092 = vector.broadcast %ne3A_2091 : i32 to vector<16xi32>
        %ne3A_2093 = arith.cmpi ne, %get3A_2090, %ne3A_2092 : vector<16xi32>
        %and3A_2094 = vector.broadcast %scan3A_2 : i32 to vector<16xi32>
        %and3A_2095 = arith.andi %get3A_2087, %and3A_2094 : vector<16xi32>
        %select_n3A_2096 = arith.select %ne3A_2093, %broadcast_in_dim3A_1, %and3A_2095 : vector<16xi1>, vector<16xi32>
        %shift_right_logical3A_2097 = arith.constant 16 : i32
        %shift_right_logical3A_2098 = vector.broadcast %shift_right_logical3A_2097 : i32 to vector<16xi32>
        %shift_right_logical3A_2099 = arith.shrui %get3A_2087, %shift_right_logical3A_2098 : vector<16xi32>
        %select_n3A_2100 = arith.select %ne3A_2093, %broadcast_in_dim3A_1, %shift_right_logical3A_2099 : vector<16xi1>, vector<16xi32>
        %add3A_2101 = arith.constant 0 : i32
        %add3A_2102 = vector.broadcast %add3A_2101 : i32 to vector<16xi32>
        %add3A_2103 = arith.addi %select_n3A_2096, %add3A_2102 : vector<16xi32>
        %gather3A_2104 = tpu.vector_load_idx %arg7[%add3A_2103] : memref<38096xi32, #tpu.memory_space<vmem>>[vector<16xi32>], vector<16xi32>,
        %add3A_2105 = arith.constant 0 : i32
        %add3A_2106 = vector.broadcast %add3A_2105 : i32 to vector<16xi32>
        %add3A_2107 = arith.addi %select_n3A_2100, %add3A_2106 : vector<16xi32>
        %gather3A_2108 = tpu.vector_load_idx %arg7[%add3A_2107] : memref<38096xi32, #tpu.memory_space<vmem>>[vector<16xi32>], vector<16xi32>,
        %add3A_2109 = arith.constant 2381 : i32
        %add3A_2110 = vector.broadcast %add3A_2109 : i32 to vector<16xi32>
        %add3A_2111 = arith.addi %select_n3A_2096, %add3A_2110 : vector<16xi32>
        %gather3A_2112 = tpu.vector_load_idx %arg7[%add3A_2111] : memref<38096xi32, #tpu.memory_space<vmem>>[vector<16xi32>], vector<16xi32>,
        %add3A_2113 = arith.constant 2381 : i32
        %add3A_2114 = vector.broadcast %add3A_2113 : i32 to vector<16xi32>
        %add3A_2115 = arith.addi %select_n3A_2100, %add3A_2114 : vector<16xi32>
        %gather3A_2116 = tpu.vector_load_idx %arg7[%add3A_2115] : memref<38096xi32, #tpu.memory_space<vmem>>[vector<16xi32>], vector<16xi32>,
        %add3A_2117 = arith.constant 4762 : i32
        %add3A_2118 = vector.broadcast %add3A_2117 : i32 to vector<16xi32>
        %add3A_2119 = arith.addi %select_n3A_2096, %add3A_2118 : vector<16xi32>
        %gather3A_2120 = tpu.vector_load_idx %arg7[%add3A_2119] : memref<38096xi32, #tpu.memory_space<vmem>>[vector<16xi32>], vector<16xi32>,
        %add3A_2121 = arith.constant 4762 : i32
        %add3A_2122 = vector.broadcast %add3A_2121 : i32 to vector<16xi32>
        %add3A_2123 = arith.addi %select_n3A_2100, %add3A_2122 : vector<16xi32>
        %gather3A_2124 = tpu.vector_load_idx %arg7[%add3A_2123] : memref<38096xi32, #tpu.memory_space<vmem>>[vector<16xi32>], vector<16xi32>,
        %add3A_2125 = arith.constant 7143 : i32
        %add3A_2126 = vector.broadcast %add3A_2125 : i32 to vector<16xi32>
        %add3A_2127 = arith.addi %select_n3A_2096, %add3A_2126 : vector<16xi32>
        %gather3A_2128 = tpu.vector_load_idx %arg7[%add3A_2127] : memref<38096xi32, #tpu.memory_space<vmem>>[vector<16xi32>], vector<16xi32>,
        %add3A_2129 = arith.constant 7143 : i32
        %add3A_2130 = vector.broadcast %add3A_2129 : i32 to vector<16xi32>
        %add3A_2131 = arith.addi %select_n3A_2100, %add3A_2130 : vector<16xi32>
        %gather3A_2132 = tpu.vector_load_idx %arg7[%add3A_2131] : memref<38096xi32, #tpu.memory_space<vmem>>[vector<16xi32>], vector<16xi32>,
        %add3A_2133 = arith.constant 9524 : i32
        %add3A_2134 = vector.broadcast %add3A_2133 : i32 to vector<16xi32>
        %add3A_2135 = arith.addi %select_n3A_2096, %add3A_2134 : vector<16xi32>
        %gather3A_2136 = tpu.vector_load_idx %arg7[%add3A_2135] : memref<38096xi32, #tpu.memory_space<vmem>>[vector<16xi32>], vector<16xi32>,
        %add3A_2137 = arith.constant 9524 : i32
        %add3A_2138 = vector.broadcast %add3A_2137 : i32 to vector<16xi32>
        %add3A_2139 = arith.addi %select_n3A_2100, %add3A_2138 : vector<16xi32>
        %gather3A_2140 = tpu.vector_load_idx %arg7[%add3A_2139] : memref<38096xi32, #tpu.memory_space<vmem>>[vector<16xi32>], vector<16xi32>,
        %add3A_2141 = arith.constant 11905 : i32
        %add3A_2142 = vector.broadcast %add3A_2141 : i32 to vector<16xi32>
        %add3A_2143 = arith.addi %select_n3A_2096, %add3A_2142 : vector<16xi32>
        %gather3A_2144 = tpu.vector_load_idx %arg7[%add3A_2143] : memref<38096xi32, #tpu.memory_space<vmem>>[vector<16xi32>], vector<16xi32>,
        %add3A_2145 = arith.constant 11905 : i32
        %add3A_2146 = vector.broadcast %add3A_2145 : i32 to vector<16xi32>
        %add3A_2147 = arith.addi %select_n3A_2100, %add3A_2146 : vector<16xi32>
        %gather3A_2148 = tpu.vector_load_idx %arg7[%add3A_2147] : memref<38096xi32, #tpu.memory_space<vmem>>[vector<16xi32>], vector<16xi32>,
        %add3A_2149 = arith.constant 14286 : i32
        %add3A_2150 = vector.broadcast %add3A_2149 : i32 to vector<16xi32>
        %add3A_2151 = arith.addi %select_n3A_2096, %add3A_2150 : vector<16xi32>
        %gather3A_2152 = tpu.vector_load_idx %arg7[%add3A_2151] : memref<38096xi32, #tpu.memory_space<vmem>>[vector<16xi32>], vector<16xi32>,
        %add3A_2153 = arith.constant 14286 : i32
        %add3A_2154 = vector.broadcast %add3A_2153 : i32 to vector<16xi32>
        %add3A_2155 = arith.addi %select_n3A_2100, %add3A_2154 : vector<16xi32>
        %gather3A_2156 = tpu.vector_load_idx %arg7[%add3A_2155] : memref<38096xi32, #tpu.memory_space<vmem>>[vector<16xi32>], vector<16xi32>,
        %add3A_2157 = arith.constant 16667 : i32
        %add3A_2158 = vector.broadcast %add3A_2157 : i32 to vector<16xi32>
        %add3A_2159 = arith.addi %select_n3A_2096, %add3A_2158 : vector<16xi32>
        %gather3A_2160 = tpu.vector_load_idx %arg7[%add3A_2159] : memref<38096xi32, #tpu.memory_space<vmem>>[vector<16xi32>], vector<16xi32>,
        %add3A_2161 = arith.constant 16667 : i32
        %add3A_2162 = vector.broadcast %add3A_2161 : i32 to vector<16xi32>
        %add3A_2163 = arith.addi %select_n3A_2100, %add3A_2162 : vector<16xi32>
        %gather3A_2164 = tpu.vector_load_idx %arg7[%add3A_2163] : memref<38096xi32, #tpu.memory_space<vmem>>[vector<16xi32>], vector<16xi32>,
        %add3A_2165 = arith.constant 19048 : i32
        %add3A_2166 = vector.broadcast %add3A_2165 : i32 to vector<16xi32>
        %add3A_2167 = arith.addi %select_n3A_2096, %add3A_2166 : vector<16xi32>
        %gather3A_2168 = tpu.vector_load_idx %arg7[%add3A_2167] : memref<38096xi32, #tpu.memory_space<vmem>>[vector<16xi32>], vector<16xi32>,
        %add3A_2169 = arith.constant 19048 : i32
        %add3A_2170 = vector.broadcast %add3A_2169 : i32 to vector<16xi32>
        %add3A_2171 = arith.addi %select_n3A_2100, %add3A_2170 : vector<16xi32>
        %gather3A_2172 = tpu.vector_load_idx %arg7[%add3A_2171] : memref<38096xi32, #tpu.memory_space<vmem>>[vector<16xi32>], vector<16xi32>,
        %add3A_2173 = arith.constant 21429 : i32
        %add3A_2174 = vector.broadcast %add3A_2173 : i32 to vector<16xi32>
        %add3A_2175 = arith.addi %select_n3A_2096, %add3A_2174 : vector<16xi32>
        %gather3A_2176 = tpu.vector_load_idx %arg7[%add3A_2175] : memref<38096xi32, #tpu.memory_space<vmem>>[vector<16xi32>], vector<16xi32>,
        %add3A_2177 = arith.constant 21429 : i32
        %add3A_2178 = vector.broadcast %add3A_2177 : i32 to vector<16xi32>
        %add3A_2179 = arith.addi %select_n3A_2100, %add3A_2178 : vector<16xi32>
        %gather3A_2180 = tpu.vector_load_idx %arg7[%add3A_2179] : memref<38096xi32, #tpu.memory_space<vmem>>[vector<16xi32>], vector<16xi32>,
        %add3A_2181 = arith.constant 23810 : i32
        %add3A_2182 = vector.broadcast %add3A_2181 : i32 to vector<16xi32>
        %add3A_2183 = arith.addi %select_n3A_2096, %add3A_2182 : vector<16xi32>
        %gather3A_2184 = tpu.vector_load_idx %arg7[%add3A_2183] : memref<38096xi32, #tpu.memory_space<vmem>>[vector<16xi32>], vector<16xi32>,
        %add3A_2185 = arith.constant 23810 : i32
        %add3A_2186 = vector.broadcast %add3A_2185 : i32 to vector<16xi32>
        %add3A_2187 = arith.addi %select_n3A_2100, %add3A_2186 : vector<16xi32>
        %gather3A_2188 = tpu.vector_load_idx %arg7[%add3A_2187] : memref<38096xi32, #tpu.memory_space<vmem>>[vector<16xi32>], vector<16xi32>,
        %add3A_2189 = arith.constant 26191 : i32
        %add3A_2190 = vector.broadcast %add3A_2189 : i32 to vector<16xi32>
        %add3A_2191 = arith.addi %select_n3A_2096, %add3A_2190 : vector<16xi32>
        %gather3A_2192 = tpu.vector_load_idx %arg7[%add3A_2191] : memref<38096xi32, #tpu.memory_space<vmem>>[vector<16xi32>], vector<16xi32>,
        %add3A_2193 = arith.constant 26191 : i32
        %add3A_2194 = vector.broadcast %add3A_2193 : i32 to vector<16xi32>
        %add3A_2195 = arith.addi %select_n3A_2100, %add3A_2194 : vector<16xi32>
        %gather3A_2196 = tpu.vector_load_idx %arg7[%add3A_2195] : memref<38096xi32, #tpu.memory_space<vmem>>[vector<16xi32>], vector<16xi32>,
        %add3A_2197 = arith.constant 28572 : i32
        %add3A_2198 = vector.broadcast %add3A_2197 : i32 to vector<16xi32>
        %add3A_2199 = arith.addi %select_n3A_2096, %add3A_2198 : vector<16xi32>
        %gather3A_2200 = tpu.vector_load_idx %arg7[%add3A_2199] : memref<38096xi32, #tpu.memory_space<vmem>>[vector<16xi32>], vector<16xi32>,
        %add3A_2201 = arith.constant 28572 : i32
        %add3A_2202 = vector.broadcast %add3A_2201 : i32 to vector<16xi32>
        %add3A_2203 = arith.addi %select_n3A_2100, %add3A_2202 : vector<16xi32>
        %gather3A_2204 = tpu.vector_load_idx %arg7[%add3A_2203] : memref<38096xi32, #tpu.memory_space<vmem>>[vector<16xi32>], vector<16xi32>,
        %add3A_2205 = arith.constant 30953 : i32
        %add3A_2206 = vector.broadcast %add3A_2205 : i32 to vector<16xi32>
        %add3A_2207 = arith.addi %select_n3A_2096, %add3A_2206 : vector<16xi32>
        %gather3A_2208 = tpu.vector_load_idx %arg7[%add3A_2207] : memref<38096xi32, #tpu.memory_space<vmem>>[vector<16xi32>], vector<16xi32>,
        %add3A_2209 = arith.constant 30953 : i32
        %add3A_2210 = vector.broadcast %add3A_2209 : i32 to vector<16xi32>
        %add3A_2211 = arith.addi %select_n3A_2100, %add3A_2210 : vector<16xi32>
        %gather3A_2212 = tpu.vector_load_idx %arg7[%add3A_2211] : memref<38096xi32, #tpu.memory_space<vmem>>[vector<16xi32>], vector<16xi32>,
        %add3A_2213 = arith.constant 33334 : i32
        %add3A_2214 = vector.broadcast %add3A_2213 : i32 to vector<16xi32>
        %add3A_2215 = arith.addi %select_n3A_2096, %add3A_2214 : vector<16xi32>
        %gather3A_2216 = tpu.vector_load_idx %arg7[%add3A_2215] : memref<38096xi32, #tpu.memory_space<vmem>>[vector<16xi32>], vector<16xi32>,
        %add3A_2217 = arith.constant 33334 : i32
        %add3A_2218 = vector.broadcast %add3A_2217 : i32 to vector<16xi32>
        %add3A_2219 = arith.addi %select_n3A_2100, %add3A_2218 : vector<16xi32>
        %gather3A_2220 = tpu.vector_load_idx %arg7[%add3A_2219] : memref<38096xi32, #tpu.memory_space<vmem>>[vector<16xi32>], vector<16xi32>,
        %add3A_2221 = arith.constant 35715 : i32
        %add3A_2222 = vector.broadcast %add3A_2221 : i32 to vector<16xi32>
        %add3A_2223 = arith.addi %select_n3A_2096, %add3A_2222 : vector<16xi32>
        %gather3A_2224 = tpu.vector_load_idx %arg7[%add3A_2223] : memref<38096xi32, #tpu.memory_space<vmem>>[vector<16xi32>], vector<16xi32>,
        %add3A_2225 = arith.constant 35715 : i32
        %add3A_2226 = vector.broadcast %add3A_2225 : i32 to vector<16xi32>
        %add3A_2227 = arith.addi %select_n3A_2100, %add3A_2226 : vector<16xi32>
        %gather3A_2228 = tpu.vector_load_idx %arg7[%add3A_2227] : memref<38096xi32, #tpu.memory_space<vmem>>[vector<16xi32>], vector<16xi32>,
        %shift_left3A_2229 = arith.constant 16 : i32
        %shift_left3A_2230 = vector.broadcast %shift_left3A_2229 : i32 to vector<16xi32>
        %shift_left3A_2231 = arith.shli %gather3A_2104, %shift_left3A_2230 : vector<16xi32>
        %bitcast3A_2232 = vector.bitcast %shift_left3A_2231 : vector<16xi32> to vector<16xf32>
        %and3A_2233 = arith.constant -65536 : i32
        %and3A_2234 = vector.broadcast %and3A_2233 : i32 to vector<16xi32>
        %and3A_2235 = arith.andi %gather3A_2104, %and3A_2234 : vector<16xi32>
        %bitcast3A_2236 = vector.bitcast %and3A_2235 : vector<16xi32> to vector<16xf32>
        %shift_left3A_2237 = arith.constant 16 : i32
        %shift_left3A_2238 = vector.broadcast %shift_left3A_2237 : i32 to vector<16xi32>
        %shift_left3A_2239 = arith.shli %gather3A_2108, %shift_left3A_2238 : vector<16xi32>
        %bitcast3A_2240 = vector.bitcast %shift_left3A_2239 : vector<16xi32> to vector<16xf32>
        %and3A_2241 = arith.constant -65536 : i32
        %and3A_2242 = vector.broadcast %and3A_2241 : i32 to vector<16xi32>
        %and3A_2243 = arith.andi %gather3A_2108, %and3A_2242 : vector<16xi32>
        %bitcast3A_2244 = vector.bitcast %and3A_2243 : vector<16xi32> to vector<16xf32>
        %add3A_2245 = arith.addf %bitcast3A_2232, %bitcast3A_2240 : vector<16xf32>
        %add3A_2246 = arith.addf %bitcast3A_2236, %bitcast3A_2244 : vector<16xf32>
        %shift_left3A_2247 = arith.constant 16 : i32
        %shift_left3A_2248 = vector.broadcast %shift_left3A_2247 : i32 to vector<16xi32>
        %shift_left3A_2249 = arith.shli %gather3A_2112, %shift_left3A_2248 : vector<16xi32>
        %bitcast3A_2250 = vector.bitcast %shift_left3A_2249 : vector<16xi32> to vector<16xf32>
        %and3A_2251 = arith.constant -65536 : i32
        %and3A_2252 = vector.broadcast %and3A_2251 : i32 to vector<16xi32>
        %and3A_2253 = arith.andi %gather3A_2112, %and3A_2252 : vector<16xi32>
        %bitcast3A_2254 = vector.bitcast %and3A_2253 : vector<16xi32> to vector<16xf32>
        %shift_left3A_2255 = arith.constant 16 : i32
        %shift_left3A_2256 = vector.broadcast %shift_left3A_2255 : i32 to vector<16xi32>
        %shift_left3A_2257 = arith.shli %gather3A_2116, %shift_left3A_2256 : vector<16xi32>
        %bitcast3A_2258 = vector.bitcast %shift_left3A_2257 : vector<16xi32> to vector<16xf32>
        %and3A_2259 = arith.constant -65536 : i32
        %and3A_2260 = vector.broadcast %and3A_2259 : i32 to vector<16xi32>
        %and3A_2261 = arith.andi %gather3A_2116, %and3A_2260 : vector<16xi32>
        %bitcast3A_2262 = vector.bitcast %and3A_2261 : vector<16xi32> to vector<16xf32>
        %add3A_2263 = arith.addf %bitcast3A_2250, %bitcast3A_2258 : vector<16xf32>
        %add3A_2264 = arith.addf %bitcast3A_2254, %bitcast3A_2262 : vector<16xf32>
        %shift_left3A_2265 = arith.constant 16 : i32
        %shift_left3A_2266 = vector.broadcast %shift_left3A_2265 : i32 to vector<16xi32>
        %shift_left3A_2267 = arith.shli %gather3A_2120, %shift_left3A_2266 : vector<16xi32>
        %bitcast3A_2268 = vector.bitcast %shift_left3A_2267 : vector<16xi32> to vector<16xf32>
        %and3A_2269 = arith.constant -65536 : i32
        %and3A_2270 = vector.broadcast %and3A_2269 : i32 to vector<16xi32>
        %and3A_2271 = arith.andi %gather3A_2120, %and3A_2270 : vector<16xi32>
        %bitcast3A_2272 = vector.bitcast %and3A_2271 : vector<16xi32> to vector<16xf32>
        %shift_left3A_2273 = arith.constant 16 : i32
        %shift_left3A_2274 = vector.broadcast %shift_left3A_2273 : i32 to vector<16xi32>
        %shift_left3A_2275 = arith.shli %gather3A_2124, %shift_left3A_2274 : vector<16xi32>
        %bitcast3A_2276 = vector.bitcast %shift_left3A_2275 : vector<16xi32> to vector<16xf32>
        %and3A_2277 = arith.constant -65536 : i32
        %and3A_2278 = vector.broadcast %and3A_2277 : i32 to vector<16xi32>
        %and3A_2279 = arith.andi %gather3A_2124, %and3A_2278 : vector<16xi32>
        %bitcast3A_2280 = vector.bitcast %and3A_2279 : vector<16xi32> to vector<16xf32>
        %add3A_2281 = arith.addf %bitcast3A_2268, %bitcast3A_2276 : vector<16xf32>
        %add3A_2282 = arith.addf %bitcast3A_2272, %bitcast3A_2280 : vector<16xf32>
        %shift_left3A_2283 = arith.constant 16 : i32
        %shift_left3A_2284 = vector.broadcast %shift_left3A_2283 : i32 to vector<16xi32>
        %shift_left3A_2285 = arith.shli %gather3A_2128, %shift_left3A_2284 : vector<16xi32>
        %bitcast3A_2286 = vector.bitcast %shift_left3A_2285 : vector<16xi32> to vector<16xf32>
        %and3A_2287 = arith.constant -65536 : i32
        %and3A_2288 = vector.broadcast %and3A_2287 : i32 to vector<16xi32>
        %and3A_2289 = arith.andi %gather3A_2128, %and3A_2288 : vector<16xi32>
        %bitcast3A_2290 = vector.bitcast %and3A_2289 : vector<16xi32> to vector<16xf32>
        %shift_left3A_2291 = arith.constant 16 : i32
        %shift_left3A_2292 = vector.broadcast %shift_left3A_2291 : i32 to vector<16xi32>
        %shift_left3A_2293 = arith.shli %gather3A_2132, %shift_left3A_2292 : vector<16xi32>
        %bitcast3A_2294 = vector.bitcast %shift_left3A_2293 : vector<16xi32> to vector<16xf32>
        %and3A_2295 = arith.constant -65536 : i32
        %and3A_2296 = vector.broadcast %and3A_2295 : i32 to vector<16xi32>
        %and3A_2297 = arith.andi %gather3A_2132, %and3A_2296 : vector<16xi32>
        %bitcast3A_2298 = vector.bitcast %and3A_2297 : vector<16xi32> to vector<16xf32>
        %add3A_2299 = arith.addf %bitcast3A_2286, %bitcast3A_2294 : vector<16xf32>
        %add3A_2300 = arith.addf %bitcast3A_2290, %bitcast3A_2298 : vector<16xf32>
        %shift_left3A_2301 = arith.constant 16 : i32
        %shift_left3A_2302 = vector.broadcast %shift_left3A_2301 : i32 to vector<16xi32>
        %shift_left3A_2303 = arith.shli %gather3A_2136, %shift_left3A_2302 : vector<16xi32>
        %bitcast3A_2304 = vector.bitcast %shift_left3A_2303 : vector<16xi32> to vector<16xf32>
        %and3A_2305 = arith.constant -65536 : i32
        %and3A_2306 = vector.broadcast %and3A_2305 : i32 to vector<16xi32>
        %and3A_2307 = arith.andi %gather3A_2136, %and3A_2306 : vector<16xi32>
        %bitcast3A_2308 = vector.bitcast %and3A_2307 : vector<16xi32> to vector<16xf32>
        %shift_left3A_2309 = arith.constant 16 : i32
        %shift_left3A_2310 = vector.broadcast %shift_left3A_2309 : i32 to vector<16xi32>
        %shift_left3A_2311 = arith.shli %gather3A_2140, %shift_left3A_2310 : vector<16xi32>
        %bitcast3A_2312 = vector.bitcast %shift_left3A_2311 : vector<16xi32> to vector<16xf32>
        %and3A_2313 = arith.constant -65536 : i32
        %and3A_2314 = vector.broadcast %and3A_2313 : i32 to vector<16xi32>
        %and3A_2315 = arith.andi %gather3A_2140, %and3A_2314 : vector<16xi32>
        %bitcast3A_2316 = vector.bitcast %and3A_2315 : vector<16xi32> to vector<16xf32>
        %add3A_2317 = arith.addf %bitcast3A_2304, %bitcast3A_2312 : vector<16xf32>
        %add3A_2318 = arith.addf %bitcast3A_2308, %bitcast3A_2316 : vector<16xf32>
        %shift_left3A_2319 = arith.constant 16 : i32
        %shift_left3A_2320 = vector.broadcast %shift_left3A_2319 : i32 to vector<16xi32>
        %shift_left3A_2321 = arith.shli %gather3A_2144, %shift_left3A_2320 : vector<16xi32>
        %bitcast3A_2322 = vector.bitcast %shift_left3A_2321 : vector<16xi32> to vector<16xf32>
        %and3A_2323 = arith.constant -65536 : i32
        %and3A_2324 = vector.broadcast %and3A_2323 : i32 to vector<16xi32>
        %and3A_2325 = arith.andi %gather3A_2144, %and3A_2324 : vector<16xi32>
        %bitcast3A_2326 = vector.bitcast %and3A_2325 : vector<16xi32> to vector<16xf32>
        %shift_left3A_2327 = arith.constant 16 : i32
        %shift_left3A_2328 = vector.broadcast %shift_left3A_2327 : i32 to vector<16xi32>
        %shift_left3A_2329 = arith.shli %gather3A_2148, %shift_left3A_2328 : vector<16xi32>
        %bitcast3A_2330 = vector.bitcast %shift_left3A_2329 : vector<16xi32> to vector<16xf32>
        %and3A_2331 = arith.constant -65536 : i32
        %and3A_2332 = vector.broadcast %and3A_2331 : i32 to vector<16xi32>
        %and3A_2333 = arith.andi %gather3A_2148, %and3A_2332 : vector<16xi32>
        %bitcast3A_2334 = vector.bitcast %and3A_2333 : vector<16xi32> to vector<16xf32>
        %add3A_2335 = arith.addf %bitcast3A_2322, %bitcast3A_2330 : vector<16xf32>
        %add3A_2336 = arith.addf %bitcast3A_2326, %bitcast3A_2334 : vector<16xf32>
        %shift_left3A_2337 = arith.constant 16 : i32
        %shift_left3A_2338 = vector.broadcast %shift_left3A_2337 : i32 to vector<16xi32>
        %shift_left3A_2339 = arith.shli %gather3A_2152, %shift_left3A_2338 : vector<16xi32>
        %bitcast3A_2340 = vector.bitcast %shift_left3A_2339 : vector<16xi32> to vector<16xf32>
        %and3A_2341 = arith.constant -65536 : i32
        %and3A_2342 = vector.broadcast %and3A_2341 : i32 to vector<16xi32>
        %and3A_2343 = arith.andi %gather3A_2152, %and3A_2342 : vector<16xi32>
        %bitcast3A_2344 = vector.bitcast %and3A_2343 : vector<16xi32> to vector<16xf32>
        %shift_left3A_2345 = arith.constant 16 : i32
        %shift_left3A_2346 = vector.broadcast %shift_left3A_2345 : i32 to vector<16xi32>
        %shift_left3A_2347 = arith.shli %gather3A_2156, %shift_left3A_2346 : vector<16xi32>
        %bitcast3A_2348 = vector.bitcast %shift_left3A_2347 : vector<16xi32> to vector<16xf32>
        %and3A_2349 = arith.constant -65536 : i32
        %and3A_2350 = vector.broadcast %and3A_2349 : i32 to vector<16xi32>
        %and3A_2351 = arith.andi %gather3A_2156, %and3A_2350 : vector<16xi32>
        %bitcast3A_2352 = vector.bitcast %and3A_2351 : vector<16xi32> to vector<16xf32>
        %add3A_2353 = arith.addf %bitcast3A_2340, %bitcast3A_2348 : vector<16xf32>
        %add3A_2354 = arith.addf %bitcast3A_2344, %bitcast3A_2352 : vector<16xf32>
        %shift_left3A_2355 = arith.constant 16 : i32
        %shift_left3A_2356 = vector.broadcast %shift_left3A_2355 : i32 to vector<16xi32>
        %shift_left3A_2357 = arith.shli %gather3A_2160, %shift_left3A_2356 : vector<16xi32>
        %bitcast3A_2358 = vector.bitcast %shift_left3A_2357 : vector<16xi32> to vector<16xf32>
        %and3A_2359 = arith.constant -65536 : i32
        %and3A_2360 = vector.broadcast %and3A_2359 : i32 to vector<16xi32>
        %and3A_2361 = arith.andi %gather3A_2160, %and3A_2360 : vector<16xi32>
        %bitcast3A_2362 = vector.bitcast %and3A_2361 : vector<16xi32> to vector<16xf32>
        %shift_left3A_2363 = arith.constant 16 : i32
        %shift_left3A_2364 = vector.broadcast %shift_left3A_2363 : i32 to vector<16xi32>
        %shift_left3A_2365 = arith.shli %gather3A_2164, %shift_left3A_2364 : vector<16xi32>
        %bitcast3A_2366 = vector.bitcast %shift_left3A_2365 : vector<16xi32> to vector<16xf32>
        %and3A_2367 = arith.constant -65536 : i32
        %and3A_2368 = vector.broadcast %and3A_2367 : i32 to vector<16xi32>
        %and3A_2369 = arith.andi %gather3A_2164, %and3A_2368 : vector<16xi32>
        %bitcast3A_2370 = vector.bitcast %and3A_2369 : vector<16xi32> to vector<16xf32>
        %add3A_2371 = arith.addf %bitcast3A_2358, %bitcast3A_2366 : vector<16xf32>
        %add3A_2372 = arith.addf %bitcast3A_2362, %bitcast3A_2370 : vector<16xf32>
        %shift_left3A_2373 = arith.constant 16 : i32
        %shift_left3A_2374 = vector.broadcast %shift_left3A_2373 : i32 to vector<16xi32>
        %shift_left3A_2375 = arith.shli %gather3A_2168, %shift_left3A_2374 : vector<16xi32>
        %bitcast3A_2376 = vector.bitcast %shift_left3A_2375 : vector<16xi32> to vector<16xf32>
        %and3A_2377 = arith.constant -65536 : i32
        %and3A_2378 = vector.broadcast %and3A_2377 : i32 to vector<16xi32>
        %and3A_2379 = arith.andi %gather3A_2168, %and3A_2378 : vector<16xi32>
        %bitcast3A_2380 = vector.bitcast %and3A_2379 : vector<16xi32> to vector<16xf32>
        %shift_left3A_2381 = arith.constant 16 : i32
        %shift_left3A_2382 = vector.broadcast %shift_left3A_2381 : i32 to vector<16xi32>
        %shift_left3A_2383 = arith.shli %gather3A_2172, %shift_left3A_2382 : vector<16xi32>
        %bitcast3A_2384 = vector.bitcast %shift_left3A_2383 : vector<16xi32> to vector<16xf32>
        %and3A_2385 = arith.constant -65536 : i32
        %and3A_2386 = vector.broadcast %and3A_2385 : i32 to vector<16xi32>
        %and3A_2387 = arith.andi %gather3A_2172, %and3A_2386 : vector<16xi32>
        %bitcast3A_2388 = vector.bitcast %and3A_2387 : vector<16xi32> to vector<16xf32>
        %add3A_2389 = arith.addf %bitcast3A_2376, %bitcast3A_2384 : vector<16xf32>
        %add3A_2390 = arith.addf %bitcast3A_2380, %bitcast3A_2388 : vector<16xf32>
        %shift_left3A_2391 = arith.constant 16 : i32
        %shift_left3A_2392 = vector.broadcast %shift_left3A_2391 : i32 to vector<16xi32>
        %shift_left3A_2393 = arith.shli %gather3A_2176, %shift_left3A_2392 : vector<16xi32>
        %bitcast3A_2394 = vector.bitcast %shift_left3A_2393 : vector<16xi32> to vector<16xf32>
        %and3A_2395 = arith.constant -65536 : i32
        %and3A_2396 = vector.broadcast %and3A_2395 : i32 to vector<16xi32>
        %and3A_2397 = arith.andi %gather3A_2176, %and3A_2396 : vector<16xi32>
        %bitcast3A_2398 = vector.bitcast %and3A_2397 : vector<16xi32> to vector<16xf32>
        %shift_left3A_2399 = arith.constant 16 : i32
        %shift_left3A_2400 = vector.broadcast %shift_left3A_2399 : i32 to vector<16xi32>
        %shift_left3A_2401 = arith.shli %gather3A_2180, %shift_left3A_2400 : vector<16xi32>
        %bitcast3A_2402 = vector.bitcast %shift_left3A_2401 : vector<16xi32> to vector<16xf32>
        %and3A_2403 = arith.constant -65536 : i32
        %and3A_2404 = vector.broadcast %and3A_2403 : i32 to vector<16xi32>
        %and3A_2405 = arith.andi %gather3A_2180, %and3A_2404 : vector<16xi32>
        %bitcast3A_2406 = vector.bitcast %and3A_2405 : vector<16xi32> to vector<16xf32>
        %add3A_2407 = arith.addf %bitcast3A_2394, %bitcast3A_2402 : vector<16xf32>
        %add3A_2408 = arith.addf %bitcast3A_2398, %bitcast3A_2406 : vector<16xf32>
        %shift_left3A_2409 = arith.constant 16 : i32
        %shift_left3A_2410 = vector.broadcast %shift_left3A_2409 : i32 to vector<16xi32>
        %shift_left3A_2411 = arith.shli %gather3A_2184, %shift_left3A_2410 : vector<16xi32>
        %bitcast3A_2412 = vector.bitcast %shift_left3A_2411 : vector<16xi32> to vector<16xf32>
        %and3A_2413 = arith.constant -65536 : i32
        %and3A_2414 = vector.broadcast %and3A_2413 : i32 to vector<16xi32>
        %and3A_2415 = arith.andi %gather3A_2184, %and3A_2414 : vector<16xi32>
        %bitcast3A_2416 = vector.bitcast %and3A_2415 : vector<16xi32> to vector<16xf32>
        %shift_left3A_2417 = arith.constant 16 : i32
        %shift_left3A_2418 = vector.broadcast %shift_left3A_2417 : i32 to vector<16xi32>
        %shift_left3A_2419 = arith.shli %gather3A_2188, %shift_left3A_2418 : vector<16xi32>
        %bitcast3A_2420 = vector.bitcast %shift_left3A_2419 : vector<16xi32> to vector<16xf32>
        %and3A_2421 = arith.constant -65536 : i32
        %and3A_2422 = vector.broadcast %and3A_2421 : i32 to vector<16xi32>
        %and3A_2423 = arith.andi %gather3A_2188, %and3A_2422 : vector<16xi32>
        %bitcast3A_2424 = vector.bitcast %and3A_2423 : vector<16xi32> to vector<16xf32>
        %add3A_2425 = arith.addf %bitcast3A_2412, %bitcast3A_2420 : vector<16xf32>
        %add3A_2426 = arith.addf %bitcast3A_2416, %bitcast3A_2424 : vector<16xf32>
        %shift_left3A_2427 = arith.constant 16 : i32
        %shift_left3A_2428 = vector.broadcast %shift_left3A_2427 : i32 to vector<16xi32>
        %shift_left3A_2429 = arith.shli %gather3A_2192, %shift_left3A_2428 : vector<16xi32>
        %bitcast3A_2430 = vector.bitcast %shift_left3A_2429 : vector<16xi32> to vector<16xf32>
        %and3A_2431 = arith.constant -65536 : i32
        %and3A_2432 = vector.broadcast %and3A_2431 : i32 to vector<16xi32>
        %and3A_2433 = arith.andi %gather3A_2192, %and3A_2432 : vector<16xi32>
        %bitcast3A_2434 = vector.bitcast %and3A_2433 : vector<16xi32> to vector<16xf32>
        %shift_left3A_2435 = arith.constant 16 : i32
        %shift_left3A_2436 = vector.broadcast %shift_left3A_2435 : i32 to vector<16xi32>
        %shift_left3A_2437 = arith.shli %gather3A_2196, %shift_left3A_2436 : vector<16xi32>
        %bitcast3A_2438 = vector.bitcast %shift_left3A_2437 : vector<16xi32> to vector<16xf32>
        %and3A_2439 = arith.constant -65536 : i32
        %and3A_2440 = vector.broadcast %and3A_2439 : i32 to vector<16xi32>
        %and3A_2441 = arith.andi %gather3A_2196, %and3A_2440 : vector<16xi32>
        %bitcast3A_2442 = vector.bitcast %and3A_2441 : vector<16xi32> to vector<16xf32>
        %add3A_2443 = arith.addf %bitcast3A_2430, %bitcast3A_2438 : vector<16xf32>
        %add3A_2444 = arith.addf %bitcast3A_2434, %bitcast3A_2442 : vector<16xf32>
        %shift_left3A_2445 = arith.constant 16 : i32
        %shift_left3A_2446 = vector.broadcast %shift_left3A_2445 : i32 to vector<16xi32>
        %shift_left3A_2447 = arith.shli %gather3A_2200, %shift_left3A_2446 : vector<16xi32>
        %bitcast3A_2448 = vector.bitcast %shift_left3A_2447 : vector<16xi32> to vector<16xf32>
        %and3A_2449 = arith.constant -65536 : i32
        %and3A_2450 = vector.broadcast %and3A_2449 : i32 to vector<16xi32>
        %and3A_2451 = arith.andi %gather3A_2200, %and3A_2450 : vector<16xi32>
        %bitcast3A_2452 = vector.bitcast %and3A_2451 : vector<16xi32> to vector<16xf32>
        %shift_left3A_2453 = arith.constant 16 : i32
        %shift_left3A_2454 = vector.broadcast %shift_left3A_2453 : i32 to vector<16xi32>
        %shift_left3A_2455 = arith.shli %gather3A_2204, %shift_left3A_2454 : vector<16xi32>
        %bitcast3A_2456 = vector.bitcast %shift_left3A_2455 : vector<16xi32> to vector<16xf32>
        %and3A_2457 = arith.constant -65536 : i32
        %and3A_2458 = vector.broadcast %and3A_2457 : i32 to vector<16xi32>
        %and3A_2459 = arith.andi %gather3A_2204, %and3A_2458 : vector<16xi32>
        %bitcast3A_2460 = vector.bitcast %and3A_2459 : vector<16xi32> to vector<16xf32>
        %add3A_2461 = arith.addf %bitcast3A_2448, %bitcast3A_2456 : vector<16xf32>
        %add3A_2462 = arith.addf %bitcast3A_2452, %bitcast3A_2460 : vector<16xf32>
        %shift_left3A_2463 = arith.constant 16 : i32
        %shift_left3A_2464 = vector.broadcast %shift_left3A_2463 : i32 to vector<16xi32>
        %shift_left3A_2465 = arith.shli %gather3A_2208, %shift_left3A_2464 : vector<16xi32>
        %bitcast3A_2466 = vector.bitcast %shift_left3A_2465 : vector<16xi32> to vector<16xf32>
        %and3A_2467 = arith.constant -65536 : i32
        %and3A_2468 = vector.broadcast %and3A_2467 : i32 to vector<16xi32>
        %and3A_2469 = arith.andi %gather3A_2208, %and3A_2468 : vector<16xi32>
        %bitcast3A_2470 = vector.bitcast %and3A_2469 : vector<16xi32> to vector<16xf32>
        %shift_left3A_2471 = arith.constant 16 : i32
        %shift_left3A_2472 = vector.broadcast %shift_left3A_2471 : i32 to vector<16xi32>
        %shift_left3A_2473 = arith.shli %gather3A_2212, %shift_left3A_2472 : vector<16xi32>
        %bitcast3A_2474 = vector.bitcast %shift_left3A_2473 : vector<16xi32> to vector<16xf32>
        %and3A_2475 = arith.constant -65536 : i32
        %and3A_2476 = vector.broadcast %and3A_2475 : i32 to vector<16xi32>
        %and3A_2477 = arith.andi %gather3A_2212, %and3A_2476 : vector<16xi32>
        %bitcast3A_2478 = vector.bitcast %and3A_2477 : vector<16xi32> to vector<16xf32>
        %add3A_2479 = arith.addf %bitcast3A_2466, %bitcast3A_2474 : vector<16xf32>
        %add3A_2480 = arith.addf %bitcast3A_2470, %bitcast3A_2478 : vector<16xf32>
        %shift_left3A_2481 = arith.constant 16 : i32
        %shift_left3A_2482 = vector.broadcast %shift_left3A_2481 : i32 to vector<16xi32>
        %shift_left3A_2483 = arith.shli %gather3A_2216, %shift_left3A_2482 : vector<16xi32>
        %bitcast3A_2484 = vector.bitcast %shift_left3A_2483 : vector<16xi32> to vector<16xf32>
        %and3A_2485 = arith.constant -65536 : i32
        %and3A_2486 = vector.broadcast %and3A_2485 : i32 to vector<16xi32>
        %and3A_2487 = arith.andi %gather3A_2216, %and3A_2486 : vector<16xi32>
        %bitcast3A_2488 = vector.bitcast %and3A_2487 : vector<16xi32> to vector<16xf32>
        %shift_left3A_2489 = arith.constant 16 : i32
        %shift_left3A_2490 = vector.broadcast %shift_left3A_2489 : i32 to vector<16xi32>
        %shift_left3A_2491 = arith.shli %gather3A_2220, %shift_left3A_2490 : vector<16xi32>
        %bitcast3A_2492 = vector.bitcast %shift_left3A_2491 : vector<16xi32> to vector<16xf32>
        %and3A_2493 = arith.constant -65536 : i32
        %and3A_2494 = vector.broadcast %and3A_2493 : i32 to vector<16xi32>
        %and3A_2495 = arith.andi %gather3A_2220, %and3A_2494 : vector<16xi32>
        %bitcast3A_2496 = vector.bitcast %and3A_2495 : vector<16xi32> to vector<16xf32>
        %add3A_2497 = arith.addf %bitcast3A_2484, %bitcast3A_2492 : vector<16xf32>
        %add3A_2498 = arith.addf %bitcast3A_2488, %bitcast3A_2496 : vector<16xf32>
        %shift_left3A_2499 = arith.constant 16 : i32
        %shift_left3A_2500 = vector.broadcast %shift_left3A_2499 : i32 to vector<16xi32>
        %shift_left3A_2501 = arith.shli %gather3A_2224, %shift_left3A_2500 : vector<16xi32>
        %bitcast3A_2502 = vector.bitcast %shift_left3A_2501 : vector<16xi32> to vector<16xf32>
        %and3A_2503 = arith.constant -65536 : i32
        %and3A_2504 = vector.broadcast %and3A_2503 : i32 to vector<16xi32>
        %and3A_2505 = arith.andi %gather3A_2224, %and3A_2504 : vector<16xi32>
        %bitcast3A_2506 = vector.bitcast %and3A_2505 : vector<16xi32> to vector<16xf32>
        %shift_left3A_2507 = arith.constant 16 : i32
        %shift_left3A_2508 = vector.broadcast %shift_left3A_2507 : i32 to vector<16xi32>
        %shift_left3A_2509 = arith.shli %gather3A_2228, %shift_left3A_2508 : vector<16xi32>
        %bitcast3A_2510 = vector.bitcast %shift_left3A_2509 : vector<16xi32> to vector<16xf32>
        %and3A_2511 = arith.constant -65536 : i32
        %and3A_2512 = vector.broadcast %and3A_2511 : i32 to vector<16xi32>
        %and3A_2513 = arith.andi %gather3A_2228, %and3A_2512 : vector<16xi32>
        %bitcast3A_2514 = vector.bitcast %and3A_2513 : vector<16xi32> to vector<16xf32>
        %add3A_2515 = arith.addf %bitcast3A_2502, %bitcast3A_2510 : vector<16xf32>
        %add3A_2516 = arith.addf %bitcast3A_2506, %bitcast3A_2514 : vector<16xf32>
        %eq3A_2517 = arith.constant 0 : i32
        %eq3A_2518 = arith.cmpi eq, %arg0, %eq3A_2517 : i32
        %convert_element_type3A_2519 = arith.extui %eq3A_2518 : i1 to i32
        %cond3A_2520 = arith.constant 0 : i32
        %cond3A_2521 = arith.cmpi ne, %convert_element_type3A_2519, %cond3A_2520 : i32
        scf.if %cond3A_2521 {
          %shift_left3A_2714 = arith.constant 16 : i32
          %shift_left3A_2715 = vector.broadcast %shift_left3A_2714 : i32 to vector<16xi32>
          %shift_left3A_2716 = arith.shli %get3A_2090, %shift_left3A_2715 : vector<16xi32>
          %bitcast3A_2717 = vector.bitcast %shift_left3A_2716 : vector<16xi32> to vector<16xf32>
          %and3A_2718 = arith.constant -65536 : i32
          %and3A_2719 = vector.broadcast %and3A_2718 : i32 to vector<16xi32>
          %and3A_2720 = arith.andi %get3A_2090, %and3A_2719 : vector<16xi32>
          %bitcast3A_2721 = vector.bitcast %and3A_2720 : vector<16xi32> to vector<16xf32>
          %swap3A_2722 = arith.constant 0 : i32
          %swap3A_2723 = arith.constant 0 : i32
          %swap3A_2724 = arith.index_cast %swap3A_2722 : i32 to index
          %swap3A_2725 = arith.index_cast %swap3A_2723 : i32 to index
          %swap3A_2726 = arith.index_cast %add3A_2084 : i32 to index
          %swap3A_2727 = tpu.vector_load %arg8[%swap3A_2724, %swap3A_2725, %swap3A_2726] {strides = array<i32>} : memref<2x35x361xf32, #tpu.memory_space<vmem>>, vector<16xf32>,
          tpu.vector_store %arg8[%swap3A_2724, %swap3A_2725, %swap3A_2726], %bitcast3A_2717 {strides = array<i32>} : memref<2x35x361xf32, #tpu.memory_space<vmem>>, vector<16xf32>,
          %swap3A_2728 = arith.constant 0 : i32
          %swap3A_2729 = arith.constant 1 : i32
          %swap3A_2730 = arith.index_cast %swap3A_2728 : i32 to index
          %swap3A_2731 = arith.index_cast %swap3A_2729 : i32 to index
          %swap3A_2732 = arith.index_cast %add3A_2084 : i32 to index
          %swap3A_2733 = tpu.vector_load %arg8[%swap3A_2730, %swap3A_2731, %swap3A_2732] {strides = array<i32>} : memref<2x35x361xf32, #tpu.memory_space<vmem>>, vector<16xf32>,
          tpu.vector_store %arg8[%swap3A_2730, %swap3A_2731, %swap3A_2732], %bitcast3A_2721 {strides = array<i32>} : memref<2x35x361xf32, #tpu.memory_space<vmem>>, vector<16xf32>,
          %swap3A_2734 = arith.constant 0 : i32
          %swap3A_2735 = arith.constant 2 : i32
          %swap3A_2736 = arith.index_cast %swap3A_2734 : i32 to index
          %swap3A_2737 = arith.index_cast %swap3A_2735 : i32 to index
          %swap3A_2738 = arith.index_cast %add3A_2084 : i32 to index
          %swap3A_2739 = tpu.vector_load %arg8[%swap3A_2736, %swap3A_2737, %swap3A_2738] {strides = array<i32>} : memref<2x35x361xf32, #tpu.memory_space<vmem>>, vector<16xf32>,
          tpu.vector_store %arg8[%swap3A_2736, %swap3A_2737, %swap3A_2738], %gather3A {strides = array<i32>} : memref<2x35x361xf32, #tpu.memory_space<vmem>>, vector<16xf32>,
        } else {
        }
        %swap3A_2522 = arith.constant 0 : i32
        %swap3A_2523 = arith.constant 3 : i32
        %swap3A_2524 = arith.index_cast %swap3A_2522 : i32 to index
        %swap3A_2525 = arith.index_cast %swap3A_2523 : i32 to index
        %swap3A_2526 = arith.index_cast %add3A_2084 : i32 to index
        %swap3A_2527 = tpu.vector_load %arg8[%swap3A_2524, %swap3A_2525, %swap3A_2526] {strides = array<i32>} : memref<2x35x361xf32, #tpu.memory_space<vmem>>, vector<16xf32>,
        tpu.vector_store %arg8[%swap3A_2524, %swap3A_2525, %swap3A_2526], %add3A_2245 {strides = array<i32>} : memref<2x35x361xf32, #tpu.memory_space<vmem>>, vector<16xf32>,
        %swap3A_2528 = arith.constant 0 : i32
        %swap3A_2529 = arith.constant 4 : i32
        %swap3A_2530 = arith.index_cast %swap3A_2528 : i32 to index
        %swap3A_2531 = arith.index_cast %swap3A_2529 : i32 to index
        %swap3A_2532 = arith.index_cast %add3A_2084 : i32 to index
        %swap3A_2533 = tpu.vector_load %arg8[%swap3A_2530, %swap3A_2531, %swap3A_2532] {strides = array<i32>} : memref<2x35x361xf32, #tpu.memory_space<vmem>>, vector<16xf32>,
        tpu.vector_store %arg8[%swap3A_2530, %swap3A_2531, %swap3A_2532], %add3A_2246 {strides = array<i32>} : memref<2x35x361xf32, #tpu.memory_space<vmem>>, vector<16xf32>,
        %swap3A_2534 = arith.constant 0 : i32
        %swap3A_2535 = arith.constant 5 : i32
        %swap3A_2536 = arith.index_cast %swap3A_2534 : i32 to index
        %swap3A_2537 = arith.index_cast %swap3A_2535 : i32 to index
        %swap3A_2538 = arith.index_cast %add3A_2084 : i32 to index
        %swap3A_2539 = tpu.vector_load %arg8[%swap3A_2536, %swap3A_2537, %swap3A_2538] {strides = array<i32>} : memref<2x35x361xf32, #tpu.memory_space<vmem>>, vector<16xf32>,
        tpu.vector_store %arg8[%swap3A_2536, %swap3A_2537, %swap3A_2538], %add3A_2263 {strides = array<i32>} : memref<2x35x361xf32, #tpu.memory_space<vmem>>, vector<16xf32>,
        %swap3A_2540 = arith.constant 0 : i32
        %swap3A_2541 = arith.constant 6 : i32
        %swap3A_2542 = arith.index_cast %swap3A_2540 : i32 to index
        %swap3A_2543 = arith.index_cast %swap3A_2541 : i32 to index
        %swap3A_2544 = arith.index_cast %add3A_2084 : i32 to index
        %swap3A_2545 = tpu.vector_load %arg8[%swap3A_2542, %swap3A_2543, %swap3A_2544] {strides = array<i32>} : memref<2x35x361xf32, #tpu.memory_space<vmem>>, vector<16xf32>,
        tpu.vector_store %arg8[%swap3A_2542, %swap3A_2543, %swap3A_2544], %add3A_2264 {strides = array<i32>} : memref<2x35x361xf32, #tpu.memory_space<vmem>>, vector<16xf32>,
        %swap3A_2546 = arith.constant 0 : i32
        %swap3A_2547 = arith.constant 7 : i32
        %swap3A_2548 = arith.index_cast %swap3A_2546 : i32 to index
        %swap3A_2549 = arith.index_cast %swap3A_2547 : i32 to index
        %swap3A_2550 = arith.index_cast %add3A_2084 : i32 to index
        %swap3A_2551 = tpu.vector_load %arg8[%swap3A_2548, %swap3A_2549, %swap3A_2550] {strides = array<i32>} : memref<2x35x361xf32, #tpu.memory_space<vmem>>, vector<16xf32>,
        tpu.vector_store %arg8[%swap3A_2548, %swap3A_2549, %swap3A_2550], %add3A_2281 {strides = array<i32>} : memref<2x35x361xf32, #tpu.memory_space<vmem>>, vector<16xf32>,
        %swap3A_2552 = arith.constant 0 : i32
        %swap3A_2553 = arith.constant 8 : i32
        %swap3A_2554 = arith.index_cast %swap3A_2552 : i32 to index
        %swap3A_2555 = arith.index_cast %swap3A_2553 : i32 to index
        %swap3A_2556 = arith.index_cast %add3A_2084 : i32 to index
        %swap3A_2557 = tpu.vector_load %arg8[%swap3A_2554, %swap3A_2555, %swap3A_2556] {strides = array<i32>} : memref<2x35x361xf32, #tpu.memory_space<vmem>>, vector<16xf32>,
        tpu.vector_store %arg8[%swap3A_2554, %swap3A_2555, %swap3A_2556], %add3A_2282 {strides = array<i32>} : memref<2x35x361xf32, #tpu.memory_space<vmem>>, vector<16xf32>,
        %swap3A_2558 = arith.constant 0 : i32
        %swap3A_2559 = arith.constant 9 : i32
        %swap3A_2560 = arith.index_cast %swap3A_2558 : i32 to index
        %swap3A_2561 = arith.index_cast %swap3A_2559 : i32 to index
        %swap3A_2562 = arith.index_cast %add3A_2084 : i32 to index
        %swap3A_2563 = tpu.vector_load %arg8[%swap3A_2560, %swap3A_2561, %swap3A_2562] {strides = array<i32>} : memref<2x35x361xf32, #tpu.memory_space<vmem>>, vector<16xf32>,
        tpu.vector_store %arg8[%swap3A_2560, %swap3A_2561, %swap3A_2562], %add3A_2299 {strides = array<i32>} : memref<2x35x361xf32, #tpu.memory_space<vmem>>, vector<16xf32>,
        %swap3A_2564 = arith.constant 0 : i32
        %swap3A_2565 = arith.constant 10 : i32
        %swap3A_2566 = arith.index_cast %swap3A_2564 : i32 to index
        %swap3A_2567 = arith.index_cast %swap3A_2565 : i32 to index
        %swap3A_2568 = arith.index_cast %add3A_2084 : i32 to index
        %swap3A_2569 = tpu.vector_load %arg8[%swap3A_2566, %swap3A_2567, %swap3A_2568] {strides = array<i32>} : memref<2x35x361xf32, #tpu.memory_space<vmem>>, vector<16xf32>,
        tpu.vector_store %arg8[%swap3A_2566, %swap3A_2567, %swap3A_2568], %add3A_2300 {strides = array<i32>} : memref<2x35x361xf32, #tpu.memory_space<vmem>>, vector<16xf32>,
        %swap3A_2570 = arith.constant 0 : i32
        %swap3A_2571 = arith.constant 11 : i32
        %swap3A_2572 = arith.index_cast %swap3A_2570 : i32 to index
        %swap3A_2573 = arith.index_cast %swap3A_2571 : i32 to index
        %swap3A_2574 = arith.index_cast %add3A_2084 : i32 to index
        %swap3A_2575 = tpu.vector_load %arg8[%swap3A_2572, %swap3A_2573, %swap3A_2574] {strides = array<i32>} : memref<2x35x361xf32, #tpu.memory_space<vmem>>, vector<16xf32>,
        tpu.vector_store %arg8[%swap3A_2572, %swap3A_2573, %swap3A_2574], %add3A_2317 {strides = array<i32>} : memref<2x35x361xf32, #tpu.memory_space<vmem>>, vector<16xf32>,
        %swap3A_2576 = arith.constant 0 : i32
        %swap3A_2577 = arith.constant 12 : i32
        %swap3A_2578 = arith.index_cast %swap3A_2576 : i32 to index
        %swap3A_2579 = arith.index_cast %swap3A_2577 : i32 to index
        %swap3A_2580 = arith.index_cast %add3A_2084 : i32 to index
        %swap3A_2581 = tpu.vector_load %arg8[%swap3A_2578, %swap3A_2579, %swap3A_2580] {strides = array<i32>} : memref<2x35x361xf32, #tpu.memory_space<vmem>>, vector<16xf32>,
        tpu.vector_store %arg8[%swap3A_2578, %swap3A_2579, %swap3A_2580], %add3A_2318 {strides = array<i32>} : memref<2x35x361xf32, #tpu.memory_space<vmem>>, vector<16xf32>,
        %swap3A_2582 = arith.constant 0 : i32
        %swap3A_2583 = arith.constant 13 : i32
        %swap3A_2584 = arith.index_cast %swap3A_2582 : i32 to index
        %swap3A_2585 = arith.index_cast %swap3A_2583 : i32 to index
        %swap3A_2586 = arith.index_cast %add3A_2084 : i32 to index
        %swap3A_2587 = tpu.vector_load %arg8[%swap3A_2584, %swap3A_2585, %swap3A_2586] {strides = array<i32>} : memref<2x35x361xf32, #tpu.memory_space<vmem>>, vector<16xf32>,
        tpu.vector_store %arg8[%swap3A_2584, %swap3A_2585, %swap3A_2586], %add3A_2335 {strides = array<i32>} : memref<2x35x361xf32, #tpu.memory_space<vmem>>, vector<16xf32>,
        %swap3A_2588 = arith.constant 0 : i32
        %swap3A_2589 = arith.constant 14 : i32
        %swap3A_2590 = arith.index_cast %swap3A_2588 : i32 to index
        %swap3A_2591 = arith.index_cast %swap3A_2589 : i32 to index
        %swap3A_2592 = arith.index_cast %add3A_2084 : i32 to index
        %swap3A_2593 = tpu.vector_load %arg8[%swap3A_2590, %swap3A_2591, %swap3A_2592] {strides = array<i32>} : memref<2x35x361xf32, #tpu.memory_space<vmem>>, vector<16xf32>,
        tpu.vector_store %arg8[%swap3A_2590, %swap3A_2591, %swap3A_2592], %add3A_2336 {strides = array<i32>} : memref<2x35x361xf32, #tpu.memory_space<vmem>>, vector<16xf32>,
        %swap3A_2594 = arith.constant 0 : i32
        %swap3A_2595 = arith.constant 15 : i32
        %swap3A_2596 = arith.index_cast %swap3A_2594 : i32 to index
        %swap3A_2597 = arith.index_cast %swap3A_2595 : i32 to index
        %swap3A_2598 = arith.index_cast %add3A_2084 : i32 to index
        %swap3A_2599 = tpu.vector_load %arg8[%swap3A_2596, %swap3A_2597, %swap3A_2598] {strides = array<i32>} : memref<2x35x361xf32, #tpu.memory_space<vmem>>, vector<16xf32>,
        tpu.vector_store %arg8[%swap3A_2596, %swap3A_2597, %swap3A_2598], %add3A_2353 {strides = array<i32>} : memref<2x35x361xf32, #tpu.memory_space<vmem>>, vector<16xf32>,
        %swap3A_2600 = arith.constant 0 : i32
        %swap3A_2601 = arith.constant 16 : i32
        %swap3A_2602 = arith.index_cast %swap3A_2600 : i32 to index
        %swap3A_2603 = arith.index_cast %swap3A_2601 : i32 to index
        %swap3A_2604 = arith.index_cast %add3A_2084 : i32 to index
        %swap3A_2605 = tpu.vector_load %arg8[%swap3A_2602, %swap3A_2603, %swap3A_2604] {strides = array<i32>} : memref<2x35x361xf32, #tpu.memory_space<vmem>>, vector<16xf32>,
        tpu.vector_store %arg8[%swap3A_2602, %swap3A_2603, %swap3A_2604], %add3A_2354 {strides = array<i32>} : memref<2x35x361xf32, #tpu.memory_space<vmem>>, vector<16xf32>,
        %swap3A_2606 = arith.constant 0 : i32
        %swap3A_2607 = arith.constant 17 : i32
        %swap3A_2608 = arith.index_cast %swap3A_2606 : i32 to index
        %swap3A_2609 = arith.index_cast %swap3A_2607 : i32 to index
        %swap3A_2610 = arith.index_cast %add3A_2084 : i32 to index
        %swap3A_2611 = tpu.vector_load %arg8[%swap3A_2608, %swap3A_2609, %swap3A_2610] {strides = array<i32>} : memref<2x35x361xf32, #tpu.memory_space<vmem>>, vector<16xf32>,
        tpu.vector_store %arg8[%swap3A_2608, %swap3A_2609, %swap3A_2610], %add3A_2371 {strides = array<i32>} : memref<2x35x361xf32, #tpu.memory_space<vmem>>, vector<16xf32>,
        %swap3A_2612 = arith.constant 0 : i32
        %swap3A_2613 = arith.constant 18 : i32
        %swap3A_2614 = arith.index_cast %swap3A_2612 : i32 to index
        %swap3A_2615 = arith.index_cast %swap3A_2613 : i32 to index
        %swap3A_2616 = arith.index_cast %add3A_2084 : i32 to index
        %swap3A_2617 = tpu.vector_load %arg8[%swap3A_2614, %swap3A_2615, %swap3A_2616] {strides = array<i32>} : memref<2x35x361xf32, #tpu.memory_space<vmem>>, vector<16xf32>,
        tpu.vector_store %arg8[%swap3A_2614, %swap3A_2615, %swap3A_2616], %add3A_2372 {strides = array<i32>} : memref<2x35x361xf32, #tpu.memory_space<vmem>>, vector<16xf32>,
        %swap3A_2618 = arith.constant 0 : i32
        %swap3A_2619 = arith.constant 19 : i32
        %swap3A_2620 = arith.index_cast %swap3A_2618 : i32 to index
        %swap3A_2621 = arith.index_cast %swap3A_2619 : i32 to index
        %swap3A_2622 = arith.index_cast %add3A_2084 : i32 to index
        %swap3A_2623 = tpu.vector_load %arg8[%swap3A_2620, %swap3A_2621, %swap3A_2622] {strides = array<i32>} : memref<2x35x361xf32, #tpu.memory_space<vmem>>, vector<16xf32>,
        tpu.vector_store %arg8[%swap3A_2620, %swap3A_2621, %swap3A_2622], %add3A_2389 {strides = array<i32>} : memref<2x35x361xf32, #tpu.memory_space<vmem>>, vector<16xf32>,
        %swap3A_2624 = arith.constant 0 : i32
        %swap3A_2625 = arith.constant 20 : i32
        %swap3A_2626 = arith.index_cast %swap3A_2624 : i32 to index
        %swap3A_2627 = arith.index_cast %swap3A_2625 : i32 to index
        %swap3A_2628 = arith.index_cast %add3A_2084 : i32 to index
        %swap3A_2629 = tpu.vector_load %arg8[%swap3A_2626, %swap3A_2627, %swap3A_2628] {strides = array<i32>} : memref<2x35x361xf32, #tpu.memory_space<vmem>>, vector<16xf32>,
        tpu.vector_store %arg8[%swap3A_2626, %swap3A_2627, %swap3A_2628], %add3A_2390 {strides = array<i32>} : memref<2x35x361xf32, #tpu.memory_space<vmem>>, vector<16xf32>,
        %swap3A_2630 = arith.constant 0 : i32
        %swap3A_2631 = arith.constant 21 : i32
        %swap3A_2632 = arith.index_cast %swap3A_2630 : i32 to index
        %swap3A_2633 = arith.index_cast %swap3A_2631 : i32 to index
        %swap3A_2634 = arith.index_cast %add3A_2084 : i32 to index
        %swap3A_2635 = tpu.vector_load %arg8[%swap3A_2632, %swap3A_2633, %swap3A_2634] {strides = array<i32>} : memref<2x35x361xf32, #tpu.memory_space<vmem>>, vector<16xf32>,
        tpu.vector_store %arg8[%swap3A_2632, %swap3A_2633, %swap3A_2634], %add3A_2407 {strides = array<i32>} : memref<2x35x361xf32, #tpu.memory_space<vmem>>, vector<16xf32>,
        %swap3A_2636 = arith.constant 0 : i32
        %swap3A_2637 = arith.constant 22 : i32
        %swap3A_2638 = arith.index_cast %swap3A_2636 : i32 to index
        %swap3A_2639 = arith.index_cast %swap3A_2637 : i32 to index
        %swap3A_2640 = arith.index_cast %add3A_2084 : i32 to index
        %swap3A_2641 = tpu.vector_load %arg8[%swap3A_2638, %swap3A_2639, %swap3A_2640] {strides = array<i32>} : memref<2x35x361xf32, #tpu.memory_space<vmem>>, vector<16xf32>,
        tpu.vector_store %arg8[%swap3A_2638, %swap3A_2639, %swap3A_2640], %add3A_2408 {strides = array<i32>} : memref<2x35x361xf32, #tpu.memory_space<vmem>>, vector<16xf32>,
        %swap3A_2642 = arith.constant 0 : i32
        %swap3A_2643 = arith.constant 23 : i32
        %swap3A_2644 = arith.index_cast %swap3A_2642 : i32 to index
        %swap3A_2645 = arith.index_cast %swap3A_2643 : i32 to index
        %swap3A_2646 = arith.index_cast %add3A_2084 : i32 to index
        %swap3A_2647 = tpu.vector_load %arg8[%swap3A_2644, %swap3A_2645, %swap3A_2646] {strides = array<i32>} : memref<2x35x361xf32, #tpu.memory_space<vmem>>, vector<16xf32>,
        tpu.vector_store %arg8[%swap3A_2644, %swap3A_2645, %swap3A_2646], %add3A_2425 {strides = array<i32>} : memref<2x35x361xf32, #tpu.memory_space<vmem>>, vector<16xf32>,
        %swap3A_2648 = arith.constant 0 : i32
        %swap3A_2649 = arith.constant 24 : i32
        %swap3A_2650 = arith.index_cast %swap3A_2648 : i32 to index
        %swap3A_2651 = arith.index_cast %swap3A_2649 : i32 to index
        %swap3A_2652 = arith.index_cast %add3A_2084 : i32 to index
        %swap3A_2653 = tpu.vector_load %arg8[%swap3A_2650, %swap3A_2651, %swap3A_2652] {strides = array<i32>} : memref<2x35x361xf32, #tpu.memory_space<vmem>>, vector<16xf32>,
        tpu.vector_store %arg8[%swap3A_2650, %swap3A_2651, %swap3A_2652], %add3A_2426 {strides = array<i32>} : memref<2x35x361xf32, #tpu.memory_space<vmem>>, vector<16xf32>,
        %swap3A_2654 = arith.constant 0 : i32
        %swap3A_2655 = arith.constant 25 : i32
        %swap3A_2656 = arith.index_cast %swap3A_2654 : i32 to index
        %swap3A_2657 = arith.index_cast %swap3A_2655 : i32 to index
        %swap3A_2658 = arith.index_cast %add3A_2084 : i32 to index
        %swap3A_2659 = tpu.vector_load %arg8[%swap3A_2656, %swap3A_2657, %swap3A_2658] {strides = array<i32>} : memref<2x35x361xf32, #tpu.memory_space<vmem>>, vector<16xf32>,
        tpu.vector_store %arg8[%swap3A_2656, %swap3A_2657, %swap3A_2658], %add3A_2443 {strides = array<i32>} : memref<2x35x361xf32, #tpu.memory_space<vmem>>, vector<16xf32>,
        %swap3A_2660 = arith.constant 0 : i32
        %swap3A_2661 = arith.constant 26 : i32
        %swap3A_2662 = arith.index_cast %swap3A_2660 : i32 to index
        %swap3A_2663 = arith.index_cast %swap3A_2661 : i32 to index
        %swap3A_2664 = arith.index_cast %add3A_2084 : i32 to index
        %swap3A_2665 = tpu.vector_load %arg8[%swap3A_2662, %swap3A_2663, %swap3A_2664] {strides = array<i32>} : memref<2x35x361xf32, #tpu.memory_space<vmem>>, vector<16xf32>,
        tpu.vector_store %arg8[%swap3A_2662, %swap3A_2663, %swap3A_2664], %add3A_2444 {strides = array<i32>} : memref<2x35x361xf32, #tpu.memory_space<vmem>>, vector<16xf32>,
        %swap3A_2666 = arith.constant 0 : i32
        %swap3A_2667 = arith.constant 27 : i32
        %swap3A_2668 = arith.index_cast %swap3A_2666 : i32 to index
        %swap3A_2669 = arith.index_cast %swap3A_2667 : i32 to index
        %swap3A_2670 = arith.index_cast %add3A_2084 : i32 to index
        %swap3A_2671 = tpu.vector_load %arg8[%swap3A_2668, %swap3A_2669, %swap3A_2670] {strides = array<i32>} : memref<2x35x361xf32, #tpu.memory_space<vmem>>, vector<16xf32>,
        tpu.vector_store %arg8[%swap3A_2668, %swap3A_2669, %swap3A_2670], %add3A_2461 {strides = array<i32>} : memref<2x35x361xf32, #tpu.memory_space<vmem>>, vector<16xf32>,
        %swap3A_2672 = arith.constant 0 : i32
        %swap3A_2673 = arith.constant 28 : i32
        %swap3A_2674 = arith.index_cast %swap3A_2672 : i32 to index
        %swap3A_2675 = arith.index_cast %swap3A_2673 : i32 to index
        %swap3A_2676 = arith.index_cast %add3A_2084 : i32 to index
        %swap3A_2677 = tpu.vector_load %arg8[%swap3A_2674, %swap3A_2675, %swap3A_2676] {strides = array<i32>} : memref<2x35x361xf32, #tpu.memory_space<vmem>>, vector<16xf32>,
        tpu.vector_store %arg8[%swap3A_2674, %swap3A_2675, %swap3A_2676], %add3A_2462 {strides = array<i32>} : memref<2x35x361xf32, #tpu.memory_space<vmem>>, vector<16xf32>,
        %swap3A_2678 = arith.constant 0 : i32
        %swap3A_2679 = arith.constant 29 : i32
        %swap3A_2680 = arith.index_cast %swap3A_2678 : i32 to index
        %swap3A_2681 = arith.index_cast %swap3A_2679 : i32 to index
        %swap3A_2682 = arith.index_cast %add3A_2084 : i32 to index
        %swap3A_2683 = tpu.vector_load %arg8[%swap3A_2680, %swap3A_2681, %swap3A_2682] {strides = array<i32>} : memref<2x35x361xf32, #tpu.memory_space<vmem>>, vector<16xf32>,
        tpu.vector_store %arg8[%swap3A_2680, %swap3A_2681, %swap3A_2682], %add3A_2479 {strides = array<i32>} : memref<2x35x361xf32, #tpu.memory_space<vmem>>, vector<16xf32>,
        %swap3A_2684 = arith.constant 0 : i32
        %swap3A_2685 = arith.constant 30 : i32
        %swap3A_2686 = arith.index_cast %swap3A_2684 : i32 to index
        %swap3A_2687 = arith.index_cast %swap3A_2685 : i32 to index
        %swap3A_2688 = arith.index_cast %add3A_2084 : i32 to index
        %swap3A_2689 = tpu.vector_load %arg8[%swap3A_2686, %swap3A_2687, %swap3A_2688] {strides = array<i32>} : memref<2x35x361xf32, #tpu.memory_space<vmem>>, vector<16xf32>,
        tpu.vector_store %arg8[%swap3A_2686, %swap3A_2687, %swap3A_2688], %add3A_2480 {strides = array<i32>} : memref<2x35x361xf32, #tpu.memory_space<vmem>>, vector<16xf32>,
        %swap3A_2690 = arith.constant 0 : i32
        %swap3A_2691 = arith.constant 31 : i32
        %swap3A_2692 = arith.index_cast %swap3A_2690 : i32 to index
        %swap3A_2693 = arith.index_cast %swap3A_2691 : i32 to index
        %swap3A_2694 = arith.index_cast %add3A_2084 : i32 to index
        %swap3A_2695 = tpu.vector_load %arg8[%swap3A_2692, %swap3A_2693, %swap3A_2694] {strides = array<i32>} : memref<2x35x361xf32, #tpu.memory_space<vmem>>, vector<16xf32>,
        tpu.vector_store %arg8[%swap3A_2692, %swap3A_2693, %swap3A_2694], %add3A_2497 {strides = array<i32>} : memref<2x35x361xf32, #tpu.memory_space<vmem>>, vector<16xf32>,
        %swap3A_2696 = arith.constant 0 : i32
        %swap3A_2697 = arith.constant 32 : i32
        %swap3A_2698 = arith.index_cast %swap3A_2696 : i32 to index
        %swap3A_2699 = arith.index_cast %swap3A_2697 : i32 to index
        %swap3A_2700 = arith.index_cast %add3A_2084 : i32 to index
        %swap3A_2701 = tpu.vector_load %arg8[%swap3A_2698, %swap3A_2699, %swap3A_2700] {strides = array<i32>} : memref<2x35x361xf32, #tpu.memory_space<vmem>>, vector<16xf32>,
        tpu.vector_store %arg8[%swap3A_2698, %swap3A_2699, %swap3A_2700], %add3A_2498 {strides = array<i32>} : memref<2x35x361xf32, #tpu.memory_space<vmem>>, vector<16xf32>,
        %swap3A_2702 = arith.constant 0 : i32
        %swap3A_2703 = arith.constant 33 : i32
        %swap3A_2704 = arith.index_cast %swap3A_2702 : i32 to index
        %swap3A_2705 = arith.index_cast %swap3A_2703 : i32 to index
        %swap3A_2706 = arith.index_cast %add3A_2084 : i32 to index
        %swap3A_2707 = tpu.vector_load %arg8[%swap3A_2704, %swap3A_2705, %swap3A_2706] {strides = array<i32>} : memref<2x35x361xf32, #tpu.memory_space<vmem>>, vector<16xf32>,
        tpu.vector_store %arg8[%swap3A_2704, %swap3A_2705, %swap3A_2706], %add3A_2515 {strides = array<i32>} : memref<2x35x361xf32, #tpu.memory_space<vmem>>, vector<16xf32>,
        %swap3A_2708 = arith.constant 0 : i32
        %swap3A_2709 = arith.constant 34 : i32
        %swap3A_2710 = arith.index_cast %swap3A_2708 : i32 to index
        %swap3A_2711 = arith.index_cast %swap3A_2709 : i32 to index
        %swap3A_2712 = arith.index_cast %add3A_2084 : i32 to index
        %swap3A_2713 = tpu.vector_load %arg8[%swap3A_2710, %swap3A_2711, %swap3A_2712] {strides = array<i32>} : memref<2x35x361xf32, #tpu.memory_space<vmem>>, vector<16xf32>,
        tpu.vector_store %arg8[%swap3A_2710, %swap3A_2711, %swap3A_2712], %add3A_2516 {strides = array<i32>} : memref<2x35x361xf32, #tpu.memory_space<vmem>>, vector<16xf32>,
      }
      %scan3A_68 = arith.constant 11 : i32
      %get3A = arith.constant 345 : i32
      %get3A_69 = arith.index_cast %mul3A_41 : i32 to index
      %get3A_70 = arith.index_cast %get3A : i32 to index
      %get3A_71 = tpu.vector_load %arg9[%get3A_69, %get3A_70] {strides = array<i32>} : memref<64x361xi32, #tpu.memory_space<vmem>>, vector<16xi32>,
      %get3A_72 = arith.constant 345 : i32
      %get3A_73 = arith.index_cast %mul3A_41 : i32 to index
      %get3A_74 = arith.index_cast %get3A_72 : i32 to index
      %get3A_75 = tpu.vector_load %arg10[%get3A_73, %get3A_74] {strides = array<i32>} : memref<64x361xi32, #tpu.memory_space<vmem>>, vector<16xi32>,
      %ne3A = arith.constant 0 : i32
      %ne3A_76 = vector.broadcast %ne3A : i32 to vector<16xi32>
      %ne3A_77 = arith.cmpi ne, %get3A_75, %ne3A_76 : vector<16xi32>
      %and3A_78 = vector.broadcast %scan3A_2 : i32 to vector<16xi32>
      %and3A_79 = arith.andi %get3A_71, %and3A_78 : vector<16xi32>
      %select_n3A = arith.select %ne3A_77, %broadcast_in_dim3A_1, %and3A_79 : vector<16xi1>, vector<16xi32>
      %shift_right_logical3A = arith.constant 16 : i32
      %shift_right_logical3A_80 = vector.broadcast %shift_right_logical3A : i32 to vector<16xi32>
      %shift_right_logical3A_81 = arith.shrui %get3A_71, %shift_right_logical3A_80 : vector<16xi32>
      %select_n3A_82 = arith.select %ne3A_77, %broadcast_in_dim3A_1, %shift_right_logical3A_81 : vector<16xi1>, vector<16xi32>
      %add3A_83 = arith.constant 0 : i32
      %add3A_84 = vector.broadcast %add3A_83 : i32 to vector<16xi32>
      %add3A_85 = arith.addi %select_n3A, %add3A_84 : vector<16xi32>
      %gather3A_86 = tpu.vector_load_idx %arg7[%add3A_85] : memref<38096xi32, #tpu.memory_space<vmem>>[vector<16xi32>], vector<16xi32>,
      %add3A_87 = arith.constant 0 : i32
      %add3A_88 = vector.broadcast %add3A_87 : i32 to vector<16xi32>
      %add3A_89 = arith.addi %select_n3A_82, %add3A_88 : vector<16xi32>
      %gather3A_90 = tpu.vector_load_idx %arg7[%add3A_89] : memref<38096xi32, #tpu.memory_space<vmem>>[vector<16xi32>], vector<16xi32>,
      %add3A_91 = arith.constant 2381 : i32
      %add3A_92 = vector.broadcast %add3A_91 : i32 to vector<16xi32>
      %add3A_93 = arith.addi %select_n3A, %add3A_92 : vector<16xi32>
      %gather3A_94 = tpu.vector_load_idx %arg7[%add3A_93] : memref<38096xi32, #tpu.memory_space<vmem>>[vector<16xi32>], vector<16xi32>,
      %add3A_95 = arith.constant 2381 : i32
      %add3A_96 = vector.broadcast %add3A_95 : i32 to vector<16xi32>
      %add3A_97 = arith.addi %select_n3A_82, %add3A_96 : vector<16xi32>
      %gather3A_98 = tpu.vector_load_idx %arg7[%add3A_97] : memref<38096xi32, #tpu.memory_space<vmem>>[vector<16xi32>], vector<16xi32>,
      %add3A_99 = arith.constant 4762 : i32
      %add3A_100 = vector.broadcast %add3A_99 : i32 to vector<16xi32>
      %add3A_101 = arith.addi %select_n3A, %add3A_100 : vector<16xi32>
      %gather3A_102 = tpu.vector_load_idx %arg7[%add3A_101] : memref<38096xi32, #tpu.memory_space<vmem>>[vector<16xi32>], vector<16xi32>,
      %add3A_103 = arith.constant 4762 : i32
      %add3A_104 = vector.broadcast %add3A_103 : i32 to vector<16xi32>
      %add3A_105 = arith.addi %select_n3A_82, %add3A_104 : vector<16xi32>
      %gather3A_106 = tpu.vector_load_idx %arg7[%add3A_105] : memref<38096xi32, #tpu.memory_space<vmem>>[vector<16xi32>], vector<16xi32>,
      %add3A_107 = arith.constant 7143 : i32
      %add3A_108 = vector.broadcast %add3A_107 : i32 to vector<16xi32>
      %add3A_109 = arith.addi %select_n3A, %add3A_108 : vector<16xi32>
      %gather3A_110 = tpu.vector_load_idx %arg7[%add3A_109] : memref<38096xi32, #tpu.memory_space<vmem>>[vector<16xi32>], vector<16xi32>,
      %add3A_111 = arith.constant 7143 : i32
      %add3A_112 = vector.broadcast %add3A_111 : i32 to vector<16xi32>
      %add3A_113 = arith.addi %select_n3A_82, %add3A_112 : vector<16xi32>
      %gather3A_114 = tpu.vector_load_idx %arg7[%add3A_113] : memref<38096xi32, #tpu.memory_space<vmem>>[vector<16xi32>], vector<16xi32>,
      %add3A_115 = arith.constant 9524 : i32
      %add3A_116 = vector.broadcast %add3A_115 : i32 to vector<16xi32>
      %add3A_117 = arith.addi %select_n3A, %add3A_116 : vector<16xi32>
      %gather3A_118 = tpu.vector_load_idx %arg7[%add3A_117] : memref<38096xi32, #tpu.memory_space<vmem>>[vector<16xi32>], vector<16xi32>,
      %add3A_119 = arith.constant 9524 : i32
      %add3A_120 = vector.broadcast %add3A_119 : i32 to vector<16xi32>
      %add3A_121 = arith.addi %select_n3A_82, %add3A_120 : vector<16xi32>
      %gather3A_122 = tpu.vector_load_idx %arg7[%add3A_121] : memref<38096xi32, #tpu.memory_space<vmem>>[vector<16xi32>], vector<16xi32>,
      %add3A_123 = arith.constant 11905 : i32
      %add3A_124 = vector.broadcast %add3A_123 : i32 to vector<16xi32>
      %add3A_125 = arith.addi %select_n3A, %add3A_124 : vector<16xi32>
      %gather3A_126 = tpu.vector_load_idx %arg7[%add3A_125] : memref<38096xi32, #tpu.memory_space<vmem>>[vector<16xi32>], vector<16xi32>,
      %add3A_127 = arith.constant 11905 : i32
      %add3A_128 = vector.broadcast %add3A_127 : i32 to vector<16xi32>
      %add3A_129 = arith.addi %select_n3A_82, %add3A_128 : vector<16xi32>
      %gather3A_130 = tpu.vector_load_idx %arg7[%add3A_129] : memref<38096xi32, #tpu.memory_space<vmem>>[vector<16xi32>], vector<16xi32>,
      %add3A_131 = arith.constant 14286 : i32
      %add3A_132 = vector.broadcast %add3A_131 : i32 to vector<16xi32>
      %add3A_133 = arith.addi %select_n3A, %add3A_132 : vector<16xi32>
      %gather3A_134 = tpu.vector_load_idx %arg7[%add3A_133] : memref<38096xi32, #tpu.memory_space<vmem>>[vector<16xi32>], vector<16xi32>,
      %add3A_135 = arith.constant 14286 : i32
      %add3A_136 = vector.broadcast %add3A_135 : i32 to vector<16xi32>
      %add3A_137 = arith.addi %select_n3A_82, %add3A_136 : vector<16xi32>
      %gather3A_138 = tpu.vector_load_idx %arg7[%add3A_137] : memref<38096xi32, #tpu.memory_space<vmem>>[vector<16xi32>], vector<16xi32>,
      %add3A_139 = arith.constant 16667 : i32
      %add3A_140 = vector.broadcast %add3A_139 : i32 to vector<16xi32>
      %add3A_141 = arith.addi %select_n3A, %add3A_140 : vector<16xi32>
      %gather3A_142 = tpu.vector_load_idx %arg7[%add3A_141] : memref<38096xi32, #tpu.memory_space<vmem>>[vector<16xi32>], vector<16xi32>,
      %add3A_143 = arith.constant 16667 : i32
      %add3A_144 = vector.broadcast %add3A_143 : i32 to vector<16xi32>
      %add3A_145 = arith.addi %select_n3A_82, %add3A_144 : vector<16xi32>
      %gather3A_146 = tpu.vector_load_idx %arg7[%add3A_145] : memref<38096xi32, #tpu.memory_space<vmem>>[vector<16xi32>], vector<16xi32>,
      %add3A_147 = arith.constant 19048 : i32
      %add3A_148 = vector.broadcast %add3A_147 : i32 to vector<16xi32>
      %add3A_149 = arith.addi %select_n3A, %add3A_148 : vector<16xi32>
      %gather3A_150 = tpu.vector_load_idx %arg7[%add3A_149] : memref<38096xi32, #tpu.memory_space<vmem>>[vector<16xi32>], vector<16xi32>,
      %add3A_151 = arith.constant 19048 : i32
      %add3A_152 = vector.broadcast %add3A_151 : i32 to vector<16xi32>
      %add3A_153 = arith.addi %select_n3A_82, %add3A_152 : vector<16xi32>
      %gather3A_154 = tpu.vector_load_idx %arg7[%add3A_153] : memref<38096xi32, #tpu.memory_space<vmem>>[vector<16xi32>], vector<16xi32>,
      %add3A_155 = arith.constant 21429 : i32
      %add3A_156 = vector.broadcast %add3A_155 : i32 to vector<16xi32>
      %add3A_157 = arith.addi %select_n3A, %add3A_156 : vector<16xi32>
      %gather3A_158 = tpu.vector_load_idx %arg7[%add3A_157] : memref<38096xi32, #tpu.memory_space<vmem>>[vector<16xi32>], vector<16xi32>,
      %add3A_159 = arith.constant 21429 : i32
      %add3A_160 = vector.broadcast %add3A_159 : i32 to vector<16xi32>
      %add3A_161 = arith.addi %select_n3A_82, %add3A_160 : vector<16xi32>
      %gather3A_162 = tpu.vector_load_idx %arg7[%add3A_161] : memref<38096xi32, #tpu.memory_space<vmem>>[vector<16xi32>], vector<16xi32>,
      %add3A_163 = arith.constant 23810 : i32
      %add3A_164 = vector.broadcast %add3A_163 : i32 to vector<16xi32>
      %add3A_165 = arith.addi %select_n3A, %add3A_164 : vector<16xi32>
      %gather3A_166 = tpu.vector_load_idx %arg7[%add3A_165] : memref<38096xi32, #tpu.memory_space<vmem>>[vector<16xi32>], vector<16xi32>,
      %add3A_167 = arith.constant 23810 : i32
      %add3A_168 = vector.broadcast %add3A_167 : i32 to vector<16xi32>
      %add3A_169 = arith.addi %select_n3A_82, %add3A_168 : vector<16xi32>
      %gather3A_170 = tpu.vector_load_idx %arg7[%add3A_169] : memref<38096xi32, #tpu.memory_space<vmem>>[vector<16xi32>], vector<16xi32>,
      %add3A_171 = arith.constant 26191 : i32
      %add3A_172 = vector.broadcast %add3A_171 : i32 to vector<16xi32>
      %add3A_173 = arith.addi %select_n3A, %add3A_172 : vector<16xi32>
      %gather3A_174 = tpu.vector_load_idx %arg7[%add3A_173] : memref<38096xi32, #tpu.memory_space<vmem>>[vector<16xi32>], vector<16xi32>,
      %add3A_175 = arith.constant 26191 : i32
      %add3A_176 = vector.broadcast %add3A_175 : i32 to vector<16xi32>
      %add3A_177 = arith.addi %select_n3A_82, %add3A_176 : vector<16xi32>
      %gather3A_178 = tpu.vector_load_idx %arg7[%add3A_177] : memref<38096xi32, #tpu.memory_space<vmem>>[vector<16xi32>], vector<16xi32>,
      %add3A_179 = arith.constant 28572 : i32
      %add3A_180 = vector.broadcast %add3A_179 : i32 to vector<16xi32>
      %add3A_181 = arith.addi %select_n3A, %add3A_180 : vector<16xi32>
      %gather3A_182 = tpu.vector_load_idx %arg7[%add3A_181] : memref<38096xi32, #tpu.memory_space<vmem>>[vector<16xi32>], vector<16xi32>,
      %add3A_183 = arith.constant 28572 : i32
      %add3A_184 = vector.broadcast %add3A_183 : i32 to vector<16xi32>
      %add3A_185 = arith.addi %select_n3A_82, %add3A_184 : vector<16xi32>
      %gather3A_186 = tpu.vector_load_idx %arg7[%add3A_185] : memref<38096xi32, #tpu.memory_space<vmem>>[vector<16xi32>], vector<16xi32>,
      %add3A_187 = arith.constant 30953 : i32
      %add3A_188 = vector.broadcast %add3A_187 : i32 to vector<16xi32>
      %add3A_189 = arith.addi %select_n3A, %add3A_188 : vector<16xi32>
      %gather3A_190 = tpu.vector_load_idx %arg7[%add3A_189] : memref<38096xi32, #tpu.memory_space<vmem>>[vector<16xi32>], vector<16xi32>,
      %add3A_191 = arith.constant 30953 : i32
      %add3A_192 = vector.broadcast %add3A_191 : i32 to vector<16xi32>
      %add3A_193 = arith.addi %select_n3A_82, %add3A_192 : vector<16xi32>
      %gather3A_194 = tpu.vector_load_idx %arg7[%add3A_193] : memref<38096xi32, #tpu.memory_space<vmem>>[vector<16xi32>], vector<16xi32>,
      %add3A_195 = arith.constant 33334 : i32
      %add3A_196 = vector.broadcast %add3A_195 : i32 to vector<16xi32>
      %add3A_197 = arith.addi %select_n3A, %add3A_196 : vector<16xi32>
      %gather3A_198 = tpu.vector_load_idx %arg7[%add3A_197] : memref<38096xi32, #tpu.memory_space<vmem>>[vector<16xi32>], vector<16xi32>,
      %add3A_199 = arith.constant 33334 : i32
      %add3A_200 = vector.broadcast %add3A_199 : i32 to vector<16xi32>
      %add3A_201 = arith.addi %select_n3A_82, %add3A_200 : vector<16xi32>
      %gather3A_202 = tpu.vector_load_idx %arg7[%add3A_201] : memref<38096xi32, #tpu.memory_space<vmem>>[vector<16xi32>], vector<16xi32>,
      %add3A_203 = arith.constant 35715 : i32
      %add3A_204 = vector.broadcast %add3A_203 : i32 to vector<16xi32>
      %add3A_205 = arith.addi %select_n3A, %add3A_204 : vector<16xi32>
      %gather3A_206 = tpu.vector_load_idx %arg7[%add3A_205] : memref<38096xi32, #tpu.memory_space<vmem>>[vector<16xi32>], vector<16xi32>,
      %add3A_207 = arith.constant 35715 : i32
      %add3A_208 = vector.broadcast %add3A_207 : i32 to vector<16xi32>
      %add3A_209 = arith.addi %select_n3A_82, %add3A_208 : vector<16xi32>
      %gather3A_210 = tpu.vector_load_idx %arg7[%add3A_209] : memref<38096xi32, #tpu.memory_space<vmem>>[vector<16xi32>], vector<16xi32>,
      %shift_left3A = arith.constant 16 : i32
      %shift_left3A_211 = vector.broadcast %shift_left3A : i32 to vector<16xi32>
      %shift_left3A_212 = arith.shli %gather3A_86, %shift_left3A_211 : vector<16xi32>
      %bitcast3A = vector.bitcast %shift_left3A_212 : vector<16xi32> to vector<16xf32>
      %and3A_213 = arith.constant -65536 : i32
      %and3A_214 = vector.broadcast %and3A_213 : i32 to vector<16xi32>
      %and3A_215 = arith.andi %gather3A_86, %and3A_214 : vector<16xi32>
      %bitcast3A_216 = vector.bitcast %and3A_215 : vector<16xi32> to vector<16xf32>
      %shift_left3A_217 = arith.constant 16 : i32
      %shift_left3A_218 = vector.broadcast %shift_left3A_217 : i32 to vector<16xi32>
      %shift_left3A_219 = arith.shli %gather3A_90, %shift_left3A_218 : vector<16xi32>
      %bitcast3A_220 = vector.bitcast %shift_left3A_219 : vector<16xi32> to vector<16xf32>
      %and3A_221 = arith.constant -65536 : i32
      %and3A_222 = vector.broadcast %and3A_221 : i32 to vector<16xi32>
      %and3A_223 = arith.andi %gather3A_90, %and3A_222 : vector<16xi32>
      %bitcast3A_224 = vector.bitcast %and3A_223 : vector<16xi32> to vector<16xf32>
      %add3A_225 = arith.addf %bitcast3A, %bitcast3A_220 : vector<16xf32>
      %add3A_226 = arith.addf %bitcast3A_216, %bitcast3A_224 : vector<16xf32>
      %shift_left3A_227 = arith.constant 16 : i32
      %shift_left3A_228 = vector.broadcast %shift_left3A_227 : i32 to vector<16xi32>
      %shift_left3A_229 = arith.shli %gather3A_94, %shift_left3A_228 : vector<16xi32>
      %bitcast3A_230 = vector.bitcast %shift_left3A_229 : vector<16xi32> to vector<16xf32>
      %and3A_231 = arith.constant -65536 : i32
      %and3A_232 = vector.broadcast %and3A_231 : i32 to vector<16xi32>
      %and3A_233 = arith.andi %gather3A_94, %and3A_232 : vector<16xi32>
      %bitcast3A_234 = vector.bitcast %and3A_233 : vector<16xi32> to vector<16xf32>
      %shift_left3A_235 = arith.constant 16 : i32
      %shift_left3A_236 = vector.broadcast %shift_left3A_235 : i32 to vector<16xi32>
      %shift_left3A_237 = arith.shli %gather3A_98, %shift_left3A_236 : vector<16xi32>
      %bitcast3A_238 = vector.bitcast %shift_left3A_237 : vector<16xi32> to vector<16xf32>
      %and3A_239 = arith.constant -65536 : i32
      %and3A_240 = vector.broadcast %and3A_239 : i32 to vector<16xi32>
      %and3A_241 = arith.andi %gather3A_98, %and3A_240 : vector<16xi32>
      %bitcast3A_242 = vector.bitcast %and3A_241 : vector<16xi32> to vector<16xf32>
      %add3A_243 = arith.addf %bitcast3A_230, %bitcast3A_238 : vector<16xf32>
      %add3A_244 = arith.addf %bitcast3A_234, %bitcast3A_242 : vector<16xf32>
      %shift_left3A_245 = arith.constant 16 : i32
      %shift_left3A_246 = vector.broadcast %shift_left3A_245 : i32 to vector<16xi32>
      %shift_left3A_247 = arith.shli %gather3A_102, %shift_left3A_246 : vector<16xi32>
      %bitcast3A_248 = vector.bitcast %shift_left3A_247 : vector<16xi32> to vector<16xf32>
      %and3A_249 = arith.constant -65536 : i32
      %and3A_250 = vector.broadcast %and3A_249 : i32 to vector<16xi32>
      %and3A_251 = arith.andi %gather3A_102, %and3A_250 : vector<16xi32>
      %bitcast3A_252 = vector.bitcast %and3A_251 : vector<16xi32> to vector<16xf32>
      %shift_left3A_253 = arith.constant 16 : i32
      %shift_left3A_254 = vector.broadcast %shift_left3A_253 : i32 to vector<16xi32>
      %shift_left3A_255 = arith.shli %gather3A_106, %shift_left3A_254 : vector<16xi32>
      %bitcast3A_256 = vector.bitcast %shift_left3A_255 : vector<16xi32> to vector<16xf32>
      %and3A_257 = arith.constant -65536 : i32
      %and3A_258 = vector.broadcast %and3A_257 : i32 to vector<16xi32>
      %and3A_259 = arith.andi %gather3A_106, %and3A_258 : vector<16xi32>
      %bitcast3A_260 = vector.bitcast %and3A_259 : vector<16xi32> to vector<16xf32>
      %add3A_261 = arith.addf %bitcast3A_248, %bitcast3A_256 : vector<16xf32>
      %add3A_262 = arith.addf %bitcast3A_252, %bitcast3A_260 : vector<16xf32>
      %shift_left3A_263 = arith.constant 16 : i32
      %shift_left3A_264 = vector.broadcast %shift_left3A_263 : i32 to vector<16xi32>
      %shift_left3A_265 = arith.shli %gather3A_110, %shift_left3A_264 : vector<16xi32>
      %bitcast3A_266 = vector.bitcast %shift_left3A_265 : vector<16xi32> to vector<16xf32>
      %and3A_267 = arith.constant -65536 : i32
      %and3A_268 = vector.broadcast %and3A_267 : i32 to vector<16xi32>
      %and3A_269 = arith.andi %gather3A_110, %and3A_268 : vector<16xi32>
      %bitcast3A_270 = vector.bitcast %and3A_269 : vector<16xi32> to vector<16xf32>
      %shift_left3A_271 = arith.constant 16 : i32
      %shift_left3A_272 = vector.broadcast %shift_left3A_271 : i32 to vector<16xi32>
      %shift_left3A_273 = arith.shli %gather3A_114, %shift_left3A_272 : vector<16xi32>
      %bitcast3A_274 = vector.bitcast %shift_left3A_273 : vector<16xi32> to vector<16xf32>
      %and3A_275 = arith.constant -65536 : i32
      %and3A_276 = vector.broadcast %and3A_275 : i32 to vector<16xi32>
      %and3A_277 = arith.andi %gather3A_114, %and3A_276 : vector<16xi32>
      %bitcast3A_278 = vector.bitcast %and3A_277 : vector<16xi32> to vector<16xf32>
      %add3A_279 = arith.addf %bitcast3A_266, %bitcast3A_274 : vector<16xf32>
      %add3A_280 = arith.addf %bitcast3A_270, %bitcast3A_278 : vector<16xf32>
      %shift_left3A_281 = arith.constant 16 : i32
      %shift_left3A_282 = vector.broadcast %shift_left3A_281 : i32 to vector<16xi32>
      %shift_left3A_283 = arith.shli %gather3A_118, %shift_left3A_282 : vector<16xi32>
      %bitcast3A_284 = vector.bitcast %shift_left3A_283 : vector<16xi32> to vector<16xf32>
      %and3A_285 = arith.constant -65536 : i32
      %and3A_286 = vector.broadcast %and3A_285 : i32 to vector<16xi32>
      %and3A_287 = arith.andi %gather3A_118, %and3A_286 : vector<16xi32>
      %bitcast3A_288 = vector.bitcast %and3A_287 : vector<16xi32> to vector<16xf32>
      %shift_left3A_289 = arith.constant 16 : i32
      %shift_left3A_290 = vector.broadcast %shift_left3A_289 : i32 to vector<16xi32>
      %shift_left3A_291 = arith.shli %gather3A_122, %shift_left3A_290 : vector<16xi32>
      %bitcast3A_292 = vector.bitcast %shift_left3A_291 : vector<16xi32> to vector<16xf32>
      %and3A_293 = arith.constant -65536 : i32
      %and3A_294 = vector.broadcast %and3A_293 : i32 to vector<16xi32>
      %and3A_295 = arith.andi %gather3A_122, %and3A_294 : vector<16xi32>
      %bitcast3A_296 = vector.bitcast %and3A_295 : vector<16xi32> to vector<16xf32>
      %add3A_297 = arith.addf %bitcast3A_284, %bitcast3A_292 : vector<16xf32>
      %add3A_298 = arith.addf %bitcast3A_288, %bitcast3A_296 : vector<16xf32>
      %shift_left3A_299 = arith.constant 16 : i32
      %shift_left3A_300 = vector.broadcast %shift_left3A_299 : i32 to vector<16xi32>
      %shift_left3A_301 = arith.shli %gather3A_126, %shift_left3A_300 : vector<16xi32>
      %bitcast3A_302 = vector.bitcast %shift_left3A_301 : vector<16xi32> to vector<16xf32>
      %and3A_303 = arith.constant -65536 : i32
      %and3A_304 = vector.broadcast %and3A_303 : i32 to vector<16xi32>
      %and3A_305 = arith.andi %gather3A_126, %and3A_304 : vector<16xi32>
      %bitcast3A_306 = vector.bitcast %and3A_305 : vector<16xi32> to vector<16xf32>
      %shift_left3A_307 = arith.constant 16 : i32
      %shift_left3A_308 = vector.broadcast %shift_left3A_307 : i32 to vector<16xi32>
      %shift_left3A_309 = arith.shli %gather3A_130, %shift_left3A_308 : vector<16xi32>
      %bitcast3A_310 = vector.bitcast %shift_left3A_309 : vector<16xi32> to vector<16xf32>
      %and3A_311 = arith.constant -65536 : i32
      %and3A_312 = vector.broadcast %and3A_311 : i32 to vector<16xi32>
      %and3A_313 = arith.andi %gather3A_130, %and3A_312 : vector<16xi32>
      %bitcast3A_314 = vector.bitcast %and3A_313 : vector<16xi32> to vector<16xf32>
      %add3A_315 = arith.addf %bitcast3A_302, %bitcast3A_310 : vector<16xf32>
      %add3A_316 = arith.addf %bitcast3A_306, %bitcast3A_314 : vector<16xf32>
      %shift_left3A_317 = arith.constant 16 : i32
      %shift_left3A_318 = vector.broadcast %shift_left3A_317 : i32 to vector<16xi32>
      %shift_left3A_319 = arith.shli %gather3A_134, %shift_left3A_318 : vector<16xi32>
      %bitcast3A_320 = vector.bitcast %shift_left3A_319 : vector<16xi32> to vector<16xf32>
      %and3A_321 = arith.constant -65536 : i32
      %and3A_322 = vector.broadcast %and3A_321 : i32 to vector<16xi32>
      %and3A_323 = arith.andi %gather3A_134, %and3A_322 : vector<16xi32>
      %bitcast3A_324 = vector.bitcast %and3A_323 : vector<16xi32> to vector<16xf32>
      %shift_left3A_325 = arith.constant 16 : i32
      %shift_left3A_326 = vector.broadcast %shift_left3A_325 : i32 to vector<16xi32>
      %shift_left3A_327 = arith.shli %gather3A_138, %shift_left3A_326 : vector<16xi32>
      %bitcast3A_328 = vector.bitcast %shift_left3A_327 : vector<16xi32> to vector<16xf32>
      %and3A_329 = arith.constant -65536 : i32
      %and3A_330 = vector.broadcast %and3A_329 : i32 to vector<16xi32>
      %and3A_331 = arith.andi %gather3A_138, %and3A_330 : vector<16xi32>
      %bitcast3A_332 = vector.bitcast %and3A_331 : vector<16xi32> to vector<16xf32>
      %add3A_333 = arith.addf %bitcast3A_320, %bitcast3A_328 : vector<16xf32>
      %add3A_334 = arith.addf %bitcast3A_324, %bitcast3A_332 : vector<16xf32>
      %shift_left3A_335 = arith.constant 16 : i32
      %shift_left3A_336 = vector.broadcast %shift_left3A_335 : i32 to vector<16xi32>
      %shift_left3A_337 = arith.shli %gather3A_142, %shift_left3A_336 : vector<16xi32>
      %bitcast3A_338 = vector.bitcast %shift_left3A_337 : vector<16xi32> to vector<16xf32>
      %and3A_339 = arith.constant -65536 : i32
      %and3A_340 = vector.broadcast %and3A_339 : i32 to vector<16xi32>
      %and3A_341 = arith.andi %gather3A_142, %and3A_340 : vector<16xi32>
      %bitcast3A_342 = vector.bitcast %and3A_341 : vector<16xi32> to vector<16xf32>
      %shift_left3A_343 = arith.constant 16 : i32
      %shift_left3A_344 = vector.broadcast %shift_left3A_343 : i32 to vector<16xi32>
      %shift_left3A_345 = arith.shli %gather3A_146, %shift_left3A_344 : vector<16xi32>
      %bitcast3A_346 = vector.bitcast %shift_left3A_345 : vector<16xi32> to vector<16xf32>
      %and3A_347 = arith.constant -65536 : i32
      %and3A_348 = vector.broadcast %and3A_347 : i32 to vector<16xi32>
      %and3A_349 = arith.andi %gather3A_146, %and3A_348 : vector<16xi32>
      %bitcast3A_350 = vector.bitcast %and3A_349 : vector<16xi32> to vector<16xf32>
      %add3A_351 = arith.addf %bitcast3A_338, %bitcast3A_346 : vector<16xf32>
      %add3A_352 = arith.addf %bitcast3A_342, %bitcast3A_350 : vector<16xf32>
      %shift_left3A_353 = arith.constant 16 : i32
      %shift_left3A_354 = vector.broadcast %shift_left3A_353 : i32 to vector<16xi32>
      %shift_left3A_355 = arith.shli %gather3A_150, %shift_left3A_354 : vector<16xi32>
      %bitcast3A_356 = vector.bitcast %shift_left3A_355 : vector<16xi32> to vector<16xf32>
      %and3A_357 = arith.constant -65536 : i32
      %and3A_358 = vector.broadcast %and3A_357 : i32 to vector<16xi32>
      %and3A_359 = arith.andi %gather3A_150, %and3A_358 : vector<16xi32>
      %bitcast3A_360 = vector.bitcast %and3A_359 : vector<16xi32> to vector<16xf32>
      %shift_left3A_361 = arith.constant 16 : i32
      %shift_left3A_362 = vector.broadcast %shift_left3A_361 : i32 to vector<16xi32>
      %shift_left3A_363 = arith.shli %gather3A_154, %shift_left3A_362 : vector<16xi32>
      %bitcast3A_364 = vector.bitcast %shift_left3A_363 : vector<16xi32> to vector<16xf32>
      %and3A_365 = arith.constant -65536 : i32
      %and3A_366 = vector.broadcast %and3A_365 : i32 to vector<16xi32>
      %and3A_367 = arith.andi %gather3A_154, %and3A_366 : vector<16xi32>
      %bitcast3A_368 = vector.bitcast %and3A_367 : vector<16xi32> to vector<16xf32>
      %add3A_369 = arith.addf %bitcast3A_356, %bitcast3A_364 : vector<16xf32>
      %add3A_370 = arith.addf %bitcast3A_360, %bitcast3A_368 : vector<16xf32>
      %shift_left3A_371 = arith.constant 16 : i32
      %shift_left3A_372 = vector.broadcast %shift_left3A_371 : i32 to vector<16xi32>
      %shift_left3A_373 = arith.shli %gather3A_158, %shift_left3A_372 : vector<16xi32>
      %bitcast3A_374 = vector.bitcast %shift_left3A_373 : vector<16xi32> to vector<16xf32>
      %and3A_375 = arith.constant -65536 : i32
      %and3A_376 = vector.broadcast %and3A_375 : i32 to vector<16xi32>
      %and3A_377 = arith.andi %gather3A_158, %and3A_376 : vector<16xi32>
      %bitcast3A_378 = vector.bitcast %and3A_377 : vector<16xi32> to vector<16xf32>
      %shift_left3A_379 = arith.constant 16 : i32
      %shift_left3A_380 = vector.broadcast %shift_left3A_379 : i32 to vector<16xi32>
      %shift_left3A_381 = arith.shli %gather3A_162, %shift_left3A_380 : vector<16xi32>
      %bitcast3A_382 = vector.bitcast %shift_left3A_381 : vector<16xi32> to vector<16xf32>
      %and3A_383 = arith.constant -65536 : i32
      %and3A_384 = vector.broadcast %and3A_383 : i32 to vector<16xi32>
      %and3A_385 = arith.andi %gather3A_162, %and3A_384 : vector<16xi32>
      %bitcast3A_386 = vector.bitcast %and3A_385 : vector<16xi32> to vector<16xf32>
      %add3A_387 = arith.addf %bitcast3A_374, %bitcast3A_382 : vector<16xf32>
      %add3A_388 = arith.addf %bitcast3A_378, %bitcast3A_386 : vector<16xf32>
      %shift_left3A_389 = arith.constant 16 : i32
      %shift_left3A_390 = vector.broadcast %shift_left3A_389 : i32 to vector<16xi32>
      %shift_left3A_391 = arith.shli %gather3A_166, %shift_left3A_390 : vector<16xi32>
      %bitcast3A_392 = vector.bitcast %shift_left3A_391 : vector<16xi32> to vector<16xf32>
      %and3A_393 = arith.constant -65536 : i32
      %and3A_394 = vector.broadcast %and3A_393 : i32 to vector<16xi32>
      %and3A_395 = arith.andi %gather3A_166, %and3A_394 : vector<16xi32>
      %bitcast3A_396 = vector.bitcast %and3A_395 : vector<16xi32> to vector<16xf32>
      %shift_left3A_397 = arith.constant 16 : i32
      %shift_left3A_398 = vector.broadcast %shift_left3A_397 : i32 to vector<16xi32>
      %shift_left3A_399 = arith.shli %gather3A_170, %shift_left3A_398 : vector<16xi32>
      %bitcast3A_400 = vector.bitcast %shift_left3A_399 : vector<16xi32> to vector<16xf32>
      %and3A_401 = arith.constant -65536 : i32
      %and3A_402 = vector.broadcast %and3A_401 : i32 to vector<16xi32>
      %and3A_403 = arith.andi %gather3A_170, %and3A_402 : vector<16xi32>
      %bitcast3A_404 = vector.bitcast %and3A_403 : vector<16xi32> to vector<16xf32>
      %add3A_405 = arith.addf %bitcast3A_392, %bitcast3A_400 : vector<16xf32>
      %add3A_406 = arith.addf %bitcast3A_396, %bitcast3A_404 : vector<16xf32>
      %shift_left3A_407 = arith.constant 16 : i32
      %shift_left3A_408 = vector.broadcast %shift_left3A_407 : i32 to vector<16xi32>
      %shift_left3A_409 = arith.shli %gather3A_174, %shift_left3A_408 : vector<16xi32>
      %bitcast3A_410 = vector.bitcast %shift_left3A_409 : vector<16xi32> to vector<16xf32>
      %and3A_411 = arith.constant -65536 : i32
      %and3A_412 = vector.broadcast %and3A_411 : i32 to vector<16xi32>
      %and3A_413 = arith.andi %gather3A_174, %and3A_412 : vector<16xi32>
      %bitcast3A_414 = vector.bitcast %and3A_413 : vector<16xi32> to vector<16xf32>
      %shift_left3A_415 = arith.constant 16 : i32
      %shift_left3A_416 = vector.broadcast %shift_left3A_415 : i32 to vector<16xi32>
      %shift_left3A_417 = arith.shli %gather3A_178, %shift_left3A_416 : vector<16xi32>
      %bitcast3A_418 = vector.bitcast %shift_left3A_417 : vector<16xi32> to vector<16xf32>
      %and3A_419 = arith.constant -65536 : i32
      %and3A_420 = vector.broadcast %and3A_419 : i32 to vector<16xi32>
      %and3A_421 = arith.andi %gather3A_178, %and3A_420 : vector<16xi32>
      %bitcast3A_422 = vector.bitcast %and3A_421 : vector<16xi32> to vector<16xf32>
      %add3A_423 = arith.addf %bitcast3A_410, %bitcast3A_418 : vector<16xf32>
      %add3A_424 = arith.addf %bitcast3A_414, %bitcast3A_422 : vector<16xf32>
      %shift_left3A_425 = arith.constant 16 : i32
      %shift_left3A_426 = vector.broadcast %shift_left3A_425 : i32 to vector<16xi32>
      %shift_left3A_427 = arith.shli %gather3A_182, %shift_left3A_426 : vector<16xi32>
      %bitcast3A_428 = vector.bitcast %shift_left3A_427 : vector<16xi32> to vector<16xf32>
      %and3A_429 = arith.constant -65536 : i32
      %and3A_430 = vector.broadcast %and3A_429 : i32 to vector<16xi32>
      %and3A_431 = arith.andi %gather3A_182, %and3A_430 : vector<16xi32>
      %bitcast3A_432 = vector.bitcast %and3A_431 : vector<16xi32> to vector<16xf32>
      %shift_left3A_433 = arith.constant 16 : i32
      %shift_left3A_434 = vector.broadcast %shift_left3A_433 : i32 to vector<16xi32>
      %shift_left3A_435 = arith.shli %gather3A_186, %shift_left3A_434 : vector<16xi32>
      %bitcast3A_436 = vector.bitcast %shift_left3A_435 : vector<16xi32> to vector<16xf32>
      %and3A_437 = arith.constant -65536 : i32
      %and3A_438 = vector.broadcast %and3A_437 : i32 to vector<16xi32>
      %and3A_439 = arith.andi %gather3A_186, %and3A_438 : vector<16xi32>
      %bitcast3A_440 = vector.bitcast %and3A_439 : vector<16xi32> to vector<16xf32>
      %add3A_441 = arith.addf %bitcast3A_428, %bitcast3A_436 : vector<16xf32>
      %add3A_442 = arith.addf %bitcast3A_432, %bitcast3A_440 : vector<16xf32>
      %shift_left3A_443 = arith.constant 16 : i32
      %shift_left3A_444 = vector.broadcast %shift_left3A_443 : i32 to vector<16xi32>
      %shift_left3A_445 = arith.shli %gather3A_190, %shift_left3A_444 : vector<16xi32>
      %bitcast3A_446 = vector.bitcast %shift_left3A_445 : vector<16xi32> to vector<16xf32>
      %and3A_447 = arith.constant -65536 : i32
      %and3A_448 = vector.broadcast %and3A_447 : i32 to vector<16xi32>
      %and3A_449 = arith.andi %gather3A_190, %and3A_448 : vector<16xi32>
      %bitcast3A_450 = vector.bitcast %and3A_449 : vector<16xi32> to vector<16xf32>
      %shift_left3A_451 = arith.constant 16 : i32
      %shift_left3A_452 = vector.broadcast %shift_left3A_451 : i32 to vector<16xi32>
      %shift_left3A_453 = arith.shli %gather3A_194, %shift_left3A_452 : vector<16xi32>
      %bitcast3A_454 = vector.bitcast %shift_left3A_453 : vector<16xi32> to vector<16xf32>
      %and3A_455 = arith.constant -65536 : i32
      %and3A_456 = vector.broadcast %and3A_455 : i32 to vector<16xi32>
      %and3A_457 = arith.andi %gather3A_194, %and3A_456 : vector<16xi32>
      %bitcast3A_458 = vector.bitcast %and3A_457 : vector<16xi32> to vector<16xf32>
      %add3A_459 = arith.addf %bitcast3A_446, %bitcast3A_454 : vector<16xf32>
      %add3A_460 = arith.addf %bitcast3A_450, %bitcast3A_458 : vector<16xf32>
      %shift_left3A_461 = arith.constant 16 : i32
      %shift_left3A_462 = vector.broadcast %shift_left3A_461 : i32 to vector<16xi32>
      %shift_left3A_463 = arith.shli %gather3A_198, %shift_left3A_462 : vector<16xi32>
      %bitcast3A_464 = vector.bitcast %shift_left3A_463 : vector<16xi32> to vector<16xf32>
      %and3A_465 = arith.constant -65536 : i32
      %and3A_466 = vector.broadcast %and3A_465 : i32 to vector<16xi32>
      %and3A_467 = arith.andi %gather3A_198, %and3A_466 : vector<16xi32>
      %bitcast3A_468 = vector.bitcast %and3A_467 : vector<16xi32> to vector<16xf32>
      %shift_left3A_469 = arith.constant 16 : i32
      %shift_left3A_470 = vector.broadcast %shift_left3A_469 : i32 to vector<16xi32>
      %shift_left3A_471 = arith.shli %gather3A_202, %shift_left3A_470 : vector<16xi32>
      %bitcast3A_472 = vector.bitcast %shift_left3A_471 : vector<16xi32> to vector<16xf32>
      %and3A_473 = arith.constant -65536 : i32
      %and3A_474 = vector.broadcast %and3A_473 : i32 to vector<16xi32>
      %and3A_475 = arith.andi %gather3A_202, %and3A_474 : vector<16xi32>
      %bitcast3A_476 = vector.bitcast %and3A_475 : vector<16xi32> to vector<16xf32>
      %add3A_477 = arith.addf %bitcast3A_464, %bitcast3A_472 : vector<16xf32>
      %add3A_478 = arith.addf %bitcast3A_468, %bitcast3A_476 : vector<16xf32>
      %shift_left3A_479 = arith.constant 16 : i32
      %shift_left3A_480 = vector.broadcast %shift_left3A_479 : i32 to vector<16xi32>
      %shift_left3A_481 = arith.shli %gather3A_206, %shift_left3A_480 : vector<16xi32>
      %bitcast3A_482 = vector.bitcast %shift_left3A_481 : vector<16xi32> to vector<16xf32>
      %and3A_483 = arith.constant -65536 : i32
      %and3A_484 = vector.broadcast %and3A_483 : i32 to vector<16xi32>
      %and3A_485 = arith.andi %gather3A_206, %and3A_484 : vector<16xi32>
      %bitcast3A_486 = vector.bitcast %and3A_485 : vector<16xi32> to vector<16xf32>
      %shift_left3A_487 = arith.constant 16 : i32
      %shift_left3A_488 = vector.broadcast %shift_left3A_487 : i32 to vector<16xi32>
      %shift_left3A_489 = arith.shli %gather3A_210, %shift_left3A_488 : vector<16xi32>
      %bitcast3A_490 = vector.bitcast %shift_left3A_489 : vector<16xi32> to vector<16xf32>
      %and3A_491 = arith.constant -65536 : i32
      %and3A_492 = vector.broadcast %and3A_491 : i32 to vector<16xi32>
      %and3A_493 = arith.andi %gather3A_210, %and3A_492 : vector<16xi32>
      %bitcast3A_494 = vector.bitcast %and3A_493 : vector<16xi32> to vector<16xf32>
      %add3A_495 = arith.addf %bitcast3A_482, %bitcast3A_490 : vector<16xf32>
      %add3A_496 = arith.addf %bitcast3A_486, %bitcast3A_494 : vector<16xf32>
      %eq3A_497 = arith.constant 0 : i32
      %eq3A_498 = arith.cmpi eq, %arg0, %eq3A_497 : i32
      %convert_element_type3A_499 = arith.extui %eq3A_498 : i1 to i32
      %cond3A_500 = arith.constant 345 : i32
      %cond3A_501 = arith.constant 0 : i32
      %cond3A_502 = arith.cmpi ne, %convert_element_type3A_499, %cond3A_501 : i32
      scf.if %cond3A_502 {
        %shift_left3A_1449 = arith.constant 16 : i32
        %shift_left3A_1450 = vector.broadcast %shift_left3A_1449 : i32 to vector<16xi32>
        %shift_left3A_1451 = arith.shli %get3A_75, %shift_left3A_1450 : vector<16xi32>
        %bitcast3A_1452 = vector.bitcast %shift_left3A_1451 : vector<16xi32> to vector<16xf32>
        %and3A_1453 = arith.constant -65536 : i32
        %and3A_1454 = vector.broadcast %and3A_1453 : i32 to vector<16xi32>
        %and3A_1455 = arith.andi %get3A_75, %and3A_1454 : vector<16xi32>
        %bitcast3A_1456 = vector.bitcast %and3A_1455 : vector<16xi32> to vector<16xf32>
        %swap3A_1457 = arith.constant 0 : i32
        %swap3A_1458 = arith.constant 0 : i32
        %swap3A_1459 = arith.index_cast %swap3A_1457 : i32 to index
        %swap3A_1460 = arith.index_cast %swap3A_1458 : i32 to index
        %swap3A_1461 = arith.index_cast %cond3A_500 : i32 to index
        %swap3A_1462 = tpu.vector_load %arg8[%swap3A_1459, %swap3A_1460, %swap3A_1461] {strides = array<i32>} : memref<2x35x361xf32, #tpu.memory_space<vmem>>, vector<16xf32>,
        tpu.vector_store %arg8[%swap3A_1459, %swap3A_1460, %swap3A_1461], %bitcast3A_1452 {strides = array<i32>} : memref<2x35x361xf32, #tpu.memory_space<vmem>>, vector<16xf32>,
        %swap3A_1463 = arith.constant 0 : i32
        %swap3A_1464 = arith.constant 1 : i32
        %swap3A_1465 = arith.index_cast %swap3A_1463 : i32 to index
        %swap3A_1466 = arith.index_cast %swap3A_1464 : i32 to index
        %swap3A_1467 = arith.index_cast %cond3A_500 : i32 to index
        %swap3A_1468 = tpu.vector_load %arg8[%swap3A_1465, %swap3A_1466, %swap3A_1467] {strides = array<i32>} : memref<2x35x361xf32, #tpu.memory_space<vmem>>, vector<16xf32>,
        tpu.vector_store %arg8[%swap3A_1465, %swap3A_1466, %swap3A_1467], %bitcast3A_1456 {strides = array<i32>} : memref<2x35x361xf32, #tpu.memory_space<vmem>>, vector<16xf32>,
        %swap3A_1469 = arith.constant 0 : i32
        %swap3A_1470 = arith.constant 2 : i32
        %swap3A_1471 = arith.index_cast %swap3A_1469 : i32 to index
        %swap3A_1472 = arith.index_cast %swap3A_1470 : i32 to index
        %swap3A_1473 = arith.index_cast %cond3A_500 : i32 to index
        %swap3A_1474 = tpu.vector_load %arg8[%swap3A_1471, %swap3A_1472, %swap3A_1473] {strides = array<i32>} : memref<2x35x361xf32, #tpu.memory_space<vmem>>, vector<16xf32>,
        tpu.vector_store %arg8[%swap3A_1471, %swap3A_1472, %swap3A_1473], %gather3A {strides = array<i32>} : memref<2x35x361xf32, #tpu.memory_space<vmem>>, vector<16xf32>,
      } else {
      }
      %swap3A = arith.constant 0 : i32
      %swap3A_503 = arith.constant 3 : i32
      %swap3A_504 = arith.constant 345 : i32
      %swap3A_505 = arith.index_cast %swap3A : i32 to index
      %swap3A_506 = arith.index_cast %swap3A_503 : i32 to index
      %swap3A_507 = arith.index_cast %swap3A_504 : i32 to index
      %swap3A_508 = tpu.vector_load %arg8[%swap3A_505, %swap3A_506, %swap3A_507] {strides = array<i32>} : memref<2x35x361xf32, #tpu.memory_space<vmem>>, vector<16xf32>,
      tpu.vector_store %arg8[%swap3A_505, %swap3A_506, %swap3A_507], %add3A_225 {strides = array<i32>} : memref<2x35x361xf32, #tpu.memory_space<vmem>>, vector<16xf32>,
      %swap3A_509 = arith.constant 0 : i32
      %swap3A_510 = arith.constant 4 : i32
      %swap3A_511 = arith.constant 345 : i32
      %swap3A_512 = arith.index_cast %swap3A_509 : i32 to index
      %swap3A_513 = arith.index_cast %swap3A_510 : i32 to index
      %swap3A_514 = arith.index_cast %swap3A_511 : i32 to index
      %swap3A_515 = tpu.vector_load %arg8[%swap3A_512, %swap3A_513, %swap3A_514] {strides = array<i32>} : memref<2x35x361xf32, #tpu.memory_space<vmem>>, vector<16xf32>,
      tpu.vector_store %arg8[%swap3A_512, %swap3A_513, %swap3A_514], %add3A_226 {strides = array<i32>} : memref<2x35x361xf32, #tpu.memory_space<vmem>>, vector<16xf32>,
      %swap3A_516 = arith.constant 0 : i32
      %swap3A_517 = arith.constant 5 : i32
      %swap3A_518 = arith.constant 345 : i32
      %swap3A_519 = arith.index_cast %swap3A_516 : i32 to index
      %swap3A_520 = arith.index_cast %swap3A_517 : i32 to index
      %swap3A_521 = arith.index_cast %swap3A_518 : i32 to index
      %swap3A_522 = tpu.vector_load %arg8[%swap3A_519, %swap3A_520, %swap3A_521] {strides = array<i32>} : memref<2x35x361xf32, #tpu.memory_space<vmem>>, vector<16xf32>,
      tpu.vector_store %arg8[%swap3A_519, %swap3A_520, %swap3A_521], %add3A_243 {strides = array<i32>} : memref<2x35x361xf32, #tpu.memory_space<vmem>>, vector<16xf32>,
      %swap3A_523 = arith.constant 0 : i32
      %swap3A_524 = arith.constant 6 : i32
      %swap3A_525 = arith.constant 345 : i32
      %swap3A_526 = arith.index_cast %swap3A_523 : i32 to index
      %swap3A_527 = arith.index_cast %swap3A_524 : i32 to index
      %swap3A_528 = arith.index_cast %swap3A_525 : i32 to index
      %swap3A_529 = tpu.vector_load %arg8[%swap3A_526, %swap3A_527, %swap3A_528] {strides = array<i32>} : memref<2x35x361xf32, #tpu.memory_space<vmem>>, vector<16xf32>,
      tpu.vector_store %arg8[%swap3A_526, %swap3A_527, %swap3A_528], %add3A_244 {strides = array<i32>} : memref<2x35x361xf32, #tpu.memory_space<vmem>>, vector<16xf32>,
      %swap3A_530 = arith.constant 0 : i32
      %swap3A_531 = arith.constant 7 : i32
      %swap3A_532 = arith.constant 345 : i32
      %swap3A_533 = arith.index_cast %swap3A_530 : i32 to index
      %swap3A_534 = arith.index_cast %swap3A_531 : i32 to index
      %swap3A_535 = arith.index_cast %swap3A_532 : i32 to index
      %swap3A_536 = tpu.vector_load %arg8[%swap3A_533, %swap3A_534, %swap3A_535] {strides = array<i32>} : memref<2x35x361xf32, #tpu.memory_space<vmem>>, vector<16xf32>,
      tpu.vector_store %arg8[%swap3A_533, %swap3A_534, %swap3A_535], %add3A_261 {strides = array<i32>} : memref<2x35x361xf32, #tpu.memory_space<vmem>>, vector<16xf32>,
      %swap3A_537 = arith.constant 0 : i32
      %swap3A_538 = arith.constant 8 : i32
      %swap3A_539 = arith.constant 345 : i32
      %swap3A_540 = arith.index_cast %swap3A_537 : i32 to index
      %swap3A_541 = arith.index_cast %swap3A_538 : i32 to index
      %swap3A_542 = arith.index_cast %swap3A_539 : i32 to index
      %swap3A_543 = tpu.vector_load %arg8[%swap3A_540, %swap3A_541, %swap3A_542] {strides = array<i32>} : memref<2x35x361xf32, #tpu.memory_space<vmem>>, vector<16xf32>,
      tpu.vector_store %arg8[%swap3A_540, %swap3A_541, %swap3A_542], %add3A_262 {strides = array<i32>} : memref<2x35x361xf32, #tpu.memory_space<vmem>>, vector<16xf32>,
      %swap3A_544 = arith.constant 0 : i32
      %swap3A_545 = arith.constant 9 : i32
      %swap3A_546 = arith.constant 345 : i32
      %swap3A_547 = arith.index_cast %swap3A_544 : i32 to index
      %swap3A_548 = arith.index_cast %swap3A_545 : i32 to index
      %swap3A_549 = arith.index_cast %swap3A_546 : i32 to index
      %swap3A_550 = tpu.vector_load %arg8[%swap3A_547, %swap3A_548, %swap3A_549] {strides = array<i32>} : memref<2x35x361xf32, #tpu.memory_space<vmem>>, vector<16xf32>,
      tpu.vector_store %arg8[%swap3A_547, %swap3A_548, %swap3A_549], %add3A_279 {strides = array<i32>} : memref<2x35x361xf32, #tpu.memory_space<vmem>>, vector<16xf32>,
      %swap3A_551 = arith.constant 0 : i32
      %swap3A_552 = arith.constant 10 : i32
      %swap3A_553 = arith.constant 345 : i32
      %swap3A_554 = arith.index_cast %swap3A_551 : i32 to index
      %swap3A_555 = arith.index_cast %swap3A_552 : i32 to index
      %swap3A_556 = arith.index_cast %swap3A_553 : i32 to index
      %swap3A_557 = tpu.vector_load %arg8[%swap3A_554, %swap3A_555, %swap3A_556] {strides = array<i32>} : memref<2x35x361xf32, #tpu.memory_space<vmem>>, vector<16xf32>,
      tpu.vector_store %arg8[%swap3A_554, %swap3A_555, %swap3A_556], %add3A_280 {strides = array<i32>} : memref<2x35x361xf32, #tpu.memory_space<vmem>>, vector<16xf32>,
      %swap3A_558 = arith.constant 0 : i32
      %swap3A_559 = arith.constant 11 : i32
      %swap3A_560 = arith.constant 345 : i32
      %swap3A_561 = arith.index_cast %swap3A_558 : i32 to index
      %swap3A_562 = arith.index_cast %swap3A_559 : i32 to index
      %swap3A_563 = arith.index_cast %swap3A_560 : i32 to index
      %swap3A_564 = tpu.vector_load %arg8[%swap3A_561, %swap3A_562, %swap3A_563] {strides = array<i32>} : memref<2x35x361xf32, #tpu.memory_space<vmem>>, vector<16xf32>,
      tpu.vector_store %arg8[%swap3A_561, %swap3A_562, %swap3A_563], %add3A_297 {strides = array<i32>} : memref<2x35x361xf32, #tpu.memory_space<vmem>>, vector<16xf32>,
      %swap3A_565 = arith.constant 0 : i32
      %swap3A_566 = arith.constant 12 : i32
      %swap3A_567 = arith.constant 345 : i32
      %swap3A_568 = arith.index_cast %swap3A_565 : i32 to index
      %swap3A_569 = arith.index_cast %swap3A_566 : i32 to index
      %swap3A_570 = arith.index_cast %swap3A_567 : i32 to index
      %swap3A_571 = tpu.vector_load %arg8[%swap3A_568, %swap3A_569, %swap3A_570] {strides = array<i32>} : memref<2x35x361xf32, #tpu.memory_space<vmem>>, vector<16xf32>,
      tpu.vector_store %arg8[%swap3A_568, %swap3A_569, %swap3A_570], %add3A_298 {strides = array<i32>} : memref<2x35x361xf32, #tpu.memory_space<vmem>>, vector<16xf32>,
      %swap3A_572 = arith.constant 0 : i32
      %swap3A_573 = arith.constant 13 : i32
      %swap3A_574 = arith.constant 345 : i32
      %swap3A_575 = arith.index_cast %swap3A_572 : i32 to index
      %swap3A_576 = arith.index_cast %swap3A_573 : i32 to index
      %swap3A_577 = arith.index_cast %swap3A_574 : i32 to index
      %swap3A_578 = tpu.vector_load %arg8[%swap3A_575, %swap3A_576, %swap3A_577] {strides = array<i32>} : memref<2x35x361xf32, #tpu.memory_space<vmem>>, vector<16xf32>,
      tpu.vector_store %arg8[%swap3A_575, %swap3A_576, %swap3A_577], %add3A_315 {strides = array<i32>} : memref<2x35x361xf32, #tpu.memory_space<vmem>>, vector<16xf32>,
      %swap3A_579 = arith.constant 0 : i32
      %swap3A_580 = arith.constant 14 : i32
      %swap3A_581 = arith.constant 345 : i32
      %swap3A_582 = arith.index_cast %swap3A_579 : i32 to index
      %swap3A_583 = arith.index_cast %swap3A_580 : i32 to index
      %swap3A_584 = arith.index_cast %swap3A_581 : i32 to index
      %swap3A_585 = tpu.vector_load %arg8[%swap3A_582, %swap3A_583, %swap3A_584] {strides = array<i32>} : memref<2x35x361xf32, #tpu.memory_space<vmem>>, vector<16xf32>,
      tpu.vector_store %arg8[%swap3A_582, %swap3A_583, %swap3A_584], %add3A_316 {strides = array<i32>} : memref<2x35x361xf32, #tpu.memory_space<vmem>>, vector<16xf32>,
      %swap3A_586 = arith.constant 0 : i32
      %swap3A_587 = arith.constant 15 : i32
      %swap3A_588 = arith.constant 345 : i32
      %swap3A_589 = arith.index_cast %swap3A_586 : i32 to index
      %swap3A_590 = arith.index_cast %swap3A_587 : i32 to index
      %swap3A_591 = arith.index_cast %swap3A_588 : i32 to index
      %swap3A_592 = tpu.vector_load %arg8[%swap3A_589, %swap3A_590, %swap3A_591] {strides = array<i32>} : memref<2x35x361xf32, #tpu.memory_space<vmem>>, vector<16xf32>,
      tpu.vector_store %arg8[%swap3A_589, %swap3A_590, %swap3A_591], %add3A_333 {strides = array<i32>} : memref<2x35x361xf32, #tpu.memory_space<vmem>>, vector<16xf32>,
      %swap3A_593 = arith.constant 0 : i32
      %swap3A_594 = arith.constant 16 : i32
      %swap3A_595 = arith.constant 345 : i32
      %swap3A_596 = arith.index_cast %swap3A_593 : i32 to index
      %swap3A_597 = arith.index_cast %swap3A_594 : i32 to index
      %swap3A_598 = arith.index_cast %swap3A_595 : i32 to index
      %swap3A_599 = tpu.vector_load %arg8[%swap3A_596, %swap3A_597, %swap3A_598] {strides = array<i32>} : memref<2x35x361xf32, #tpu.memory_space<vmem>>, vector<16xf32>,
      tpu.vector_store %arg8[%swap3A_596, %swap3A_597, %swap3A_598], %add3A_334 {strides = array<i32>} : memref<2x35x361xf32, #tpu.memory_space<vmem>>, vector<16xf32>,
      %swap3A_600 = arith.constant 0 : i32
      %swap3A_601 = arith.constant 17 : i32
      %swap3A_602 = arith.constant 345 : i32
      %swap3A_603 = arith.index_cast %swap3A_600 : i32 to index
      %swap3A_604 = arith.index_cast %swap3A_601 : i32 to index
      %swap3A_605 = arith.index_cast %swap3A_602 : i32 to index
      %swap3A_606 = tpu.vector_load %arg8[%swap3A_603, %swap3A_604, %swap3A_605] {strides = array<i32>} : memref<2x35x361xf32, #tpu.memory_space<vmem>>, vector<16xf32>,
      tpu.vector_store %arg8[%swap3A_603, %swap3A_604, %swap3A_605], %add3A_351 {strides = array<i32>} : memref<2x35x361xf32, #tpu.memory_space<vmem>>, vector<16xf32>,
      %swap3A_607 = arith.constant 0 : i32
      %swap3A_608 = arith.constant 18 : i32
      %swap3A_609 = arith.constant 345 : i32
      %swap3A_610 = arith.index_cast %swap3A_607 : i32 to index
      %swap3A_611 = arith.index_cast %swap3A_608 : i32 to index
      %swap3A_612 = arith.index_cast %swap3A_609 : i32 to index
      %swap3A_613 = tpu.vector_load %arg8[%swap3A_610, %swap3A_611, %swap3A_612] {strides = array<i32>} : memref<2x35x361xf32, #tpu.memory_space<vmem>>, vector<16xf32>,
      tpu.vector_store %arg8[%swap3A_610, %swap3A_611, %swap3A_612], %add3A_352 {strides = array<i32>} : memref<2x35x361xf32, #tpu.memory_space<vmem>>, vector<16xf32>,
      %swap3A_614 = arith.constant 0 : i32
      %swap3A_615 = arith.constant 19 : i32
      %swap3A_616 = arith.constant 345 : i32
      %swap3A_617 = arith.index_cast %swap3A_614 : i32 to index
      %swap3A_618 = arith.index_cast %swap3A_615 : i32 to index
      %swap3A_619 = arith.index_cast %swap3A_616 : i32 to index
      %swap3A_620 = tpu.vector_load %arg8[%swap3A_617, %swap3A_618, %swap3A_619] {strides = array<i32>} : memref<2x35x361xf32, #tpu.memory_space<vmem>>, vector<16xf32>,
      tpu.vector_store %arg8[%swap3A_617, %swap3A_618, %swap3A_619], %add3A_369 {strides = array<i32>} : memref<2x35x361xf32, #tpu.memory_space<vmem>>, vector<16xf32>,
      %swap3A_621 = arith.constant 0 : i32
      %swap3A_622 = arith.constant 20 : i32
      %swap3A_623 = arith.constant 345 : i32
      %swap3A_624 = arith.index_cast %swap3A_621 : i32 to index
      %swap3A_625 = arith.index_cast %swap3A_622 : i32 to index
      %swap3A_626 = arith.index_cast %swap3A_623 : i32 to index
      %swap3A_627 = tpu.vector_load %arg8[%swap3A_624, %swap3A_625, %swap3A_626] {strides = array<i32>} : memref<2x35x361xf32, #tpu.memory_space<vmem>>, vector<16xf32>,
      tpu.vector_store %arg8[%swap3A_624, %swap3A_625, %swap3A_626], %add3A_370 {strides = array<i32>} : memref<2x35x361xf32, #tpu.memory_space<vmem>>, vector<16xf32>,
      %swap3A_628 = arith.constant 0 : i32
      %swap3A_629 = arith.constant 21 : i32
      %swap3A_630 = arith.constant 345 : i32
      %swap3A_631 = arith.index_cast %swap3A_628 : i32 to index
      %swap3A_632 = arith.index_cast %swap3A_629 : i32 to index
      %swap3A_633 = arith.index_cast %swap3A_630 : i32 to index
      %swap3A_634 = tpu.vector_load %arg8[%swap3A_631, %swap3A_632, %swap3A_633] {strides = array<i32>} : memref<2x35x361xf32, #tpu.memory_space<vmem>>, vector<16xf32>,
      tpu.vector_store %arg8[%swap3A_631, %swap3A_632, %swap3A_633], %add3A_387 {strides = array<i32>} : memref<2x35x361xf32, #tpu.memory_space<vmem>>, vector<16xf32>,
      %swap3A_635 = arith.constant 0 : i32
      %swap3A_636 = arith.constant 22 : i32
      %swap3A_637 = arith.constant 345 : i32
      %swap3A_638 = arith.index_cast %swap3A_635 : i32 to index
      %swap3A_639 = arith.index_cast %swap3A_636 : i32 to index
      %swap3A_640 = arith.index_cast %swap3A_637 : i32 to index
      %swap3A_641 = tpu.vector_load %arg8[%swap3A_638, %swap3A_639, %swap3A_640] {strides = array<i32>} : memref<2x35x361xf32, #tpu.memory_space<vmem>>, vector<16xf32>,
      tpu.vector_store %arg8[%swap3A_638, %swap3A_639, %swap3A_640], %add3A_388 {strides = array<i32>} : memref<2x35x361xf32, #tpu.memory_space<vmem>>, vector<16xf32>,
      %swap3A_642 = arith.constant 0 : i32
      %swap3A_643 = arith.constant 23 : i32
      %swap3A_644 = arith.constant 345 : i32
      %swap3A_645 = arith.index_cast %swap3A_642 : i32 to index
      %swap3A_646 = arith.index_cast %swap3A_643 : i32 to index
      %swap3A_647 = arith.index_cast %swap3A_644 : i32 to index
      %swap3A_648 = tpu.vector_load %arg8[%swap3A_645, %swap3A_646, %swap3A_647] {strides = array<i32>} : memref<2x35x361xf32, #tpu.memory_space<vmem>>, vector<16xf32>,
      tpu.vector_store %arg8[%swap3A_645, %swap3A_646, %swap3A_647], %add3A_405 {strides = array<i32>} : memref<2x35x361xf32, #tpu.memory_space<vmem>>, vector<16xf32>,
      %swap3A_649 = arith.constant 0 : i32
      %swap3A_650 = arith.constant 24 : i32
      %swap3A_651 = arith.constant 345 : i32
      %swap3A_652 = arith.index_cast %swap3A_649 : i32 to index
      %swap3A_653 = arith.index_cast %swap3A_650 : i32 to index
      %swap3A_654 = arith.index_cast %swap3A_651 : i32 to index
      %swap3A_655 = tpu.vector_load %arg8[%swap3A_652, %swap3A_653, %swap3A_654] {strides = array<i32>} : memref<2x35x361xf32, #tpu.memory_space<vmem>>, vector<16xf32>,
      tpu.vector_store %arg8[%swap3A_652, %swap3A_653, %swap3A_654], %add3A_406 {strides = array<i32>} : memref<2x35x361xf32, #tpu.memory_space<vmem>>, vector<16xf32>,
      %swap3A_656 = arith.constant 0 : i32
      %swap3A_657 = arith.constant 25 : i32
      %swap3A_658 = arith.constant 345 : i32
      %swap3A_659 = arith.index_cast %swap3A_656 : i32 to index
      %swap3A_660 = arith.index_cast %swap3A_657 : i32 to index
      %swap3A_661 = arith.index_cast %swap3A_658 : i32 to index
      %swap3A_662 = tpu.vector_load %arg8[%swap3A_659, %swap3A_660, %swap3A_661] {strides = array<i32>} : memref<2x35x361xf32, #tpu.memory_space<vmem>>, vector<16xf32>,
      tpu.vector_store %arg8[%swap3A_659, %swap3A_660, %swap3A_661], %add3A_423 {strides = array<i32>} : memref<2x35x361xf32, #tpu.memory_space<vmem>>, vector<16xf32>,
      %swap3A_663 = arith.constant 0 : i32
      %swap3A_664 = arith.constant 26 : i32
      %swap3A_665 = arith.constant 345 : i32
      %swap3A_666 = arith.index_cast %swap3A_663 : i32 to index
      %swap3A_667 = arith.index_cast %swap3A_664 : i32 to index
      %swap3A_668 = arith.index_cast %swap3A_665 : i32 to index
      %swap3A_669 = tpu.vector_load %arg8[%swap3A_666, %swap3A_667, %swap3A_668] {strides = array<i32>} : memref<2x35x361xf32, #tpu.memory_space<vmem>>, vector<16xf32>,
      tpu.vector_store %arg8[%swap3A_666, %swap3A_667, %swap3A_668], %add3A_424 {strides = array<i32>} : memref<2x35x361xf32, #tpu.memory_space<vmem>>, vector<16xf32>,
      %swap3A_670 = arith.constant 0 : i32
      %swap3A_671 = arith.constant 27 : i32
      %swap3A_672 = arith.constant 345 : i32
      %swap3A_673 = arith.index_cast %swap3A_670 : i32 to index
      %swap3A_674 = arith.index_cast %swap3A_671 : i32 to index
      %swap3A_675 = arith.index_cast %swap3A_672 : i32 to index
      %swap3A_676 = tpu.vector_load %arg8[%swap3A_673, %swap3A_674, %swap3A_675] {strides = array<i32>} : memref<2x35x361xf32, #tpu.memory_space<vmem>>, vector<16xf32>,
      tpu.vector_store %arg8[%swap3A_673, %swap3A_674, %swap3A_675], %add3A_441 {strides = array<i32>} : memref<2x35x361xf32, #tpu.memory_space<vmem>>, vector<16xf32>,
      %swap3A_677 = arith.constant 0 : i32
      %swap3A_678 = arith.constant 28 : i32
      %swap3A_679 = arith.constant 345 : i32
      %swap3A_680 = arith.index_cast %swap3A_677 : i32 to index
      %swap3A_681 = arith.index_cast %swap3A_678 : i32 to index
      %swap3A_682 = arith.index_cast %swap3A_679 : i32 to index
      %swap3A_683 = tpu.vector_load %arg8[%swap3A_680, %swap3A_681, %swap3A_682] {strides = array<i32>} : memref<2x35x361xf32, #tpu.memory_space<vmem>>, vector<16xf32>,
      tpu.vector_store %arg8[%swap3A_680, %swap3A_681, %swap3A_682], %add3A_442 {strides = array<i32>} : memref<2x35x361xf32, #tpu.memory_space<vmem>>, vector<16xf32>,
      %swap3A_684 = arith.constant 0 : i32
      %swap3A_685 = arith.constant 29 : i32
      %swap3A_686 = arith.constant 345 : i32
      %swap3A_687 = arith.index_cast %swap3A_684 : i32 to index
      %swap3A_688 = arith.index_cast %swap3A_685 : i32 to index
      %swap3A_689 = arith.index_cast %swap3A_686 : i32 to index
      %swap3A_690 = tpu.vector_load %arg8[%swap3A_687, %swap3A_688, %swap3A_689] {strides = array<i32>} : memref<2x35x361xf32, #tpu.memory_space<vmem>>, vector<16xf32>,
      tpu.vector_store %arg8[%swap3A_687, %swap3A_688, %swap3A_689], %add3A_459 {strides = array<i32>} : memref<2x35x361xf32, #tpu.memory_space<vmem>>, vector<16xf32>,
      %swap3A_691 = arith.constant 0 : i32
      %swap3A_692 = arith.constant 30 : i32
      %swap3A_693 = arith.constant 345 : i32
      %swap3A_694 = arith.index_cast %swap3A_691 : i32 to index
      %swap3A_695 = arith.index_cast %swap3A_692 : i32 to index
      %swap3A_696 = arith.index_cast %swap3A_693 : i32 to index
      %swap3A_697 = tpu.vector_load %arg8[%swap3A_694, %swap3A_695, %swap3A_696] {strides = array<i32>} : memref<2x35x361xf32, #tpu.memory_space<vmem>>, vector<16xf32>,
      tpu.vector_store %arg8[%swap3A_694, %swap3A_695, %swap3A_696], %add3A_460 {strides = array<i32>} : memref<2x35x361xf32, #tpu.memory_space<vmem>>, vector<16xf32>,
      %swap3A_698 = arith.constant 0 : i32
      %swap3A_699 = arith.constant 31 : i32
      %swap3A_700 = arith.constant 345 : i32
      %swap3A_701 = arith.index_cast %swap3A_698 : i32 to index
      %swap3A_702 = arith.index_cast %swap3A_699 : i32 to index
      %swap3A_703 = arith.index_cast %swap3A_700 : i32 to index
      %swap3A_704 = tpu.vector_load %arg8[%swap3A_701, %swap3A_702, %swap3A_703] {strides = array<i32>} : memref<2x35x361xf32, #tpu.memory_space<vmem>>, vector<16xf32>,
      tpu.vector_store %arg8[%swap3A_701, %swap3A_702, %swap3A_703], %add3A_477 {strides = array<i32>} : memref<2x35x361xf32, #tpu.memory_space<vmem>>, vector<16xf32>,
      %swap3A_705 = arith.constant 0 : i32
      %swap3A_706 = arith.constant 32 : i32
      %swap3A_707 = arith.constant 345 : i32
      %swap3A_708 = arith.index_cast %swap3A_705 : i32 to index
      %swap3A_709 = arith.index_cast %swap3A_706 : i32 to index
      %swap3A_710 = arith.index_cast %swap3A_707 : i32 to index
      %swap3A_711 = tpu.vector_load %arg8[%swap3A_708, %swap3A_709, %swap3A_710] {strides = array<i32>} : memref<2x35x361xf32, #tpu.memory_space<vmem>>, vector<16xf32>,
      tpu.vector_store %arg8[%swap3A_708, %swap3A_709, %swap3A_710], %add3A_478 {strides = array<i32>} : memref<2x35x361xf32, #tpu.memory_space<vmem>>, vector<16xf32>,
      %swap3A_712 = arith.constant 0 : i32
      %swap3A_713 = arith.constant 33 : i32
      %swap3A_714 = arith.constant 345 : i32
      %swap3A_715 = arith.index_cast %swap3A_712 : i32 to index
      %swap3A_716 = arith.index_cast %swap3A_713 : i32 to index
      %swap3A_717 = arith.index_cast %swap3A_714 : i32 to index
      %swap3A_718 = tpu.vector_load %arg8[%swap3A_715, %swap3A_716, %swap3A_717] {strides = array<i32>} : memref<2x35x361xf32, #tpu.memory_space<vmem>>, vector<16xf32>,
      tpu.vector_store %arg8[%swap3A_715, %swap3A_716, %swap3A_717], %add3A_495 {strides = array<i32>} : memref<2x35x361xf32, #tpu.memory_space<vmem>>, vector<16xf32>,
      %swap3A_719 = arith.constant 0 : i32
      %swap3A_720 = arith.constant 34 : i32
      %swap3A_721 = arith.constant 345 : i32
      %swap3A_722 = arith.index_cast %swap3A_719 : i32 to index
      %swap3A_723 = arith.index_cast %swap3A_720 : i32 to index
      %swap3A_724 = arith.index_cast %swap3A_721 : i32 to index
      %swap3A_725 = tpu.vector_load %arg8[%swap3A_722, %swap3A_723, %swap3A_724] {strides = array<i32>} : memref<2x35x361xf32, #tpu.memory_space<vmem>>, vector<16xf32>,
      tpu.vector_store %arg8[%swap3A_722, %swap3A_723, %swap3A_724], %add3A_496 {strides = array<i32>} : memref<2x35x361xf32, #tpu.memory_space<vmem>>, vector<16xf32>,
      %barrier3A = arith.constant 0 : index
      tpu.barrier barrier_id(%barrier3A)
      %eq3A_726 = arith.constant 0 : i32
      %eq3A_727 = arith.cmpi eq, %arg0, %eq3A_726 : i32
      %convert_element_type3A_728 = arith.extui %eq3A_727 : i1 to i32
      %cond3A_729 = arith.constant 0 : i32
      %cond3A_730 = arith.constant 0 : i32
      %cond3A_731 = arith.cmpi ne, %convert_element_type3A_728, %cond3A_730 : i32
      scf.if %cond3A_731 {
        %dma_start3A = arith.constant 0 : i32
        %dma_start3A_1449 = arith.constant 0 : i32
        %dma_start3A_1450 = tpu.memref_slice %arg8[%cond3A_729, %dma_start3A, %dma_start3A_1449] : memref<2x35x361xf32, #tpu.memory_space<vmem>> -> memref<1x35x361xf32, #tpu.memory_space<vmem>>
        %dma_start3A_1451 = tpu.memref_squeeze %dma_start3A_1450 : memref<1x35x361xf32, #tpu.memory_space<vmem>> -> memref<35x361xf32, #tpu.memory_space<vmem>>
        %dma_start3A_1452 = arith.constant 0 : i32
        %dma_start3A_1453 = arith.constant 0 : i32
        %dma_start3A_1454 = tpu.memref_slice %arg6[%add3A_42, %dma_start3A_1452, %dma_start3A_1453] : memref<1024x67x361xf32, #tpu.memory_space<hbm>> -> memref<1x35x361xf32, #tpu.memory_space<hbm>>
        %dma_start3A_1455 = tpu.memref_squeeze %dma_start3A_1454 : memref<1x35x361xf32, #tpu.memory_space<hbm>> -> memref<35x361xf32, #tpu.memory_space<hbm>>
        %dma_start3A_1456 = arith.constant 0 : i32
        %dma_start3A_1457 = arith.constant 0 : i32
        %dma_start3A_1458 = tpu.memref_slice %arg6[%add3A_42, %dma_start3A_1456, %dma_start3A_1457] : memref<1024x67x361xf32, #tpu.memory_space<hbm>> -> memref<1x35x361xf32, #tpu.memory_space<hbm>>
        %dma_start3A_1459 = tpu.memref_squeeze %dma_start3A_1458 : memref<1x35x361xf32, #tpu.memory_space<hbm>> -> memref<35x361xf32, #tpu.memory_space<hbm>>
        %dma_start3A_1460 = arith.constant 0 : i32
        %dma_start3A_1461 = arith.constant 0 : i32
        %dma_start3A_1462 = tpu.memref_slice %arg8[%cond3A_729, %dma_start3A_1460, %dma_start3A_1461] : memref<2x35x361xf32, #tpu.memory_space<vmem>> -> memref<1x35x361xf32, #tpu.memory_space<vmem>>
        %dma_start3A_1463 = tpu.memref_squeeze %dma_start3A_1462 : memref<1x35x361xf32, #tpu.memory_space<vmem>> -> memref<35x361xf32, #tpu.memory_space<vmem>>
        tpu.enqueue_dma source(%dma_start3A_1463 : memref<35x361xf32, #tpu.memory_space<vmem>>) target(%dma_start3A_1459 : memref<35x361xf32, #tpu.memory_space<hbm>>) target_semaphore(%arg12 : memref<!tpu.dma_semaphore, #tpu.memory_space<semaphore_mem>>)
      } else {
      }
      %eq3A_732 = arith.constant 1 : i32
      %eq3A_733 = arith.cmpi eq, %arg0, %eq3A_732 : i32
      %convert_element_type3A_734 = arith.extui %eq3A_733 : i1 to i32
      %cond3A_735 = arith.constant 0 : i32
      %cond3A_736 = arith.constant 0 : i32
      %cond3A_737 = arith.cmpi ne, %convert_element_type3A_734, %cond3A_736 : i32
      scf.if %cond3A_737 {
        %dma_start3A = arith.constant 3 : i32
        %dma_start3A_1449 = arith.constant 0 : i32
        %dma_start3A_1450 = tpu.memref_slice %arg8[%cond3A_735, %dma_start3A, %dma_start3A_1449] : memref<2x35x361xf32, #tpu.memory_space<vmem>> -> memref<1x32x361xf32, #tpu.memory_space<vmem>>
        %dma_start3A_1451 = tpu.memref_squeeze %dma_start3A_1450 : memref<1x32x361xf32, #tpu.memory_space<vmem>> -> memref<32x361xf32, #tpu.memory_space<vmem>>
        %dma_start3A_1452 = arith.constant 35 : i32
        %dma_start3A_1453 = arith.constant 0 : i32
        %dma_start3A_1454 = tpu.memref_slice %arg6[%add3A_42, %dma_start3A_1452, %dma_start3A_1453] : memref<1024x67x361xf32, #tpu.memory_space<hbm>> -> memref<1x32x361xf32, #tpu.memory_space<hbm>>
        %dma_start3A_1455 = tpu.memref_squeeze %dma_start3A_1454 : memref<1x32x361xf32, #tpu.memory_space<hbm>> -> memref<32x361xf32, #tpu.memory_space<hbm>>
        %dma_start3A_1456 = arith.constant 35 : i32
        %dma_start3A_1457 = arith.constant 0 : i32
        %dma_start3A_1458 = tpu.memref_slice %arg6[%add3A_42, %dma_start3A_1456, %dma_start3A_1457] : memref<1024x67x361xf32, #tpu.memory_space<hbm>> -> memref<1x32x361xf32, #tpu.memory_space<hbm>>
        %dma_start3A_1459 = tpu.memref_squeeze %dma_start3A_1458 : memref<1x32x361xf32, #tpu.memory_space<hbm>> -> memref<32x361xf32, #tpu.memory_space<hbm>>
        %dma_start3A_1460 = arith.constant 3 : i32
        %dma_start3A_1461 = arith.constant 0 : i32
        %dma_start3A_1462 = tpu.memref_slice %arg8[%cond3A_735, %dma_start3A_1460, %dma_start3A_1461] : memref<2x35x361xf32, #tpu.memory_space<vmem>> -> memref<1x32x361xf32, #tpu.memory_space<vmem>>
        %dma_start3A_1463 = tpu.memref_squeeze %dma_start3A_1462 : memref<1x32x361xf32, #tpu.memory_space<vmem>> -> memref<32x361xf32, #tpu.memory_space<vmem>>
        tpu.enqueue_dma source(%dma_start3A_1463 : memref<32x361xf32, #tpu.memory_space<vmem>>) target(%dma_start3A_1459 : memref<32x361xf32, #tpu.memory_space<hbm>>) target_semaphore(%arg12 : memref<!tpu.dma_semaphore, #tpu.memory_space<semaphore_mem>>)
      } else {
      }
      %mul3A_738 = arith.constant 2 : i32
      %mul3A_739 = arith.muli %scan3A_39, %mul3A_738 : i32
      %add3A_740 = arith.constant 1 : i32
      %add3A_741 = arith.addi %mul3A_739, %add3A_740 : i32
      %add3A_742 = arith.addi %mul3A_0, %add3A_741 : i32
      %broadcast_in_dim3A_743 = arith.constant 0 : i32
      %broadcast_in_dim3A_744 = vector.broadcast %broadcast_in_dim3A_743 : i32 to vector<16xi32>
      %add3A_745 = vector.broadcast %add3A_741 : i32 to vector<16xi32>
      %add3A_746 = arith.addi %broadcast_in_dim3A_744, %add3A_745 : vector<16xi32>
      %gather3A_747 = tpu.vector_load_idx %arg11[%add3A_746] : memref<64xf32, #tpu.memory_space<vmem>>[vector<16xi32>], vector<16xf32>,
      %ge3A_748 = arith.constant 2 : i32
      %ge3A_749 = arith.cmpi sge, %add3A_741, %ge3A_748 : i32
      %eq3A_750 = arith.constant 0 : i32
      %eq3A_751 = arith.cmpi eq, %arg0, %eq3A_750 : i32
      %and3A_752 = arith.andi %ge3A_749, %eq3A_751 : i1
      %convert_element_type3A_753 = arith.extui %and3A_752 : i1 to i32
      %cond3A_754 = arith.constant 1 : i32
      %cond3A_755 = arith.constant 0 : i32
      %cond3A_756 = arith.cmpi ne, %convert_element_type3A_753, %cond3A_755 : i32
      scf.if %cond3A_756 {
        %dma_wait3A = arith.constant 0 : i32
        %dma_wait3A_1449 = arith.constant 0 : i32
        %dma_wait3A_1450 = tpu.memref_slice %arg8[%cond3A_754, %dma_wait3A, %dma_wait3A_1449] : memref<2x35x361xf32, #tpu.memory_space<vmem>> -> memref<1x35x361xf32, #tpu.memory_space<vmem>>
        %dma_wait3A_1451 = tpu.memref_squeeze %dma_wait3A_1450 : memref<1x35x361xf32, #tpu.memory_space<vmem>> -> memref<35x361xf32, #tpu.memory_space<vmem>>
        %dma_wait3A_1452 = arith.constant 0 : i32
        %dma_wait3A_1453 = arith.constant 0 : i32
        %dma_wait3A_1454 = tpu.memref_slice %arg6[%add3A_742, %dma_wait3A_1452, %dma_wait3A_1453] : memref<1024x67x361xf32, #tpu.memory_space<hbm>> -> memref<1x35x361xf32, #tpu.memory_space<hbm>>
        %dma_wait3A_1455 = tpu.memref_squeeze %dma_wait3A_1454 : memref<1x35x361xf32, #tpu.memory_space<hbm>> -> memref<35x361xf32, #tpu.memory_space<hbm>>
        %dma_wait3A_1456 = arith.constant 0 : i32
        %dma_wait3A_1457 = arith.constant 0 : i32
        %dma_wait3A_1458 = tpu.memref_slice %arg6[%add3A_742, %dma_wait3A_1456, %dma_wait3A_1457] : memref<1024x67x361xf32, #tpu.memory_space<hbm>> -> memref<1x35x361xf32, #tpu.memory_space<hbm>>
        %dma_wait3A_1459 = tpu.memref_squeeze %dma_wait3A_1458 : memref<1x35x361xf32, #tpu.memory_space<hbm>> -> memref<35x361xf32, #tpu.memory_space<hbm>>
        %dma_wait3A_1460 = arith.constant 0 : i32
        %dma_wait3A_1461 = arith.constant 0 : i32
        %dma_wait3A_1462 = tpu.memref_slice %arg8[%cond3A_754, %dma_wait3A_1460, %dma_wait3A_1461] : memref<2x35x361xf32, #tpu.memory_space<vmem>> -> memref<1x35x361xf32, #tpu.memory_space<vmem>>
        %dma_wait3A_1463 = tpu.memref_squeeze %dma_wait3A_1462 : memref<1x35x361xf32, #tpu.memory_space<vmem>> -> memref<35x361xf32, #tpu.memory_space<vmem>>
        tpu.wait_dma2 semaphore(%arg13 : memref<!tpu.dma_semaphore, #tpu.memory_space<semaphore_mem>>) src(%dma_wait3A_1463 : memref<35x361xf32, #tpu.memory_space<vmem>>) dst(%dma_wait3A_1459 : memref<35x361xf32, #tpu.memory_space<hbm>>)
      } else {
      }
      %ge3A_757 = arith.constant 2 : i32
      %ge3A_758 = arith.cmpi sge, %add3A_741, %ge3A_757 : i32
      %eq3A_759 = arith.constant 1 : i32
      %eq3A_760 = arith.cmpi eq, %arg0, %eq3A_759 : i32
      %and3A_761 = arith.andi %ge3A_758, %eq3A_760 : i1
      %convert_element_type3A_762 = arith.extui %and3A_761 : i1 to i32
      %cond3A_763 = arith.constant 1 : i32
      %cond3A_764 = arith.constant 0 : i32
      %cond3A_765 = arith.cmpi ne, %convert_element_type3A_762, %cond3A_764 : i32
      scf.if %cond3A_765 {
        %dma_wait3A = arith.constant 3 : i32
        %dma_wait3A_1449 = arith.constant 0 : i32
        %dma_wait3A_1450 = tpu.memref_slice %arg8[%cond3A_763, %dma_wait3A, %dma_wait3A_1449] : memref<2x35x361xf32, #tpu.memory_space<vmem>> -> memref<1x32x361xf32, #tpu.memory_space<vmem>>
        %dma_wait3A_1451 = tpu.memref_squeeze %dma_wait3A_1450 : memref<1x32x361xf32, #tpu.memory_space<vmem>> -> memref<32x361xf32, #tpu.memory_space<vmem>>
        %dma_wait3A_1452 = arith.constant 35 : i32
        %dma_wait3A_1453 = arith.constant 0 : i32
        %dma_wait3A_1454 = tpu.memref_slice %arg6[%add3A_742, %dma_wait3A_1452, %dma_wait3A_1453] : memref<1024x67x361xf32, #tpu.memory_space<hbm>> -> memref<1x32x361xf32, #tpu.memory_space<hbm>>
        %dma_wait3A_1455 = tpu.memref_squeeze %dma_wait3A_1454 : memref<1x32x361xf32, #tpu.memory_space<hbm>> -> memref<32x361xf32, #tpu.memory_space<hbm>>
        %dma_wait3A_1456 = arith.constant 35 : i32
        %dma_wait3A_1457 = arith.constant 0 : i32
        %dma_wait3A_1458 = tpu.memref_slice %arg6[%add3A_742, %dma_wait3A_1456, %dma_wait3A_1457] : memref<1024x67x361xf32, #tpu.memory_space<hbm>> -> memref<1x32x361xf32, #tpu.memory_space<hbm>>
        %dma_wait3A_1459 = tpu.memref_squeeze %dma_wait3A_1458 : memref<1x32x361xf32, #tpu.memory_space<hbm>> -> memref<32x361xf32, #tpu.memory_space<hbm>>
        %dma_wait3A_1460 = arith.constant 3 : i32
        %dma_wait3A_1461 = arith.constant 0 : i32
        %dma_wait3A_1462 = tpu.memref_slice %arg8[%cond3A_763, %dma_wait3A_1460, %dma_wait3A_1461] : memref<2x35x361xf32, #tpu.memory_space<vmem>> -> memref<1x32x361xf32, #tpu.memory_space<vmem>>
        %dma_wait3A_1463 = tpu.memref_squeeze %dma_wait3A_1462 : memref<1x32x361xf32, #tpu.memory_space<vmem>> -> memref<32x361xf32, #tpu.memory_space<vmem>>
        tpu.wait_dma2 semaphore(%arg13 : memref<!tpu.dma_semaphore, #tpu.memory_space<semaphore_mem>>) src(%dma_wait3A_1463 : memref<32x361xf32, #tpu.memory_space<vmem>>) dst(%dma_wait3A_1459 : memref<32x361xf32, #tpu.memory_space<hbm>>)
      } else {
      }
      %scan3A_766 = arith.constant 0 : i32
      %scan3A_767 = arith.constant 0 : i32
      %scan3A_768 = arith.constant 11 : i32
      %scan3A_769 = arith.addi %scan3A_767, %scan3A_768 : i32
      %scan3A_770 = arith.constant 1 : i32
      scf.for %scan3A_1449 = %scan3A_767 to %scan3A_769 step %scan3A_770  : i32 {
        %mul3A_1450 = arith.constant 32 : i32
        %mul3A_1451 = arith.muli %scan3A_1449, %mul3A_1450 : i32
        %get3A_1452 = arith.index_cast %add3A_741 : i32 to index
        %get3A_1453 = arith.index_cast %mul3A_1451 : i32 to index
        %get3A_1454 = tpu.vector_load %arg9[%get3A_1452, %get3A_1453] {strides = array<i32>} : memref<64x361xi32, #tpu.memory_space<vmem>>, vector<16xi32>,
        %get3A_1455 = arith.index_cast %add3A_741 : i32 to index
        %get3A_1456 = arith.index_cast %mul3A_1451 : i32 to index
        %get3A_1457 = tpu.vector_load %arg10[%get3A_1455, %get3A_1456] {strides = array<i32>} : memref<64x361xi32, #tpu.memory_space<vmem>>, vector<16xi32>,
        %ne3A_1458 = arith.constant 0 : i32
        %ne3A_1459 = vector.broadcast %ne3A_1458 : i32 to vector<16xi32>
        %ne3A_1460 = arith.cmpi ne, %get3A_1457, %ne3A_1459 : vector<16xi32>
        %and3A_1461 = vector.broadcast %scan3A_2 : i32 to vector<16xi32>
        %and3A_1462 = arith.andi %get3A_1454, %and3A_1461 : vector<16xi32>
        %select_n3A_1463 = arith.select %ne3A_1460, %broadcast_in_dim3A_1, %and3A_1462 : vector<16xi1>, vector<16xi32>
        %shift_right_logical3A_1464 = arith.constant 16 : i32
        %shift_right_logical3A_1465 = vector.broadcast %shift_right_logical3A_1464 : i32 to vector<16xi32>
        %shift_right_logical3A_1466 = arith.shrui %get3A_1454, %shift_right_logical3A_1465 : vector<16xi32>
        %select_n3A_1467 = arith.select %ne3A_1460, %broadcast_in_dim3A_1, %shift_right_logical3A_1466 : vector<16xi1>, vector<16xi32>
        %add3A_1468 = arith.constant 0 : i32
        %add3A_1469 = vector.broadcast %add3A_1468 : i32 to vector<16xi32>
        %add3A_1470 = arith.addi %select_n3A_1463, %add3A_1469 : vector<16xi32>
        %gather3A_1471 = tpu.vector_load_idx %arg7[%add3A_1470] : memref<38096xi32, #tpu.memory_space<vmem>>[vector<16xi32>], vector<16xi32>,
        %add3A_1472 = arith.constant 0 : i32
        %add3A_1473 = vector.broadcast %add3A_1472 : i32 to vector<16xi32>
        %add3A_1474 = arith.addi %select_n3A_1467, %add3A_1473 : vector<16xi32>
        %gather3A_1475 = tpu.vector_load_idx %arg7[%add3A_1474] : memref<38096xi32, #tpu.memory_space<vmem>>[vector<16xi32>], vector<16xi32>,
        %add3A_1476 = arith.constant 2381 : i32
        %add3A_1477 = vector.broadcast %add3A_1476 : i32 to vector<16xi32>
        %add3A_1478 = arith.addi %select_n3A_1463, %add3A_1477 : vector<16xi32>
        %gather3A_1479 = tpu.vector_load_idx %arg7[%add3A_1478] : memref<38096xi32, #tpu.memory_space<vmem>>[vector<16xi32>], vector<16xi32>,
        %add3A_1480 = arith.constant 2381 : i32
        %add3A_1481 = vector.broadcast %add3A_1480 : i32 to vector<16xi32>
        %add3A_1482 = arith.addi %select_n3A_1467, %add3A_1481 : vector<16xi32>
        %gather3A_1483 = tpu.vector_load_idx %arg7[%add3A_1482] : memref<38096xi32, #tpu.memory_space<vmem>>[vector<16xi32>], vector<16xi32>,
        %add3A_1484 = arith.constant 4762 : i32
        %add3A_1485 = vector.broadcast %add3A_1484 : i32 to vector<16xi32>
        %add3A_1486 = arith.addi %select_n3A_1463, %add3A_1485 : vector<16xi32>
        %gather3A_1487 = tpu.vector_load_idx %arg7[%add3A_1486] : memref<38096xi32, #tpu.memory_space<vmem>>[vector<16xi32>], vector<16xi32>,
        %add3A_1488 = arith.constant 4762 : i32
        %add3A_1489 = vector.broadcast %add3A_1488 : i32 to vector<16xi32>
        %add3A_1490 = arith.addi %select_n3A_1467, %add3A_1489 : vector<16xi32>
        %gather3A_1491 = tpu.vector_load_idx %arg7[%add3A_1490] : memref<38096xi32, #tpu.memory_space<vmem>>[vector<16xi32>], vector<16xi32>,
        %add3A_1492 = arith.constant 7143 : i32
        %add3A_1493 = vector.broadcast %add3A_1492 : i32 to vector<16xi32>
        %add3A_1494 = arith.addi %select_n3A_1463, %add3A_1493 : vector<16xi32>
        %gather3A_1495 = tpu.vector_load_idx %arg7[%add3A_1494] : memref<38096xi32, #tpu.memory_space<vmem>>[vector<16xi32>], vector<16xi32>,
        %add3A_1496 = arith.constant 7143 : i32
        %add3A_1497 = vector.broadcast %add3A_1496 : i32 to vector<16xi32>
        %add3A_1498 = arith.addi %select_n3A_1467, %add3A_1497 : vector<16xi32>
        %gather3A_1499 = tpu.vector_load_idx %arg7[%add3A_1498] : memref<38096xi32, #tpu.memory_space<vmem>>[vector<16xi32>], vector<16xi32>,
        %add3A_1500 = arith.constant 9524 : i32
        %add3A_1501 = vector.broadcast %add3A_1500 : i32 to vector<16xi32>
        %add3A_1502 = arith.addi %select_n3A_1463, %add3A_1501 : vector<16xi32>
        %gather3A_1503 = tpu.vector_load_idx %arg7[%add3A_1502] : memref<38096xi32, #tpu.memory_space<vmem>>[vector<16xi32>], vector<16xi32>,
        %add3A_1504 = arith.constant 9524 : i32
        %add3A_1505 = vector.broadcast %add3A_1504 : i32 to vector<16xi32>
        %add3A_1506 = arith.addi %select_n3A_1467, %add3A_1505 : vector<16xi32>
        %gather3A_1507 = tpu.vector_load_idx %arg7[%add3A_1506] : memref<38096xi32, #tpu.memory_space<vmem>>[vector<16xi32>], vector<16xi32>,
        %add3A_1508 = arith.constant 11905 : i32
        %add3A_1509 = vector.broadcast %add3A_1508 : i32 to vector<16xi32>
        %add3A_1510 = arith.addi %select_n3A_1463, %add3A_1509 : vector<16xi32>
        %gather3A_1511 = tpu.vector_load_idx %arg7[%add3A_1510] : memref<38096xi32, #tpu.memory_space<vmem>>[vector<16xi32>], vector<16xi32>,
        %add3A_1512 = arith.constant 11905 : i32
        %add3A_1513 = vector.broadcast %add3A_1512 : i32 to vector<16xi32>
        %add3A_1514 = arith.addi %select_n3A_1467, %add3A_1513 : vector<16xi32>
        %gather3A_1515 = tpu.vector_load_idx %arg7[%add3A_1514] : memref<38096xi32, #tpu.memory_space<vmem>>[vector<16xi32>], vector<16xi32>,
        %add3A_1516 = arith.constant 14286 : i32
        %add3A_1517 = vector.broadcast %add3A_1516 : i32 to vector<16xi32>
        %add3A_1518 = arith.addi %select_n3A_1463, %add3A_1517 : vector<16xi32>
        %gather3A_1519 = tpu.vector_load_idx %arg7[%add3A_1518] : memref<38096xi32, #tpu.memory_space<vmem>>[vector<16xi32>], vector<16xi32>,
        %add3A_1520 = arith.constant 14286 : i32
        %add3A_1521 = vector.broadcast %add3A_1520 : i32 to vector<16xi32>
        %add3A_1522 = arith.addi %select_n3A_1467, %add3A_1521 : vector<16xi32>
        %gather3A_1523 = tpu.vector_load_idx %arg7[%add3A_1522] : memref<38096xi32, #tpu.memory_space<vmem>>[vector<16xi32>], vector<16xi32>,
        %add3A_1524 = arith.constant 16667 : i32
        %add3A_1525 = vector.broadcast %add3A_1524 : i32 to vector<16xi32>
        %add3A_1526 = arith.addi %select_n3A_1463, %add3A_1525 : vector<16xi32>
        %gather3A_1527 = tpu.vector_load_idx %arg7[%add3A_1526] : memref<38096xi32, #tpu.memory_space<vmem>>[vector<16xi32>], vector<16xi32>,
        %add3A_1528 = arith.constant 16667 : i32
        %add3A_1529 = vector.broadcast %add3A_1528 : i32 to vector<16xi32>
        %add3A_1530 = arith.addi %select_n3A_1467, %add3A_1529 : vector<16xi32>
        %gather3A_1531 = tpu.vector_load_idx %arg7[%add3A_1530] : memref<38096xi32, #tpu.memory_space<vmem>>[vector<16xi32>], vector<16xi32>,
        %add3A_1532 = arith.constant 19048 : i32
        %add3A_1533 = vector.broadcast %add3A_1532 : i32 to vector<16xi32>
        %add3A_1534 = arith.addi %select_n3A_1463, %add3A_1533 : vector<16xi32>
        %gather3A_1535 = tpu.vector_load_idx %arg7[%add3A_1534] : memref<38096xi32, #tpu.memory_space<vmem>>[vector<16xi32>], vector<16xi32>,
        %add3A_1536 = arith.constant 19048 : i32
        %add3A_1537 = vector.broadcast %add3A_1536 : i32 to vector<16xi32>
        %add3A_1538 = arith.addi %select_n3A_1467, %add3A_1537 : vector<16xi32>
        %gather3A_1539 = tpu.vector_load_idx %arg7[%add3A_1538] : memref<38096xi32, #tpu.memory_space<vmem>>[vector<16xi32>], vector<16xi32>,
        %add3A_1540 = arith.constant 21429 : i32
        %add3A_1541 = vector.broadcast %add3A_1540 : i32 to vector<16xi32>
        %add3A_1542 = arith.addi %select_n3A_1463, %add3A_1541 : vector<16xi32>
        %gather3A_1543 = tpu.vector_load_idx %arg7[%add3A_1542] : memref<38096xi32, #tpu.memory_space<vmem>>[vector<16xi32>], vector<16xi32>,
        %add3A_1544 = arith.constant 21429 : i32
        %add3A_1545 = vector.broadcast %add3A_1544 : i32 to vector<16xi32>
        %add3A_1546 = arith.addi %select_n3A_1467, %add3A_1545 : vector<16xi32>
        %gather3A_1547 = tpu.vector_load_idx %arg7[%add3A_1546] : memref<38096xi32, #tpu.memory_space<vmem>>[vector<16xi32>], vector<16xi32>,
        %add3A_1548 = arith.constant 23810 : i32
        %add3A_1549 = vector.broadcast %add3A_1548 : i32 to vector<16xi32>
        %add3A_1550 = arith.addi %select_n3A_1463, %add3A_1549 : vector<16xi32>
        %gather3A_1551 = tpu.vector_load_idx %arg7[%add3A_1550] : memref<38096xi32, #tpu.memory_space<vmem>>[vector<16xi32>], vector<16xi32>,
        %add3A_1552 = arith.constant 23810 : i32
        %add3A_1553 = vector.broadcast %add3A_1552 : i32 to vector<16xi32>
        %add3A_1554 = arith.addi %select_n3A_1467, %add3A_1553 : vector<16xi32>
        %gather3A_1555 = tpu.vector_load_idx %arg7[%add3A_1554] : memref<38096xi32, #tpu.memory_space<vmem>>[vector<16xi32>], vector<16xi32>,
        %add3A_1556 = arith.constant 26191 : i32
        %add3A_1557 = vector.broadcast %add3A_1556 : i32 to vector<16xi32>
        %add3A_1558 = arith.addi %select_n3A_1463, %add3A_1557 : vector<16xi32>
        %gather3A_1559 = tpu.vector_load_idx %arg7[%add3A_1558] : memref<38096xi32, #tpu.memory_space<vmem>>[vector<16xi32>], vector<16xi32>,
        %add3A_1560 = arith.constant 26191 : i32
        %add3A_1561 = vector.broadcast %add3A_1560 : i32 to vector<16xi32>
        %add3A_1562 = arith.addi %select_n3A_1467, %add3A_1561 : vector<16xi32>
        %gather3A_1563 = tpu.vector_load_idx %arg7[%add3A_1562] : memref<38096xi32, #tpu.memory_space<vmem>>[vector<16xi32>], vector<16xi32>,
        %add3A_1564 = arith.constant 28572 : i32
        %add3A_1565 = vector.broadcast %add3A_1564 : i32 to vector<16xi32>
        %add3A_1566 = arith.addi %select_n3A_1463, %add3A_1565 : vector<16xi32>
        %gather3A_1567 = tpu.vector_load_idx %arg7[%add3A_1566] : memref<38096xi32, #tpu.memory_space<vmem>>[vector<16xi32>], vector<16xi32>,
        %add3A_1568 = arith.constant 28572 : i32
        %add3A_1569 = vector.broadcast %add3A_1568 : i32 to vector<16xi32>
        %add3A_1570 = arith.addi %select_n3A_1467, %add3A_1569 : vector<16xi32>
        %gather3A_1571 = tpu.vector_load_idx %arg7[%add3A_1570] : memref<38096xi32, #tpu.memory_space<vmem>>[vector<16xi32>], vector<16xi32>,
        %add3A_1572 = arith.constant 30953 : i32
        %add3A_1573 = vector.broadcast %add3A_1572 : i32 to vector<16xi32>
        %add3A_1574 = arith.addi %select_n3A_1463, %add3A_1573 : vector<16xi32>
        %gather3A_1575 = tpu.vector_load_idx %arg7[%add3A_1574] : memref<38096xi32, #tpu.memory_space<vmem>>[vector<16xi32>], vector<16xi32>,
        %add3A_1576 = arith.constant 30953 : i32
        %add3A_1577 = vector.broadcast %add3A_1576 : i32 to vector<16xi32>
        %add3A_1578 = arith.addi %select_n3A_1467, %add3A_1577 : vector<16xi32>
        %gather3A_1579 = tpu.vector_load_idx %arg7[%add3A_1578] : memref<38096xi32, #tpu.memory_space<vmem>>[vector<16xi32>], vector<16xi32>,
        %add3A_1580 = arith.constant 33334 : i32
        %add3A_1581 = vector.broadcast %add3A_1580 : i32 to vector<16xi32>
        %add3A_1582 = arith.addi %select_n3A_1463, %add3A_1581 : vector<16xi32>
        %gather3A_1583 = tpu.vector_load_idx %arg7[%add3A_1582] : memref<38096xi32, #tpu.memory_space<vmem>>[vector<16xi32>], vector<16xi32>,
        %add3A_1584 = arith.constant 33334 : i32
        %add3A_1585 = vector.broadcast %add3A_1584 : i32 to vector<16xi32>
        %add3A_1586 = arith.addi %select_n3A_1467, %add3A_1585 : vector<16xi32>
        %gather3A_1587 = tpu.vector_load_idx %arg7[%add3A_1586] : memref<38096xi32, #tpu.memory_space<vmem>>[vector<16xi32>], vector<16xi32>,
        %add3A_1588 = arith.constant 35715 : i32
        %add3A_1589 = vector.broadcast %add3A_1588 : i32 to vector<16xi32>
        %add3A_1590 = arith.addi %select_n3A_1463, %add3A_1589 : vector<16xi32>
        %gather3A_1591 = tpu.vector_load_idx %arg7[%add3A_1590] : memref<38096xi32, #tpu.memory_space<vmem>>[vector<16xi32>], vector<16xi32>,
        %add3A_1592 = arith.constant 35715 : i32
        %add3A_1593 = vector.broadcast %add3A_1592 : i32 to vector<16xi32>
        %add3A_1594 = arith.addi %select_n3A_1467, %add3A_1593 : vector<16xi32>
        %gather3A_1595 = tpu.vector_load_idx %arg7[%add3A_1594] : memref<38096xi32, #tpu.memory_space<vmem>>[vector<16xi32>], vector<16xi32>,
        %shift_left3A_1596 = arith.constant 16 : i32
        %shift_left3A_1597 = vector.broadcast %shift_left3A_1596 : i32 to vector<16xi32>
        %shift_left3A_1598 = arith.shli %gather3A_1471, %shift_left3A_1597 : vector<16xi32>
        %bitcast3A_1599 = vector.bitcast %shift_left3A_1598 : vector<16xi32> to vector<16xf32>
        %and3A_1600 = arith.constant -65536 : i32
        %and3A_1601 = vector.broadcast %and3A_1600 : i32 to vector<16xi32>
        %and3A_1602 = arith.andi %gather3A_1471, %and3A_1601 : vector<16xi32>
        %bitcast3A_1603 = vector.bitcast %and3A_1602 : vector<16xi32> to vector<16xf32>
        %shift_left3A_1604 = arith.constant 16 : i32
        %shift_left3A_1605 = vector.broadcast %shift_left3A_1604 : i32 to vector<16xi32>
        %shift_left3A_1606 = arith.shli %gather3A_1475, %shift_left3A_1605 : vector<16xi32>
        %bitcast3A_1607 = vector.bitcast %shift_left3A_1606 : vector<16xi32> to vector<16xf32>
        %and3A_1608 = arith.constant -65536 : i32
        %and3A_1609 = vector.broadcast %and3A_1608 : i32 to vector<16xi32>
        %and3A_1610 = arith.andi %gather3A_1475, %and3A_1609 : vector<16xi32>
        %bitcast3A_1611 = vector.bitcast %and3A_1610 : vector<16xi32> to vector<16xf32>
        %add3A_1612 = arith.addf %bitcast3A_1599, %bitcast3A_1607 : vector<16xf32>
        %add3A_1613 = arith.addf %bitcast3A_1603, %bitcast3A_1611 : vector<16xf32>
        %shift_left3A_1614 = arith.constant 16 : i32
        %shift_left3A_1615 = vector.broadcast %shift_left3A_1614 : i32 to vector<16xi32>
        %shift_left3A_1616 = arith.shli %gather3A_1479, %shift_left3A_1615 : vector<16xi32>
        %bitcast3A_1617 = vector.bitcast %shift_left3A_1616 : vector<16xi32> to vector<16xf32>
        %and3A_1618 = arith.constant -65536 : i32
        %and3A_1619 = vector.broadcast %and3A_1618 : i32 to vector<16xi32>
        %and3A_1620 = arith.andi %gather3A_1479, %and3A_1619 : vector<16xi32>
        %bitcast3A_1621 = vector.bitcast %and3A_1620 : vector<16xi32> to vector<16xf32>
        %shift_left3A_1622 = arith.constant 16 : i32
        %shift_left3A_1623 = vector.broadcast %shift_left3A_1622 : i32 to vector<16xi32>
        %shift_left3A_1624 = arith.shli %gather3A_1483, %shift_left3A_1623 : vector<16xi32>
        %bitcast3A_1625 = vector.bitcast %shift_left3A_1624 : vector<16xi32> to vector<16xf32>
        %and3A_1626 = arith.constant -65536 : i32
        %and3A_1627 = vector.broadcast %and3A_1626 : i32 to vector<16xi32>
        %and3A_1628 = arith.andi %gather3A_1483, %and3A_1627 : vector<16xi32>
        %bitcast3A_1629 = vector.bitcast %and3A_1628 : vector<16xi32> to vector<16xf32>
        %add3A_1630 = arith.addf %bitcast3A_1617, %bitcast3A_1625 : vector<16xf32>
        %add3A_1631 = arith.addf %bitcast3A_1621, %bitcast3A_1629 : vector<16xf32>
        %shift_left3A_1632 = arith.constant 16 : i32
        %shift_left3A_1633 = vector.broadcast %shift_left3A_1632 : i32 to vector<16xi32>
        %shift_left3A_1634 = arith.shli %gather3A_1487, %shift_left3A_1633 : vector<16xi32>
        %bitcast3A_1635 = vector.bitcast %shift_left3A_1634 : vector<16xi32> to vector<16xf32>
        %and3A_1636 = arith.constant -65536 : i32
        %and3A_1637 = vector.broadcast %and3A_1636 : i32 to vector<16xi32>
        %and3A_1638 = arith.andi %gather3A_1487, %and3A_1637 : vector<16xi32>
        %bitcast3A_1639 = vector.bitcast %and3A_1638 : vector<16xi32> to vector<16xf32>
        %shift_left3A_1640 = arith.constant 16 : i32
        %shift_left3A_1641 = vector.broadcast %shift_left3A_1640 : i32 to vector<16xi32>
        %shift_left3A_1642 = arith.shli %gather3A_1491, %shift_left3A_1641 : vector<16xi32>
        %bitcast3A_1643 = vector.bitcast %shift_left3A_1642 : vector<16xi32> to vector<16xf32>
        %and3A_1644 = arith.constant -65536 : i32
        %and3A_1645 = vector.broadcast %and3A_1644 : i32 to vector<16xi32>
        %and3A_1646 = arith.andi %gather3A_1491, %and3A_1645 : vector<16xi32>
        %bitcast3A_1647 = vector.bitcast %and3A_1646 : vector<16xi32> to vector<16xf32>
        %add3A_1648 = arith.addf %bitcast3A_1635, %bitcast3A_1643 : vector<16xf32>
        %add3A_1649 = arith.addf %bitcast3A_1639, %bitcast3A_1647 : vector<16xf32>
        %shift_left3A_1650 = arith.constant 16 : i32
        %shift_left3A_1651 = vector.broadcast %shift_left3A_1650 : i32 to vector<16xi32>
        %shift_left3A_1652 = arith.shli %gather3A_1495, %shift_left3A_1651 : vector<16xi32>
        %bitcast3A_1653 = vector.bitcast %shift_left3A_1652 : vector<16xi32> to vector<16xf32>
        %and3A_1654 = arith.constant -65536 : i32
        %and3A_1655 = vector.broadcast %and3A_1654 : i32 to vector<16xi32>
        %and3A_1656 = arith.andi %gather3A_1495, %and3A_1655 : vector<16xi32>
        %bitcast3A_1657 = vector.bitcast %and3A_1656 : vector<16xi32> to vector<16xf32>
        %shift_left3A_1658 = arith.constant 16 : i32
        %shift_left3A_1659 = vector.broadcast %shift_left3A_1658 : i32 to vector<16xi32>
        %shift_left3A_1660 = arith.shli %gather3A_1499, %shift_left3A_1659 : vector<16xi32>
        %bitcast3A_1661 = vector.bitcast %shift_left3A_1660 : vector<16xi32> to vector<16xf32>
        %and3A_1662 = arith.constant -65536 : i32
        %and3A_1663 = vector.broadcast %and3A_1662 : i32 to vector<16xi32>
        %and3A_1664 = arith.andi %gather3A_1499, %and3A_1663 : vector<16xi32>
        %bitcast3A_1665 = vector.bitcast %and3A_1664 : vector<16xi32> to vector<16xf32>
        %add3A_1666 = arith.addf %bitcast3A_1653, %bitcast3A_1661 : vector<16xf32>
        %add3A_1667 = arith.addf %bitcast3A_1657, %bitcast3A_1665 : vector<16xf32>
        %shift_left3A_1668 = arith.constant 16 : i32
        %shift_left3A_1669 = vector.broadcast %shift_left3A_1668 : i32 to vector<16xi32>
        %shift_left3A_1670 = arith.shli %gather3A_1503, %shift_left3A_1669 : vector<16xi32>
        %bitcast3A_1671 = vector.bitcast %shift_left3A_1670 : vector<16xi32> to vector<16xf32>
        %and3A_1672 = arith.constant -65536 : i32
        %and3A_1673 = vector.broadcast %and3A_1672 : i32 to vector<16xi32>
        %and3A_1674 = arith.andi %gather3A_1503, %and3A_1673 : vector<16xi32>
        %bitcast3A_1675 = vector.bitcast %and3A_1674 : vector<16xi32> to vector<16xf32>
        %shift_left3A_1676 = arith.constant 16 : i32
        %shift_left3A_1677 = vector.broadcast %shift_left3A_1676 : i32 to vector<16xi32>
        %shift_left3A_1678 = arith.shli %gather3A_1507, %shift_left3A_1677 : vector<16xi32>
        %bitcast3A_1679 = vector.bitcast %shift_left3A_1678 : vector<16xi32> to vector<16xf32>
        %and3A_1680 = arith.constant -65536 : i32
        %and3A_1681 = vector.broadcast %and3A_1680 : i32 to vector<16xi32>
        %and3A_1682 = arith.andi %gather3A_1507, %and3A_1681 : vector<16xi32>
        %bitcast3A_1683 = vector.bitcast %and3A_1682 : vector<16xi32> to vector<16xf32>
        %add3A_1684 = arith.addf %bitcast3A_1671, %bitcast3A_1679 : vector<16xf32>
        %add3A_1685 = arith.addf %bitcast3A_1675, %bitcast3A_1683 : vector<16xf32>
        %shift_left3A_1686 = arith.constant 16 : i32
        %shift_left3A_1687 = vector.broadcast %shift_left3A_1686 : i32 to vector<16xi32>
        %shift_left3A_1688 = arith.shli %gather3A_1511, %shift_left3A_1687 : vector<16xi32>
        %bitcast3A_1689 = vector.bitcast %shift_left3A_1688 : vector<16xi32> to vector<16xf32>
        %and3A_1690 = arith.constant -65536 : i32
        %and3A_1691 = vector.broadcast %and3A_1690 : i32 to vector<16xi32>
        %and3A_1692 = arith.andi %gather3A_1511, %and3A_1691 : vector<16xi32>
        %bitcast3A_1693 = vector.bitcast %and3A_1692 : vector<16xi32> to vector<16xf32>
        %shift_left3A_1694 = arith.constant 16 : i32
        %shift_left3A_1695 = vector.broadcast %shift_left3A_1694 : i32 to vector<16xi32>
        %shift_left3A_1696 = arith.shli %gather3A_1515, %shift_left3A_1695 : vector<16xi32>
        %bitcast3A_1697 = vector.bitcast %shift_left3A_1696 : vector<16xi32> to vector<16xf32>
        %and3A_1698 = arith.constant -65536 : i32
        %and3A_1699 = vector.broadcast %and3A_1698 : i32 to vector<16xi32>
        %and3A_1700 = arith.andi %gather3A_1515, %and3A_1699 : vector<16xi32>
        %bitcast3A_1701 = vector.bitcast %and3A_1700 : vector<16xi32> to vector<16xf32>
        %add3A_1702 = arith.addf %bitcast3A_1689, %bitcast3A_1697 : vector<16xf32>
        %add3A_1703 = arith.addf %bitcast3A_1693, %bitcast3A_1701 : vector<16xf32>
        %shift_left3A_1704 = arith.constant 16 : i32
        %shift_left3A_1705 = vector.broadcast %shift_left3A_1704 : i32 to vector<16xi32>
        %shift_left3A_1706 = arith.shli %gather3A_1519, %shift_left3A_1705 : vector<16xi32>
        %bitcast3A_1707 = vector.bitcast %shift_left3A_1706 : vector<16xi32> to vector<16xf32>
        %and3A_1708 = arith.constant -65536 : i32
        %and3A_1709 = vector.broadcast %and3A_1708 : i32 to vector<16xi32>
        %and3A_1710 = arith.andi %gather3A_1519, %and3A_1709 : vector<16xi32>
        %bitcast3A_1711 = vector.bitcast %and3A_1710 : vector<16xi32> to vector<16xf32>
        %shift_left3A_1712 = arith.constant 16 : i32
        %shift_left3A_1713 = vector.broadcast %shift_left3A_1712 : i32 to vector<16xi32>
        %shift_left3A_1714 = arith.shli %gather3A_1523, %shift_left3A_1713 : vector<16xi32>
        %bitcast3A_1715 = vector.bitcast %shift_left3A_1714 : vector<16xi32> to vector<16xf32>
        %and3A_1716 = arith.constant -65536 : i32
        %and3A_1717 = vector.broadcast %and3A_1716 : i32 to vector<16xi32>
        %and3A_1718 = arith.andi %gather3A_1523, %and3A_1717 : vector<16xi32>
        %bitcast3A_1719 = vector.bitcast %and3A_1718 : vector<16xi32> to vector<16xf32>
        %add3A_1720 = arith.addf %bitcast3A_1707, %bitcast3A_1715 : vector<16xf32>
        %add3A_1721 = arith.addf %bitcast3A_1711, %bitcast3A_1719 : vector<16xf32>
        %shift_left3A_1722 = arith.constant 16 : i32
        %shift_left3A_1723 = vector.broadcast %shift_left3A_1722 : i32 to vector<16xi32>
        %shift_left3A_1724 = arith.shli %gather3A_1527, %shift_left3A_1723 : vector<16xi32>
        %bitcast3A_1725 = vector.bitcast %shift_left3A_1724 : vector<16xi32> to vector<16xf32>
        %and3A_1726 = arith.constant -65536 : i32
        %and3A_1727 = vector.broadcast %and3A_1726 : i32 to vector<16xi32>
        %and3A_1728 = arith.andi %gather3A_1527, %and3A_1727 : vector<16xi32>
        %bitcast3A_1729 = vector.bitcast %and3A_1728 : vector<16xi32> to vector<16xf32>
        %shift_left3A_1730 = arith.constant 16 : i32
        %shift_left3A_1731 = vector.broadcast %shift_left3A_1730 : i32 to vector<16xi32>
        %shift_left3A_1732 = arith.shli %gather3A_1531, %shift_left3A_1731 : vector<16xi32>
        %bitcast3A_1733 = vector.bitcast %shift_left3A_1732 : vector<16xi32> to vector<16xf32>
        %and3A_1734 = arith.constant -65536 : i32
        %and3A_1735 = vector.broadcast %and3A_1734 : i32 to vector<16xi32>
        %and3A_1736 = arith.andi %gather3A_1531, %and3A_1735 : vector<16xi32>
        %bitcast3A_1737 = vector.bitcast %and3A_1736 : vector<16xi32> to vector<16xf32>
        %add3A_1738 = arith.addf %bitcast3A_1725, %bitcast3A_1733 : vector<16xf32>
        %add3A_1739 = arith.addf %bitcast3A_1729, %bitcast3A_1737 : vector<16xf32>
        %shift_left3A_1740 = arith.constant 16 : i32
        %shift_left3A_1741 = vector.broadcast %shift_left3A_1740 : i32 to vector<16xi32>
        %shift_left3A_1742 = arith.shli %gather3A_1535, %shift_left3A_1741 : vector<16xi32>
        %bitcast3A_1743 = vector.bitcast %shift_left3A_1742 : vector<16xi32> to vector<16xf32>
        %and3A_1744 = arith.constant -65536 : i32
        %and3A_1745 = vector.broadcast %and3A_1744 : i32 to vector<16xi32>
        %and3A_1746 = arith.andi %gather3A_1535, %and3A_1745 : vector<16xi32>
        %bitcast3A_1747 = vector.bitcast %and3A_1746 : vector<16xi32> to vector<16xf32>
        %shift_left3A_1748 = arith.constant 16 : i32
        %shift_left3A_1749 = vector.broadcast %shift_left3A_1748 : i32 to vector<16xi32>
        %shift_left3A_1750 = arith.shli %gather3A_1539, %shift_left3A_1749 : vector<16xi32>
        %bitcast3A_1751 = vector.bitcast %shift_left3A_1750 : vector<16xi32> to vector<16xf32>
        %and3A_1752 = arith.constant -65536 : i32
        %and3A_1753 = vector.broadcast %and3A_1752 : i32 to vector<16xi32>
        %and3A_1754 = arith.andi %gather3A_1539, %and3A_1753 : vector<16xi32>
        %bitcast3A_1755 = vector.bitcast %and3A_1754 : vector<16xi32> to vector<16xf32>
        %add3A_1756 = arith.addf %bitcast3A_1743, %bitcast3A_1751 : vector<16xf32>
        %add3A_1757 = arith.addf %bitcast3A_1747, %bitcast3A_1755 : vector<16xf32>
        %shift_left3A_1758 = arith.constant 16 : i32
        %shift_left3A_1759 = vector.broadcast %shift_left3A_1758 : i32 to vector<16xi32>
        %shift_left3A_1760 = arith.shli %gather3A_1543, %shift_left3A_1759 : vector<16xi32>
        %bitcast3A_1761 = vector.bitcast %shift_left3A_1760 : vector<16xi32> to vector<16xf32>
        %and3A_1762 = arith.constant -65536 : i32
        %and3A_1763 = vector.broadcast %and3A_1762 : i32 to vector<16xi32>
        %and3A_1764 = arith.andi %gather3A_1543, %and3A_1763 : vector<16xi32>
        %bitcast3A_1765 = vector.bitcast %and3A_1764 : vector<16xi32> to vector<16xf32>
        %shift_left3A_1766 = arith.constant 16 : i32
        %shift_left3A_1767 = vector.broadcast %shift_left3A_1766 : i32 to vector<16xi32>
        %shift_left3A_1768 = arith.shli %gather3A_1547, %shift_left3A_1767 : vector<16xi32>
        %bitcast3A_1769 = vector.bitcast %shift_left3A_1768 : vector<16xi32> to vector<16xf32>
        %and3A_1770 = arith.constant -65536 : i32
        %and3A_1771 = vector.broadcast %and3A_1770 : i32 to vector<16xi32>
        %and3A_1772 = arith.andi %gather3A_1547, %and3A_1771 : vector<16xi32>
        %bitcast3A_1773 = vector.bitcast %and3A_1772 : vector<16xi32> to vector<16xf32>
        %add3A_1774 = arith.addf %bitcast3A_1761, %bitcast3A_1769 : vector<16xf32>
        %add3A_1775 = arith.addf %bitcast3A_1765, %bitcast3A_1773 : vector<16xf32>
        %shift_left3A_1776 = arith.constant 16 : i32
        %shift_left3A_1777 = vector.broadcast %shift_left3A_1776 : i32 to vector<16xi32>
        %shift_left3A_1778 = arith.shli %gather3A_1551, %shift_left3A_1777 : vector<16xi32>
        %bitcast3A_1779 = vector.bitcast %shift_left3A_1778 : vector<16xi32> to vector<16xf32>
        %and3A_1780 = arith.constant -65536 : i32
        %and3A_1781 = vector.broadcast %and3A_1780 : i32 to vector<16xi32>
        %and3A_1782 = arith.andi %gather3A_1551, %and3A_1781 : vector<16xi32>
        %bitcast3A_1783 = vector.bitcast %and3A_1782 : vector<16xi32> to vector<16xf32>
        %shift_left3A_1784 = arith.constant 16 : i32
        %shift_left3A_1785 = vector.broadcast %shift_left3A_1784 : i32 to vector<16xi32>
        %shift_left3A_1786 = arith.shli %gather3A_1555, %shift_left3A_1785 : vector<16xi32>
        %bitcast3A_1787 = vector.bitcast %shift_left3A_1786 : vector<16xi32> to vector<16xf32>
        %and3A_1788 = arith.constant -65536 : i32
        %and3A_1789 = vector.broadcast %and3A_1788 : i32 to vector<16xi32>
        %and3A_1790 = arith.andi %gather3A_1555, %and3A_1789 : vector<16xi32>
        %bitcast3A_1791 = vector.bitcast %and3A_1790 : vector<16xi32> to vector<16xf32>
        %add3A_1792 = arith.addf %bitcast3A_1779, %bitcast3A_1787 : vector<16xf32>
        %add3A_1793 = arith.addf %bitcast3A_1783, %bitcast3A_1791 : vector<16xf32>
        %shift_left3A_1794 = arith.constant 16 : i32
        %shift_left3A_1795 = vector.broadcast %shift_left3A_1794 : i32 to vector<16xi32>
        %shift_left3A_1796 = arith.shli %gather3A_1559, %shift_left3A_1795 : vector<16xi32>
        %bitcast3A_1797 = vector.bitcast %shift_left3A_1796 : vector<16xi32> to vector<16xf32>
        %and3A_1798 = arith.constant -65536 : i32
        %and3A_1799 = vector.broadcast %and3A_1798 : i32 to vector<16xi32>
        %and3A_1800 = arith.andi %gather3A_1559, %and3A_1799 : vector<16xi32>
        %bitcast3A_1801 = vector.bitcast %and3A_1800 : vector<16xi32> to vector<16xf32>
        %shift_left3A_1802 = arith.constant 16 : i32
        %shift_left3A_1803 = vector.broadcast %shift_left3A_1802 : i32 to vector<16xi32>
        %shift_left3A_1804 = arith.shli %gather3A_1563, %shift_left3A_1803 : vector<16xi32>
        %bitcast3A_1805 = vector.bitcast %shift_left3A_1804 : vector<16xi32> to vector<16xf32>
        %and3A_1806 = arith.constant -65536 : i32
        %and3A_1807 = vector.broadcast %and3A_1806 : i32 to vector<16xi32>
        %and3A_1808 = arith.andi %gather3A_1563, %and3A_1807 : vector<16xi32>
        %bitcast3A_1809 = vector.bitcast %and3A_1808 : vector<16xi32> to vector<16xf32>
        %add3A_1810 = arith.addf %bitcast3A_1797, %bitcast3A_1805 : vector<16xf32>
        %add3A_1811 = arith.addf %bitcast3A_1801, %bitcast3A_1809 : vector<16xf32>
        %shift_left3A_1812 = arith.constant 16 : i32
        %shift_left3A_1813 = vector.broadcast %shift_left3A_1812 : i32 to vector<16xi32>
        %shift_left3A_1814 = arith.shli %gather3A_1567, %shift_left3A_1813 : vector<16xi32>
        %bitcast3A_1815 = vector.bitcast %shift_left3A_1814 : vector<16xi32> to vector<16xf32>
        %and3A_1816 = arith.constant -65536 : i32
        %and3A_1817 = vector.broadcast %and3A_1816 : i32 to vector<16xi32>
        %and3A_1818 = arith.andi %gather3A_1567, %and3A_1817 : vector<16xi32>
        %bitcast3A_1819 = vector.bitcast %and3A_1818 : vector<16xi32> to vector<16xf32>
        %shift_left3A_1820 = arith.constant 16 : i32
        %shift_left3A_1821 = vector.broadcast %shift_left3A_1820 : i32 to vector<16xi32>
        %shift_left3A_1822 = arith.shli %gather3A_1571, %shift_left3A_1821 : vector<16xi32>
        %bitcast3A_1823 = vector.bitcast %shift_left3A_1822 : vector<16xi32> to vector<16xf32>
        %and3A_1824 = arith.constant -65536 : i32
        %and3A_1825 = vector.broadcast %and3A_1824 : i32 to vector<16xi32>
        %and3A_1826 = arith.andi %gather3A_1571, %and3A_1825 : vector<16xi32>
        %bitcast3A_1827 = vector.bitcast %and3A_1826 : vector<16xi32> to vector<16xf32>
        %add3A_1828 = arith.addf %bitcast3A_1815, %bitcast3A_1823 : vector<16xf32>
        %add3A_1829 = arith.addf %bitcast3A_1819, %bitcast3A_1827 : vector<16xf32>
        %shift_left3A_1830 = arith.constant 16 : i32
        %shift_left3A_1831 = vector.broadcast %shift_left3A_1830 : i32 to vector<16xi32>
        %shift_left3A_1832 = arith.shli %gather3A_1575, %shift_left3A_1831 : vector<16xi32>
        %bitcast3A_1833 = vector.bitcast %shift_left3A_1832 : vector<16xi32> to vector<16xf32>
        %and3A_1834 = arith.constant -65536 : i32
        %and3A_1835 = vector.broadcast %and3A_1834 : i32 to vector<16xi32>
        %and3A_1836 = arith.andi %gather3A_1575, %and3A_1835 : vector<16xi32>
        %bitcast3A_1837 = vector.bitcast %and3A_1836 : vector<16xi32> to vector<16xf32>
        %shift_left3A_1838 = arith.constant 16 : i32
        %shift_left3A_1839 = vector.broadcast %shift_left3A_1838 : i32 to vector<16xi32>
        %shift_left3A_1840 = arith.shli %gather3A_1579, %shift_left3A_1839 : vector<16xi32>
        %bitcast3A_1841 = vector.bitcast %shift_left3A_1840 : vector<16xi32> to vector<16xf32>
        %and3A_1842 = arith.constant -65536 : i32
        %and3A_1843 = vector.broadcast %and3A_1842 : i32 to vector<16xi32>
        %and3A_1844 = arith.andi %gather3A_1579, %and3A_1843 : vector<16xi32>
        %bitcast3A_1845 = vector.bitcast %and3A_1844 : vector<16xi32> to vector<16xf32>
        %add3A_1846 = arith.addf %bitcast3A_1833, %bitcast3A_1841 : vector<16xf32>
        %add3A_1847 = arith.addf %bitcast3A_1837, %bitcast3A_1845 : vector<16xf32>
        %shift_left3A_1848 = arith.constant 16 : i32
        %shift_left3A_1849 = vector.broadcast %shift_left3A_1848 : i32 to vector<16xi32>
        %shift_left3A_1850 = arith.shli %gather3A_1583, %shift_left3A_1849 : vector<16xi32>
        %bitcast3A_1851 = vector.bitcast %shift_left3A_1850 : vector<16xi32> to vector<16xf32>
        %and3A_1852 = arith.constant -65536 : i32
        %and3A_1853 = vector.broadcast %and3A_1852 : i32 to vector<16xi32>
        %and3A_1854 = arith.andi %gather3A_1583, %and3A_1853 : vector<16xi32>
        %bitcast3A_1855 = vector.bitcast %and3A_1854 : vector<16xi32> to vector<16xf32>
        %shift_left3A_1856 = arith.constant 16 : i32
        %shift_left3A_1857 = vector.broadcast %shift_left3A_1856 : i32 to vector<16xi32>
        %shift_left3A_1858 = arith.shli %gather3A_1587, %shift_left3A_1857 : vector<16xi32>
        %bitcast3A_1859 = vector.bitcast %shift_left3A_1858 : vector<16xi32> to vector<16xf32>
        %and3A_1860 = arith.constant -65536 : i32
        %and3A_1861 = vector.broadcast %and3A_1860 : i32 to vector<16xi32>
        %and3A_1862 = arith.andi %gather3A_1587, %and3A_1861 : vector<16xi32>
        %bitcast3A_1863 = vector.bitcast %and3A_1862 : vector<16xi32> to vector<16xf32>
        %add3A_1864 = arith.addf %bitcast3A_1851, %bitcast3A_1859 : vector<16xf32>
        %add3A_1865 = arith.addf %bitcast3A_1855, %bitcast3A_1863 : vector<16xf32>
        %shift_left3A_1866 = arith.constant 16 : i32
        %shift_left3A_1867 = vector.broadcast %shift_left3A_1866 : i32 to vector<16xi32>
        %shift_left3A_1868 = arith.shli %gather3A_1591, %shift_left3A_1867 : vector<16xi32>
        %bitcast3A_1869 = vector.bitcast %shift_left3A_1868 : vector<16xi32> to vector<16xf32>
        %and3A_1870 = arith.constant -65536 : i32
        %and3A_1871 = vector.broadcast %and3A_1870 : i32 to vector<16xi32>
        %and3A_1872 = arith.andi %gather3A_1591, %and3A_1871 : vector<16xi32>
        %bitcast3A_1873 = vector.bitcast %and3A_1872 : vector<16xi32> to vector<16xf32>
        %shift_left3A_1874 = arith.constant 16 : i32
        %shift_left3A_1875 = vector.broadcast %shift_left3A_1874 : i32 to vector<16xi32>
        %shift_left3A_1876 = arith.shli %gather3A_1595, %shift_left3A_1875 : vector<16xi32>
        %bitcast3A_1877 = vector.bitcast %shift_left3A_1876 : vector<16xi32> to vector<16xf32>
        %and3A_1878 = arith.constant -65536 : i32
        %and3A_1879 = vector.broadcast %and3A_1878 : i32 to vector<16xi32>
        %and3A_1880 = arith.andi %gather3A_1595, %and3A_1879 : vector<16xi32>
        %bitcast3A_1881 = vector.bitcast %and3A_1880 : vector<16xi32> to vector<16xf32>
        %add3A_1882 = arith.addf %bitcast3A_1869, %bitcast3A_1877 : vector<16xf32>
        %add3A_1883 = arith.addf %bitcast3A_1873, %bitcast3A_1881 : vector<16xf32>
        %eq3A_1884 = arith.constant 0 : i32
        %eq3A_1885 = arith.cmpi eq, %arg0, %eq3A_1884 : i32
        %convert_element_type3A_1886 = arith.extui %eq3A_1885 : i1 to i32
        %cond3A_1887 = arith.constant 0 : i32
        %cond3A_1888 = arith.cmpi ne, %convert_element_type3A_1886, %cond3A_1887 : i32
        scf.if %cond3A_1888 {
          %shift_left3A_2714 = arith.constant 16 : i32
          %shift_left3A_2715 = vector.broadcast %shift_left3A_2714 : i32 to vector<16xi32>
          %shift_left3A_2716 = arith.shli %get3A_1457, %shift_left3A_2715 : vector<16xi32>
          %bitcast3A_2717 = vector.bitcast %shift_left3A_2716 : vector<16xi32> to vector<16xf32>
          %and3A_2718 = arith.constant -65536 : i32
          %and3A_2719 = vector.broadcast %and3A_2718 : i32 to vector<16xi32>
          %and3A_2720 = arith.andi %get3A_1457, %and3A_2719 : vector<16xi32>
          %bitcast3A_2721 = vector.bitcast %and3A_2720 : vector<16xi32> to vector<16xf32>
          %swap3A_2722 = arith.constant 1 : i32
          %swap3A_2723 = arith.constant 0 : i32
          %swap3A_2724 = arith.index_cast %swap3A_2722 : i32 to index
          %swap3A_2725 = arith.index_cast %swap3A_2723 : i32 to index
          %swap3A_2726 = arith.index_cast %mul3A_1451 : i32 to index
          %swap3A_2727 = tpu.vector_load %arg8[%swap3A_2724, %swap3A_2725, %swap3A_2726] {strides = array<i32>} : memref<2x35x361xf32, #tpu.memory_space<vmem>>, vector<16xf32>,
          tpu.vector_store %arg8[%swap3A_2724, %swap3A_2725, %swap3A_2726], %bitcast3A_2717 {strides = array<i32>} : memref<2x35x361xf32, #tpu.memory_space<vmem>>, vector<16xf32>,
          %swap3A_2728 = arith.constant 1 : i32
          %swap3A_2729 = arith.constant 1 : i32
          %swap3A_2730 = arith.index_cast %swap3A_2728 : i32 to index
          %swap3A_2731 = arith.index_cast %swap3A_2729 : i32 to index
          %swap3A_2732 = arith.index_cast %mul3A_1451 : i32 to index
          %swap3A_2733 = tpu.vector_load %arg8[%swap3A_2730, %swap3A_2731, %swap3A_2732] {strides = array<i32>} : memref<2x35x361xf32, #tpu.memory_space<vmem>>, vector<16xf32>,
          tpu.vector_store %arg8[%swap3A_2730, %swap3A_2731, %swap3A_2732], %bitcast3A_2721 {strides = array<i32>} : memref<2x35x361xf32, #tpu.memory_space<vmem>>, vector<16xf32>,
          %swap3A_2734 = arith.constant 1 : i32
          %swap3A_2735 = arith.constant 2 : i32
          %swap3A_2736 = arith.index_cast %swap3A_2734 : i32 to index
          %swap3A_2737 = arith.index_cast %swap3A_2735 : i32 to index
          %swap3A_2738 = arith.index_cast %mul3A_1451 : i32 to index
          %swap3A_2739 = tpu.vector_load %arg8[%swap3A_2736, %swap3A_2737, %swap3A_2738] {strides = array<i32>} : memref<2x35x361xf32, #tpu.memory_space<vmem>>, vector<16xf32>,
          tpu.vector_store %arg8[%swap3A_2736, %swap3A_2737, %swap3A_2738], %gather3A_747 {strides = array<i32>} : memref<2x35x361xf32, #tpu.memory_space<vmem>>, vector<16xf32>,
        } else {
        }
        %swap3A_1889 = arith.constant 1 : i32
        %swap3A_1890 = arith.constant 3 : i32
        %swap3A_1891 = arith.index_cast %swap3A_1889 : i32 to index
        %swap3A_1892 = arith.index_cast %swap3A_1890 : i32 to index
        %swap3A_1893 = arith.index_cast %mul3A_1451 : i32 to index
        %swap3A_1894 = tpu.vector_load %arg8[%swap3A_1891, %swap3A_1892, %swap3A_1893] {strides = array<i32>} : memref<2x35x361xf32, #tpu.memory_space<vmem>>, vector<16xf32>,
        tpu.vector_store %arg8[%swap3A_1891, %swap3A_1892, %swap3A_1893], %add3A_1612 {strides = array<i32>} : memref<2x35x361xf32, #tpu.memory_space<vmem>>, vector<16xf32>,
        %swap3A_1895 = arith.constant 1 : i32
        %swap3A_1896 = arith.constant 4 : i32
        %swap3A_1897 = arith.index_cast %swap3A_1895 : i32 to index
        %swap3A_1898 = arith.index_cast %swap3A_1896 : i32 to index
        %swap3A_1899 = arith.index_cast %mul3A_1451 : i32 to index
        %swap3A_1900 = tpu.vector_load %arg8[%swap3A_1897, %swap3A_1898, %swap3A_1899] {strides = array<i32>} : memref<2x35x361xf32, #tpu.memory_space<vmem>>, vector<16xf32>,
        tpu.vector_store %arg8[%swap3A_1897, %swap3A_1898, %swap3A_1899], %add3A_1613 {strides = array<i32>} : memref<2x35x361xf32, #tpu.memory_space<vmem>>, vector<16xf32>,
        %swap3A_1901 = arith.constant 1 : i32
        %swap3A_1902 = arith.constant 5 : i32
        %swap3A_1903 = arith.index_cast %swap3A_1901 : i32 to index
        %swap3A_1904 = arith.index_cast %swap3A_1902 : i32 to index
        %swap3A_1905 = arith.index_cast %mul3A_1451 : i32 to index
        %swap3A_1906 = tpu.vector_load %arg8[%swap3A_1903, %swap3A_1904, %swap3A_1905] {strides = array<i32>} : memref<2x35x361xf32, #tpu.memory_space<vmem>>, vector<16xf32>,
        tpu.vector_store %arg8[%swap3A_1903, %swap3A_1904, %swap3A_1905], %add3A_1630 {strides = array<i32>} : memref<2x35x361xf32, #tpu.memory_space<vmem>>, vector<16xf32>,
        %swap3A_1907 = arith.constant 1 : i32
        %swap3A_1908 = arith.constant 6 : i32
        %swap3A_1909 = arith.index_cast %swap3A_1907 : i32 to index
        %swap3A_1910 = arith.index_cast %swap3A_1908 : i32 to index
        %swap3A_1911 = arith.index_cast %mul3A_1451 : i32 to index
        %swap3A_1912 = tpu.vector_load %arg8[%swap3A_1909, %swap3A_1910, %swap3A_1911] {strides = array<i32>} : memref<2x35x361xf32, #tpu.memory_space<vmem>>, vector<16xf32>,
        tpu.vector_store %arg8[%swap3A_1909, %swap3A_1910, %swap3A_1911], %add3A_1631 {strides = array<i32>} : memref<2x35x361xf32, #tpu.memory_space<vmem>>, vector<16xf32>,
        %swap3A_1913 = arith.constant 1 : i32
        %swap3A_1914 = arith.constant 7 : i32
        %swap3A_1915 = arith.index_cast %swap3A_1913 : i32 to index
        %swap3A_1916 = arith.index_cast %swap3A_1914 : i32 to index
        %swap3A_1917 = arith.index_cast %mul3A_1451 : i32 to index
        %swap3A_1918 = tpu.vector_load %arg8[%swap3A_1915, %swap3A_1916, %swap3A_1917] {strides = array<i32>} : memref<2x35x361xf32, #tpu.memory_space<vmem>>, vector<16xf32>,
        tpu.vector_store %arg8[%swap3A_1915, %swap3A_1916, %swap3A_1917], %add3A_1648 {strides = array<i32>} : memref<2x35x361xf32, #tpu.memory_space<vmem>>, vector<16xf32>,
        %swap3A_1919 = arith.constant 1 : i32
        %swap3A_1920 = arith.constant 8 : i32
        %swap3A_1921 = arith.index_cast %swap3A_1919 : i32 to index
        %swap3A_1922 = arith.index_cast %swap3A_1920 : i32 to index
        %swap3A_1923 = arith.index_cast %mul3A_1451 : i32 to index
        %swap3A_1924 = tpu.vector_load %arg8[%swap3A_1921, %swap3A_1922, %swap3A_1923] {strides = array<i32>} : memref<2x35x361xf32, #tpu.memory_space<vmem>>, vector<16xf32>,
        tpu.vector_store %arg8[%swap3A_1921, %swap3A_1922, %swap3A_1923], %add3A_1649 {strides = array<i32>} : memref<2x35x361xf32, #tpu.memory_space<vmem>>, vector<16xf32>,
        %swap3A_1925 = arith.constant 1 : i32
        %swap3A_1926 = arith.constant 9 : i32
        %swap3A_1927 = arith.index_cast %swap3A_1925 : i32 to index
        %swap3A_1928 = arith.index_cast %swap3A_1926 : i32 to index
        %swap3A_1929 = arith.index_cast %mul3A_1451 : i32 to index
        %swap3A_1930 = tpu.vector_load %arg8[%swap3A_1927, %swap3A_1928, %swap3A_1929] {strides = array<i32>} : memref<2x35x361xf32, #tpu.memory_space<vmem>>, vector<16xf32>,
        tpu.vector_store %arg8[%swap3A_1927, %swap3A_1928, %swap3A_1929], %add3A_1666 {strides = array<i32>} : memref<2x35x361xf32, #tpu.memory_space<vmem>>, vector<16xf32>,
        %swap3A_1931 = arith.constant 1 : i32
        %swap3A_1932 = arith.constant 10 : i32
        %swap3A_1933 = arith.index_cast %swap3A_1931 : i32 to index
        %swap3A_1934 = arith.index_cast %swap3A_1932 : i32 to index
        %swap3A_1935 = arith.index_cast %mul3A_1451 : i32 to index
        %swap3A_1936 = tpu.vector_load %arg8[%swap3A_1933, %swap3A_1934, %swap3A_1935] {strides = array<i32>} : memref<2x35x361xf32, #tpu.memory_space<vmem>>, vector<16xf32>,
        tpu.vector_store %arg8[%swap3A_1933, %swap3A_1934, %swap3A_1935], %add3A_1667 {strides = array<i32>} : memref<2x35x361xf32, #tpu.memory_space<vmem>>, vector<16xf32>,
        %swap3A_1937 = arith.constant 1 : i32
        %swap3A_1938 = arith.constant 11 : i32
        %swap3A_1939 = arith.index_cast %swap3A_1937 : i32 to index
        %swap3A_1940 = arith.index_cast %swap3A_1938 : i32 to index
        %swap3A_1941 = arith.index_cast %mul3A_1451 : i32 to index
        %swap3A_1942 = tpu.vector_load %arg8[%swap3A_1939, %swap3A_1940, %swap3A_1941] {strides = array<i32>} : memref<2x35x361xf32, #tpu.memory_space<vmem>>, vector<16xf32>,
        tpu.vector_store %arg8[%swap3A_1939, %swap3A_1940, %swap3A_1941], %add3A_1684 {strides = array<i32>} : memref<2x35x361xf32, #tpu.memory_space<vmem>>, vector<16xf32>,
        %swap3A_1943 = arith.constant 1 : i32
        %swap3A_1944 = arith.constant 12 : i32
        %swap3A_1945 = arith.index_cast %swap3A_1943 : i32 to index
        %swap3A_1946 = arith.index_cast %swap3A_1944 : i32 to index
        %swap3A_1947 = arith.index_cast %mul3A_1451 : i32 to index
        %swap3A_1948 = tpu.vector_load %arg8[%swap3A_1945, %swap3A_1946, %swap3A_1947] {strides = array<i32>} : memref<2x35x361xf32, #tpu.memory_space<vmem>>, vector<16xf32>,
        tpu.vector_store %arg8[%swap3A_1945, %swap3A_1946, %swap3A_1947], %add3A_1685 {strides = array<i32>} : memref<2x35x361xf32, #tpu.memory_space<vmem>>, vector<16xf32>,
        %swap3A_1949 = arith.constant 1 : i32
        %swap3A_1950 = arith.constant 13 : i32
        %swap3A_1951 = arith.index_cast %swap3A_1949 : i32 to index
        %swap3A_1952 = arith.index_cast %swap3A_1950 : i32 to index
        %swap3A_1953 = arith.index_cast %mul3A_1451 : i32 to index
        %swap3A_1954 = tpu.vector_load %arg8[%swap3A_1951, %swap3A_1952, %swap3A_1953] {strides = array<i32>} : memref<2x35x361xf32, #tpu.memory_space<vmem>>, vector<16xf32>,
        tpu.vector_store %arg8[%swap3A_1951, %swap3A_1952, %swap3A_1953], %add3A_1702 {strides = array<i32>} : memref<2x35x361xf32, #tpu.memory_space<vmem>>, vector<16xf32>,
        %swap3A_1955 = arith.constant 1 : i32
        %swap3A_1956 = arith.constant 14 : i32
        %swap3A_1957 = arith.index_cast %swap3A_1955 : i32 to index
        %swap3A_1958 = arith.index_cast %swap3A_1956 : i32 to index
        %swap3A_1959 = arith.index_cast %mul3A_1451 : i32 to index
        %swap3A_1960 = tpu.vector_load %arg8[%swap3A_1957, %swap3A_1958, %swap3A_1959] {strides = array<i32>} : memref<2x35x361xf32, #tpu.memory_space<vmem>>, vector<16xf32>,
        tpu.vector_store %arg8[%swap3A_1957, %swap3A_1958, %swap3A_1959], %add3A_1703 {strides = array<i32>} : memref<2x35x361xf32, #tpu.memory_space<vmem>>, vector<16xf32>,
        %swap3A_1961 = arith.constant 1 : i32
        %swap3A_1962 = arith.constant 15 : i32
        %swap3A_1963 = arith.index_cast %swap3A_1961 : i32 to index
        %swap3A_1964 = arith.index_cast %swap3A_1962 : i32 to index
        %swap3A_1965 = arith.index_cast %mul3A_1451 : i32 to index
        %swap3A_1966 = tpu.vector_load %arg8[%swap3A_1963, %swap3A_1964, %swap3A_1965] {strides = array<i32>} : memref<2x35x361xf32, #tpu.memory_space<vmem>>, vector<16xf32>,
        tpu.vector_store %arg8[%swap3A_1963, %swap3A_1964, %swap3A_1965], %add3A_1720 {strides = array<i32>} : memref<2x35x361xf32, #tpu.memory_space<vmem>>, vector<16xf32>,
        %swap3A_1967 = arith.constant 1 : i32
        %swap3A_1968 = arith.constant 16 : i32
        %swap3A_1969 = arith.index_cast %swap3A_1967 : i32 to index
        %swap3A_1970 = arith.index_cast %swap3A_1968 : i32 to index
        %swap3A_1971 = arith.index_cast %mul3A_1451 : i32 to index
        %swap3A_1972 = tpu.vector_load %arg8[%swap3A_1969, %swap3A_1970, %swap3A_1971] {strides = array<i32>} : memref<2x35x361xf32, #tpu.memory_space<vmem>>, vector<16xf32>,
        tpu.vector_store %arg8[%swap3A_1969, %swap3A_1970, %swap3A_1971], %add3A_1721 {strides = array<i32>} : memref<2x35x361xf32, #tpu.memory_space<vmem>>, vector<16xf32>,
        %swap3A_1973 = arith.constant 1 : i32
        %swap3A_1974 = arith.constant 17 : i32
        %swap3A_1975 = arith.index_cast %swap3A_1973 : i32 to index
        %swap3A_1976 = arith.index_cast %swap3A_1974 : i32 to index
        %swap3A_1977 = arith.index_cast %mul3A_1451 : i32 to index
        %swap3A_1978 = tpu.vector_load %arg8[%swap3A_1975, %swap3A_1976, %swap3A_1977] {strides = array<i32>} : memref<2x35x361xf32, #tpu.memory_space<vmem>>, vector<16xf32>,
        tpu.vector_store %arg8[%swap3A_1975, %swap3A_1976, %swap3A_1977], %add3A_1738 {strides = array<i32>} : memref<2x35x361xf32, #tpu.memory_space<vmem>>, vector<16xf32>,
        %swap3A_1979 = arith.constant 1 : i32
        %swap3A_1980 = arith.constant 18 : i32
        %swap3A_1981 = arith.index_cast %swap3A_1979 : i32 to index
        %swap3A_1982 = arith.index_cast %swap3A_1980 : i32 to index
        %swap3A_1983 = arith.index_cast %mul3A_1451 : i32 to index
        %swap3A_1984 = tpu.vector_load %arg8[%swap3A_1981, %swap3A_1982, %swap3A_1983] {strides = array<i32>} : memref<2x35x361xf32, #tpu.memory_space<vmem>>, vector<16xf32>,
        tpu.vector_store %arg8[%swap3A_1981, %swap3A_1982, %swap3A_1983], %add3A_1739 {strides = array<i32>} : memref<2x35x361xf32, #tpu.memory_space<vmem>>, vector<16xf32>,
        %swap3A_1985 = arith.constant 1 : i32
        %swap3A_1986 = arith.constant 19 : i32
        %swap3A_1987 = arith.index_cast %swap3A_1985 : i32 to index
        %swap3A_1988 = arith.index_cast %swap3A_1986 : i32 to index
        %swap3A_1989 = arith.index_cast %mul3A_1451 : i32 to index
        %swap3A_1990 = tpu.vector_load %arg8[%swap3A_1987, %swap3A_1988, %swap3A_1989] {strides = array<i32>} : memref<2x35x361xf32, #tpu.memory_space<vmem>>, vector<16xf32>,
        tpu.vector_store %arg8[%swap3A_1987, %swap3A_1988, %swap3A_1989], %add3A_1756 {strides = array<i32>} : memref<2x35x361xf32, #tpu.memory_space<vmem>>, vector<16xf32>,
        %swap3A_1991 = arith.constant 1 : i32
        %swap3A_1992 = arith.constant 20 : i32
        %swap3A_1993 = arith.index_cast %swap3A_1991 : i32 to index
        %swap3A_1994 = arith.index_cast %swap3A_1992 : i32 to index
        %swap3A_1995 = arith.index_cast %mul3A_1451 : i32 to index
        %swap3A_1996 = tpu.vector_load %arg8[%swap3A_1993, %swap3A_1994, %swap3A_1995] {strides = array<i32>} : memref<2x35x361xf32, #tpu.memory_space<vmem>>, vector<16xf32>,
        tpu.vector_store %arg8[%swap3A_1993, %swap3A_1994, %swap3A_1995], %add3A_1757 {strides = array<i32>} : memref<2x35x361xf32, #tpu.memory_space<vmem>>, vector<16xf32>,
        %swap3A_1997 = arith.constant 1 : i32
        %swap3A_1998 = arith.constant 21 : i32
        %swap3A_1999 = arith.index_cast %swap3A_1997 : i32 to index
        %swap3A_2000 = arith.index_cast %swap3A_1998 : i32 to index
        %swap3A_2001 = arith.index_cast %mul3A_1451 : i32 to index
        %swap3A_2002 = tpu.vector_load %arg8[%swap3A_1999, %swap3A_2000, %swap3A_2001] {strides = array<i32>} : memref<2x35x361xf32, #tpu.memory_space<vmem>>, vector<16xf32>,
        tpu.vector_store %arg8[%swap3A_1999, %swap3A_2000, %swap3A_2001], %add3A_1774 {strides = array<i32>} : memref<2x35x361xf32, #tpu.memory_space<vmem>>, vector<16xf32>,
        %swap3A_2003 = arith.constant 1 : i32
        %swap3A_2004 = arith.constant 22 : i32
        %swap3A_2005 = arith.index_cast %swap3A_2003 : i32 to index
        %swap3A_2006 = arith.index_cast %swap3A_2004 : i32 to index
        %swap3A_2007 = arith.index_cast %mul3A_1451 : i32 to index
        %swap3A_2008 = tpu.vector_load %arg8[%swap3A_2005, %swap3A_2006, %swap3A_2007] {strides = array<i32>} : memref<2x35x361xf32, #tpu.memory_space<vmem>>, vector<16xf32>,
        tpu.vector_store %arg8[%swap3A_2005, %swap3A_2006, %swap3A_2007], %add3A_1775 {strides = array<i32>} : memref<2x35x361xf32, #tpu.memory_space<vmem>>, vector<16xf32>,
        %swap3A_2009 = arith.constant 1 : i32
        %swap3A_2010 = arith.constant 23 : i32
        %swap3A_2011 = arith.index_cast %swap3A_2009 : i32 to index
        %swap3A_2012 = arith.index_cast %swap3A_2010 : i32 to index
        %swap3A_2013 = arith.index_cast %mul3A_1451 : i32 to index
        %swap3A_2014 = tpu.vector_load %arg8[%swap3A_2011, %swap3A_2012, %swap3A_2013] {strides = array<i32>} : memref<2x35x361xf32, #tpu.memory_space<vmem>>, vector<16xf32>,
        tpu.vector_store %arg8[%swap3A_2011, %swap3A_2012, %swap3A_2013], %add3A_1792 {strides = array<i32>} : memref<2x35x361xf32, #tpu.memory_space<vmem>>, vector<16xf32>,
        %swap3A_2015 = arith.constant 1 : i32
        %swap3A_2016 = arith.constant 24 : i32
        %swap3A_2017 = arith.index_cast %swap3A_2015 : i32 to index
        %swap3A_2018 = arith.index_cast %swap3A_2016 : i32 to index
        %swap3A_2019 = arith.index_cast %mul3A_1451 : i32 to index
        %swap3A_2020 = tpu.vector_load %arg8[%swap3A_2017, %swap3A_2018, %swap3A_2019] {strides = array<i32>} : memref<2x35x361xf32, #tpu.memory_space<vmem>>, vector<16xf32>,
        tpu.vector_store %arg8[%swap3A_2017, %swap3A_2018, %swap3A_2019], %add3A_1793 {strides = array<i32>} : memref<2x35x361xf32, #tpu.memory_space<vmem>>, vector<16xf32>,
        %swap3A_2021 = arith.constant 1 : i32
        %swap3A_2022 = arith.constant 25 : i32
        %swap3A_2023 = arith.index_cast %swap3A_2021 : i32 to index
        %swap3A_2024 = arith.index_cast %swap3A_2022 : i32 to index
        %swap3A_2025 = arith.index_cast %mul3A_1451 : i32 to index
        %swap3A_2026 = tpu.vector_load %arg8[%swap3A_2023, %swap3A_2024, %swap3A_2025] {strides = array<i32>} : memref<2x35x361xf32, #tpu.memory_space<vmem>>, vector<16xf32>,
        tpu.vector_store %arg8[%swap3A_2023, %swap3A_2024, %swap3A_2025], %add3A_1810 {strides = array<i32>} : memref<2x35x361xf32, #tpu.memory_space<vmem>>, vector<16xf32>,
        %swap3A_2027 = arith.constant 1 : i32
        %swap3A_2028 = arith.constant 26 : i32
        %swap3A_2029 = arith.index_cast %swap3A_2027 : i32 to index
        %swap3A_2030 = arith.index_cast %swap3A_2028 : i32 to index
        %swap3A_2031 = arith.index_cast %mul3A_1451 : i32 to index
        %swap3A_2032 = tpu.vector_load %arg8[%swap3A_2029, %swap3A_2030, %swap3A_2031] {strides = array<i32>} : memref<2x35x361xf32, #tpu.memory_space<vmem>>, vector<16xf32>,
        tpu.vector_store %arg8[%swap3A_2029, %swap3A_2030, %swap3A_2031], %add3A_1811 {strides = array<i32>} : memref<2x35x361xf32, #tpu.memory_space<vmem>>, vector<16xf32>,
        %swap3A_2033 = arith.constant 1 : i32
        %swap3A_2034 = arith.constant 27 : i32
        %swap3A_2035 = arith.index_cast %swap3A_2033 : i32 to index
        %swap3A_2036 = arith.index_cast %swap3A_2034 : i32 to index
        %swap3A_2037 = arith.index_cast %mul3A_1451 : i32 to index
        %swap3A_2038 = tpu.vector_load %arg8[%swap3A_2035, %swap3A_2036, %swap3A_2037] {strides = array<i32>} : memref<2x35x361xf32, #tpu.memory_space<vmem>>, vector<16xf32>,
        tpu.vector_store %arg8[%swap3A_2035, %swap3A_2036, %swap3A_2037], %add3A_1828 {strides = array<i32>} : memref<2x35x361xf32, #tpu.memory_space<vmem>>, vector<16xf32>,
        %swap3A_2039 = arith.constant 1 : i32
        %swap3A_2040 = arith.constant 28 : i32
        %swap3A_2041 = arith.index_cast %swap3A_2039 : i32 to index
        %swap3A_2042 = arith.index_cast %swap3A_2040 : i32 to index
        %swap3A_2043 = arith.index_cast %mul3A_1451 : i32 to index
        %swap3A_2044 = tpu.vector_load %arg8[%swap3A_2041, %swap3A_2042, %swap3A_2043] {strides = array<i32>} : memref<2x35x361xf32, #tpu.memory_space<vmem>>, vector<16xf32>,
        tpu.vector_store %arg8[%swap3A_2041, %swap3A_2042, %swap3A_2043], %add3A_1829 {strides = array<i32>} : memref<2x35x361xf32, #tpu.memory_space<vmem>>, vector<16xf32>,
        %swap3A_2045 = arith.constant 1 : i32
        %swap3A_2046 = arith.constant 29 : i32
        %swap3A_2047 = arith.index_cast %swap3A_2045 : i32 to index
        %swap3A_2048 = arith.index_cast %swap3A_2046 : i32 to index
        %swap3A_2049 = arith.index_cast %mul3A_1451 : i32 to index
        %swap3A_2050 = tpu.vector_load %arg8[%swap3A_2047, %swap3A_2048, %swap3A_2049] {strides = array<i32>} : memref<2x35x361xf32, #tpu.memory_space<vmem>>, vector<16xf32>,
        tpu.vector_store %arg8[%swap3A_2047, %swap3A_2048, %swap3A_2049], %add3A_1846 {strides = array<i32>} : memref<2x35x361xf32, #tpu.memory_space<vmem>>, vector<16xf32>,
        %swap3A_2051 = arith.constant 1 : i32
        %swap3A_2052 = arith.constant 30 : i32
        %swap3A_2053 = arith.index_cast %swap3A_2051 : i32 to index
        %swap3A_2054 = arith.index_cast %swap3A_2052 : i32 to index
        %swap3A_2055 = arith.index_cast %mul3A_1451 : i32 to index
        %swap3A_2056 = tpu.vector_load %arg8[%swap3A_2053, %swap3A_2054, %swap3A_2055] {strides = array<i32>} : memref<2x35x361xf32, #tpu.memory_space<vmem>>, vector<16xf32>,
        tpu.vector_store %arg8[%swap3A_2053, %swap3A_2054, %swap3A_2055], %add3A_1847 {strides = array<i32>} : memref<2x35x361xf32, #tpu.memory_space<vmem>>, vector<16xf32>,
        %swap3A_2057 = arith.constant 1 : i32
        %swap3A_2058 = arith.constant 31 : i32
        %swap3A_2059 = arith.index_cast %swap3A_2057 : i32 to index
        %swap3A_2060 = arith.index_cast %swap3A_2058 : i32 to index
        %swap3A_2061 = arith.index_cast %mul3A_1451 : i32 to index
        %swap3A_2062 = tpu.vector_load %arg8[%swap3A_2059, %swap3A_2060, %swap3A_2061] {strides = array<i32>} : memref<2x35x361xf32, #tpu.memory_space<vmem>>, vector<16xf32>,
        tpu.vector_store %arg8[%swap3A_2059, %swap3A_2060, %swap3A_2061], %add3A_1864 {strides = array<i32>} : memref<2x35x361xf32, #tpu.memory_space<vmem>>, vector<16xf32>,
        %swap3A_2063 = arith.constant 1 : i32
        %swap3A_2064 = arith.constant 32 : i32
        %swap3A_2065 = arith.index_cast %swap3A_2063 : i32 to index
        %swap3A_2066 = arith.index_cast %swap3A_2064 : i32 to index
        %swap3A_2067 = arith.index_cast %mul3A_1451 : i32 to index
        %swap3A_2068 = tpu.vector_load %arg8[%swap3A_2065, %swap3A_2066, %swap3A_2067] {strides = array<i32>} : memref<2x35x361xf32, #tpu.memory_space<vmem>>, vector<16xf32>,
        tpu.vector_store %arg8[%swap3A_2065, %swap3A_2066, %swap3A_2067], %add3A_1865 {strides = array<i32>} : memref<2x35x361xf32, #tpu.memory_space<vmem>>, vector<16xf32>,
        %swap3A_2069 = arith.constant 1 : i32
        %swap3A_2070 = arith.constant 33 : i32
        %swap3A_2071 = arith.index_cast %swap3A_2069 : i32 to index
        %swap3A_2072 = arith.index_cast %swap3A_2070 : i32 to index
        %swap3A_2073 = arith.index_cast %mul3A_1451 : i32 to index
        %swap3A_2074 = tpu.vector_load %arg8[%swap3A_2071, %swap3A_2072, %swap3A_2073] {strides = array<i32>} : memref<2x35x361xf32, #tpu.memory_space<vmem>>, vector<16xf32>,
        tpu.vector_store %arg8[%swap3A_2071, %swap3A_2072, %swap3A_2073], %add3A_1882 {strides = array<i32>} : memref<2x35x361xf32, #tpu.memory_space<vmem>>, vector<16xf32>,
        %swap3A_2075 = arith.constant 1 : i32
        %swap3A_2076 = arith.constant 34 : i32
        %swap3A_2077 = arith.index_cast %swap3A_2075 : i32 to index
        %swap3A_2078 = arith.index_cast %swap3A_2076 : i32 to index
        %swap3A_2079 = arith.index_cast %mul3A_1451 : i32 to index
        %swap3A_2080 = tpu.vector_load %arg8[%swap3A_2077, %swap3A_2078, %swap3A_2079] {strides = array<i32>} : memref<2x35x361xf32, #tpu.memory_space<vmem>>, vector<16xf32>,
        tpu.vector_store %arg8[%swap3A_2077, %swap3A_2078, %swap3A_2079], %add3A_1883 {strides = array<i32>} : memref<2x35x361xf32, #tpu.memory_space<vmem>>, vector<16xf32>,
        %mul3A_2081 = arith.constant 32 : i32
        %mul3A_2082 = arith.muli %scan3A_1449, %mul3A_2081 : i32
        %add3A_2083 = arith.constant 16 : i32
        %add3A_2084 = arith.addi %mul3A_2082, %add3A_2083 : i32
        %get3A_2085 = arith.index_cast %add3A_741 : i32 to index
        %get3A_2086 = arith.index_cast %add3A_2084 : i32 to index
        %get3A_2087 = tpu.vector_load %arg9[%get3A_2085, %get3A_2086] {strides = array<i32>} : memref<64x361xi32, #tpu.memory_space<vmem>>, vector<16xi32>,
        %get3A_2088 = arith.index_cast %add3A_741 : i32 to index
        %get3A_2089 = arith.index_cast %add3A_2084 : i32 to index
        %get3A_2090 = tpu.vector_load %arg10[%get3A_2088, %get3A_2089] {strides = array<i32>} : memref<64x361xi32, #tpu.memory_space<vmem>>, vector<16xi32>,
        %ne3A_2091 = arith.constant 0 : i32
        %ne3A_2092 = vector.broadcast %ne3A_2091 : i32 to vector<16xi32>
        %ne3A_2093 = arith.cmpi ne, %get3A_2090, %ne3A_2092 : vector<16xi32>
        %and3A_2094 = vector.broadcast %scan3A_2 : i32 to vector<16xi32>
        %and3A_2095 = arith.andi %get3A_2087, %and3A_2094 : vector<16xi32>
        %select_n3A_2096 = arith.select %ne3A_2093, %broadcast_in_dim3A_1, %and3A_2095 : vector<16xi1>, vector<16xi32>
        %shift_right_logical3A_2097 = arith.constant 16 : i32
        %shift_right_logical3A_2098 = vector.broadcast %shift_right_logical3A_2097 : i32 to vector<16xi32>
        %shift_right_logical3A_2099 = arith.shrui %get3A_2087, %shift_right_logical3A_2098 : vector<16xi32>
        %select_n3A_2100 = arith.select %ne3A_2093, %broadcast_in_dim3A_1, %shift_right_logical3A_2099 : vector<16xi1>, vector<16xi32>
        %add3A_2101 = arith.constant 0 : i32
        %add3A_2102 = vector.broadcast %add3A_2101 : i32 to vector<16xi32>
        %add3A_2103 = arith.addi %select_n3A_2096, %add3A_2102 : vector<16xi32>
        %gather3A_2104 = tpu.vector_load_idx %arg7[%add3A_2103] : memref<38096xi32, #tpu.memory_space<vmem>>[vector<16xi32>], vector<16xi32>,
        %add3A_2105 = arith.constant 0 : i32
        %add3A_2106 = vector.broadcast %add3A_2105 : i32 to vector<16xi32>
        %add3A_2107 = arith.addi %select_n3A_2100, %add3A_2106 : vector<16xi32>
        %gather3A_2108 = tpu.vector_load_idx %arg7[%add3A_2107] : memref<38096xi32, #tpu.memory_space<vmem>>[vector<16xi32>], vector<16xi32>,
        %add3A_2109 = arith.constant 2381 : i32
        %add3A_2110 = vector.broadcast %add3A_2109 : i32 to vector<16xi32>
        %add3A_2111 = arith.addi %select_n3A_2096, %add3A_2110 : vector<16xi32>
        %gather3A_2112 = tpu.vector_load_idx %arg7[%add3A_2111] : memref<38096xi32, #tpu.memory_space<vmem>>[vector<16xi32>], vector<16xi32>,
        %add3A_2113 = arith.constant 2381 : i32
        %add3A_2114 = vector.broadcast %add3A_2113 : i32 to vector<16xi32>
        %add3A_2115 = arith.addi %select_n3A_2100, %add3A_2114 : vector<16xi32>
        %gather3A_2116 = tpu.vector_load_idx %arg7[%add3A_2115] : memref<38096xi32, #tpu.memory_space<vmem>>[vector<16xi32>], vector<16xi32>,
        %add3A_2117 = arith.constant 4762 : i32
        %add3A_2118 = vector.broadcast %add3A_2117 : i32 to vector<16xi32>
        %add3A_2119 = arith.addi %select_n3A_2096, %add3A_2118 : vector<16xi32>
        %gather3A_2120 = tpu.vector_load_idx %arg7[%add3A_2119] : memref<38096xi32, #tpu.memory_space<vmem>>[vector<16xi32>], vector<16xi32>,
        %add3A_2121 = arith.constant 4762 : i32
        %add3A_2122 = vector.broadcast %add3A_2121 : i32 to vector<16xi32>
        %add3A_2123 = arith.addi %select_n3A_2100, %add3A_2122 : vector<16xi32>
        %gather3A_2124 = tpu.vector_load_idx %arg7[%add3A_2123] : memref<38096xi32, #tpu.memory_space<vmem>>[vector<16xi32>], vector<16xi32>,
        %add3A_2125 = arith.constant 7143 : i32
        %add3A_2126 = vector.broadcast %add3A_2125 : i32 to vector<16xi32>
        %add3A_2127 = arith.addi %select_n3A_2096, %add3A_2126 : vector<16xi32>
        %gather3A_2128 = tpu.vector_load_idx %arg7[%add3A_2127] : memref<38096xi32, #tpu.memory_space<vmem>>[vector<16xi32>], vector<16xi32>,
        %add3A_2129 = arith.constant 7143 : i32
        %add3A_2130 = vector.broadcast %add3A_2129 : i32 to vector<16xi32>
        %add3A_2131 = arith.addi %select_n3A_2100, %add3A_2130 : vector<16xi32>
        %gather3A_2132 = tpu.vector_load_idx %arg7[%add3A_2131] : memref<38096xi32, #tpu.memory_space<vmem>>[vector<16xi32>], vector<16xi32>,
        %add3A_2133 = arith.constant 9524 : i32
        %add3A_2134 = vector.broadcast %add3A_2133 : i32 to vector<16xi32>
        %add3A_2135 = arith.addi %select_n3A_2096, %add3A_2134 : vector<16xi32>
        %gather3A_2136 = tpu.vector_load_idx %arg7[%add3A_2135] : memref<38096xi32, #tpu.memory_space<vmem>>[vector<16xi32>], vector<16xi32>,
        %add3A_2137 = arith.constant 9524 : i32
        %add3A_2138 = vector.broadcast %add3A_2137 : i32 to vector<16xi32>
        %add3A_2139 = arith.addi %select_n3A_2100, %add3A_2138 : vector<16xi32>
        %gather3A_2140 = tpu.vector_load_idx %arg7[%add3A_2139] : memref<38096xi32, #tpu.memory_space<vmem>>[vector<16xi32>], vector<16xi32>,
        %add3A_2141 = arith.constant 11905 : i32
        %add3A_2142 = vector.broadcast %add3A_2141 : i32 to vector<16xi32>
        %add3A_2143 = arith.addi %select_n3A_2096, %add3A_2142 : vector<16xi32>
        %gather3A_2144 = tpu.vector_load_idx %arg7[%add3A_2143] : memref<38096xi32, #tpu.memory_space<vmem>>[vector<16xi32>], vector<16xi32>,
        %add3A_2145 = arith.constant 11905 : i32
        %add3A_2146 = vector.broadcast %add3A_2145 : i32 to vector<16xi32>
        %add3A_2147 = arith.addi %select_n3A_2100, %add3A_2146 : vector<16xi32>
        %gather3A_2148 = tpu.vector_load_idx %arg7[%add3A_2147] : memref<38096xi32, #tpu.memory_space<vmem>>[vector<16xi32>], vector<16xi32>,
        %add3A_2149 = arith.constant 14286 : i32
        %add3A_2150 = vector.broadcast %add3A_2149 : i32 to vector<16xi32>
        %add3A_2151 = arith.addi %select_n3A_2096, %add3A_2150 : vector<16xi32>
        %gather3A_2152 = tpu.vector_load_idx %arg7[%add3A_2151] : memref<38096xi32, #tpu.memory_space<vmem>>[vector<16xi32>], vector<16xi32>,
        %add3A_2153 = arith.constant 14286 : i32
        %add3A_2154 = vector.broadcast %add3A_2153 : i32 to vector<16xi32>
        %add3A_2155 = arith.addi %select_n3A_2100, %add3A_2154 : vector<16xi32>
        %gather3A_2156 = tpu.vector_load_idx %arg7[%add3A_2155] : memref<38096xi32, #tpu.memory_space<vmem>>[vector<16xi32>], vector<16xi32>,
        %add3A_2157 = arith.constant 16667 : i32
        %add3A_2158 = vector.broadcast %add3A_2157 : i32 to vector<16xi32>
        %add3A_2159 = arith.addi %select_n3A_2096, %add3A_2158 : vector<16xi32>
        %gather3A_2160 = tpu.vector_load_idx %arg7[%add3A_2159] : memref<38096xi32, #tpu.memory_space<vmem>>[vector<16xi32>], vector<16xi32>,
        %add3A_2161 = arith.constant 16667 : i32
        %add3A_2162 = vector.broadcast %add3A_2161 : i32 to vector<16xi32>
        %add3A_2163 = arith.addi %select_n3A_2100, %add3A_2162 : vector<16xi32>
        %gather3A_2164 = tpu.vector_load_idx %arg7[%add3A_2163] : memref<38096xi32, #tpu.memory_space<vmem>>[vector<16xi32>], vector<16xi32>,
        %add3A_2165 = arith.constant 19048 : i32
        %add3A_2166 = vector.broadcast %add3A_2165 : i32 to vector<16xi32>
        %add3A_2167 = arith.addi %select_n3A_2096, %add3A_2166 : vector<16xi32>
        %gather3A_2168 = tpu.vector_load_idx %arg7[%add3A_2167] : memref<38096xi32, #tpu.memory_space<vmem>>[vector<16xi32>], vector<16xi32>,
        %add3A_2169 = arith.constant 19048 : i32
        %add3A_2170 = vector.broadcast %add3A_2169 : i32 to vector<16xi32>
        %add3A_2171 = arith.addi %select_n3A_2100, %add3A_2170 : vector<16xi32>
        %gather3A_2172 = tpu.vector_load_idx %arg7[%add3A_2171] : memref<38096xi32, #tpu.memory_space<vmem>>[vector<16xi32>], vector<16xi32>,
        %add3A_2173 = arith.constant 21429 : i32
        %add3A_2174 = vector.broadcast %add3A_2173 : i32 to vector<16xi32>
        %add3A_2175 = arith.addi %select_n3A_2096, %add3A_2174 : vector<16xi32>
        %gather3A_2176 = tpu.vector_load_idx %arg7[%add3A_2175] : memref<38096xi32, #tpu.memory_space<vmem>>[vector<16xi32>], vector<16xi32>,
        %add3A_2177 = arith.constant 21429 : i32
        %add3A_2178 = vector.broadcast %add3A_2177 : i32 to vector<16xi32>
        %add3A_2179 = arith.addi %select_n3A_2100, %add3A_2178 : vector<16xi32>
        %gather3A_2180 = tpu.vector_load_idx %arg7[%add3A_2179] : memref<38096xi32, #tpu.memory_space<vmem>>[vector<16xi32>], vector<16xi32>,
        %add3A_2181 = arith.constant 23810 : i32
        %add3A_2182 = vector.broadcast %add3A_2181 : i32 to vector<16xi32>
        %add3A_2183 = arith.addi %select_n3A_2096, %add3A_2182 : vector<16xi32>
        %gather3A_2184 = tpu.vector_load_idx %arg7[%add3A_2183] : memref<38096xi32, #tpu.memory_space<vmem>>[vector<16xi32>], vector<16xi32>,
        %add3A_2185 = arith.constant 23810 : i32
        %add3A_2186 = vector.broadcast %add3A_2185 : i32 to vector<16xi32>
        %add3A_2187 = arith.addi %select_n3A_2100, %add3A_2186 : vector<16xi32>
        %gather3A_2188 = tpu.vector_load_idx %arg7[%add3A_2187] : memref<38096xi32, #tpu.memory_space<vmem>>[vector<16xi32>], vector<16xi32>,
        %add3A_2189 = arith.constant 26191 : i32
        %add3A_2190 = vector.broadcast %add3A_2189 : i32 to vector<16xi32>
        %add3A_2191 = arith.addi %select_n3A_2096, %add3A_2190 : vector<16xi32>
        %gather3A_2192 = tpu.vector_load_idx %arg7[%add3A_2191] : memref<38096xi32, #tpu.memory_space<vmem>>[vector<16xi32>], vector<16xi32>,
        %add3A_2193 = arith.constant 26191 : i32
        %add3A_2194 = vector.broadcast %add3A_2193 : i32 to vector<16xi32>
        %add3A_2195 = arith.addi %select_n3A_2100, %add3A_2194 : vector<16xi32>
        %gather3A_2196 = tpu.vector_load_idx %arg7[%add3A_2195] : memref<38096xi32, #tpu.memory_space<vmem>>[vector<16xi32>], vector<16xi32>,
        %add3A_2197 = arith.constant 28572 : i32
        %add3A_2198 = vector.broadcast %add3A_2197 : i32 to vector<16xi32>
        %add3A_2199 = arith.addi %select_n3A_2096, %add3A_2198 : vector<16xi32>
        %gather3A_2200 = tpu.vector_load_idx %arg7[%add3A_2199] : memref<38096xi32, #tpu.memory_space<vmem>>[vector<16xi32>], vector<16xi32>,
        %add3A_2201 = arith.constant 28572 : i32
        %add3A_2202 = vector.broadcast %add3A_2201 : i32 to vector<16xi32>
        %add3A_2203 = arith.addi %select_n3A_2100, %add3A_2202 : vector<16xi32>
        %gather3A_2204 = tpu.vector_load_idx %arg7[%add3A_2203] : memref<38096xi32, #tpu.memory_space<vmem>>[vector<16xi32>], vector<16xi32>,
        %add3A_2205 = arith.constant 30953 : i32
        %add3A_2206 = vector.broadcast %add3A_2205 : i32 to vector<16xi32>
        %add3A_2207 = arith.addi %select_n3A_2096, %add3A_2206 : vector<16xi32>
        %gather3A_2208 = tpu.vector_load_idx %arg7[%add3A_2207] : memref<38096xi32, #tpu.memory_space<vmem>>[vector<16xi32>], vector<16xi32>,
        %add3A_2209 = arith.constant 30953 : i32
        %add3A_2210 = vector.broadcast %add3A_2209 : i32 to vector<16xi32>
        %add3A_2211 = arith.addi %select_n3A_2100, %add3A_2210 : vector<16xi32>
        %gather3A_2212 = tpu.vector_load_idx %arg7[%add3A_2211] : memref<38096xi32, #tpu.memory_space<vmem>>[vector<16xi32>], vector<16xi32>,
        %add3A_2213 = arith.constant 33334 : i32
        %add3A_2214 = vector.broadcast %add3A_2213 : i32 to vector<16xi32>
        %add3A_2215 = arith.addi %select_n3A_2096, %add3A_2214 : vector<16xi32>
        %gather3A_2216 = tpu.vector_load_idx %arg7[%add3A_2215] : memref<38096xi32, #tpu.memory_space<vmem>>[vector<16xi32>], vector<16xi32>,
        %add3A_2217 = arith.constant 33334 : i32
        %add3A_2218 = vector.broadcast %add3A_2217 : i32 to vector<16xi32>
        %add3A_2219 = arith.addi %select_n3A_2100, %add3A_2218 : vector<16xi32>
        %gather3A_2220 = tpu.vector_load_idx %arg7[%add3A_2219] : memref<38096xi32, #tpu.memory_space<vmem>>[vector<16xi32>], vector<16xi32>,
        %add3A_2221 = arith.constant 35715 : i32
        %add3A_2222 = vector.broadcast %add3A_2221 : i32 to vector<16xi32>
        %add3A_2223 = arith.addi %select_n3A_2096, %add3A_2222 : vector<16xi32>
        %gather3A_2224 = tpu.vector_load_idx %arg7[%add3A_2223] : memref<38096xi32, #tpu.memory_space<vmem>>[vector<16xi32>], vector<16xi32>,
        %add3A_2225 = arith.constant 35715 : i32
        %add3A_2226 = vector.broadcast %add3A_2225 : i32 to vector<16xi32>
        %add3A_2227 = arith.addi %select_n3A_2100, %add3A_2226 : vector<16xi32>
        %gather3A_2228 = tpu.vector_load_idx %arg7[%add3A_2227] : memref<38096xi32, #tpu.memory_space<vmem>>[vector<16xi32>], vector<16xi32>,
        %shift_left3A_2229 = arith.constant 16 : i32
        %shift_left3A_2230 = vector.broadcast %shift_left3A_2229 : i32 to vector<16xi32>
        %shift_left3A_2231 = arith.shli %gather3A_2104, %shift_left3A_2230 : vector<16xi32>
        %bitcast3A_2232 = vector.bitcast %shift_left3A_2231 : vector<16xi32> to vector<16xf32>
        %and3A_2233 = arith.constant -65536 : i32
        %and3A_2234 = vector.broadcast %and3A_2233 : i32 to vector<16xi32>
        %and3A_2235 = arith.andi %gather3A_2104, %and3A_2234 : vector<16xi32>
        %bitcast3A_2236 = vector.bitcast %and3A_2235 : vector<16xi32> to vector<16xf32>
        %shift_left3A_2237 = arith.constant 16 : i32
        %shift_left3A_2238 = vector.broadcast %shift_left3A_2237 : i32 to vector<16xi32>
        %shift_left3A_2239 = arith.shli %gather3A_2108, %shift_left3A_2238 : vector<16xi32>
        %bitcast3A_2240 = vector.bitcast %shift_left3A_2239 : vector<16xi32> to vector<16xf32>
        %and3A_2241 = arith.constant -65536 : i32
        %and3A_2242 = vector.broadcast %and3A_2241 : i32 to vector<16xi32>
        %and3A_2243 = arith.andi %gather3A_2108, %and3A_2242 : vector<16xi32>
        %bitcast3A_2244 = vector.bitcast %and3A_2243 : vector<16xi32> to vector<16xf32>
        %add3A_2245 = arith.addf %bitcast3A_2232, %bitcast3A_2240 : vector<16xf32>
        %add3A_2246 = arith.addf %bitcast3A_2236, %bitcast3A_2244 : vector<16xf32>
        %shift_left3A_2247 = arith.constant 16 : i32
        %shift_left3A_2248 = vector.broadcast %shift_left3A_2247 : i32 to vector<16xi32>
        %shift_left3A_2249 = arith.shli %gather3A_2112, %shift_left3A_2248 : vector<16xi32>
        %bitcast3A_2250 = vector.bitcast %shift_left3A_2249 : vector<16xi32> to vector<16xf32>
        %and3A_2251 = arith.constant -65536 : i32
        %and3A_2252 = vector.broadcast %and3A_2251 : i32 to vector<16xi32>
        %and3A_2253 = arith.andi %gather3A_2112, %and3A_2252 : vector<16xi32>
        %bitcast3A_2254 = vector.bitcast %and3A_2253 : vector<16xi32> to vector<16xf32>
        %shift_left3A_2255 = arith.constant 16 : i32
        %shift_left3A_2256 = vector.broadcast %shift_left3A_2255 : i32 to vector<16xi32>
        %shift_left3A_2257 = arith.shli %gather3A_2116, %shift_left3A_2256 : vector<16xi32>
        %bitcast3A_2258 = vector.bitcast %shift_left3A_2257 : vector<16xi32> to vector<16xf32>
        %and3A_2259 = arith.constant -65536 : i32
        %and3A_2260 = vector.broadcast %and3A_2259 : i32 to vector<16xi32>
        %and3A_2261 = arith.andi %gather3A_2116, %and3A_2260 : vector<16xi32>
        %bitcast3A_2262 = vector.bitcast %and3A_2261 : vector<16xi32> to vector<16xf32>
        %add3A_2263 = arith.addf %bitcast3A_2250, %bitcast3A_2258 : vector<16xf32>
        %add3A_2264 = arith.addf %bitcast3A_2254, %bitcast3A_2262 : vector<16xf32>
        %shift_left3A_2265 = arith.constant 16 : i32
        %shift_left3A_2266 = vector.broadcast %shift_left3A_2265 : i32 to vector<16xi32>
        %shift_left3A_2267 = arith.shli %gather3A_2120, %shift_left3A_2266 : vector<16xi32>
        %bitcast3A_2268 = vector.bitcast %shift_left3A_2267 : vector<16xi32> to vector<16xf32>
        %and3A_2269 = arith.constant -65536 : i32
        %and3A_2270 = vector.broadcast %and3A_2269 : i32 to vector<16xi32>
        %and3A_2271 = arith.andi %gather3A_2120, %and3A_2270 : vector<16xi32>
        %bitcast3A_2272 = vector.bitcast %and3A_2271 : vector<16xi32> to vector<16xf32>
        %shift_left3A_2273 = arith.constant 16 : i32
        %shift_left3A_2274 = vector.broadcast %shift_left3A_2273 : i32 to vector<16xi32>
        %shift_left3A_2275 = arith.shli %gather3A_2124, %shift_left3A_2274 : vector<16xi32>
        %bitcast3A_2276 = vector.bitcast %shift_left3A_2275 : vector<16xi32> to vector<16xf32>
        %and3A_2277 = arith.constant -65536 : i32
        %and3A_2278 = vector.broadcast %and3A_2277 : i32 to vector<16xi32>
        %and3A_2279 = arith.andi %gather3A_2124, %and3A_2278 : vector<16xi32>
        %bitcast3A_2280 = vector.bitcast %and3A_2279 : vector<16xi32> to vector<16xf32>
        %add3A_2281 = arith.addf %bitcast3A_2268, %bitcast3A_2276 : vector<16xf32>
        %add3A_2282 = arith.addf %bitcast3A_2272, %bitcast3A_2280 : vector<16xf32>
        %shift_left3A_2283 = arith.constant 16 : i32
        %shift_left3A_2284 = vector.broadcast %shift_left3A_2283 : i32 to vector<16xi32>
        %shift_left3A_2285 = arith.shli %gather3A_2128, %shift_left3A_2284 : vector<16xi32>
        %bitcast3A_2286 = vector.bitcast %shift_left3A_2285 : vector<16xi32> to vector<16xf32>
        %and3A_2287 = arith.constant -65536 : i32
        %and3A_2288 = vector.broadcast %and3A_2287 : i32 to vector<16xi32>
        %and3A_2289 = arith.andi %gather3A_2128, %and3A_2288 : vector<16xi32>
        %bitcast3A_2290 = vector.bitcast %and3A_2289 : vector<16xi32> to vector<16xf32>
        %shift_left3A_2291 = arith.constant 16 : i32
        %shift_left3A_2292 = vector.broadcast %shift_left3A_2291 : i32 to vector<16xi32>
        %shift_left3A_2293 = arith.shli %gather3A_2132, %shift_left3A_2292 : vector<16xi32>
        %bitcast3A_2294 = vector.bitcast %shift_left3A_2293 : vector<16xi32> to vector<16xf32>
        %and3A_2295 = arith.constant -65536 : i32
        %and3A_2296 = vector.broadcast %and3A_2295 : i32 to vector<16xi32>
        %and3A_2297 = arith.andi %gather3A_2132, %and3A_2296 : vector<16xi32>
        %bitcast3A_2298 = vector.bitcast %and3A_2297 : vector<16xi32> to vector<16xf32>
        %add3A_2299 = arith.addf %bitcast3A_2286, %bitcast3A_2294 : vector<16xf32>
        %add3A_2300 = arith.addf %bitcast3A_2290, %bitcast3A_2298 : vector<16xf32>
        %shift_left3A_2301 = arith.constant 16 : i32
        %shift_left3A_2302 = vector.broadcast %shift_left3A_2301 : i32 to vector<16xi32>
        %shift_left3A_2303 = arith.shli %gather3A_2136, %shift_left3A_2302 : vector<16xi32>
        %bitcast3A_2304 = vector.bitcast %shift_left3A_2303 : vector<16xi32> to vector<16xf32>
        %and3A_2305 = arith.constant -65536 : i32
        %and3A_2306 = vector.broadcast %and3A_2305 : i32 to vector<16xi32>
        %and3A_2307 = arith.andi %gather3A_2136, %and3A_2306 : vector<16xi32>
        %bitcast3A_2308 = vector.bitcast %and3A_2307 : vector<16xi32> to vector<16xf32>
        %shift_left3A_2309 = arith.constant 16 : i32
        %shift_left3A_2310 = vector.broadcast %shift_left3A_2309 : i32 to vector<16xi32>
        %shift_left3A_2311 = arith.shli %gather3A_2140, %shift_left3A_2310 : vector<16xi32>
        %bitcast3A_2312 = vector.bitcast %shift_left3A_2311 : vector<16xi32> to vector<16xf32>
        %and3A_2313 = arith.constant -65536 : i32
        %and3A_2314 = vector.broadcast %and3A_2313 : i32 to vector<16xi32>
        %and3A_2315 = arith.andi %gather3A_2140, %and3A_2314 : vector<16xi32>
        %bitcast3A_2316 = vector.bitcast %and3A_2315 : vector<16xi32> to vector<16xf32>
        %add3A_2317 = arith.addf %bitcast3A_2304, %bitcast3A_2312 : vector<16xf32>
        %add3A_2318 = arith.addf %bitcast3A_2308, %bitcast3A_2316 : vector<16xf32>
        %shift_left3A_2319 = arith.constant 16 : i32
        %shift_left3A_2320 = vector.broadcast %shift_left3A_2319 : i32 to vector<16xi32>
        %shift_left3A_2321 = arith.shli %gather3A_2144, %shift_left3A_2320 : vector<16xi32>
        %bitcast3A_2322 = vector.bitcast %shift_left3A_2321 : vector<16xi32> to vector<16xf32>
        %and3A_2323 = arith.constant -65536 : i32
        %and3A_2324 = vector.broadcast %and3A_2323 : i32 to vector<16xi32>
        %and3A_2325 = arith.andi %gather3A_2144, %and3A_2324 : vector<16xi32>
        %bitcast3A_2326 = vector.bitcast %and3A_2325 : vector<16xi32> to vector<16xf32>
        %shift_left3A_2327 = arith.constant 16 : i32
        %shift_left3A_2328 = vector.broadcast %shift_left3A_2327 : i32 to vector<16xi32>
        %shift_left3A_2329 = arith.shli %gather3A_2148, %shift_left3A_2328 : vector<16xi32>
        %bitcast3A_2330 = vector.bitcast %shift_left3A_2329 : vector<16xi32> to vector<16xf32>
        %and3A_2331 = arith.constant -65536 : i32
        %and3A_2332 = vector.broadcast %and3A_2331 : i32 to vector<16xi32>
        %and3A_2333 = arith.andi %gather3A_2148, %and3A_2332 : vector<16xi32>
        %bitcast3A_2334 = vector.bitcast %and3A_2333 : vector<16xi32> to vector<16xf32>
        %add3A_2335 = arith.addf %bitcast3A_2322, %bitcast3A_2330 : vector<16xf32>
        %add3A_2336 = arith.addf %bitcast3A_2326, %bitcast3A_2334 : vector<16xf32>
        %shift_left3A_2337 = arith.constant 16 : i32
        %shift_left3A_2338 = vector.broadcast %shift_left3A_2337 : i32 to vector<16xi32>
        %shift_left3A_2339 = arith.shli %gather3A_2152, %shift_left3A_2338 : vector<16xi32>
        %bitcast3A_2340 = vector.bitcast %shift_left3A_2339 : vector<16xi32> to vector<16xf32>
        %and3A_2341 = arith.constant -65536 : i32
        %and3A_2342 = vector.broadcast %and3A_2341 : i32 to vector<16xi32>
        %and3A_2343 = arith.andi %gather3A_2152, %and3A_2342 : vector<16xi32>
        %bitcast3A_2344 = vector.bitcast %and3A_2343 : vector<16xi32> to vector<16xf32>
        %shift_left3A_2345 = arith.constant 16 : i32
        %shift_left3A_2346 = vector.broadcast %shift_left3A_2345 : i32 to vector<16xi32>
        %shift_left3A_2347 = arith.shli %gather3A_2156, %shift_left3A_2346 : vector<16xi32>
        %bitcast3A_2348 = vector.bitcast %shift_left3A_2347 : vector<16xi32> to vector<16xf32>
        %and3A_2349 = arith.constant -65536 : i32
        %and3A_2350 = vector.broadcast %and3A_2349 : i32 to vector<16xi32>
        %and3A_2351 = arith.andi %gather3A_2156, %and3A_2350 : vector<16xi32>
        %bitcast3A_2352 = vector.bitcast %and3A_2351 : vector<16xi32> to vector<16xf32>
        %add3A_2353 = arith.addf %bitcast3A_2340, %bitcast3A_2348 : vector<16xf32>
        %add3A_2354 = arith.addf %bitcast3A_2344, %bitcast3A_2352 : vector<16xf32>
        %shift_left3A_2355 = arith.constant 16 : i32
        %shift_left3A_2356 = vector.broadcast %shift_left3A_2355 : i32 to vector<16xi32>
        %shift_left3A_2357 = arith.shli %gather3A_2160, %shift_left3A_2356 : vector<16xi32>
        %bitcast3A_2358 = vector.bitcast %shift_left3A_2357 : vector<16xi32> to vector<16xf32>
        %and3A_2359 = arith.constant -65536 : i32
        %and3A_2360 = vector.broadcast %and3A_2359 : i32 to vector<16xi32>
        %and3A_2361 = arith.andi %gather3A_2160, %and3A_2360 : vector<16xi32>
        %bitcast3A_2362 = vector.bitcast %and3A_2361 : vector<16xi32> to vector<16xf32>
        %shift_left3A_2363 = arith.constant 16 : i32
        %shift_left3A_2364 = vector.broadcast %shift_left3A_2363 : i32 to vector<16xi32>
        %shift_left3A_2365 = arith.shli %gather3A_2164, %shift_left3A_2364 : vector<16xi32>
        %bitcast3A_2366 = vector.bitcast %shift_left3A_2365 : vector<16xi32> to vector<16xf32>
        %and3A_2367 = arith.constant -65536 : i32
        %and3A_2368 = vector.broadcast %and3A_2367 : i32 to vector<16xi32>
        %and3A_2369 = arith.andi %gather3A_2164, %and3A_2368 : vector<16xi32>
        %bitcast3A_2370 = vector.bitcast %and3A_2369 : vector<16xi32> to vector<16xf32>
        %add3A_2371 = arith.addf %bitcast3A_2358, %bitcast3A_2366 : vector<16xf32>
        %add3A_2372 = arith.addf %bitcast3A_2362, %bitcast3A_2370 : vector<16xf32>
        %shift_left3A_2373 = arith.constant 16 : i32
        %shift_left3A_2374 = vector.broadcast %shift_left3A_2373 : i32 to vector<16xi32>
        %shift_left3A_2375 = arith.shli %gather3A_2168, %shift_left3A_2374 : vector<16xi32>
        %bitcast3A_2376 = vector.bitcast %shift_left3A_2375 : vector<16xi32> to vector<16xf32>
        %and3A_2377 = arith.constant -65536 : i32
        %and3A_2378 = vector.broadcast %and3A_2377 : i32 to vector<16xi32>
        %and3A_2379 = arith.andi %gather3A_2168, %and3A_2378 : vector<16xi32>
        %bitcast3A_2380 = vector.bitcast %and3A_2379 : vector<16xi32> to vector<16xf32>
        %shift_left3A_2381 = arith.constant 16 : i32
        %shift_left3A_2382 = vector.broadcast %shift_left3A_2381 : i32 to vector<16xi32>
        %shift_left3A_2383 = arith.shli %gather3A_2172, %shift_left3A_2382 : vector<16xi32>
        %bitcast3A_2384 = vector.bitcast %shift_left3A_2383 : vector<16xi32> to vector<16xf32>
        %and3A_2385 = arith.constant -65536 : i32
        %and3A_2386 = vector.broadcast %and3A_2385 : i32 to vector<16xi32>
        %and3A_2387 = arith.andi %gather3A_2172, %and3A_2386 : vector<16xi32>
        %bitcast3A_2388 = vector.bitcast %and3A_2387 : vector<16xi32> to vector<16xf32>
        %add3A_2389 = arith.addf %bitcast3A_2376, %bitcast3A_2384 : vector<16xf32>
        %add3A_2390 = arith.addf %bitcast3A_2380, %bitcast3A_2388 : vector<16xf32>
        %shift_left3A_2391 = arith.constant 16 : i32
        %shift_left3A_2392 = vector.broadcast %shift_left3A_2391 : i32 to vector<16xi32>
        %shift_left3A_2393 = arith.shli %gather3A_2176, %shift_left3A_2392 : vector<16xi32>
        %bitcast3A_2394 = vector.bitcast %shift_left3A_2393 : vector<16xi32> to vector<16xf32>
        %and3A_2395 = arith.constant -65536 : i32
        %and3A_2396 = vector.broadcast %and3A_2395 : i32 to vector<16xi32>
        %and3A_2397 = arith.andi %gather3A_2176, %and3A_2396 : vector<16xi32>
        %bitcast3A_2398 = vector.bitcast %and3A_2397 : vector<16xi32> to vector<16xf32>
        %shift_left3A_2399 = arith.constant 16 : i32
        %shift_left3A_2400 = vector.broadcast %shift_left3A_2399 : i32 to vector<16xi32>
        %shift_left3A_2401 = arith.shli %gather3A_2180, %shift_left3A_2400 : vector<16xi32>
        %bitcast3A_2402 = vector.bitcast %shift_left3A_2401 : vector<16xi32> to vector<16xf32>
        %and3A_2403 = arith.constant -65536 : i32
        %and3A_2404 = vector.broadcast %and3A_2403 : i32 to vector<16xi32>
        %and3A_2405 = arith.andi %gather3A_2180, %and3A_2404 : vector<16xi32>
        %bitcast3A_2406 = vector.bitcast %and3A_2405 : vector<16xi32> to vector<16xf32>
        %add3A_2407 = arith.addf %bitcast3A_2394, %bitcast3A_2402 : vector<16xf32>
        %add3A_2408 = arith.addf %bitcast3A_2398, %bitcast3A_2406 : vector<16xf32>
        %shift_left3A_2409 = arith.constant 16 : i32
        %shift_left3A_2410 = vector.broadcast %shift_left3A_2409 : i32 to vector<16xi32>
        %shift_left3A_2411 = arith.shli %gather3A_2184, %shift_left3A_2410 : vector<16xi32>
        %bitcast3A_2412 = vector.bitcast %shift_left3A_2411 : vector<16xi32> to vector<16xf32>
        %and3A_2413 = arith.constant -65536 : i32
        %and3A_2414 = vector.broadcast %and3A_2413 : i32 to vector<16xi32>
        %and3A_2415 = arith.andi %gather3A_2184, %and3A_2414 : vector<16xi32>
        %bitcast3A_2416 = vector.bitcast %and3A_2415 : vector<16xi32> to vector<16xf32>
        %shift_left3A_2417 = arith.constant 16 : i32
        %shift_left3A_2418 = vector.broadcast %shift_left3A_2417 : i32 to vector<16xi32>
        %shift_left3A_2419 = arith.shli %gather3A_2188, %shift_left3A_2418 : vector<16xi32>
        %bitcast3A_2420 = vector.bitcast %shift_left3A_2419 : vector<16xi32> to vector<16xf32>
        %and3A_2421 = arith.constant -65536 : i32
        %and3A_2422 = vector.broadcast %and3A_2421 : i32 to vector<16xi32>
        %and3A_2423 = arith.andi %gather3A_2188, %and3A_2422 : vector<16xi32>
        %bitcast3A_2424 = vector.bitcast %and3A_2423 : vector<16xi32> to vector<16xf32>
        %add3A_2425 = arith.addf %bitcast3A_2412, %bitcast3A_2420 : vector<16xf32>
        %add3A_2426 = arith.addf %bitcast3A_2416, %bitcast3A_2424 : vector<16xf32>
        %shift_left3A_2427 = arith.constant 16 : i32
        %shift_left3A_2428 = vector.broadcast %shift_left3A_2427 : i32 to vector<16xi32>
        %shift_left3A_2429 = arith.shli %gather3A_2192, %shift_left3A_2428 : vector<16xi32>
        %bitcast3A_2430 = vector.bitcast %shift_left3A_2429 : vector<16xi32> to vector<16xf32>
        %and3A_2431 = arith.constant -65536 : i32
        %and3A_2432 = vector.broadcast %and3A_2431 : i32 to vector<16xi32>
        %and3A_2433 = arith.andi %gather3A_2192, %and3A_2432 : vector<16xi32>
        %bitcast3A_2434 = vector.bitcast %and3A_2433 : vector<16xi32> to vector<16xf32>
        %shift_left3A_2435 = arith.constant 16 : i32
        %shift_left3A_2436 = vector.broadcast %shift_left3A_2435 : i32 to vector<16xi32>
        %shift_left3A_2437 = arith.shli %gather3A_2196, %shift_left3A_2436 : vector<16xi32>
        %bitcast3A_2438 = vector.bitcast %shift_left3A_2437 : vector<16xi32> to vector<16xf32>
        %and3A_2439 = arith.constant -65536 : i32
        %and3A_2440 = vector.broadcast %and3A_2439 : i32 to vector<16xi32>
        %and3A_2441 = arith.andi %gather3A_2196, %and3A_2440 : vector<16xi32>
        %bitcast3A_2442 = vector.bitcast %and3A_2441 : vector<16xi32> to vector<16xf32>
        %add3A_2443 = arith.addf %bitcast3A_2430, %bitcast3A_2438 : vector<16xf32>
        %add3A_2444 = arith.addf %bitcast3A_2434, %bitcast3A_2442 : vector<16xf32>
        %shift_left3A_2445 = arith.constant 16 : i32
        %shift_left3A_2446 = vector.broadcast %shift_left3A_2445 : i32 to vector<16xi32>
        %shift_left3A_2447 = arith.shli %gather3A_2200, %shift_left3A_2446 : vector<16xi32>
        %bitcast3A_2448 = vector.bitcast %shift_left3A_2447 : vector<16xi32> to vector<16xf32>
        %and3A_2449 = arith.constant -65536 : i32
        %and3A_2450 = vector.broadcast %and3A_2449 : i32 to vector<16xi32>
        %and3A_2451 = arith.andi %gather3A_2200, %and3A_2450 : vector<16xi32>
        %bitcast3A_2452 = vector.bitcast %and3A_2451 : vector<16xi32> to vector<16xf32>
        %shift_left3A_2453 = arith.constant 16 : i32
        %shift_left3A_2454 = vector.broadcast %shift_left3A_2453 : i32 to vector<16xi32>
        %shift_left3A_2455 = arith.shli %gather3A_2204, %shift_left3A_2454 : vector<16xi32>
        %bitcast3A_2456 = vector.bitcast %shift_left3A_2455 : vector<16xi32> to vector<16xf32>
        %and3A_2457 = arith.constant -65536 : i32
        %and3A_2458 = vector.broadcast %and3A_2457 : i32 to vector<16xi32>
        %and3A_2459 = arith.andi %gather3A_2204, %and3A_2458 : vector<16xi32>
        %bitcast3A_2460 = vector.bitcast %and3A_2459 : vector<16xi32> to vector<16xf32>
        %add3A_2461 = arith.addf %bitcast3A_2448, %bitcast3A_2456 : vector<16xf32>
        %add3A_2462 = arith.addf %bitcast3A_2452, %bitcast3A_2460 : vector<16xf32>
        %shift_left3A_2463 = arith.constant 16 : i32
        %shift_left3A_2464 = vector.broadcast %shift_left3A_2463 : i32 to vector<16xi32>
        %shift_left3A_2465 = arith.shli %gather3A_2208, %shift_left3A_2464 : vector<16xi32>
        %bitcast3A_2466 = vector.bitcast %shift_left3A_2465 : vector<16xi32> to vector<16xf32>
        %and3A_2467 = arith.constant -65536 : i32
        %and3A_2468 = vector.broadcast %and3A_2467 : i32 to vector<16xi32>
        %and3A_2469 = arith.andi %gather3A_2208, %and3A_2468 : vector<16xi32>
        %bitcast3A_2470 = vector.bitcast %and3A_2469 : vector<16xi32> to vector<16xf32>
        %shift_left3A_2471 = arith.constant 16 : i32
        %shift_left3A_2472 = vector.broadcast %shift_left3A_2471 : i32 to vector<16xi32>
        %shift_left3A_2473 = arith.shli %gather3A_2212, %shift_left3A_2472 : vector<16xi32>
        %bitcast3A_2474 = vector.bitcast %shift_left3A_2473 : vector<16xi32> to vector<16xf32>
        %and3A_2475 = arith.constant -65536 : i32
        %and3A_2476 = vector.broadcast %and3A_2475 : i32 to vector<16xi32>
        %and3A_2477 = arith.andi %gather3A_2212, %and3A_2476 : vector<16xi32>
        %bitcast3A_2478 = vector.bitcast %and3A_2477 : vector<16xi32> to vector<16xf32>
        %add3A_2479 = arith.addf %bitcast3A_2466, %bitcast3A_2474 : vector<16xf32>
        %add3A_2480 = arith.addf %bitcast3A_2470, %bitcast3A_2478 : vector<16xf32>
        %shift_left3A_2481 = arith.constant 16 : i32
        %shift_left3A_2482 = vector.broadcast %shift_left3A_2481 : i32 to vector<16xi32>
        %shift_left3A_2483 = arith.shli %gather3A_2216, %shift_left3A_2482 : vector<16xi32>
        %bitcast3A_2484 = vector.bitcast %shift_left3A_2483 : vector<16xi32> to vector<16xf32>
        %and3A_2485 = arith.constant -65536 : i32
        %and3A_2486 = vector.broadcast %and3A_2485 : i32 to vector<16xi32>
        %and3A_2487 = arith.andi %gather3A_2216, %and3A_2486 : vector<16xi32>
        %bitcast3A_2488 = vector.bitcast %and3A_2487 : vector<16xi32> to vector<16xf32>
        %shift_left3A_2489 = arith.constant 16 : i32
        %shift_left3A_2490 = vector.broadcast %shift_left3A_2489 : i32 to vector<16xi32>
        %shift_left3A_2491 = arith.shli %gather3A_2220, %shift_left3A_2490 : vector<16xi32>
        %bitcast3A_2492 = vector.bitcast %shift_left3A_2491 : vector<16xi32> to vector<16xf32>
        %and3A_2493 = arith.constant -65536 : i32
        %and3A_2494 = vector.broadcast %and3A_2493 : i32 to vector<16xi32>
        %and3A_2495 = arith.andi %gather3A_2220, %and3A_2494 : vector<16xi32>
        %bitcast3A_2496 = vector.bitcast %and3A_2495 : vector<16xi32> to vector<16xf32>
        %add3A_2497 = arith.addf %bitcast3A_2484, %bitcast3A_2492 : vector<16xf32>
        %add3A_2498 = arith.addf %bitcast3A_2488, %bitcast3A_2496 : vector<16xf32>
        %shift_left3A_2499 = arith.constant 16 : i32
        %shift_left3A_2500 = vector.broadcast %shift_left3A_2499 : i32 to vector<16xi32>
        %shift_left3A_2501 = arith.shli %gather3A_2224, %shift_left3A_2500 : vector<16xi32>
        %bitcast3A_2502 = vector.bitcast %shift_left3A_2501 : vector<16xi32> to vector<16xf32>
        %and3A_2503 = arith.constant -65536 : i32
        %and3A_2504 = vector.broadcast %and3A_2503 : i32 to vector<16xi32>
        %and3A_2505 = arith.andi %gather3A_2224, %and3A_2504 : vector<16xi32>
        %bitcast3A_2506 = vector.bitcast %and3A_2505 : vector<16xi32> to vector<16xf32>
        %shift_left3A_2507 = arith.constant 16 : i32
        %shift_left3A_2508 = vector.broadcast %shift_left3A_2507 : i32 to vector<16xi32>
        %shift_left3A_2509 = arith.shli %gather3A_2228, %shift_left3A_2508 : vector<16xi32>
        %bitcast3A_2510 = vector.bitcast %shift_left3A_2509 : vector<16xi32> to vector<16xf32>
        %and3A_2511 = arith.constant -65536 : i32
        %and3A_2512 = vector.broadcast %and3A_2511 : i32 to vector<16xi32>
        %and3A_2513 = arith.andi %gather3A_2228, %and3A_2512 : vector<16xi32>
        %bitcast3A_2514 = vector.bitcast %and3A_2513 : vector<16xi32> to vector<16xf32>
        %add3A_2515 = arith.addf %bitcast3A_2502, %bitcast3A_2510 : vector<16xf32>
        %add3A_2516 = arith.addf %bitcast3A_2506, %bitcast3A_2514 : vector<16xf32>
        %eq3A_2517 = arith.constant 0 : i32
        %eq3A_2518 = arith.cmpi eq, %arg0, %eq3A_2517 : i32
        %convert_element_type3A_2519 = arith.extui %eq3A_2518 : i1 to i32
        %cond3A_2520 = arith.constant 0 : i32
        %cond3A_2521 = arith.cmpi ne, %convert_element_type3A_2519, %cond3A_2520 : i32
        scf.if %cond3A_2521 {
          %shift_left3A_2714 = arith.constant 16 : i32
          %shift_left3A_2715 = vector.broadcast %shift_left3A_2714 : i32 to vector<16xi32>
          %shift_left3A_2716 = arith.shli %get3A_2090, %shift_left3A_2715 : vector<16xi32>
          %bitcast3A_2717 = vector.bitcast %shift_left3A_2716 : vector<16xi32> to vector<16xf32>
          %and3A_2718 = arith.constant -65536 : i32
          %and3A_2719 = vector.broadcast %and3A_2718 : i32 to vector<16xi32>
          %and3A_2720 = arith.andi %get3A_2090, %and3A_2719 : vector<16xi32>
          %bitcast3A_2721 = vector.bitcast %and3A_2720 : vector<16xi32> to vector<16xf32>
          %swap3A_2722 = arith.constant 1 : i32
          %swap3A_2723 = arith.constant 0 : i32
          %swap3A_2724 = arith.index_cast %swap3A_2722 : i32 to index
          %swap3A_2725 = arith.index_cast %swap3A_2723 : i32 to index
          %swap3A_2726 = arith.index_cast %add3A_2084 : i32 to index
          %swap3A_2727 = tpu.vector_load %arg8[%swap3A_2724, %swap3A_2725, %swap3A_2726] {strides = array<i32>} : memref<2x35x361xf32, #tpu.memory_space<vmem>>, vector<16xf32>,
          tpu.vector_store %arg8[%swap3A_2724, %swap3A_2725, %swap3A_2726], %bitcast3A_2717 {strides = array<i32>} : memref<2x35x361xf32, #tpu.memory_space<vmem>>, vector<16xf32>,
          %swap3A_2728 = arith.constant 1 : i32
          %swap3A_2729 = arith.constant 1 : i32
          %swap3A_2730 = arith.index_cast %swap3A_2728 : i32 to index
          %swap3A_2731 = arith.index_cast %swap3A_2729 : i32 to index
          %swap3A_2732 = arith.index_cast %add3A_2084 : i32 to index
          %swap3A_2733 = tpu.vector_load %arg8[%swap3A_2730, %swap3A_2731, %swap3A_2732] {strides = array<i32>} : memref<2x35x361xf32, #tpu.memory_space<vmem>>, vector<16xf32>,
          tpu.vector_store %arg8[%swap3A_2730, %swap3A_2731, %swap3A_2732], %bitcast3A_2721 {strides = array<i32>} : memref<2x35x361xf32, #tpu.memory_space<vmem>>, vector<16xf32>,
          %swap3A_2734 = arith.constant 1 : i32
          %swap3A_2735 = arith.constant 2 : i32
          %swap3A_2736 = arith.index_cast %swap3A_2734 : i32 to index
          %swap3A_2737 = arith.index_cast %swap3A_2735 : i32 to index
          %swap3A_2738 = arith.index_cast %add3A_2084 : i32 to index
          %swap3A_2739 = tpu.vector_load %arg8[%swap3A_2736, %swap3A_2737, %swap3A_2738] {strides = array<i32>} : memref<2x35x361xf32, #tpu.memory_space<vmem>>, vector<16xf32>,
          tpu.vector_store %arg8[%swap3A_2736, %swap3A_2737, %swap3A_2738], %gather3A_747 {strides = array<i32>} : memref<2x35x361xf32, #tpu.memory_space<vmem>>, vector<16xf32>,
        } else {
        }
        %swap3A_2522 = arith.constant 1 : i32
        %swap3A_2523 = arith.constant 3 : i32
        %swap3A_2524 = arith.index_cast %swap3A_2522 : i32 to index
        %swap3A_2525 = arith.index_cast %swap3A_2523 : i32 to index
        %swap3A_2526 = arith.index_cast %add3A_2084 : i32 to index
        %swap3A_2527 = tpu.vector_load %arg8[%swap3A_2524, %swap3A_2525, %swap3A_2526] {strides = array<i32>} : memref<2x35x361xf32, #tpu.memory_space<vmem>>, vector<16xf32>,
        tpu.vector_store %arg8[%swap3A_2524, %swap3A_2525, %swap3A_2526], %add3A_2245 {strides = array<i32>} : memref<2x35x361xf32, #tpu.memory_space<vmem>>, vector<16xf32>,
        %swap3A_2528 = arith.constant 1 : i32
        %swap3A_2529 = arith.constant 4 : i32
        %swap3A_2530 = arith.index_cast %swap3A_2528 : i32 to index
        %swap3A_2531 = arith.index_cast %swap3A_2529 : i32 to index
        %swap3A_2532 = arith.index_cast %add3A_2084 : i32 to index
        %swap3A_2533 = tpu.vector_load %arg8[%swap3A_2530, %swap3A_2531, %swap3A_2532] {strides = array<i32>} : memref<2x35x361xf32, #tpu.memory_space<vmem>>, vector<16xf32>,
        tpu.vector_store %arg8[%swap3A_2530, %swap3A_2531, %swap3A_2532], %add3A_2246 {strides = array<i32>} : memref<2x35x361xf32, #tpu.memory_space<vmem>>, vector<16xf32>,
        %swap3A_2534 = arith.constant 1 : i32
        %swap3A_2535 = arith.constant 5 : i32
        %swap3A_2536 = arith.index_cast %swap3A_2534 : i32 to index
        %swap3A_2537 = arith.index_cast %swap3A_2535 : i32 to index
        %swap3A_2538 = arith.index_cast %add3A_2084 : i32 to index
        %swap3A_2539 = tpu.vector_load %arg8[%swap3A_2536, %swap3A_2537, %swap3A_2538] {strides = array<i32>} : memref<2x35x361xf32, #tpu.memory_space<vmem>>, vector<16xf32>,
        tpu.vector_store %arg8[%swap3A_2536, %swap3A_2537, %swap3A_2538], %add3A_2263 {strides = array<i32>} : memref<2x35x361xf32, #tpu.memory_space<vmem>>, vector<16xf32>,
        %swap3A_2540 = arith.constant 1 : i32
        %swap3A_2541 = arith.constant 6 : i32
        %swap3A_2542 = arith.index_cast %swap3A_2540 : i32 to index
        %swap3A_2543 = arith.index_cast %swap3A_2541 : i32 to index
        %swap3A_2544 = arith.index_cast %add3A_2084 : i32 to index
        %swap3A_2545 = tpu.vector_load %arg8[%swap3A_2542, %swap3A_2543, %swap3A_2544] {strides = array<i32>} : memref<2x35x361xf32, #tpu.memory_space<vmem>>, vector<16xf32>,
        tpu.vector_store %arg8[%swap3A_2542, %swap3A_2543, %swap3A_2544], %add3A_2264 {strides = array<i32>} : memref<2x35x361xf32, #tpu.memory_space<vmem>>, vector<16xf32>,
        %swap3A_2546 = arith.constant 1 : i32
        %swap3A_2547 = arith.constant 7 : i32
        %swap3A_2548 = arith.index_cast %swap3A_2546 : i32 to index
        %swap3A_2549 = arith.index_cast %swap3A_2547 : i32 to index
        %swap3A_2550 = arith.index_cast %add3A_2084 : i32 to index
        %swap3A_2551 = tpu.vector_load %arg8[%swap3A_2548, %swap3A_2549, %swap3A_2550] {strides = array<i32>} : memref<2x35x361xf32, #tpu.memory_space<vmem>>, vector<16xf32>,
        tpu.vector_store %arg8[%swap3A_2548, %swap3A_2549, %swap3A_2550], %add3A_2281 {strides = array<i32>} : memref<2x35x361xf32, #tpu.memory_space<vmem>>, vector<16xf32>,
        %swap3A_2552 = arith.constant 1 : i32
        %swap3A_2553 = arith.constant 8 : i32
        %swap3A_2554 = arith.index_cast %swap3A_2552 : i32 to index
        %swap3A_2555 = arith.index_cast %swap3A_2553 : i32 to index
        %swap3A_2556 = arith.index_cast %add3A_2084 : i32 to index
        %swap3A_2557 = tpu.vector_load %arg8[%swap3A_2554, %swap3A_2555, %swap3A_2556] {strides = array<i32>} : memref<2x35x361xf32, #tpu.memory_space<vmem>>, vector<16xf32>,
        tpu.vector_store %arg8[%swap3A_2554, %swap3A_2555, %swap3A_2556], %add3A_2282 {strides = array<i32>} : memref<2x35x361xf32, #tpu.memory_space<vmem>>, vector<16xf32>,
        %swap3A_2558 = arith.constant 1 : i32
        %swap3A_2559 = arith.constant 9 : i32
        %swap3A_2560 = arith.index_cast %swap3A_2558 : i32 to index
        %swap3A_2561 = arith.index_cast %swap3A_2559 : i32 to index
        %swap3A_2562 = arith.index_cast %add3A_2084 : i32 to index
        %swap3A_2563 = tpu.vector_load %arg8[%swap3A_2560, %swap3A_2561, %swap3A_2562] {strides = array<i32>} : memref<2x35x361xf32, #tpu.memory_space<vmem>>, vector<16xf32>,
        tpu.vector_store %arg8[%swap3A_2560, %swap3A_2561, %swap3A_2562], %add3A_2299 {strides = array<i32>} : memref<2x35x361xf32, #tpu.memory_space<vmem>>, vector<16xf32>,
        %swap3A_2564 = arith.constant 1 : i32
        %swap3A_2565 = arith.constant 10 : i32
        %swap3A_2566 = arith.index_cast %swap3A_2564 : i32 to index
        %swap3A_2567 = arith.index_cast %swap3A_2565 : i32 to index
        %swap3A_2568 = arith.index_cast %add3A_2084 : i32 to index
        %swap3A_2569 = tpu.vector_load %arg8[%swap3A_2566, %swap3A_2567, %swap3A_2568] {strides = array<i32>} : memref<2x35x361xf32, #tpu.memory_space<vmem>>, vector<16xf32>,
        tpu.vector_store %arg8[%swap3A_2566, %swap3A_2567, %swap3A_2568], %add3A_2300 {strides = array<i32>} : memref<2x35x361xf32, #tpu.memory_space<vmem>>, vector<16xf32>,
        %swap3A_2570 = arith.constant 1 : i32
        %swap3A_2571 = arith.constant 11 : i32
        %swap3A_2572 = arith.index_cast %swap3A_2570 : i32 to index
        %swap3A_2573 = arith.index_cast %swap3A_2571 : i32 to index
        %swap3A_2574 = arith.index_cast %add3A_2084 : i32 to index
        %swap3A_2575 = tpu.vector_load %arg8[%swap3A_2572, %swap3A_2573, %swap3A_2574] {strides = array<i32>} : memref<2x35x361xf32, #tpu.memory_space<vmem>>, vector<16xf32>,
        tpu.vector_store %arg8[%swap3A_2572, %swap3A_2573, %swap3A_2574], %add3A_2317 {strides = array<i32>} : memref<2x35x361xf32, #tpu.memory_space<vmem>>, vector<16xf32>,
        %swap3A_2576 = arith.constant 1 : i32
        %swap3A_2577 = arith.constant 12 : i32
        %swap3A_2578 = arith.index_cast %swap3A_2576 : i32 to index
        %swap3A_2579 = arith.index_cast %swap3A_2577 : i32 to index
        %swap3A_2580 = arith.index_cast %add3A_2084 : i32 to index
        %swap3A_2581 = tpu.vector_load %arg8[%swap3A_2578, %swap3A_2579, %swap3A_2580] {strides = array<i32>} : memref<2x35x361xf32, #tpu.memory_space<vmem>>, vector<16xf32>,
        tpu.vector_store %arg8[%swap3A_2578, %swap3A_2579, %swap3A_2580], %add3A_2318 {strides = array<i32>} : memref<2x35x361xf32, #tpu.memory_space<vmem>>, vector<16xf32>,
        %swap3A_2582 = arith.constant 1 : i32
        %swap3A_2583 = arith.constant 13 : i32
        %swap3A_2584 = arith.index_cast %swap3A_2582 : i32 to index
        %swap3A_2585 = arith.index_cast %swap3A_2583 : i32 to index
        %swap3A_2586 = arith.index_cast %add3A_2084 : i32 to index
        %swap3A_2587 = tpu.vector_load %arg8[%swap3A_2584, %swap3A_2585, %swap3A_2586] {strides = array<i32>} : memref<2x35x361xf32, #tpu.memory_space<vmem>>, vector<16xf32>,
        tpu.vector_store %arg8[%swap3A_2584, %swap3A_2585, %swap3A_2586], %add3A_2335 {strides = array<i32>} : memref<2x35x361xf32, #tpu.memory_space<vmem>>, vector<16xf32>,
        %swap3A_2588 = arith.constant 1 : i32
        %swap3A_2589 = arith.constant 14 : i32
        %swap3A_2590 = arith.index_cast %swap3A_2588 : i32 to index
        %swap3A_2591 = arith.index_cast %swap3A_2589 : i32 to index
        %swap3A_2592 = arith.index_cast %add3A_2084 : i32 to index
        %swap3A_2593 = tpu.vector_load %arg8[%swap3A_2590, %swap3A_2591, %swap3A_2592] {strides = array<i32>} : memref<2x35x361xf32, #tpu.memory_space<vmem>>, vector<16xf32>,
        tpu.vector_store %arg8[%swap3A_2590, %swap3A_2591, %swap3A_2592], %add3A_2336 {strides = array<i32>} : memref<2x35x361xf32, #tpu.memory_space<vmem>>, vector<16xf32>,
        %swap3A_2594 = arith.constant 1 : i32
        %swap3A_2595 = arith.constant 15 : i32
        %swap3A_2596 = arith.index_cast %swap3A_2594 : i32 to index
        %swap3A_2597 = arith.index_cast %swap3A_2595 : i32 to index
        %swap3A_2598 = arith.index_cast %add3A_2084 : i32 to index
        %swap3A_2599 = tpu.vector_load %arg8[%swap3A_2596, %swap3A_2597, %swap3A_2598] {strides = array<i32>} : memref<2x35x361xf32, #tpu.memory_space<vmem>>, vector<16xf32>,
        tpu.vector_store %arg8[%swap3A_2596, %swap3A_2597, %swap3A_2598], %add3A_2353 {strides = array<i32>} : memref<2x35x361xf32, #tpu.memory_space<vmem>>, vector<16xf32>,
        %swap3A_2600 = arith.constant 1 : i32
        %swap3A_2601 = arith.constant 16 : i32
        %swap3A_2602 = arith.index_cast %swap3A_2600 : i32 to index
        %swap3A_2603 = arith.index_cast %swap3A_2601 : i32 to index
        %swap3A_2604 = arith.index_cast %add3A_2084 : i32 to index
        %swap3A_2605 = tpu.vector_load %arg8[%swap3A_2602, %swap3A_2603, %swap3A_2604] {strides = array<i32>} : memref<2x35x361xf32, #tpu.memory_space<vmem>>, vector<16xf32>,
        tpu.vector_store %arg8[%swap3A_2602, %swap3A_2603, %swap3A_2604], %add3A_2354 {strides = array<i32>} : memref<2x35x361xf32, #tpu.memory_space<vmem>>, vector<16xf32>,
        %swap3A_2606 = arith.constant 1 : i32
        %swap3A_2607 = arith.constant 17 : i32
        %swap3A_2608 = arith.index_cast %swap3A_2606 : i32 to index
        %swap3A_2609 = arith.index_cast %swap3A_2607 : i32 to index
        %swap3A_2610 = arith.index_cast %add3A_2084 : i32 to index
        %swap3A_2611 = tpu.vector_load %arg8[%swap3A_2608, %swap3A_2609, %swap3A_2610] {strides = array<i32>} : memref<2x35x361xf32, #tpu.memory_space<vmem>>, vector<16xf32>,
        tpu.vector_store %arg8[%swap3A_2608, %swap3A_2609, %swap3A_2610], %add3A_2371 {strides = array<i32>} : memref<2x35x361xf32, #tpu.memory_space<vmem>>, vector<16xf32>,
        %swap3A_2612 = arith.constant 1 : i32
        %swap3A_2613 = arith.constant 18 : i32
        %swap3A_2614 = arith.index_cast %swap3A_2612 : i32 to index
        %swap3A_2615 = arith.index_cast %swap3A_2613 : i32 to index
        %swap3A_2616 = arith.index_cast %add3A_2084 : i32 to index
        %swap3A_2617 = tpu.vector_load %arg8[%swap3A_2614, %swap3A_2615, %swap3A_2616] {strides = array<i32>} : memref<2x35x361xf32, #tpu.memory_space<vmem>>, vector<16xf32>,
        tpu.vector_store %arg8[%swap3A_2614, %swap3A_2615, %swap3A_2616], %add3A_2372 {strides = array<i32>} : memref<2x35x361xf32, #tpu.memory_space<vmem>>, vector<16xf32>,
        %swap3A_2618 = arith.constant 1 : i32
        %swap3A_2619 = arith.constant 19 : i32
        %swap3A_2620 = arith.index_cast %swap3A_2618 : i32 to index
        %swap3A_2621 = arith.index_cast %swap3A_2619 : i32 to index
        %swap3A_2622 = arith.index_cast %add3A_2084 : i32 to index
        %swap3A_2623 = tpu.vector_load %arg8[%swap3A_2620, %swap3A_2621, %swap3A_2622] {strides = array<i32>} : memref<2x35x361xf32, #tpu.memory_space<vmem>>, vector<16xf32>,
        tpu.vector_store %arg8[%swap3A_2620, %swap3A_2621, %swap3A_2622], %add3A_2389 {strides = array<i32>} : memref<2x35x361xf32, #tpu.memory_space<vmem>>, vector<16xf32>,
        %swap3A_2624 = arith.constant 1 : i32
        %swap3A_2625 = arith.constant 20 : i32
        %swap3A_2626 = arith.index_cast %swap3A_2624 : i32 to index
        %swap3A_2627 = arith.index_cast %swap3A_2625 : i32 to index
        %swap3A_2628 = arith.index_cast %add3A_2084 : i32 to index
        %swap3A_2629 = tpu.vector_load %arg8[%swap3A_2626, %swap3A_2627, %swap3A_2628] {strides = array<i32>} : memref<2x35x361xf32, #tpu.memory_space<vmem>>, vector<16xf32>,
        tpu.vector_store %arg8[%swap3A_2626, %swap3A_2627, %swap3A_2628], %add3A_2390 {strides = array<i32>} : memref<2x35x361xf32, #tpu.memory_space<vmem>>, vector<16xf32>,
        %swap3A_2630 = arith.constant 1 : i32
        %swap3A_2631 = arith.constant 21 : i32
        %swap3A_2632 = arith.index_cast %swap3A_2630 : i32 to index
        %swap3A_2633 = arith.index_cast %swap3A_2631 : i32 to index
        %swap3A_2634 = arith.index_cast %add3A_2084 : i32 to index
        %swap3A_2635 = tpu.vector_load %arg8[%swap3A_2632, %swap3A_2633, %swap3A_2634] {strides = array<i32>} : memref<2x35x361xf32, #tpu.memory_space<vmem>>, vector<16xf32>,
        tpu.vector_store %arg8[%swap3A_2632, %swap3A_2633, %swap3A_2634], %add3A_2407 {strides = array<i32>} : memref<2x35x361xf32, #tpu.memory_space<vmem>>, vector<16xf32>,
        %swap3A_2636 = arith.constant 1 : i32
        %swap3A_2637 = arith.constant 22 : i32
        %swap3A_2638 = arith.index_cast %swap3A_2636 : i32 to index
        %swap3A_2639 = arith.index_cast %swap3A_2637 : i32 to index
        %swap3A_2640 = arith.index_cast %add3A_2084 : i32 to index
        %swap3A_2641 = tpu.vector_load %arg8[%swap3A_2638, %swap3A_2639, %swap3A_2640] {strides = array<i32>} : memref<2x35x361xf32, #tpu.memory_space<vmem>>, vector<16xf32>,
        tpu.vector_store %arg8[%swap3A_2638, %swap3A_2639, %swap3A_2640], %add3A_2408 {strides = array<i32>} : memref<2x35x361xf32, #tpu.memory_space<vmem>>, vector<16xf32>,
        %swap3A_2642 = arith.constant 1 : i32
        %swap3A_2643 = arith.constant 23 : i32
        %swap3A_2644 = arith.index_cast %swap3A_2642 : i32 to index
        %swap3A_2645 = arith.index_cast %swap3A_2643 : i32 to index
        %swap3A_2646 = arith.index_cast %add3A_2084 : i32 to index
        %swap3A_2647 = tpu.vector_load %arg8[%swap3A_2644, %swap3A_2645, %swap3A_2646] {strides = array<i32>} : memref<2x35x361xf32, #tpu.memory_space<vmem>>, vector<16xf32>,
        tpu.vector_store %arg8[%swap3A_2644, %swap3A_2645, %swap3A_2646], %add3A_2425 {strides = array<i32>} : memref<2x35x361xf32, #tpu.memory_space<vmem>>, vector<16xf32>,
        %swap3A_2648 = arith.constant 1 : i32
        %swap3A_2649 = arith.constant 24 : i32
        %swap3A_2650 = arith.index_cast %swap3A_2648 : i32 to index
        %swap3A_2651 = arith.index_cast %swap3A_2649 : i32 to index
        %swap3A_2652 = arith.index_cast %add3A_2084 : i32 to index
        %swap3A_2653 = tpu.vector_load %arg8[%swap3A_2650, %swap3A_2651, %swap3A_2652] {strides = array<i32>} : memref<2x35x361xf32, #tpu.memory_space<vmem>>, vector<16xf32>,
        tpu.vector_store %arg8[%swap3A_2650, %swap3A_2651, %swap3A_2652], %add3A_2426 {strides = array<i32>} : memref<2x35x361xf32, #tpu.memory_space<vmem>>, vector<16xf32>,
        %swap3A_2654 = arith.constant 1 : i32
        %swap3A_2655 = arith.constant 25 : i32
        %swap3A_2656 = arith.index_cast %swap3A_2654 : i32 to index
        %swap3A_2657 = arith.index_cast %swap3A_2655 : i32 to index
        %swap3A_2658 = arith.index_cast %add3A_2084 : i32 to index
        %swap3A_2659 = tpu.vector_load %arg8[%swap3A_2656, %swap3A_2657, %swap3A_2658] {strides = array<i32>} : memref<2x35x361xf32, #tpu.memory_space<vmem>>, vector<16xf32>,
        tpu.vector_store %arg8[%swap3A_2656, %swap3A_2657, %swap3A_2658], %add3A_2443 {strides = array<i32>} : memref<2x35x361xf32, #tpu.memory_space<vmem>>, vector<16xf32>,
        %swap3A_2660 = arith.constant 1 : i32
        %swap3A_2661 = arith.constant 26 : i32
        %swap3A_2662 = arith.index_cast %swap3A_2660 : i32 to index
        %swap3A_2663 = arith.index_cast %swap3A_2661 : i32 to index
        %swap3A_2664 = arith.index_cast %add3A_2084 : i32 to index
        %swap3A_2665 = tpu.vector_load %arg8[%swap3A_2662, %swap3A_2663, %swap3A_2664] {strides = array<i32>} : memref<2x35x361xf32, #tpu.memory_space<vmem>>, vector<16xf32>,
        tpu.vector_store %arg8[%swap3A_2662, %swap3A_2663, %swap3A_2664], %add3A_2444 {strides = array<i32>} : memref<2x35x361xf32, #tpu.memory_space<vmem>>, vector<16xf32>,
        %swap3A_2666 = arith.constant 1 : i32
        %swap3A_2667 = arith.constant 27 : i32
        %swap3A_2668 = arith.index_cast %swap3A_2666 : i32 to index
        %swap3A_2669 = arith.index_cast %swap3A_2667 : i32 to index
        %swap3A_2670 = arith.index_cast %add3A_2084 : i32 to index
        %swap3A_2671 = tpu.vector_load %arg8[%swap3A_2668, %swap3A_2669, %swap3A_2670] {strides = array<i32>} : memref<2x35x361xf32, #tpu.memory_space<vmem>>, vector<16xf32>,
        tpu.vector_store %arg8[%swap3A_2668, %swap3A_2669, %swap3A_2670], %add3A_2461 {strides = array<i32>} : memref<2x35x361xf32, #tpu.memory_space<vmem>>, vector<16xf32>,
        %swap3A_2672 = arith.constant 1 : i32
        %swap3A_2673 = arith.constant 28 : i32
        %swap3A_2674 = arith.index_cast %swap3A_2672 : i32 to index
        %swap3A_2675 = arith.index_cast %swap3A_2673 : i32 to index
        %swap3A_2676 = arith.index_cast %add3A_2084 : i32 to index
        %swap3A_2677 = tpu.vector_load %arg8[%swap3A_2674, %swap3A_2675, %swap3A_2676] {strides = array<i32>} : memref<2x35x361xf32, #tpu.memory_space<vmem>>, vector<16xf32>,
        tpu.vector_store %arg8[%swap3A_2674, %swap3A_2675, %swap3A_2676], %add3A_2462 {strides = array<i32>} : memref<2x35x361xf32, #tpu.memory_space<vmem>>, vector<16xf32>,
        %swap3A_2678 = arith.constant 1 : i32
        %swap3A_2679 = arith.constant 29 : i32
        %swap3A_2680 = arith.index_cast %swap3A_2678 : i32 to index
        %swap3A_2681 = arith.index_cast %swap3A_2679 : i32 to index
        %swap3A_2682 = arith.index_cast %add3A_2084 : i32 to index
        %swap3A_2683 = tpu.vector_load %arg8[%swap3A_2680, %swap3A_2681, %swap3A_2682] {strides = array<i32>} : memref<2x35x361xf32, #tpu.memory_space<vmem>>, vector<16xf32>,
        tpu.vector_store %arg8[%swap3A_2680, %swap3A_2681, %swap3A_2682], %add3A_2479 {strides = array<i32>} : memref<2x35x361xf32, #tpu.memory_space<vmem>>, vector<16xf32>,
        %swap3A_2684 = arith.constant 1 : i32
        %swap3A_2685 = arith.constant 30 : i32
        %swap3A_2686 = arith.index_cast %swap3A_2684 : i32 to index
        %swap3A_2687 = arith.index_cast %swap3A_2685 : i32 to index
        %swap3A_2688 = arith.index_cast %add3A_2084 : i32 to index
        %swap3A_2689 = tpu.vector_load %arg8[%swap3A_2686, %swap3A_2687, %swap3A_2688] {strides = array<i32>} : memref<2x35x361xf32, #tpu.memory_space<vmem>>, vector<16xf32>,
        tpu.vector_store %arg8[%swap3A_2686, %swap3A_2687, %swap3A_2688], %add3A_2480 {strides = array<i32>} : memref<2x35x361xf32, #tpu.memory_space<vmem>>, vector<16xf32>,
        %swap3A_2690 = arith.constant 1 : i32
        %swap3A_2691 = arith.constant 31 : i32
        %swap3A_2692 = arith.index_cast %swap3A_2690 : i32 to index
        %swap3A_2693 = arith.index_cast %swap3A_2691 : i32 to index
        %swap3A_2694 = arith.index_cast %add3A_2084 : i32 to index
        %swap3A_2695 = tpu.vector_load %arg8[%swap3A_2692, %swap3A_2693, %swap3A_2694] {strides = array<i32>} : memref<2x35x361xf32, #tpu.memory_space<vmem>>, vector<16xf32>,
        tpu.vector_store %arg8[%swap3A_2692, %swap3A_2693, %swap3A_2694], %add3A_2497 {strides = array<i32>} : memref<2x35x361xf32, #tpu.memory_space<vmem>>, vector<16xf32>,
        %swap3A_2696 = arith.constant 1 : i32
        %swap3A_2697 = arith.constant 32 : i32
        %swap3A_2698 = arith.index_cast %swap3A_2696 : i32 to index
        %swap3A_2699 = arith.index_cast %swap3A_2697 : i32 to index
        %swap3A_2700 = arith.index_cast %add3A_2084 : i32 to index
        %swap3A_2701 = tpu.vector_load %arg8[%swap3A_2698, %swap3A_2699, %swap3A_2700] {strides = array<i32>} : memref<2x35x361xf32, #tpu.memory_space<vmem>>, vector<16xf32>,
        tpu.vector_store %arg8[%swap3A_2698, %swap3A_2699, %swap3A_2700], %add3A_2498 {strides = array<i32>} : memref<2x35x361xf32, #tpu.memory_space<vmem>>, vector<16xf32>,
        %swap3A_2702 = arith.constant 1 : i32
        %swap3A_2703 = arith.constant 33 : i32
        %swap3A_2704 = arith.index_cast %swap3A_2702 : i32 to index
        %swap3A_2705 = arith.index_cast %swap3A_2703 : i32 to index
        %swap3A_2706 = arith.index_cast %add3A_2084 : i32 to index
        %swap3A_2707 = tpu.vector_load %arg8[%swap3A_2704, %swap3A_2705, %swap3A_2706] {strides = array<i32>} : memref<2x35x361xf32, #tpu.memory_space<vmem>>, vector<16xf32>,
        tpu.vector_store %arg8[%swap3A_2704, %swap3A_2705, %swap3A_2706], %add3A_2515 {strides = array<i32>} : memref<2x35x361xf32, #tpu.memory_space<vmem>>, vector<16xf32>,
        %swap3A_2708 = arith.constant 1 : i32
        %swap3A_2709 = arith.constant 34 : i32
        %swap3A_2710 = arith.index_cast %swap3A_2708 : i32 to index
        %swap3A_2711 = arith.index_cast %swap3A_2709 : i32 to index
        %swap3A_2712 = arith.index_cast %add3A_2084 : i32 to index
        %swap3A_2713 = tpu.vector_load %arg8[%swap3A_2710, %swap3A_2711, %swap3A_2712] {strides = array<i32>} : memref<2x35x361xf32, #tpu.memory_space<vmem>>, vector<16xf32>,
        tpu.vector_store %arg8[%swap3A_2710, %swap3A_2711, %swap3A_2712], %add3A_2516 {strides = array<i32>} : memref<2x35x361xf32, #tpu.memory_space<vmem>>, vector<16xf32>,
      }
      %scan3A_771 = arith.constant 11 : i32
      %get3A_772 = arith.constant 345 : i32
      %get3A_773 = arith.index_cast %add3A_741 : i32 to index
      %get3A_774 = arith.index_cast %get3A_772 : i32 to index
      %get3A_775 = tpu.vector_load %arg9[%get3A_773, %get3A_774] {strides = array<i32>} : memref<64x361xi32, #tpu.memory_space<vmem>>, vector<16xi32>,
      %get3A_776 = arith.constant 345 : i32
      %get3A_777 = arith.index_cast %add3A_741 : i32 to index
      %get3A_778 = arith.index_cast %get3A_776 : i32 to index
      %get3A_779 = tpu.vector_load %arg10[%get3A_777, %get3A_778] {strides = array<i32>} : memref<64x361xi32, #tpu.memory_space<vmem>>, vector<16xi32>,
      %ne3A_780 = arith.constant 0 : i32
      %ne3A_781 = vector.broadcast %ne3A_780 : i32 to vector<16xi32>
      %ne3A_782 = arith.cmpi ne, %get3A_779, %ne3A_781 : vector<16xi32>
      %and3A_783 = vector.broadcast %scan3A_2 : i32 to vector<16xi32>
      %and3A_784 = arith.andi %get3A_775, %and3A_783 : vector<16xi32>
      %select_n3A_785 = arith.select %ne3A_782, %broadcast_in_dim3A_1, %and3A_784 : vector<16xi1>, vector<16xi32>
      %shift_right_logical3A_786 = arith.constant 16 : i32
      %shift_right_logical3A_787 = vector.broadcast %shift_right_logical3A_786 : i32 to vector<16xi32>
      %shift_right_logical3A_788 = arith.shrui %get3A_775, %shift_right_logical3A_787 : vector<16xi32>
      %select_n3A_789 = arith.select %ne3A_782, %broadcast_in_dim3A_1, %shift_right_logical3A_788 : vector<16xi1>, vector<16xi32>
      %add3A_790 = arith.constant 0 : i32
      %add3A_791 = vector.broadcast %add3A_790 : i32 to vector<16xi32>
      %add3A_792 = arith.addi %select_n3A_785, %add3A_791 : vector<16xi32>
      %gather3A_793 = tpu.vector_load_idx %arg7[%add3A_792] : memref<38096xi32, #tpu.memory_space<vmem>>[vector<16xi32>], vector<16xi32>,
      %add3A_794 = arith.constant 0 : i32
      %add3A_795 = vector.broadcast %add3A_794 : i32 to vector<16xi32>
      %add3A_796 = arith.addi %select_n3A_789, %add3A_795 : vector<16xi32>
      %gather3A_797 = tpu.vector_load_idx %arg7[%add3A_796] : memref<38096xi32, #tpu.memory_space<vmem>>[vector<16xi32>], vector<16xi32>,
      %add3A_798 = arith.constant 2381 : i32
      %add3A_799 = vector.broadcast %add3A_798 : i32 to vector<16xi32>
      %add3A_800 = arith.addi %select_n3A_785, %add3A_799 : vector<16xi32>
      %gather3A_801 = tpu.vector_load_idx %arg7[%add3A_800] : memref<38096xi32, #tpu.memory_space<vmem>>[vector<16xi32>], vector<16xi32>,
      %add3A_802 = arith.constant 2381 : i32
      %add3A_803 = vector.broadcast %add3A_802 : i32 to vector<16xi32>
      %add3A_804 = arith.addi %select_n3A_789, %add3A_803 : vector<16xi32>
      %gather3A_805 = tpu.vector_load_idx %arg7[%add3A_804] : memref<38096xi32, #tpu.memory_space<vmem>>[vector<16xi32>], vector<16xi32>,
      %add3A_806 = arith.constant 4762 : i32
      %add3A_807 = vector.broadcast %add3A_806 : i32 to vector<16xi32>
      %add3A_808 = arith.addi %select_n3A_785, %add3A_807 : vector<16xi32>
      %gather3A_809 = tpu.vector_load_idx %arg7[%add3A_808] : memref<38096xi32, #tpu.memory_space<vmem>>[vector<16xi32>], vector<16xi32>,
      %add3A_810 = arith.constant 4762 : i32
      %add3A_811 = vector.broadcast %add3A_810 : i32 to vector<16xi32>
      %add3A_812 = arith.addi %select_n3A_789, %add3A_811 : vector<16xi32>
      %gather3A_813 = tpu.vector_load_idx %arg7[%add3A_812] : memref<38096xi32, #tpu.memory_space<vmem>>[vector<16xi32>], vector<16xi32>,
      %add3A_814 = arith.constant 7143 : i32
      %add3A_815 = vector.broadcast %add3A_814 : i32 to vector<16xi32>
      %add3A_816 = arith.addi %select_n3A_785, %add3A_815 : vector<16xi32>
      %gather3A_817 = tpu.vector_load_idx %arg7[%add3A_816] : memref<38096xi32, #tpu.memory_space<vmem>>[vector<16xi32>], vector<16xi32>,
      %add3A_818 = arith.constant 7143 : i32
      %add3A_819 = vector.broadcast %add3A_818 : i32 to vector<16xi32>
      %add3A_820 = arith.addi %select_n3A_789, %add3A_819 : vector<16xi32>
      %gather3A_821 = tpu.vector_load_idx %arg7[%add3A_820] : memref<38096xi32, #tpu.memory_space<vmem>>[vector<16xi32>], vector<16xi32>,
      %add3A_822 = arith.constant 9524 : i32
      %add3A_823 = vector.broadcast %add3A_822 : i32 to vector<16xi32>
      %add3A_824 = arith.addi %select_n3A_785, %add3A_823 : vector<16xi32>
      %gather3A_825 = tpu.vector_load_idx %arg7[%add3A_824] : memref<38096xi32, #tpu.memory_space<vmem>>[vector<16xi32>], vector<16xi32>,
      %add3A_826 = arith.constant 9524 : i32
      %add3A_827 = vector.broadcast %add3A_826 : i32 to vector<16xi32>
      %add3A_828 = arith.addi %select_n3A_789, %add3A_827 : vector<16xi32>
      %gather3A_829 = tpu.vector_load_idx %arg7[%add3A_828] : memref<38096xi32, #tpu.memory_space<vmem>>[vector<16xi32>], vector<16xi32>,
      %add3A_830 = arith.constant 11905 : i32
      %add3A_831 = vector.broadcast %add3A_830 : i32 to vector<16xi32>
      %add3A_832 = arith.addi %select_n3A_785, %add3A_831 : vector<16xi32>
      %gather3A_833 = tpu.vector_load_idx %arg7[%add3A_832] : memref<38096xi32, #tpu.memory_space<vmem>>[vector<16xi32>], vector<16xi32>,
      %add3A_834 = arith.constant 11905 : i32
      %add3A_835 = vector.broadcast %add3A_834 : i32 to vector<16xi32>
      %add3A_836 = arith.addi %select_n3A_789, %add3A_835 : vector<16xi32>
      %gather3A_837 = tpu.vector_load_idx %arg7[%add3A_836] : memref<38096xi32, #tpu.memory_space<vmem>>[vector<16xi32>], vector<16xi32>,
      %add3A_838 = arith.constant 14286 : i32
      %add3A_839 = vector.broadcast %add3A_838 : i32 to vector<16xi32>
      %add3A_840 = arith.addi %select_n3A_785, %add3A_839 : vector<16xi32>
      %gather3A_841 = tpu.vector_load_idx %arg7[%add3A_840] : memref<38096xi32, #tpu.memory_space<vmem>>[vector<16xi32>], vector<16xi32>,
      %add3A_842 = arith.constant 14286 : i32
      %add3A_843 = vector.broadcast %add3A_842 : i32 to vector<16xi32>
      %add3A_844 = arith.addi %select_n3A_789, %add3A_843 : vector<16xi32>
      %gather3A_845 = tpu.vector_load_idx %arg7[%add3A_844] : memref<38096xi32, #tpu.memory_space<vmem>>[vector<16xi32>], vector<16xi32>,
      %add3A_846 = arith.constant 16667 : i32
      %add3A_847 = vector.broadcast %add3A_846 : i32 to vector<16xi32>
      %add3A_848 = arith.addi %select_n3A_785, %add3A_847 : vector<16xi32>
      %gather3A_849 = tpu.vector_load_idx %arg7[%add3A_848] : memref<38096xi32, #tpu.memory_space<vmem>>[vector<16xi32>], vector<16xi32>,
      %add3A_850 = arith.constant 16667 : i32
      %add3A_851 = vector.broadcast %add3A_850 : i32 to vector<16xi32>
      %add3A_852 = arith.addi %select_n3A_789, %add3A_851 : vector<16xi32>
      %gather3A_853 = tpu.vector_load_idx %arg7[%add3A_852] : memref<38096xi32, #tpu.memory_space<vmem>>[vector<16xi32>], vector<16xi32>,
      %add3A_854 = arith.constant 19048 : i32
      %add3A_855 = vector.broadcast %add3A_854 : i32 to vector<16xi32>
      %add3A_856 = arith.addi %select_n3A_785, %add3A_855 : vector<16xi32>
      %gather3A_857 = tpu.vector_load_idx %arg7[%add3A_856] : memref<38096xi32, #tpu.memory_space<vmem>>[vector<16xi32>], vector<16xi32>,
      %add3A_858 = arith.constant 19048 : i32
      %add3A_859 = vector.broadcast %add3A_858 : i32 to vector<16xi32>
      %add3A_860 = arith.addi %select_n3A_789, %add3A_859 : vector<16xi32>
      %gather3A_861 = tpu.vector_load_idx %arg7[%add3A_860] : memref<38096xi32, #tpu.memory_space<vmem>>[vector<16xi32>], vector<16xi32>,
      %add3A_862 = arith.constant 21429 : i32
      %add3A_863 = vector.broadcast %add3A_862 : i32 to vector<16xi32>
      %add3A_864 = arith.addi %select_n3A_785, %add3A_863 : vector<16xi32>
      %gather3A_865 = tpu.vector_load_idx %arg7[%add3A_864] : memref<38096xi32, #tpu.memory_space<vmem>>[vector<16xi32>], vector<16xi32>,
      %add3A_866 = arith.constant 21429 : i32
      %add3A_867 = vector.broadcast %add3A_866 : i32 to vector<16xi32>
      %add3A_868 = arith.addi %select_n3A_789, %add3A_867 : vector<16xi32>
      %gather3A_869 = tpu.vector_load_idx %arg7[%add3A_868] : memref<38096xi32, #tpu.memory_space<vmem>>[vector<16xi32>], vector<16xi32>,
      %add3A_870 = arith.constant 23810 : i32
      %add3A_871 = vector.broadcast %add3A_870 : i32 to vector<16xi32>
      %add3A_872 = arith.addi %select_n3A_785, %add3A_871 : vector<16xi32>
      %gather3A_873 = tpu.vector_load_idx %arg7[%add3A_872] : memref<38096xi32, #tpu.memory_space<vmem>>[vector<16xi32>], vector<16xi32>,
      %add3A_874 = arith.constant 23810 : i32
      %add3A_875 = vector.broadcast %add3A_874 : i32 to vector<16xi32>
      %add3A_876 = arith.addi %select_n3A_789, %add3A_875 : vector<16xi32>
      %gather3A_877 = tpu.vector_load_idx %arg7[%add3A_876] : memref<38096xi32, #tpu.memory_space<vmem>>[vector<16xi32>], vector<16xi32>,
      %add3A_878 = arith.constant 26191 : i32
      %add3A_879 = vector.broadcast %add3A_878 : i32 to vector<16xi32>
      %add3A_880 = arith.addi %select_n3A_785, %add3A_879 : vector<16xi32>
      %gather3A_881 = tpu.vector_load_idx %arg7[%add3A_880] : memref<38096xi32, #tpu.memory_space<vmem>>[vector<16xi32>], vector<16xi32>,
      %add3A_882 = arith.constant 26191 : i32
      %add3A_883 = vector.broadcast %add3A_882 : i32 to vector<16xi32>
      %add3A_884 = arith.addi %select_n3A_789, %add3A_883 : vector<16xi32>
      %gather3A_885 = tpu.vector_load_idx %arg7[%add3A_884] : memref<38096xi32, #tpu.memory_space<vmem>>[vector<16xi32>], vector<16xi32>,
      %add3A_886 = arith.constant 28572 : i32
      %add3A_887 = vector.broadcast %add3A_886 : i32 to vector<16xi32>
      %add3A_888 = arith.addi %select_n3A_785, %add3A_887 : vector<16xi32>
      %gather3A_889 = tpu.vector_load_idx %arg7[%add3A_888] : memref<38096xi32, #tpu.memory_space<vmem>>[vector<16xi32>], vector<16xi32>,
      %add3A_890 = arith.constant 28572 : i32
      %add3A_891 = vector.broadcast %add3A_890 : i32 to vector<16xi32>
      %add3A_892 = arith.addi %select_n3A_789, %add3A_891 : vector<16xi32>
      %gather3A_893 = tpu.vector_load_idx %arg7[%add3A_892] : memref<38096xi32, #tpu.memory_space<vmem>>[vector<16xi32>], vector<16xi32>,
      %add3A_894 = arith.constant 30953 : i32
      %add3A_895 = vector.broadcast %add3A_894 : i32 to vector<16xi32>
      %add3A_896 = arith.addi %select_n3A_785, %add3A_895 : vector<16xi32>
      %gather3A_897 = tpu.vector_load_idx %arg7[%add3A_896] : memref<38096xi32, #tpu.memory_space<vmem>>[vector<16xi32>], vector<16xi32>,
      %add3A_898 = arith.constant 30953 : i32
      %add3A_899 = vector.broadcast %add3A_898 : i32 to vector<16xi32>
      %add3A_900 = arith.addi %select_n3A_789, %add3A_899 : vector<16xi32>
      %gather3A_901 = tpu.vector_load_idx %arg7[%add3A_900] : memref<38096xi32, #tpu.memory_space<vmem>>[vector<16xi32>], vector<16xi32>,
      %add3A_902 = arith.constant 33334 : i32
      %add3A_903 = vector.broadcast %add3A_902 : i32 to vector<16xi32>
      %add3A_904 = arith.addi %select_n3A_785, %add3A_903 : vector<16xi32>
      %gather3A_905 = tpu.vector_load_idx %arg7[%add3A_904] : memref<38096xi32, #tpu.memory_space<vmem>>[vector<16xi32>], vector<16xi32>,
      %add3A_906 = arith.constant 33334 : i32
      %add3A_907 = vector.broadcast %add3A_906 : i32 to vector<16xi32>
      %add3A_908 = arith.addi %select_n3A_789, %add3A_907 : vector<16xi32>
      %gather3A_909 = tpu.vector_load_idx %arg7[%add3A_908] : memref<38096xi32, #tpu.memory_space<vmem>>[vector<16xi32>], vector<16xi32>,
      %add3A_910 = arith.constant 35715 : i32
      %add3A_911 = vector.broadcast %add3A_910 : i32 to vector<16xi32>
      %add3A_912 = arith.addi %select_n3A_785, %add3A_911 : vector<16xi32>
      %gather3A_913 = tpu.vector_load_idx %arg7[%add3A_912] : memref<38096xi32, #tpu.memory_space<vmem>>[vector<16xi32>], vector<16xi32>,
      %add3A_914 = arith.constant 35715 : i32
      %add3A_915 = vector.broadcast %add3A_914 : i32 to vector<16xi32>
      %add3A_916 = arith.addi %select_n3A_789, %add3A_915 : vector<16xi32>
      %gather3A_917 = tpu.vector_load_idx %arg7[%add3A_916] : memref<38096xi32, #tpu.memory_space<vmem>>[vector<16xi32>], vector<16xi32>,
      %shift_left3A_918 = arith.constant 16 : i32
      %shift_left3A_919 = vector.broadcast %shift_left3A_918 : i32 to vector<16xi32>
      %shift_left3A_920 = arith.shli %gather3A_793, %shift_left3A_919 : vector<16xi32>
      %bitcast3A_921 = vector.bitcast %shift_left3A_920 : vector<16xi32> to vector<16xf32>
      %and3A_922 = arith.constant -65536 : i32
      %and3A_923 = vector.broadcast %and3A_922 : i32 to vector<16xi32>
      %and3A_924 = arith.andi %gather3A_793, %and3A_923 : vector<16xi32>
      %bitcast3A_925 = vector.bitcast %and3A_924 : vector<16xi32> to vector<16xf32>
      %shift_left3A_926 = arith.constant 16 : i32
      %shift_left3A_927 = vector.broadcast %shift_left3A_926 : i32 to vector<16xi32>
      %shift_left3A_928 = arith.shli %gather3A_797, %shift_left3A_927 : vector<16xi32>
      %bitcast3A_929 = vector.bitcast %shift_left3A_928 : vector<16xi32> to vector<16xf32>
      %and3A_930 = arith.constant -65536 : i32
      %and3A_931 = vector.broadcast %and3A_930 : i32 to vector<16xi32>
      %and3A_932 = arith.andi %gather3A_797, %and3A_931 : vector<16xi32>
      %bitcast3A_933 = vector.bitcast %and3A_932 : vector<16xi32> to vector<16xf32>
      %add3A_934 = arith.addf %bitcast3A_921, %bitcast3A_929 : vector<16xf32>
      %add3A_935 = arith.addf %bitcast3A_925, %bitcast3A_933 : vector<16xf32>
      %shift_left3A_936 = arith.constant 16 : i32
      %shift_left3A_937 = vector.broadcast %shift_left3A_936 : i32 to vector<16xi32>
      %shift_left3A_938 = arith.shli %gather3A_801, %shift_left3A_937 : vector<16xi32>
      %bitcast3A_939 = vector.bitcast %shift_left3A_938 : vector<16xi32> to vector<16xf32>
      %and3A_940 = arith.constant -65536 : i32
      %and3A_941 = vector.broadcast %and3A_940 : i32 to vector<16xi32>
      %and3A_942 = arith.andi %gather3A_801, %and3A_941 : vector<16xi32>
      %bitcast3A_943 = vector.bitcast %and3A_942 : vector<16xi32> to vector<16xf32>
      %shift_left3A_944 = arith.constant 16 : i32
      %shift_left3A_945 = vector.broadcast %shift_left3A_944 : i32 to vector<16xi32>
      %shift_left3A_946 = arith.shli %gather3A_805, %shift_left3A_945 : vector<16xi32>
      %bitcast3A_947 = vector.bitcast %shift_left3A_946 : vector<16xi32> to vector<16xf32>
      %and3A_948 = arith.constant -65536 : i32
      %and3A_949 = vector.broadcast %and3A_948 : i32 to vector<16xi32>
      %and3A_950 = arith.andi %gather3A_805, %and3A_949 : vector<16xi32>
      %bitcast3A_951 = vector.bitcast %and3A_950 : vector<16xi32> to vector<16xf32>
      %add3A_952 = arith.addf %bitcast3A_939, %bitcast3A_947 : vector<16xf32>
      %add3A_953 = arith.addf %bitcast3A_943, %bitcast3A_951 : vector<16xf32>
      %shift_left3A_954 = arith.constant 16 : i32
      %shift_left3A_955 = vector.broadcast %shift_left3A_954 : i32 to vector<16xi32>
      %shift_left3A_956 = arith.shli %gather3A_809, %shift_left3A_955 : vector<16xi32>
      %bitcast3A_957 = vector.bitcast %shift_left3A_956 : vector<16xi32> to vector<16xf32>
      %and3A_958 = arith.constant -65536 : i32
      %and3A_959 = vector.broadcast %and3A_958 : i32 to vector<16xi32>
      %and3A_960 = arith.andi %gather3A_809, %and3A_959 : vector<16xi32>
      %bitcast3A_961 = vector.bitcast %and3A_960 : vector<16xi32> to vector<16xf32>
      %shift_left3A_962 = arith.constant 16 : i32
      %shift_left3A_963 = vector.broadcast %shift_left3A_962 : i32 to vector<16xi32>
      %shift_left3A_964 = arith.shli %gather3A_813, %shift_left3A_963 : vector<16xi32>
      %bitcast3A_965 = vector.bitcast %shift_left3A_964 : vector<16xi32> to vector<16xf32>
      %and3A_966 = arith.constant -65536 : i32
      %and3A_967 = vector.broadcast %and3A_966 : i32 to vector<16xi32>
      %and3A_968 = arith.andi %gather3A_813, %and3A_967 : vector<16xi32>
      %bitcast3A_969 = vector.bitcast %and3A_968 : vector<16xi32> to vector<16xf32>
      %add3A_970 = arith.addf %bitcast3A_957, %bitcast3A_965 : vector<16xf32>
      %add3A_971 = arith.addf %bitcast3A_961, %bitcast3A_969 : vector<16xf32>
      %shift_left3A_972 = arith.constant 16 : i32
      %shift_left3A_973 = vector.broadcast %shift_left3A_972 : i32 to vector<16xi32>
      %shift_left3A_974 = arith.shli %gather3A_817, %shift_left3A_973 : vector<16xi32>
      %bitcast3A_975 = vector.bitcast %shift_left3A_974 : vector<16xi32> to vector<16xf32>
      %and3A_976 = arith.constant -65536 : i32
      %and3A_977 = vector.broadcast %and3A_976 : i32 to vector<16xi32>
      %and3A_978 = arith.andi %gather3A_817, %and3A_977 : vector<16xi32>
      %bitcast3A_979 = vector.bitcast %and3A_978 : vector<16xi32> to vector<16xf32>
      %shift_left3A_980 = arith.constant 16 : i32
      %shift_left3A_981 = vector.broadcast %shift_left3A_980 : i32 to vector<16xi32>
      %shift_left3A_982 = arith.shli %gather3A_821, %shift_left3A_981 : vector<16xi32>
      %bitcast3A_983 = vector.bitcast %shift_left3A_982 : vector<16xi32> to vector<16xf32>
      %and3A_984 = arith.constant -65536 : i32
      %and3A_985 = vector.broadcast %and3A_984 : i32 to vector<16xi32>
      %and3A_986 = arith.andi %gather3A_821, %and3A_985 : vector<16xi32>
      %bitcast3A_987 = vector.bitcast %and3A_986 : vector<16xi32> to vector<16xf32>
      %add3A_988 = arith.addf %bitcast3A_975, %bitcast3A_983 : vector<16xf32>
      %add3A_989 = arith.addf %bitcast3A_979, %bitcast3A_987 : vector<16xf32>
      %shift_left3A_990 = arith.constant 16 : i32
      %shift_left3A_991 = vector.broadcast %shift_left3A_990 : i32 to vector<16xi32>
      %shift_left3A_992 = arith.shli %gather3A_825, %shift_left3A_991 : vector<16xi32>
      %bitcast3A_993 = vector.bitcast %shift_left3A_992 : vector<16xi32> to vector<16xf32>
      %and3A_994 = arith.constant -65536 : i32
      %and3A_995 = vector.broadcast %and3A_994 : i32 to vector<16xi32>
      %and3A_996 = arith.andi %gather3A_825, %and3A_995 : vector<16xi32>
      %bitcast3A_997 = vector.bitcast %and3A_996 : vector<16xi32> to vector<16xf32>
      %shift_left3A_998 = arith.constant 16 : i32
      %shift_left3A_999 = vector.broadcast %shift_left3A_998 : i32 to vector<16xi32>
      %shift_left3A_1000 = arith.shli %gather3A_829, %shift_left3A_999 : vector<16xi32>
      %bitcast3A_1001 = vector.bitcast %shift_left3A_1000 : vector<16xi32> to vector<16xf32>
      %and3A_1002 = arith.constant -65536 : i32
      %and3A_1003 = vector.broadcast %and3A_1002 : i32 to vector<16xi32>
      %and3A_1004 = arith.andi %gather3A_829, %and3A_1003 : vector<16xi32>
      %bitcast3A_1005 = vector.bitcast %and3A_1004 : vector<16xi32> to vector<16xf32>
      %add3A_1006 = arith.addf %bitcast3A_993, %bitcast3A_1001 : vector<16xf32>
      %add3A_1007 = arith.addf %bitcast3A_997, %bitcast3A_1005 : vector<16xf32>
      %shift_left3A_1008 = arith.constant 16 : i32
      %shift_left3A_1009 = vector.broadcast %shift_left3A_1008 : i32 to vector<16xi32>
      %shift_left3A_1010 = arith.shli %gather3A_833, %shift_left3A_1009 : vector<16xi32>
      %bitcast3A_1011 = vector.bitcast %shift_left3A_1010 : vector<16xi32> to vector<16xf32>
      %and3A_1012 = arith.constant -65536 : i32
      %and3A_1013 = vector.broadcast %and3A_1012 : i32 to vector<16xi32>
      %and3A_1014 = arith.andi %gather3A_833, %and3A_1013 : vector<16xi32>
      %bitcast3A_1015 = vector.bitcast %and3A_1014 : vector<16xi32> to vector<16xf32>
      %shift_left3A_1016 = arith.constant 16 : i32
      %shift_left3A_1017 = vector.broadcast %shift_left3A_1016 : i32 to vector<16xi32>
      %shift_left3A_1018 = arith.shli %gather3A_837, %shift_left3A_1017 : vector<16xi32>
      %bitcast3A_1019 = vector.bitcast %shift_left3A_1018 : vector<16xi32> to vector<16xf32>
      %and3A_1020 = arith.constant -65536 : i32
      %and3A_1021 = vector.broadcast %and3A_1020 : i32 to vector<16xi32>
      %and3A_1022 = arith.andi %gather3A_837, %and3A_1021 : vector<16xi32>
      %bitcast3A_1023 = vector.bitcast %and3A_1022 : vector<16xi32> to vector<16xf32>
      %add3A_1024 = arith.addf %bitcast3A_1011, %bitcast3A_1019 : vector<16xf32>
      %add3A_1025 = arith.addf %bitcast3A_1015, %bitcast3A_1023 : vector<16xf32>
      %shift_left3A_1026 = arith.constant 16 : i32
      %shift_left3A_1027 = vector.broadcast %shift_left3A_1026 : i32 to vector<16xi32>
      %shift_left3A_1028 = arith.shli %gather3A_841, %shift_left3A_1027 : vector<16xi32>
      %bitcast3A_1029 = vector.bitcast %shift_left3A_1028 : vector<16xi32> to vector<16xf32>
      %and3A_1030 = arith.constant -65536 : i32
      %and3A_1031 = vector.broadcast %and3A_1030 : i32 to vector<16xi32>
      %and3A_1032 = arith.andi %gather3A_841, %and3A_1031 : vector<16xi32>
      %bitcast3A_1033 = vector.bitcast %and3A_1032 : vector<16xi32> to vector<16xf32>
      %shift_left3A_1034 = arith.constant 16 : i32
      %shift_left3A_1035 = vector.broadcast %shift_left3A_1034 : i32 to vector<16xi32>
      %shift_left3A_1036 = arith.shli %gather3A_845, %shift_left3A_1035 : vector<16xi32>
      %bitcast3A_1037 = vector.bitcast %shift_left3A_1036 : vector<16xi32> to vector<16xf32>
      %and3A_1038 = arith.constant -65536 : i32
      %and3A_1039 = vector.broadcast %and3A_1038 : i32 to vector<16xi32>
      %and3A_1040 = arith.andi %gather3A_845, %and3A_1039 : vector<16xi32>
      %bitcast3A_1041 = vector.bitcast %and3A_1040 : vector<16xi32> to vector<16xf32>
      %add3A_1042 = arith.addf %bitcast3A_1029, %bitcast3A_1037 : vector<16xf32>
      %add3A_1043 = arith.addf %bitcast3A_1033, %bitcast3A_1041 : vector<16xf32>
      %shift_left3A_1044 = arith.constant 16 : i32
      %shift_left3A_1045 = vector.broadcast %shift_left3A_1044 : i32 to vector<16xi32>
      %shift_left3A_1046 = arith.shli %gather3A_849, %shift_left3A_1045 : vector<16xi32>
      %bitcast3A_1047 = vector.bitcast %shift_left3A_1046 : vector<16xi32> to vector<16xf32>
      %and3A_1048 = arith.constant -65536 : i32
      %and3A_1049 = vector.broadcast %and3A_1048 : i32 to vector<16xi32>
      %and3A_1050 = arith.andi %gather3A_849, %and3A_1049 : vector<16xi32>
      %bitcast3A_1051 = vector.bitcast %and3A_1050 : vector<16xi32> to vector<16xf32>
      %shift_left3A_1052 = arith.constant 16 : i32
      %shift_left3A_1053 = vector.broadcast %shift_left3A_1052 : i32 to vector<16xi32>
      %shift_left3A_1054 = arith.shli %gather3A_853, %shift_left3A_1053 : vector<16xi32>
      %bitcast3A_1055 = vector.bitcast %shift_left3A_1054 : vector<16xi32> to vector<16xf32>
      %and3A_1056 = arith.constant -65536 : i32
      %and3A_1057 = vector.broadcast %and3A_1056 : i32 to vector<16xi32>
      %and3A_1058 = arith.andi %gather3A_853, %and3A_1057 : vector<16xi32>
      %bitcast3A_1059 = vector.bitcast %and3A_1058 : vector<16xi32> to vector<16xf32>
      %add3A_1060 = arith.addf %bitcast3A_1047, %bitcast3A_1055 : vector<16xf32>
      %add3A_1061 = arith.addf %bitcast3A_1051, %bitcast3A_1059 : vector<16xf32>
      %shift_left3A_1062 = arith.constant 16 : i32
      %shift_left3A_1063 = vector.broadcast %shift_left3A_1062 : i32 to vector<16xi32>
      %shift_left3A_1064 = arith.shli %gather3A_857, %shift_left3A_1063 : vector<16xi32>
      %bitcast3A_1065 = vector.bitcast %shift_left3A_1064 : vector<16xi32> to vector<16xf32>
      %and3A_1066 = arith.constant -65536 : i32
      %and3A_1067 = vector.broadcast %and3A_1066 : i32 to vector<16xi32>
      %and3A_1068 = arith.andi %gather3A_857, %and3A_1067 : vector<16xi32>
      %bitcast3A_1069 = vector.bitcast %and3A_1068 : vector<16xi32> to vector<16xf32>
      %shift_left3A_1070 = arith.constant 16 : i32
      %shift_left3A_1071 = vector.broadcast %shift_left3A_1070 : i32 to vector<16xi32>
      %shift_left3A_1072 = arith.shli %gather3A_861, %shift_left3A_1071 : vector<16xi32>
      %bitcast3A_1073 = vector.bitcast %shift_left3A_1072 : vector<16xi32> to vector<16xf32>
      %and3A_1074 = arith.constant -65536 : i32
      %and3A_1075 = vector.broadcast %and3A_1074 : i32 to vector<16xi32>
      %and3A_1076 = arith.andi %gather3A_861, %and3A_1075 : vector<16xi32>
      %bitcast3A_1077 = vector.bitcast %and3A_1076 : vector<16xi32> to vector<16xf32>
      %add3A_1078 = arith.addf %bitcast3A_1065, %bitcast3A_1073 : vector<16xf32>
      %add3A_1079 = arith.addf %bitcast3A_1069, %bitcast3A_1077 : vector<16xf32>
      %shift_left3A_1080 = arith.constant 16 : i32
      %shift_left3A_1081 = vector.broadcast %shift_left3A_1080 : i32 to vector<16xi32>
      %shift_left3A_1082 = arith.shli %gather3A_865, %shift_left3A_1081 : vector<16xi32>
      %bitcast3A_1083 = vector.bitcast %shift_left3A_1082 : vector<16xi32> to vector<16xf32>
      %and3A_1084 = arith.constant -65536 : i32
      %and3A_1085 = vector.broadcast %and3A_1084 : i32 to vector<16xi32>
      %and3A_1086 = arith.andi %gather3A_865, %and3A_1085 : vector<16xi32>
      %bitcast3A_1087 = vector.bitcast %and3A_1086 : vector<16xi32> to vector<16xf32>
      %shift_left3A_1088 = arith.constant 16 : i32
      %shift_left3A_1089 = vector.broadcast %shift_left3A_1088 : i32 to vector<16xi32>
      %shift_left3A_1090 = arith.shli %gather3A_869, %shift_left3A_1089 : vector<16xi32>
      %bitcast3A_1091 = vector.bitcast %shift_left3A_1090 : vector<16xi32> to vector<16xf32>
      %and3A_1092 = arith.constant -65536 : i32
      %and3A_1093 = vector.broadcast %and3A_1092 : i32 to vector<16xi32>
      %and3A_1094 = arith.andi %gather3A_869, %and3A_1093 : vector<16xi32>
      %bitcast3A_1095 = vector.bitcast %and3A_1094 : vector<16xi32> to vector<16xf32>
      %add3A_1096 = arith.addf %bitcast3A_1083, %bitcast3A_1091 : vector<16xf32>
      %add3A_1097 = arith.addf %bitcast3A_1087, %bitcast3A_1095 : vector<16xf32>
      %shift_left3A_1098 = arith.constant 16 : i32
      %shift_left3A_1099 = vector.broadcast %shift_left3A_1098 : i32 to vector<16xi32>
      %shift_left3A_1100 = arith.shli %gather3A_873, %shift_left3A_1099 : vector<16xi32>
      %bitcast3A_1101 = vector.bitcast %shift_left3A_1100 : vector<16xi32> to vector<16xf32>
      %and3A_1102 = arith.constant -65536 : i32
      %and3A_1103 = vector.broadcast %and3A_1102 : i32 to vector<16xi32>
      %and3A_1104 = arith.andi %gather3A_873, %and3A_1103 : vector<16xi32>
      %bitcast3A_1105 = vector.bitcast %and3A_1104 : vector<16xi32> to vector<16xf32>
      %shift_left3A_1106 = arith.constant 16 : i32
      %shift_left3A_1107 = vector.broadcast %shift_left3A_1106 : i32 to vector<16xi32>
      %shift_left3A_1108 = arith.shli %gather3A_877, %shift_left3A_1107 : vector<16xi32>
      %bitcast3A_1109 = vector.bitcast %shift_left3A_1108 : vector<16xi32> to vector<16xf32>
      %and3A_1110 = arith.constant -65536 : i32
      %and3A_1111 = vector.broadcast %and3A_1110 : i32 to vector<16xi32>
      %and3A_1112 = arith.andi %gather3A_877, %and3A_1111 : vector<16xi32>
      %bitcast3A_1113 = vector.bitcast %and3A_1112 : vector<16xi32> to vector<16xf32>
      %add3A_1114 = arith.addf %bitcast3A_1101, %bitcast3A_1109 : vector<16xf32>
      %add3A_1115 = arith.addf %bitcast3A_1105, %bitcast3A_1113 : vector<16xf32>
      %shift_left3A_1116 = arith.constant 16 : i32
      %shift_left3A_1117 = vector.broadcast %shift_left3A_1116 : i32 to vector<16xi32>
      %shift_left3A_1118 = arith.shli %gather3A_881, %shift_left3A_1117 : vector<16xi32>
      %bitcast3A_1119 = vector.bitcast %shift_left3A_1118 : vector<16xi32> to vector<16xf32>
      %and3A_1120 = arith.constant -65536 : i32
      %and3A_1121 = vector.broadcast %and3A_1120 : i32 to vector<16xi32>
      %and3A_1122 = arith.andi %gather3A_881, %and3A_1121 : vector<16xi32>
      %bitcast3A_1123 = vector.bitcast %and3A_1122 : vector<16xi32> to vector<16xf32>
      %shift_left3A_1124 = arith.constant 16 : i32
      %shift_left3A_1125 = vector.broadcast %shift_left3A_1124 : i32 to vector<16xi32>
      %shift_left3A_1126 = arith.shli %gather3A_885, %shift_left3A_1125 : vector<16xi32>
      %bitcast3A_1127 = vector.bitcast %shift_left3A_1126 : vector<16xi32> to vector<16xf32>
      %and3A_1128 = arith.constant -65536 : i32
      %and3A_1129 = vector.broadcast %and3A_1128 : i32 to vector<16xi32>
      %and3A_1130 = arith.andi %gather3A_885, %and3A_1129 : vector<16xi32>
      %bitcast3A_1131 = vector.bitcast %and3A_1130 : vector<16xi32> to vector<16xf32>
      %add3A_1132 = arith.addf %bitcast3A_1119, %bitcast3A_1127 : vector<16xf32>
      %add3A_1133 = arith.addf %bitcast3A_1123, %bitcast3A_1131 : vector<16xf32>
      %shift_left3A_1134 = arith.constant 16 : i32
      %shift_left3A_1135 = vector.broadcast %shift_left3A_1134 : i32 to vector<16xi32>
      %shift_left3A_1136 = arith.shli %gather3A_889, %shift_left3A_1135 : vector<16xi32>
      %bitcast3A_1137 = vector.bitcast %shift_left3A_1136 : vector<16xi32> to vector<16xf32>
      %and3A_1138 = arith.constant -65536 : i32
      %and3A_1139 = vector.broadcast %and3A_1138 : i32 to vector<16xi32>
      %and3A_1140 = arith.andi %gather3A_889, %and3A_1139 : vector<16xi32>
      %bitcast3A_1141 = vector.bitcast %and3A_1140 : vector<16xi32> to vector<16xf32>
      %shift_left3A_1142 = arith.constant 16 : i32
      %shift_left3A_1143 = vector.broadcast %shift_left3A_1142 : i32 to vector<16xi32>
      %shift_left3A_1144 = arith.shli %gather3A_893, %shift_left3A_1143 : vector<16xi32>
      %bitcast3A_1145 = vector.bitcast %shift_left3A_1144 : vector<16xi32> to vector<16xf32>
      %and3A_1146 = arith.constant -65536 : i32
      %and3A_1147 = vector.broadcast %and3A_1146 : i32 to vector<16xi32>
      %and3A_1148 = arith.andi %gather3A_893, %and3A_1147 : vector<16xi32>
      %bitcast3A_1149 = vector.bitcast %and3A_1148 : vector<16xi32> to vector<16xf32>
      %add3A_1150 = arith.addf %bitcast3A_1137, %bitcast3A_1145 : vector<16xf32>
      %add3A_1151 = arith.addf %bitcast3A_1141, %bitcast3A_1149 : vector<16xf32>
      %shift_left3A_1152 = arith.constant 16 : i32
      %shift_left3A_1153 = vector.broadcast %shift_left3A_1152 : i32 to vector<16xi32>
      %shift_left3A_1154 = arith.shli %gather3A_897, %shift_left3A_1153 : vector<16xi32>
      %bitcast3A_1155 = vector.bitcast %shift_left3A_1154 : vector<16xi32> to vector<16xf32>
      %and3A_1156 = arith.constant -65536 : i32
      %and3A_1157 = vector.broadcast %and3A_1156 : i32 to vector<16xi32>
      %and3A_1158 = arith.andi %gather3A_897, %and3A_1157 : vector<16xi32>
      %bitcast3A_1159 = vector.bitcast %and3A_1158 : vector<16xi32> to vector<16xf32>
      %shift_left3A_1160 = arith.constant 16 : i32
      %shift_left3A_1161 = vector.broadcast %shift_left3A_1160 : i32 to vector<16xi32>
      %shift_left3A_1162 = arith.shli %gather3A_901, %shift_left3A_1161 : vector<16xi32>
      %bitcast3A_1163 = vector.bitcast %shift_left3A_1162 : vector<16xi32> to vector<16xf32>
      %and3A_1164 = arith.constant -65536 : i32
      %and3A_1165 = vector.broadcast %and3A_1164 : i32 to vector<16xi32>
      %and3A_1166 = arith.andi %gather3A_901, %and3A_1165 : vector<16xi32>
      %bitcast3A_1167 = vector.bitcast %and3A_1166 : vector<16xi32> to vector<16xf32>
      %add3A_1168 = arith.addf %bitcast3A_1155, %bitcast3A_1163 : vector<16xf32>
      %add3A_1169 = arith.addf %bitcast3A_1159, %bitcast3A_1167 : vector<16xf32>
      %shift_left3A_1170 = arith.constant 16 : i32
      %shift_left3A_1171 = vector.broadcast %shift_left3A_1170 : i32 to vector<16xi32>
      %shift_left3A_1172 = arith.shli %gather3A_905, %shift_left3A_1171 : vector<16xi32>
      %bitcast3A_1173 = vector.bitcast %shift_left3A_1172 : vector<16xi32> to vector<16xf32>
      %and3A_1174 = arith.constant -65536 : i32
      %and3A_1175 = vector.broadcast %and3A_1174 : i32 to vector<16xi32>
      %and3A_1176 = arith.andi %gather3A_905, %and3A_1175 : vector<16xi32>
      %bitcast3A_1177 = vector.bitcast %and3A_1176 : vector<16xi32> to vector<16xf32>
      %shift_left3A_1178 = arith.constant 16 : i32
      %shift_left3A_1179 = vector.broadcast %shift_left3A_1178 : i32 to vector<16xi32>
      %shift_left3A_1180 = arith.shli %gather3A_909, %shift_left3A_1179 : vector<16xi32>
      %bitcast3A_1181 = vector.bitcast %shift_left3A_1180 : vector<16xi32> to vector<16xf32>
      %and3A_1182 = arith.constant -65536 : i32
      %and3A_1183 = vector.broadcast %and3A_1182 : i32 to vector<16xi32>
      %and3A_1184 = arith.andi %gather3A_909, %and3A_1183 : vector<16xi32>
      %bitcast3A_1185 = vector.bitcast %and3A_1184 : vector<16xi32> to vector<16xf32>
      %add3A_1186 = arith.addf %bitcast3A_1173, %bitcast3A_1181 : vector<16xf32>
      %add3A_1187 = arith.addf %bitcast3A_1177, %bitcast3A_1185 : vector<16xf32>
      %shift_left3A_1188 = arith.constant 16 : i32
      %shift_left3A_1189 = vector.broadcast %shift_left3A_1188 : i32 to vector<16xi32>
      %shift_left3A_1190 = arith.shli %gather3A_913, %shift_left3A_1189 : vector<16xi32>
      %bitcast3A_1191 = vector.bitcast %shift_left3A_1190 : vector<16xi32> to vector<16xf32>
      %and3A_1192 = arith.constant -65536 : i32
      %and3A_1193 = vector.broadcast %and3A_1192 : i32 to vector<16xi32>
      %and3A_1194 = arith.andi %gather3A_913, %and3A_1193 : vector<16xi32>
      %bitcast3A_1195 = vector.bitcast %and3A_1194 : vector<16xi32> to vector<16xf32>
      %shift_left3A_1196 = arith.constant 16 : i32
      %shift_left3A_1197 = vector.broadcast %shift_left3A_1196 : i32 to vector<16xi32>
      %shift_left3A_1198 = arith.shli %gather3A_917, %shift_left3A_1197 : vector<16xi32>
      %bitcast3A_1199 = vector.bitcast %shift_left3A_1198 : vector<16xi32> to vector<16xf32>
      %and3A_1200 = arith.constant -65536 : i32
      %and3A_1201 = vector.broadcast %and3A_1200 : i32 to vector<16xi32>
      %and3A_1202 = arith.andi %gather3A_917, %and3A_1201 : vector<16xi32>
      %bitcast3A_1203 = vector.bitcast %and3A_1202 : vector<16xi32> to vector<16xf32>
      %add3A_1204 = arith.addf %bitcast3A_1191, %bitcast3A_1199 : vector<16xf32>
      %add3A_1205 = arith.addf %bitcast3A_1195, %bitcast3A_1203 : vector<16xf32>
      %eq3A_1206 = arith.constant 0 : i32
      %eq3A_1207 = arith.cmpi eq, %arg0, %eq3A_1206 : i32
      %convert_element_type3A_1208 = arith.extui %eq3A_1207 : i1 to i32
      %cond3A_1209 = arith.constant 345 : i32
      %cond3A_1210 = arith.constant 0 : i32
      %cond3A_1211 = arith.cmpi ne, %convert_element_type3A_1208, %cond3A_1210 : i32
      scf.if %cond3A_1211 {
        %shift_left3A_1449 = arith.constant 16 : i32
        %shift_left3A_1450 = vector.broadcast %shift_left3A_1449 : i32 to vector<16xi32>
        %shift_left3A_1451 = arith.shli %get3A_779, %shift_left3A_1450 : vector<16xi32>
        %bitcast3A_1452 = vector.bitcast %shift_left3A_1451 : vector<16xi32> to vector<16xf32>
        %and3A_1453 = arith.constant -65536 : i32
        %and3A_1454 = vector.broadcast %and3A_1453 : i32 to vector<16xi32>
        %and3A_1455 = arith.andi %get3A_779, %and3A_1454 : vector<16xi32>
        %bitcast3A_1456 = vector.bitcast %and3A_1455 : vector<16xi32> to vector<16xf32>
        %swap3A_1457 = arith.constant 1 : i32
        %swap3A_1458 = arith.constant 0 : i32
        %swap3A_1459 = arith.index_cast %swap3A_1457 : i32 to index
        %swap3A_1460 = arith.index_cast %swap3A_1458 : i32 to index
        %swap3A_1461 = arith.index_cast %cond3A_1209 : i32 to index
        %swap3A_1462 = tpu.vector_load %arg8[%swap3A_1459, %swap3A_1460, %swap3A_1461] {strides = array<i32>} : memref<2x35x361xf32, #tpu.memory_space<vmem>>, vector<16xf32>,
        tpu.vector_store %arg8[%swap3A_1459, %swap3A_1460, %swap3A_1461], %bitcast3A_1452 {strides = array<i32>} : memref<2x35x361xf32, #tpu.memory_space<vmem>>, vector<16xf32>,
        %swap3A_1463 = arith.constant 1 : i32
        %swap3A_1464 = arith.constant 1 : i32
        %swap3A_1465 = arith.index_cast %swap3A_1463 : i32 to index
        %swap3A_1466 = arith.index_cast %swap3A_1464 : i32 to index
        %swap3A_1467 = arith.index_cast %cond3A_1209 : i32 to index
        %swap3A_1468 = tpu.vector_load %arg8[%swap3A_1465, %swap3A_1466, %swap3A_1467] {strides = array<i32>} : memref<2x35x361xf32, #tpu.memory_space<vmem>>, vector<16xf32>,
        tpu.vector_store %arg8[%swap3A_1465, %swap3A_1466, %swap3A_1467], %bitcast3A_1456 {strides = array<i32>} : memref<2x35x361xf32, #tpu.memory_space<vmem>>, vector<16xf32>,
        %swap3A_1469 = arith.constant 1 : i32
        %swap3A_1470 = arith.constant 2 : i32
        %swap3A_1471 = arith.index_cast %swap3A_1469 : i32 to index
        %swap3A_1472 = arith.index_cast %swap3A_1470 : i32 to index
        %swap3A_1473 = arith.index_cast %cond3A_1209 : i32 to index
        %swap3A_1474 = tpu.vector_load %arg8[%swap3A_1471, %swap3A_1472, %swap3A_1473] {strides = array<i32>} : memref<2x35x361xf32, #tpu.memory_space<vmem>>, vector<16xf32>,
        tpu.vector_store %arg8[%swap3A_1471, %swap3A_1472, %swap3A_1473], %gather3A_747 {strides = array<i32>} : memref<2x35x361xf32, #tpu.memory_space<vmem>>, vector<16xf32>,
      } else {
      }
      %swap3A_1212 = arith.constant 1 : i32
      %swap3A_1213 = arith.constant 3 : i32
      %swap3A_1214 = arith.constant 345 : i32
      %swap3A_1215 = arith.index_cast %swap3A_1212 : i32 to index
      %swap3A_1216 = arith.index_cast %swap3A_1213 : i32 to index
      %swap3A_1217 = arith.index_cast %swap3A_1214 : i32 to index
      %swap3A_1218 = tpu.vector_load %arg8[%swap3A_1215, %swap3A_1216, %swap3A_1217] {strides = array<i32>} : memref<2x35x361xf32, #tpu.memory_space<vmem>>, vector<16xf32>,
      tpu.vector_store %arg8[%swap3A_1215, %swap3A_1216, %swap3A_1217], %add3A_934 {strides = array<i32>} : memref<2x35x361xf32, #tpu.memory_space<vmem>>, vector<16xf32>,
      %swap3A_1219 = arith.constant 1 : i32
      %swap3A_1220 = arith.constant 4 : i32
      %swap3A_1221 = arith.constant 345 : i32
      %swap3A_1222 = arith.index_cast %swap3A_1219 : i32 to index
      %swap3A_1223 = arith.index_cast %swap3A_1220 : i32 to index
      %swap3A_1224 = arith.index_cast %swap3A_1221 : i32 to index
      %swap3A_1225 = tpu.vector_load %arg8[%swap3A_1222, %swap3A_1223, %swap3A_1224] {strides = array<i32>} : memref<2x35x361xf32, #tpu.memory_space<vmem>>, vector<16xf32>,
      tpu.vector_store %arg8[%swap3A_1222, %swap3A_1223, %swap3A_1224], %add3A_935 {strides = array<i32>} : memref<2x35x361xf32, #tpu.memory_space<vmem>>, vector<16xf32>,
      %swap3A_1226 = arith.constant 1 : i32
      %swap3A_1227 = arith.constant 5 : i32
      %swap3A_1228 = arith.constant 345 : i32
      %swap3A_1229 = arith.index_cast %swap3A_1226 : i32 to index
      %swap3A_1230 = arith.index_cast %swap3A_1227 : i32 to index
      %swap3A_1231 = arith.index_cast %swap3A_1228 : i32 to index
      %swap3A_1232 = tpu.vector_load %arg8[%swap3A_1229, %swap3A_1230, %swap3A_1231] {strides = array<i32>} : memref<2x35x361xf32, #tpu.memory_space<vmem>>, vector<16xf32>,
      tpu.vector_store %arg8[%swap3A_1229, %swap3A_1230, %swap3A_1231], %add3A_952 {strides = array<i32>} : memref<2x35x361xf32, #tpu.memory_space<vmem>>, vector<16xf32>,
      %swap3A_1233 = arith.constant 1 : i32
      %swap3A_1234 = arith.constant 6 : i32
      %swap3A_1235 = arith.constant 345 : i32
      %swap3A_1236 = arith.index_cast %swap3A_1233 : i32 to index
      %swap3A_1237 = arith.index_cast %swap3A_1234 : i32 to index
      %swap3A_1238 = arith.index_cast %swap3A_1235 : i32 to index
      %swap3A_1239 = tpu.vector_load %arg8[%swap3A_1236, %swap3A_1237, %swap3A_1238] {strides = array<i32>} : memref<2x35x361xf32, #tpu.memory_space<vmem>>, vector<16xf32>,
      tpu.vector_store %arg8[%swap3A_1236, %swap3A_1237, %swap3A_1238], %add3A_953 {strides = array<i32>} : memref<2x35x361xf32, #tpu.memory_space<vmem>>, vector<16xf32>,
      %swap3A_1240 = arith.constant 1 : i32
      %swap3A_1241 = arith.constant 7 : i32
      %swap3A_1242 = arith.constant 345 : i32
      %swap3A_1243 = arith.index_cast %swap3A_1240 : i32 to index
      %swap3A_1244 = arith.index_cast %swap3A_1241 : i32 to index
      %swap3A_1245 = arith.index_cast %swap3A_1242 : i32 to index
      %swap3A_1246 = tpu.vector_load %arg8[%swap3A_1243, %swap3A_1244, %swap3A_1245] {strides = array<i32>} : memref<2x35x361xf32, #tpu.memory_space<vmem>>, vector<16xf32>,
      tpu.vector_store %arg8[%swap3A_1243, %swap3A_1244, %swap3A_1245], %add3A_970 {strides = array<i32>} : memref<2x35x361xf32, #tpu.memory_space<vmem>>, vector<16xf32>,
      %swap3A_1247 = arith.constant 1 : i32
      %swap3A_1248 = arith.constant 8 : i32
      %swap3A_1249 = arith.constant 345 : i32
      %swap3A_1250 = arith.index_cast %swap3A_1247 : i32 to index
      %swap3A_1251 = arith.index_cast %swap3A_1248 : i32 to index
      %swap3A_1252 = arith.index_cast %swap3A_1249 : i32 to index
      %swap3A_1253 = tpu.vector_load %arg8[%swap3A_1250, %swap3A_1251, %swap3A_1252] {strides = array<i32>} : memref<2x35x361xf32, #tpu.memory_space<vmem>>, vector<16xf32>,
      tpu.vector_store %arg8[%swap3A_1250, %swap3A_1251, %swap3A_1252], %add3A_971 {strides = array<i32>} : memref<2x35x361xf32, #tpu.memory_space<vmem>>, vector<16xf32>,
      %swap3A_1254 = arith.constant 1 : i32
      %swap3A_1255 = arith.constant 9 : i32
      %swap3A_1256 = arith.constant 345 : i32
      %swap3A_1257 = arith.index_cast %swap3A_1254 : i32 to index
      %swap3A_1258 = arith.index_cast %swap3A_1255 : i32 to index
      %swap3A_1259 = arith.index_cast %swap3A_1256 : i32 to index
      %swap3A_1260 = tpu.vector_load %arg8[%swap3A_1257, %swap3A_1258, %swap3A_1259] {strides = array<i32>} : memref<2x35x361xf32, #tpu.memory_space<vmem>>, vector<16xf32>,
      tpu.vector_store %arg8[%swap3A_1257, %swap3A_1258, %swap3A_1259], %add3A_988 {strides = array<i32>} : memref<2x35x361xf32, #tpu.memory_space<vmem>>, vector<16xf32>,
      %swap3A_1261 = arith.constant 1 : i32
      %swap3A_1262 = arith.constant 10 : i32
      %swap3A_1263 = arith.constant 345 : i32
      %swap3A_1264 = arith.index_cast %swap3A_1261 : i32 to index
      %swap3A_1265 = arith.index_cast %swap3A_1262 : i32 to index
      %swap3A_1266 = arith.index_cast %swap3A_1263 : i32 to index
      %swap3A_1267 = tpu.vector_load %arg8[%swap3A_1264, %swap3A_1265, %swap3A_1266] {strides = array<i32>} : memref<2x35x361xf32, #tpu.memory_space<vmem>>, vector<16xf32>,
      tpu.vector_store %arg8[%swap3A_1264, %swap3A_1265, %swap3A_1266], %add3A_989 {strides = array<i32>} : memref<2x35x361xf32, #tpu.memory_space<vmem>>, vector<16xf32>,
      %swap3A_1268 = arith.constant 1 : i32
      %swap3A_1269 = arith.constant 11 : i32
      %swap3A_1270 = arith.constant 345 : i32
      %swap3A_1271 = arith.index_cast %swap3A_1268 : i32 to index
      %swap3A_1272 = arith.index_cast %swap3A_1269 : i32 to index
      %swap3A_1273 = arith.index_cast %swap3A_1270 : i32 to index
      %swap3A_1274 = tpu.vector_load %arg8[%swap3A_1271, %swap3A_1272, %swap3A_1273] {strides = array<i32>} : memref<2x35x361xf32, #tpu.memory_space<vmem>>, vector<16xf32>,
      tpu.vector_store %arg8[%swap3A_1271, %swap3A_1272, %swap3A_1273], %add3A_1006 {strides = array<i32>} : memref<2x35x361xf32, #tpu.memory_space<vmem>>, vector<16xf32>,
      %swap3A_1275 = arith.constant 1 : i32
      %swap3A_1276 = arith.constant 12 : i32
      %swap3A_1277 = arith.constant 345 : i32
      %swap3A_1278 = arith.index_cast %swap3A_1275 : i32 to index
      %swap3A_1279 = arith.index_cast %swap3A_1276 : i32 to index
      %swap3A_1280 = arith.index_cast %swap3A_1277 : i32 to index
      %swap3A_1281 = tpu.vector_load %arg8[%swap3A_1278, %swap3A_1279, %swap3A_1280] {strides = array<i32>} : memref<2x35x361xf32, #tpu.memory_space<vmem>>, vector<16xf32>,
      tpu.vector_store %arg8[%swap3A_1278, %swap3A_1279, %swap3A_1280], %add3A_1007 {strides = array<i32>} : memref<2x35x361xf32, #tpu.memory_space<vmem>>, vector<16xf32>,
      %swap3A_1282 = arith.constant 1 : i32
      %swap3A_1283 = arith.constant 13 : i32
      %swap3A_1284 = arith.constant 345 : i32
      %swap3A_1285 = arith.index_cast %swap3A_1282 : i32 to index
      %swap3A_1286 = arith.index_cast %swap3A_1283 : i32 to index
      %swap3A_1287 = arith.index_cast %swap3A_1284 : i32 to index
      %swap3A_1288 = tpu.vector_load %arg8[%swap3A_1285, %swap3A_1286, %swap3A_1287] {strides = array<i32>} : memref<2x35x361xf32, #tpu.memory_space<vmem>>, vector<16xf32>,
      tpu.vector_store %arg8[%swap3A_1285, %swap3A_1286, %swap3A_1287], %add3A_1024 {strides = array<i32>} : memref<2x35x361xf32, #tpu.memory_space<vmem>>, vector<16xf32>,
      %swap3A_1289 = arith.constant 1 : i32
      %swap3A_1290 = arith.constant 14 : i32
      %swap3A_1291 = arith.constant 345 : i32
      %swap3A_1292 = arith.index_cast %swap3A_1289 : i32 to index
      %swap3A_1293 = arith.index_cast %swap3A_1290 : i32 to index
      %swap3A_1294 = arith.index_cast %swap3A_1291 : i32 to index
      %swap3A_1295 = tpu.vector_load %arg8[%swap3A_1292, %swap3A_1293, %swap3A_1294] {strides = array<i32>} : memref<2x35x361xf32, #tpu.memory_space<vmem>>, vector<16xf32>,
      tpu.vector_store %arg8[%swap3A_1292, %swap3A_1293, %swap3A_1294], %add3A_1025 {strides = array<i32>} : memref<2x35x361xf32, #tpu.memory_space<vmem>>, vector<16xf32>,
      %swap3A_1296 = arith.constant 1 : i32
      %swap3A_1297 = arith.constant 15 : i32
      %swap3A_1298 = arith.constant 345 : i32
      %swap3A_1299 = arith.index_cast %swap3A_1296 : i32 to index
      %swap3A_1300 = arith.index_cast %swap3A_1297 : i32 to index
      %swap3A_1301 = arith.index_cast %swap3A_1298 : i32 to index
      %swap3A_1302 = tpu.vector_load %arg8[%swap3A_1299, %swap3A_1300, %swap3A_1301] {strides = array<i32>} : memref<2x35x361xf32, #tpu.memory_space<vmem>>, vector<16xf32>,
      tpu.vector_store %arg8[%swap3A_1299, %swap3A_1300, %swap3A_1301], %add3A_1042 {strides = array<i32>} : memref<2x35x361xf32, #tpu.memory_space<vmem>>, vector<16xf32>,
      %swap3A_1303 = arith.constant 1 : i32
      %swap3A_1304 = arith.constant 16 : i32
      %swap3A_1305 = arith.constant 345 : i32
      %swap3A_1306 = arith.index_cast %swap3A_1303 : i32 to index
      %swap3A_1307 = arith.index_cast %swap3A_1304 : i32 to index
      %swap3A_1308 = arith.index_cast %swap3A_1305 : i32 to index
      %swap3A_1309 = tpu.vector_load %arg8[%swap3A_1306, %swap3A_1307, %swap3A_1308] {strides = array<i32>} : memref<2x35x361xf32, #tpu.memory_space<vmem>>, vector<16xf32>,
      tpu.vector_store %arg8[%swap3A_1306, %swap3A_1307, %swap3A_1308], %add3A_1043 {strides = array<i32>} : memref<2x35x361xf32, #tpu.memory_space<vmem>>, vector<16xf32>,
      %swap3A_1310 = arith.constant 1 : i32
      %swap3A_1311 = arith.constant 17 : i32
      %swap3A_1312 = arith.constant 345 : i32
      %swap3A_1313 = arith.index_cast %swap3A_1310 : i32 to index
      %swap3A_1314 = arith.index_cast %swap3A_1311 : i32 to index
      %swap3A_1315 = arith.index_cast %swap3A_1312 : i32 to index
      %swap3A_1316 = tpu.vector_load %arg8[%swap3A_1313, %swap3A_1314, %swap3A_1315] {strides = array<i32>} : memref<2x35x361xf32, #tpu.memory_space<vmem>>, vector<16xf32>,
      tpu.vector_store %arg8[%swap3A_1313, %swap3A_1314, %swap3A_1315], %add3A_1060 {strides = array<i32>} : memref<2x35x361xf32, #tpu.memory_space<vmem>>, vector<16xf32>,
      %swap3A_1317 = arith.constant 1 : i32
      %swap3A_1318 = arith.constant 18 : i32
      %swap3A_1319 = arith.constant 345 : i32
      %swap3A_1320 = arith.index_cast %swap3A_1317 : i32 to index
      %swap3A_1321 = arith.index_cast %swap3A_1318 : i32 to index
      %swap3A_1322 = arith.index_cast %swap3A_1319 : i32 to index
      %swap3A_1323 = tpu.vector_load %arg8[%swap3A_1320, %swap3A_1321, %swap3A_1322] {strides = array<i32>} : memref<2x35x361xf32, #tpu.memory_space<vmem>>, vector<16xf32>,
      tpu.vector_store %arg8[%swap3A_1320, %swap3A_1321, %swap3A_1322], %add3A_1061 {strides = array<i32>} : memref<2x35x361xf32, #tpu.memory_space<vmem>>, vector<16xf32>,
      %swap3A_1324 = arith.constant 1 : i32
      %swap3A_1325 = arith.constant 19 : i32
      %swap3A_1326 = arith.constant 345 : i32
      %swap3A_1327 = arith.index_cast %swap3A_1324 : i32 to index
      %swap3A_1328 = arith.index_cast %swap3A_1325 : i32 to index
      %swap3A_1329 = arith.index_cast %swap3A_1326 : i32 to index
      %swap3A_1330 = tpu.vector_load %arg8[%swap3A_1327, %swap3A_1328, %swap3A_1329] {strides = array<i32>} : memref<2x35x361xf32, #tpu.memory_space<vmem>>, vector<16xf32>,
      tpu.vector_store %arg8[%swap3A_1327, %swap3A_1328, %swap3A_1329], %add3A_1078 {strides = array<i32>} : memref<2x35x361xf32, #tpu.memory_space<vmem>>, vector<16xf32>,
      %swap3A_1331 = arith.constant 1 : i32
      %swap3A_1332 = arith.constant 20 : i32
      %swap3A_1333 = arith.constant 345 : i32
      %swap3A_1334 = arith.index_cast %swap3A_1331 : i32 to index
      %swap3A_1335 = arith.index_cast %swap3A_1332 : i32 to index
      %swap3A_1336 = arith.index_cast %swap3A_1333 : i32 to index
      %swap3A_1337 = tpu.vector_load %arg8[%swap3A_1334, %swap3A_1335, %swap3A_1336] {strides = array<i32>} : memref<2x35x361xf32, #tpu.memory_space<vmem>>, vector<16xf32>,
      tpu.vector_store %arg8[%swap3A_1334, %swap3A_1335, %swap3A_1336], %add3A_1079 {strides = array<i32>} : memref<2x35x361xf32, #tpu.memory_space<vmem>>, vector<16xf32>,
      %swap3A_1338 = arith.constant 1 : i32
      %swap3A_1339 = arith.constant 21 : i32
      %swap3A_1340 = arith.constant 345 : i32
      %swap3A_1341 = arith.index_cast %swap3A_1338 : i32 to index
      %swap3A_1342 = arith.index_cast %swap3A_1339 : i32 to index
      %swap3A_1343 = arith.index_cast %swap3A_1340 : i32 to index
      %swap3A_1344 = tpu.vector_load %arg8[%swap3A_1341, %swap3A_1342, %swap3A_1343] {strides = array<i32>} : memref<2x35x361xf32, #tpu.memory_space<vmem>>, vector<16xf32>,
      tpu.vector_store %arg8[%swap3A_1341, %swap3A_1342, %swap3A_1343], %add3A_1096 {strides = array<i32>} : memref<2x35x361xf32, #tpu.memory_space<vmem>>, vector<16xf32>,
      %swap3A_1345 = arith.constant 1 : i32
      %swap3A_1346 = arith.constant 22 : i32
      %swap3A_1347 = arith.constant 345 : i32
      %swap3A_1348 = arith.index_cast %swap3A_1345 : i32 to index
      %swap3A_1349 = arith.index_cast %swap3A_1346 : i32 to index
      %swap3A_1350 = arith.index_cast %swap3A_1347 : i32 to index
      %swap3A_1351 = tpu.vector_load %arg8[%swap3A_1348, %swap3A_1349, %swap3A_1350] {strides = array<i32>} : memref<2x35x361xf32, #tpu.memory_space<vmem>>, vector<16xf32>,
      tpu.vector_store %arg8[%swap3A_1348, %swap3A_1349, %swap3A_1350], %add3A_1097 {strides = array<i32>} : memref<2x35x361xf32, #tpu.memory_space<vmem>>, vector<16xf32>,
      %swap3A_1352 = arith.constant 1 : i32
      %swap3A_1353 = arith.constant 23 : i32
      %swap3A_1354 = arith.constant 345 : i32
      %swap3A_1355 = arith.index_cast %swap3A_1352 : i32 to index
      %swap3A_1356 = arith.index_cast %swap3A_1353 : i32 to index
      %swap3A_1357 = arith.index_cast %swap3A_1354 : i32 to index
      %swap3A_1358 = tpu.vector_load %arg8[%swap3A_1355, %swap3A_1356, %swap3A_1357] {strides = array<i32>} : memref<2x35x361xf32, #tpu.memory_space<vmem>>, vector<16xf32>,
      tpu.vector_store %arg8[%swap3A_1355, %swap3A_1356, %swap3A_1357], %add3A_1114 {strides = array<i32>} : memref<2x35x361xf32, #tpu.memory_space<vmem>>, vector<16xf32>,
      %swap3A_1359 = arith.constant 1 : i32
      %swap3A_1360 = arith.constant 24 : i32
      %swap3A_1361 = arith.constant 345 : i32
      %swap3A_1362 = arith.index_cast %swap3A_1359 : i32 to index
      %swap3A_1363 = arith.index_cast %swap3A_1360 : i32 to index
      %swap3A_1364 = arith.index_cast %swap3A_1361 : i32 to index
      %swap3A_1365 = tpu.vector_load %arg8[%swap3A_1362, %swap3A_1363, %swap3A_1364] {strides = array<i32>} : memref<2x35x361xf32, #tpu.memory_space<vmem>>, vector<16xf32>,
      tpu.vector_store %arg8[%swap3A_1362, %swap3A_1363, %swap3A_1364], %add3A_1115 {strides = array<i32>} : memref<2x35x361xf32, #tpu.memory_space<vmem>>, vector<16xf32>,
      %swap3A_1366 = arith.constant 1 : i32
      %swap3A_1367 = arith.constant 25 : i32
      %swap3A_1368 = arith.constant 345 : i32
      %swap3A_1369 = arith.index_cast %swap3A_1366 : i32 to index
      %swap3A_1370 = arith.index_cast %swap3A_1367 : i32 to index
      %swap3A_1371 = arith.index_cast %swap3A_1368 : i32 to index
      %swap3A_1372 = tpu.vector_load %arg8[%swap3A_1369, %swap3A_1370, %swap3A_1371] {strides = array<i32>} : memref<2x35x361xf32, #tpu.memory_space<vmem>>, vector<16xf32>,
      tpu.vector_store %arg8[%swap3A_1369, %swap3A_1370, %swap3A_1371], %add3A_1132 {strides = array<i32>} : memref<2x35x361xf32, #tpu.memory_space<vmem>>, vector<16xf32>,
      %swap3A_1373 = arith.constant 1 : i32
      %swap3A_1374 = arith.constant 26 : i32
      %swap3A_1375 = arith.constant 345 : i32
      %swap3A_1376 = arith.index_cast %swap3A_1373 : i32 to index
      %swap3A_1377 = arith.index_cast %swap3A_1374 : i32 to index
      %swap3A_1378 = arith.index_cast %swap3A_1375 : i32 to index
      %swap3A_1379 = tpu.vector_load %arg8[%swap3A_1376, %swap3A_1377, %swap3A_1378] {strides = array<i32>} : memref<2x35x361xf32, #tpu.memory_space<vmem>>, vector<16xf32>,
      tpu.vector_store %arg8[%swap3A_1376, %swap3A_1377, %swap3A_1378], %add3A_1133 {strides = array<i32>} : memref<2x35x361xf32, #tpu.memory_space<vmem>>, vector<16xf32>,
      %swap3A_1380 = arith.constant 1 : i32
      %swap3A_1381 = arith.constant 27 : i32
      %swap3A_1382 = arith.constant 345 : i32
      %swap3A_1383 = arith.index_cast %swap3A_1380 : i32 to index
      %swap3A_1384 = arith.index_cast %swap3A_1381 : i32 to index
      %swap3A_1385 = arith.index_cast %swap3A_1382 : i32 to index
      %swap3A_1386 = tpu.vector_load %arg8[%swap3A_1383, %swap3A_1384, %swap3A_1385] {strides = array<i32>} : memref<2x35x361xf32, #tpu.memory_space<vmem>>, vector<16xf32>,
      tpu.vector_store %arg8[%swap3A_1383, %swap3A_1384, %swap3A_1385], %add3A_1150 {strides = array<i32>} : memref<2x35x361xf32, #tpu.memory_space<vmem>>, vector<16xf32>,
      %swap3A_1387 = arith.constant 1 : i32
      %swap3A_1388 = arith.constant 28 : i32
      %swap3A_1389 = arith.constant 345 : i32
      %swap3A_1390 = arith.index_cast %swap3A_1387 : i32 to index
      %swap3A_1391 = arith.index_cast %swap3A_1388 : i32 to index
      %swap3A_1392 = arith.index_cast %swap3A_1389 : i32 to index
      %swap3A_1393 = tpu.vector_load %arg8[%swap3A_1390, %swap3A_1391, %swap3A_1392] {strides = array<i32>} : memref<2x35x361xf32, #tpu.memory_space<vmem>>, vector<16xf32>,
      tpu.vector_store %arg8[%swap3A_1390, %swap3A_1391, %swap3A_1392], %add3A_1151 {strides = array<i32>} : memref<2x35x361xf32, #tpu.memory_space<vmem>>, vector<16xf32>,
      %swap3A_1394 = arith.constant 1 : i32
      %swap3A_1395 = arith.constant 29 : i32
      %swap3A_1396 = arith.constant 345 : i32
      %swap3A_1397 = arith.index_cast %swap3A_1394 : i32 to index
      %swap3A_1398 = arith.index_cast %swap3A_1395 : i32 to index
      %swap3A_1399 = arith.index_cast %swap3A_1396 : i32 to index
      %swap3A_1400 = tpu.vector_load %arg8[%swap3A_1397, %swap3A_1398, %swap3A_1399] {strides = array<i32>} : memref<2x35x361xf32, #tpu.memory_space<vmem>>, vector<16xf32>,
      tpu.vector_store %arg8[%swap3A_1397, %swap3A_1398, %swap3A_1399], %add3A_1168 {strides = array<i32>} : memref<2x35x361xf32, #tpu.memory_space<vmem>>, vector<16xf32>,
      %swap3A_1401 = arith.constant 1 : i32
      %swap3A_1402 = arith.constant 30 : i32
      %swap3A_1403 = arith.constant 345 : i32
      %swap3A_1404 = arith.index_cast %swap3A_1401 : i32 to index
      %swap3A_1405 = arith.index_cast %swap3A_1402 : i32 to index
      %swap3A_1406 = arith.index_cast %swap3A_1403 : i32 to index
      %swap3A_1407 = tpu.vector_load %arg8[%swap3A_1404, %swap3A_1405, %swap3A_1406] {strides = array<i32>} : memref<2x35x361xf32, #tpu.memory_space<vmem>>, vector<16xf32>,
      tpu.vector_store %arg8[%swap3A_1404, %swap3A_1405, %swap3A_1406], %add3A_1169 {strides = array<i32>} : memref<2x35x361xf32, #tpu.memory_space<vmem>>, vector<16xf32>,
      %swap3A_1408 = arith.constant 1 : i32
      %swap3A_1409 = arith.constant 31 : i32
      %swap3A_1410 = arith.constant 345 : i32
      %swap3A_1411 = arith.index_cast %swap3A_1408 : i32 to index
      %swap3A_1412 = arith.index_cast %swap3A_1409 : i32 to index
      %swap3A_1413 = arith.index_cast %swap3A_1410 : i32 to index
      %swap3A_1414 = tpu.vector_load %arg8[%swap3A_1411, %swap3A_1412, %swap3A_1413] {strides = array<i32>} : memref<2x35x361xf32, #tpu.memory_space<vmem>>, vector<16xf32>,
      tpu.vector_store %arg8[%swap3A_1411, %swap3A_1412, %swap3A_1413], %add3A_1186 {strides = array<i32>} : memref<2x35x361xf32, #tpu.memory_space<vmem>>, vector<16xf32>,
      %swap3A_1415 = arith.constant 1 : i32
      %swap3A_1416 = arith.constant 32 : i32
      %swap3A_1417 = arith.constant 345 : i32
      %swap3A_1418 = arith.index_cast %swap3A_1415 : i32 to index
      %swap3A_1419 = arith.index_cast %swap3A_1416 : i32 to index
      %swap3A_1420 = arith.index_cast %swap3A_1417 : i32 to index
      %swap3A_1421 = tpu.vector_load %arg8[%swap3A_1418, %swap3A_1419, %swap3A_1420] {strides = array<i32>} : memref<2x35x361xf32, #tpu.memory_space<vmem>>, vector<16xf32>,
      tpu.vector_store %arg8[%swap3A_1418, %swap3A_1419, %swap3A_1420], %add3A_1187 {strides = array<i32>} : memref<2x35x361xf32, #tpu.memory_space<vmem>>, vector<16xf32>,
      %swap3A_1422 = arith.constant 1 : i32
      %swap3A_1423 = arith.constant 33 : i32
      %swap3A_1424 = arith.constant 345 : i32
      %swap3A_1425 = arith.index_cast %swap3A_1422 : i32 to index
      %swap3A_1426 = arith.index_cast %swap3A_1423 : i32 to index
      %swap3A_1427 = arith.index_cast %swap3A_1424 : i32 to index
      %swap3A_1428 = tpu.vector_load %arg8[%swap3A_1425, %swap3A_1426, %swap3A_1427] {strides = array<i32>} : memref<2x35x361xf32, #tpu.memory_space<vmem>>, vector<16xf32>,
      tpu.vector_store %arg8[%swap3A_1425, %swap3A_1426, %swap3A_1427], %add3A_1204 {strides = array<i32>} : memref<2x35x361xf32, #tpu.memory_space<vmem>>, vector<16xf32>,
      %swap3A_1429 = arith.constant 1 : i32
      %swap3A_1430 = arith.constant 34 : i32
      %swap3A_1431 = arith.constant 345 : i32
      %swap3A_1432 = arith.index_cast %swap3A_1429 : i32 to index
      %swap3A_1433 = arith.index_cast %swap3A_1430 : i32 to index
      %swap3A_1434 = arith.index_cast %swap3A_1431 : i32 to index
      %swap3A_1435 = tpu.vector_load %arg8[%swap3A_1432, %swap3A_1433, %swap3A_1434] {strides = array<i32>} : memref<2x35x361xf32, #tpu.memory_space<vmem>>, vector<16xf32>,
      tpu.vector_store %arg8[%swap3A_1432, %swap3A_1433, %swap3A_1434], %add3A_1205 {strides = array<i32>} : memref<2x35x361xf32, #tpu.memory_space<vmem>>, vector<16xf32>,
      %barrier3A_1436 = arith.constant 0 : index
      tpu.barrier barrier_id(%barrier3A_1436)
      %eq3A_1437 = arith.constant 0 : i32
      %eq3A_1438 = arith.cmpi eq, %arg0, %eq3A_1437 : i32
      %convert_element_type3A_1439 = arith.extui %eq3A_1438 : i1 to i32
      %cond3A_1440 = arith.constant 1 : i32
      %cond3A_1441 = arith.constant 0 : i32
      %cond3A_1442 = arith.cmpi ne, %convert_element_type3A_1439, %cond3A_1441 : i32
      scf.if %cond3A_1442 {
        %dma_start3A = arith.constant 0 : i32
        %dma_start3A_1449 = arith.constant 0 : i32
        %dma_start3A_1450 = tpu.memref_slice %arg8[%cond3A_1440, %dma_start3A, %dma_start3A_1449] : memref<2x35x361xf32, #tpu.memory_space<vmem>> -> memref<1x35x361xf32, #tpu.memory_space<vmem>>
        %dma_start3A_1451 = tpu.memref_squeeze %dma_start3A_1450 : memref<1x35x361xf32, #tpu.memory_space<vmem>> -> memref<35x361xf32, #tpu.memory_space<vmem>>
        %dma_start3A_1452 = arith.constant 0 : i32
        %dma_start3A_1453 = arith.constant 0 : i32
        %dma_start3A_1454 = tpu.memref_slice %arg6[%add3A_742, %dma_start3A_1452, %dma_start3A_1453] : memref<1024x67x361xf32, #tpu.memory_space<hbm>> -> memref<1x35x361xf32, #tpu.memory_space<hbm>>
        %dma_start3A_1455 = tpu.memref_squeeze %dma_start3A_1454 : memref<1x35x361xf32, #tpu.memory_space<hbm>> -> memref<35x361xf32, #tpu.memory_space<hbm>>
        %dma_start3A_1456 = arith.constant 0 : i32
        %dma_start3A_1457 = arith.constant 0 : i32
        %dma_start3A_1458 = tpu.memref_slice %arg6[%add3A_742, %dma_start3A_1456, %dma_start3A_1457] : memref<1024x67x361xf32, #tpu.memory_space<hbm>> -> memref<1x35x361xf32, #tpu.memory_space<hbm>>
        %dma_start3A_1459 = tpu.memref_squeeze %dma_start3A_1458 : memref<1x35x361xf32, #tpu.memory_space<hbm>> -> memref<35x361xf32, #tpu.memory_space<hbm>>
        %dma_start3A_1460 = arith.constant 0 : i32
        %dma_start3A_1461 = arith.constant 0 : i32
        %dma_start3A_1462 = tpu.memref_slice %arg8[%cond3A_1440, %dma_start3A_1460, %dma_start3A_1461] : memref<2x35x361xf32, #tpu.memory_space<vmem>> -> memref<1x35x361xf32, #tpu.memory_space<vmem>>
        %dma_start3A_1463 = tpu.memref_squeeze %dma_start3A_1462 : memref<1x35x361xf32, #tpu.memory_space<vmem>> -> memref<35x361xf32, #tpu.memory_space<vmem>>
        tpu.enqueue_dma source(%dma_start3A_1463 : memref<35x361xf32, #tpu.memory_space<vmem>>) target(%dma_start3A_1459 : memref<35x361xf32, #tpu.memory_space<hbm>>) target_semaphore(%arg13 : memref<!tpu.dma_semaphore, #tpu.memory_space<semaphore_mem>>)
      } else {
      }
      %eq3A_1443 = arith.constant 1 : i32
      %eq3A_1444 = arith.cmpi eq, %arg0, %eq3A_1443 : i32
      %convert_element_type3A_1445 = arith.extui %eq3A_1444 : i1 to i32
      %cond3A_1446 = arith.constant 1 : i32
      %cond3A_1447 = arith.constant 0 : i32
      %cond3A_1448 = arith.cmpi ne, %convert_element_type3A_1445, %cond3A_1447 : i32
      scf.if %cond3A_1448 {
        %dma_start3A = arith.constant 3 : i32
        %dma_start3A_1449 = arith.constant 0 : i32
        %dma_start3A_1450 = tpu.memref_slice %arg8[%cond3A_1446, %dma_start3A, %dma_start3A_1449] : memref<2x35x361xf32, #tpu.memory_space<vmem>> -> memref<1x32x361xf32, #tpu.memory_space<vmem>>
        %dma_start3A_1451 = tpu.memref_squeeze %dma_start3A_1450 : memref<1x32x361xf32, #tpu.memory_space<vmem>> -> memref<32x361xf32, #tpu.memory_space<vmem>>
        %dma_start3A_1452 = arith.constant 35 : i32
        %dma_start3A_1453 = arith.constant 0 : i32
        %dma_start3A_1454 = tpu.memref_slice %arg6[%add3A_742, %dma_start3A_1452, %dma_start3A_1453] : memref<1024x67x361xf32, #tpu.memory_space<hbm>> -> memref<1x32x361xf32, #tpu.memory_space<hbm>>
        %dma_start3A_1455 = tpu.memref_squeeze %dma_start3A_1454 : memref<1x32x361xf32, #tpu.memory_space<hbm>> -> memref<32x361xf32, #tpu.memory_space<hbm>>
        %dma_start3A_1456 = arith.constant 35 : i32
        %dma_start3A_1457 = arith.constant 0 : i32
        %dma_start3A_1458 = tpu.memref_slice %arg6[%add3A_742, %dma_start3A_1456, %dma_start3A_1457] : memref<1024x67x361xf32, #tpu.memory_space<hbm>> -> memref<1x32x361xf32, #tpu.memory_space<hbm>>
        %dma_start3A_1459 = tpu.memref_squeeze %dma_start3A_1458 : memref<1x32x361xf32, #tpu.memory_space<hbm>> -> memref<32x361xf32, #tpu.memory_space<hbm>>
        %dma_start3A_1460 = arith.constant 3 : i32
        %dma_start3A_1461 = arith.constant 0 : i32
        %dma_start3A_1462 = tpu.memref_slice %arg8[%cond3A_1446, %dma_start3A_1460, %dma_start3A_1461] : memref<2x35x361xf32, #tpu.memory_space<vmem>> -> memref<1x32x361xf32, #tpu.memory_space<vmem>>
        %dma_start3A_1463 = tpu.memref_squeeze %dma_start3A_1462 : memref<1x32x361xf32, #tpu.memory_space<vmem>> -> memref<32x361xf32, #tpu.memory_space<vmem>>
        tpu.enqueue_dma source(%dma_start3A_1463 : memref<32x361xf32, #tpu.memory_space<vmem>>) target(%dma_start3A_1459 : memref<32x361xf32, #tpu.memory_space<hbm>>) target_semaphore(%arg13 : memref<!tpu.dma_semaphore, #tpu.memory_space<semaphore_mem>>)
      } else {
      }
    }
    %scan3A_7 = arith.constant 32 : i32
    %add3A = arith.constant 64 : i32
    %add3A_8 = arith.addi %mul3A_0, %add3A : i32
    %sub3A = arith.constant 2 : i32
    %sub3A_9 = arith.subi %add3A_8, %sub3A : i32
    %add3A_10 = arith.constant 0 : i32
    %add3A_11 = arith.addi %sub3A_9, %add3A_10 : i32
    %eq3A = arith.constant 0 : i32
    %eq3A_12 = arith.cmpi eq, %arg0, %eq3A : i32
    %convert_element_type3A = arith.extui %eq3A_12 : i1 to i32
    %cond3A = arith.constant 0 : i32
    %cond3A_13 = arith.constant 0 : i32
    %cond3A_14 = arith.cmpi ne, %convert_element_type3A, %cond3A_13 : i32
    scf.if %cond3A_14 {
      %dma_wait3A = arith.constant 0 : i32
      %dma_wait3A_39 = arith.constant 0 : i32
      %dma_wait3A_40 = tpu.memref_slice %arg8[%cond3A, %dma_wait3A, %dma_wait3A_39] : memref<2x35x361xf32, #tpu.memory_space<vmem>> -> memref<1x35x361xf32, #tpu.memory_space<vmem>>
      %dma_wait3A_41 = tpu.memref_squeeze %dma_wait3A_40 : memref<1x35x361xf32, #tpu.memory_space<vmem>> -> memref<35x361xf32, #tpu.memory_space<vmem>>
      %dma_wait3A_42 = arith.constant 0 : i32
      %dma_wait3A_43 = arith.constant 0 : i32
      %dma_wait3A_44 = tpu.memref_slice %arg6[%add3A_11, %dma_wait3A_42, %dma_wait3A_43] : memref<1024x67x361xf32, #tpu.memory_space<hbm>> -> memref<1x35x361xf32, #tpu.memory_space<hbm>>
      %dma_wait3A_45 = tpu.memref_squeeze %dma_wait3A_44 : memref<1x35x361xf32, #tpu.memory_space<hbm>> -> memref<35x361xf32, #tpu.memory_space<hbm>>
      %dma_wait3A_46 = arith.constant 0 : i32
      %dma_wait3A_47 = arith.constant 0 : i32
      %dma_wait3A_48 = tpu.memref_slice %arg6[%add3A_11, %dma_wait3A_46, %dma_wait3A_47] : memref<1024x67x361xf32, #tpu.memory_space<hbm>> -> memref<1x35x361xf32, #tpu.memory_space<hbm>>
      %dma_wait3A_49 = tpu.memref_squeeze %dma_wait3A_48 : memref<1x35x361xf32, #tpu.memory_space<hbm>> -> memref<35x361xf32, #tpu.memory_space<hbm>>
      %dma_wait3A_50 = arith.constant 0 : i32
      %dma_wait3A_51 = arith.constant 0 : i32
      %dma_wait3A_52 = tpu.memref_slice %arg8[%cond3A, %dma_wait3A_50, %dma_wait3A_51] : memref<2x35x361xf32, #tpu.memory_space<vmem>> -> memref<1x35x361xf32, #tpu.memory_space<vmem>>
      %dma_wait3A_53 = tpu.memref_squeeze %dma_wait3A_52 : memref<1x35x361xf32, #tpu.memory_space<vmem>> -> memref<35x361xf32, #tpu.memory_space<vmem>>
      tpu.wait_dma2 semaphore(%arg12 : memref<!tpu.dma_semaphore, #tpu.memory_space<semaphore_mem>>) src(%dma_wait3A_53 : memref<35x361xf32, #tpu.memory_space<vmem>>) dst(%dma_wait3A_49 : memref<35x361xf32, #tpu.memory_space<hbm>>)
    } else {
    }
    %eq3A_15 = arith.constant 1 : i32
    %eq3A_16 = arith.cmpi eq, %arg0, %eq3A_15 : i32
    %convert_element_type3A_17 = arith.extui %eq3A_16 : i1 to i32
    %cond3A_18 = arith.constant 0 : i32
    %cond3A_19 = arith.constant 0 : i32
    %cond3A_20 = arith.cmpi ne, %convert_element_type3A_17, %cond3A_19 : i32
    scf.if %cond3A_20 {
      %dma_wait3A = arith.constant 3 : i32
      %dma_wait3A_39 = arith.constant 0 : i32
      %dma_wait3A_40 = tpu.memref_slice %arg8[%cond3A_18, %dma_wait3A, %dma_wait3A_39] : memref<2x35x361xf32, #tpu.memory_space<vmem>> -> memref<1x32x361xf32, #tpu.memory_space<vmem>>
      %dma_wait3A_41 = tpu.memref_squeeze %dma_wait3A_40 : memref<1x32x361xf32, #tpu.memory_space<vmem>> -> memref<32x361xf32, #tpu.memory_space<vmem>>
      %dma_wait3A_42 = arith.constant 35 : i32
      %dma_wait3A_43 = arith.constant 0 : i32
      %dma_wait3A_44 = tpu.memref_slice %arg6[%add3A_11, %dma_wait3A_42, %dma_wait3A_43] : memref<1024x67x361xf32, #tpu.memory_space<hbm>> -> memref<1x32x361xf32, #tpu.memory_space<hbm>>
      %dma_wait3A_45 = tpu.memref_squeeze %dma_wait3A_44 : memref<1x32x361xf32, #tpu.memory_space<hbm>> -> memref<32x361xf32, #tpu.memory_space<hbm>>
      %dma_wait3A_46 = arith.constant 35 : i32
      %dma_wait3A_47 = arith.constant 0 : i32
      %dma_wait3A_48 = tpu.memref_slice %arg6[%add3A_11, %dma_wait3A_46, %dma_wait3A_47] : memref<1024x67x361xf32, #tpu.memory_space<hbm>> -> memref<1x32x361xf32, #tpu.memory_space<hbm>>
      %dma_wait3A_49 = tpu.memref_squeeze %dma_wait3A_48 : memref<1x32x361xf32, #tpu.memory_space<hbm>> -> memref<32x361xf32, #tpu.memory_space<hbm>>
      %dma_wait3A_50 = arith.constant 3 : i32
      %dma_wait3A_51 = arith.constant 0 : i32
      %dma_wait3A_52 = tpu.memref_slice %arg8[%cond3A_18, %dma_wait3A_50, %dma_wait3A_51] : memref<2x35x361xf32, #tpu.memory_space<vmem>> -> memref<1x32x361xf32, #tpu.memory_space<vmem>>
      %dma_wait3A_53 = tpu.memref_squeeze %dma_wait3A_52 : memref<1x32x361xf32, #tpu.memory_space<vmem>> -> memref<32x361xf32, #tpu.memory_space<vmem>>
      tpu.wait_dma2 semaphore(%arg12 : memref<!tpu.dma_semaphore, #tpu.memory_space<semaphore_mem>>) src(%dma_wait3A_53 : memref<32x361xf32, #tpu.memory_space<vmem>>) dst(%dma_wait3A_49 : memref<32x361xf32, #tpu.memory_space<hbm>>)
    } else {
    }
    %add3A_21 = arith.constant 64 : i32
    %add3A_22 = arith.addi %mul3A_0, %add3A_21 : i32
    %sub3A_23 = arith.constant 2 : i32
    %sub3A_24 = arith.subi %add3A_22, %sub3A_23 : i32
    %add3A_25 = arith.constant 1 : i32
    %add3A_26 = arith.addi %sub3A_24, %add3A_25 : i32
    %eq3A_27 = arith.constant 0 : i32
    %eq3A_28 = arith.cmpi eq, %arg0, %eq3A_27 : i32
    %convert_element_type3A_29 = arith.extui %eq3A_28 : i1 to i32
    %cond3A_30 = arith.constant 1 : i32
    %cond3A_31 = arith.constant 0 : i32
    %cond3A_32 = arith.cmpi ne, %convert_element_type3A_29, %cond3A_31 : i32
    scf.if %cond3A_32 {
      %dma_wait3A = arith.constant 0 : i32
      %dma_wait3A_39 = arith.constant 0 : i32
      %dma_wait3A_40 = tpu.memref_slice %arg8[%cond3A_30, %dma_wait3A, %dma_wait3A_39] : memref<2x35x361xf32, #tpu.memory_space<vmem>> -> memref<1x35x361xf32, #tpu.memory_space<vmem>>
      %dma_wait3A_41 = tpu.memref_squeeze %dma_wait3A_40 : memref<1x35x361xf32, #tpu.memory_space<vmem>> -> memref<35x361xf32, #tpu.memory_space<vmem>>
      %dma_wait3A_42 = arith.constant 0 : i32
      %dma_wait3A_43 = arith.constant 0 : i32
      %dma_wait3A_44 = tpu.memref_slice %arg6[%add3A_26, %dma_wait3A_42, %dma_wait3A_43] : memref<1024x67x361xf32, #tpu.memory_space<hbm>> -> memref<1x35x361xf32, #tpu.memory_space<hbm>>
      %dma_wait3A_45 = tpu.memref_squeeze %dma_wait3A_44 : memref<1x35x361xf32, #tpu.memory_space<hbm>> -> memref<35x361xf32, #tpu.memory_space<hbm>>
      %dma_wait3A_46 = arith.constant 0 : i32
      %dma_wait3A_47 = arith.constant 0 : i32
      %dma_wait3A_48 = tpu.memref_slice %arg6[%add3A_26, %dma_wait3A_46, %dma_wait3A_47] : memref<1024x67x361xf32, #tpu.memory_space<hbm>> -> memref<1x35x361xf32, #tpu.memory_space<hbm>>
      %dma_wait3A_49 = tpu.memref_squeeze %dma_wait3A_48 : memref<1x35x361xf32, #tpu.memory_space<hbm>> -> memref<35x361xf32, #tpu.memory_space<hbm>>
      %dma_wait3A_50 = arith.constant 0 : i32
      %dma_wait3A_51 = arith.constant 0 : i32
      %dma_wait3A_52 = tpu.memref_slice %arg8[%cond3A_30, %dma_wait3A_50, %dma_wait3A_51] : memref<2x35x361xf32, #tpu.memory_space<vmem>> -> memref<1x35x361xf32, #tpu.memory_space<vmem>>
      %dma_wait3A_53 = tpu.memref_squeeze %dma_wait3A_52 : memref<1x35x361xf32, #tpu.memory_space<vmem>> -> memref<35x361xf32, #tpu.memory_space<vmem>>
      tpu.wait_dma2 semaphore(%arg13 : memref<!tpu.dma_semaphore, #tpu.memory_space<semaphore_mem>>) src(%dma_wait3A_53 : memref<35x361xf32, #tpu.memory_space<vmem>>) dst(%dma_wait3A_49 : memref<35x361xf32, #tpu.memory_space<hbm>>)
    } else {
    }
    %eq3A_33 = arith.constant 1 : i32
    %eq3A_34 = arith.cmpi eq, %arg0, %eq3A_33 : i32
    %convert_element_type3A_35 = arith.extui %eq3A_34 : i1 to i32
    %cond3A_36 = arith.constant 1 : i32
    %cond3A_37 = arith.constant 0 : i32
    %cond3A_38 = arith.cmpi ne, %convert_element_type3A_35, %cond3A_37 : i32
    scf.if %cond3A_38 {
      %dma_wait3A = arith.constant 3 : i32
      %dma_wait3A_39 = arith.constant 0 : i32
      %dma_wait3A_40 = tpu.memref_slice %arg8[%cond3A_36, %dma_wait3A, %dma_wait3A_39] : memref<2x35x361xf32, #tpu.memory_space<vmem>> -> memref<1x32x361xf32, #tpu.memory_space<vmem>>
      %dma_wait3A_41 = tpu.memref_squeeze %dma_wait3A_40 : memref<1x32x361xf32, #tpu.memory_space<vmem>> -> memref<32x361xf32, #tpu.memory_space<vmem>>
      %dma_wait3A_42 = arith.constant 35 : i32
      %dma_wait3A_43 = arith.constant 0 : i32
      %dma_wait3A_44 = tpu.memref_slice %arg6[%add3A_26, %dma_wait3A_42, %dma_wait3A_43] : memref<1024x67x361xf32, #tpu.memory_space<hbm>> -> memref<1x32x361xf32, #tpu.memory_space<hbm>>
      %dma_wait3A_45 = tpu.memref_squeeze %dma_wait3A_44 : memref<1x32x361xf32, #tpu.memory_space<hbm>> -> memref<32x361xf32, #tpu.memory_space<hbm>>
      %dma_wait3A_46 = arith.constant 35 : i32
      %dma_wait3A_47 = arith.constant 0 : i32
      %dma_wait3A_48 = tpu.memref_slice %arg6[%add3A_26, %dma_wait3A_46, %dma_wait3A_47] : memref<1024x67x361xf32, #tpu.memory_space<hbm>> -> memref<1x32x361xf32, #tpu.memory_space<hbm>>
      %dma_wait3A_49 = tpu.memref_squeeze %dma_wait3A_48 : memref<1x32x361xf32, #tpu.memory_space<hbm>> -> memref<32x361xf32, #tpu.memory_space<hbm>>
      %dma_wait3A_50 = arith.constant 3 : i32
      %dma_wait3A_51 = arith.constant 0 : i32
      %dma_wait3A_52 = tpu.memref_slice %arg8[%cond3A_36, %dma_wait3A_50, %dma_wait3A_51] : memref<2x35x361xf32, #tpu.memory_space<vmem>> -> memref<1x32x361xf32, #tpu.memory_space<vmem>>
      %dma_wait3A_53 = tpu.memref_squeeze %dma_wait3A_52 : memref<1x32x361xf32, #tpu.memory_space<vmem>> -> memref<32x361xf32, #tpu.memory_space<vmem>>
      tpu.wait_dma2 semaphore(%arg13 : memref<!tpu.dma_semaphore, #tpu.memory_space<semaphore_mem>>) src(%dma_wait3A_53 : memref<32x361xf32, #tpu.memory_space<vmem>>) dst(%dma_wait3A_49 : memref<32x361xf32, #tpu.memory_space<hbm>>)
    } else {
    }
    return
  }
}

</mosaic_0001>

<sc_bundles>
// kernel: _sc_call.3.cloned.1.call-start
scs
__scs_entry_jumppad:
0x0: {  	(pc) =	sbr.rel $0x88, $3  }
0x1: {  	(tag) =	ssettag $0x0;
	lr =	simm.s32 $0x1  }
0x2: {  	[smem:$0x3F9D] =	sst lr;
	_ =	strace $0xD0000000  }
0x3: {  	_ = 	snop  }
0x4: {  	_ = 	snop  }
0x5: {  	_ = 	snop  }
0x6: {  	_ = 	snop  }
0x7: {  	_ = 	snop  }
__scs_overlays_trampoline_lowered:
0x8: {  	[smem:$0x3FAC] =	sst s0  }
0x9: {  	[smem:$0x3FAD] =	sst s1  }
0xa: {  	[smem:$0x3FAE] =	sst s2  }
0xb: {  	[smem:$0x3FAF] =	sst s3  }
0xc: {  	[smem:$0x3FB0] =	sst s4  }
0xd: {  	[smem:$0x3FB1] =	sst s5  }
0xe: {  	[smem:$0x3FB2] =	sst s6  }
0xf: {  	[smem:$0x3FB3] =	sst s7  }
0x10: {  	[smem:$0x3FB4] =	sst s8  }
0x11: {  	[smem:$0x3FB5] =	sst s9;
	s0 =	simm.s32 @!p0 $0x0  }
0x12: {  	s1 =	sld [smem:$0x3F9B];
	s0 =	simm.s32 @p0 $0x1  }
0x13: {  	[smem:$0x3FB6] =	sst s0;
	s0 =	simm.s32 @!p1 $0x0  }
0x14: {  	s2 =	sld [smem:$0x3F9A];
	s0 =	simm.s32 @p1 $0x1  }
0x15: {  	[smem:$0x3FB7] =	sst s0;
	s0 =	simm.s32 @!p2 $0x0  }
0x16: {  	s3 =	sld [smem:$0x3FDB];
	s0 =	simm.s32 @p2 $0x1  }
0x17: {  	s4 =	simm.s32 $0x1BF5;
	[smem:$0x3FB9] =	sst s0  }
0x18: {  	s0 =	sld [smem:$0x3F9C];
	_ =	swait.ge [sflag:s4], $0x0  }
0x19: {  	s7 =	sld [smem:$0x3F9D]  }
0x1a: {  	s8 =	sadd.s32 $0xFFFFE003, lr  }
0x1b: {  	s9 =	sadd.s32 $0xFFFFFEF7, lr;
	s5 =	simm.s32 $0xFFFFFFFF;
	p2 =	slt.u32 s8, $0xFFFFF086  }
0x1c: {  	p1 =	slt.u32 s9, $0xF7A;
	s5 =	simm.s32 @!p2 $0x0  }
0x1d: {  	s5 =	simm.s32 @p1 $0x1;
	p0 =	seq.s32 s7, s2  }
0x1e: {  	s7 =	smul.u32 @!p0 $0xF7A, s2;
	p2 =	seq.s32 @!p0 s5, $0x0  }
0x1f: {  	s9 =	smul.u32 $0xF7A, s1;
	s8 =	simm.s32 @!p0 $0x1BF5;
	p2 =	por !p2, p0  }
0x20: {  	[sflag:s8] =	ssyncset.s32 @!p0 $0xFFFFF086;
	s6 =	sadd.s32 @!p0 s3, s7;
	s7 =	simm.s32 @!p0 $0x108  }
0x21: {  	s3 =	sadd.s32 s3, s9;
	s6 =	sadd.s32 @!p0 $0x88, s6;
	s7 =	simm.s32 @p2 $0x1082  }
0x22: {  	[simem:s7], [sflag:s8] =	dma.local @!p0 [hbm:s6], $0xF7A  }
0x23: {  	s9 =	sor.u32 $0xD0000000, s2;
	s6 =	simm.s32 $0x108;
	_ =	swait.ge @!p0 [sflag:s8], $0x0  }
0x24: {  	s3 =	sadd.s32 $0x88, s3;
	s6 =	simm.s32 @!p1 $0x1082;
	[sflag:s4] =	ssyncset.s32 $0xFFFFF086  }
0x25: {  	[simem:s6], [sflag:s4] =	dma.local [hbm:s3], $0xF7A  }
0x26: {  	[smem:$0x3F9D] =	sst s1;
	(tag) =	ssettag s2;
	_ =	strace s9  }
0x27: {  	s1 =	sld [smem:$0x3FAD]  }
0x28: {  	s2 =	sld [smem:$0x3FAE]  }
0x29: {  	s4 =	sld [smem:$0x3FB0]  }
0x2a: {  	p0 =	seq.s32 s5, $0x0;
	s5 =	sld [smem:$0x3FB1]  }
0x2b: {  	s6 =	sld [smem:$0x3FB2]  }
0x2c: {  	s7 =	sld [smem:$0x3FB3]  }
0x2d: {  	s3 =	simm.s32 $0x108;
	s8 =	sld [smem:$0x3FB4]  }
0x2e: {  	s3 =	simm.s32 @!p0 $0x1082;
	s9 =	sld [smem:$0x3FB5]  }
0x2f: {  	lr =	sadd.s32 s0, s3;
	s0 =	sld [smem:$0x3FAC]  }
0x30: {  	s3 =	sld [smem:$0x3FAF]  }
0x31: {  	[smem:$0x3FB8] =	sst s10  }
0x32: {  	s10 =	sld [smem:$0x3FB6];
	_ =	sdelay $0x3  }
0x33: {  	p0 =	seq.s32 s10, $0x1;
	s10 =	sld [smem:$0x3FB8];
	_ =	sdelay $0x3  }
0x34: {  	[smem:$0x3FB8] =	sst s10  }
0x35: {  	s10 =	sld [smem:$0x3FB7];
	_ =	sdelay $0x3  }
0x36: {  	p1 =	seq.s32 s10, $0x1;
	s10 =	sld [smem:$0x3FB8];
	_ =	sdelay $0x3  }
0x37: {  	[smem:$0x3FB8] =	sst s10  }
0x38: {  	s10 =	sld [smem:$0x3FB9]  }
0x39: {  	_ = 	snop;
	(pc) =	sbr.ind lr, $3  }
0x3a: {  	_ = 	snop  }
0x3b: {  	_ = 	snop  }
0x3c: {  	p2 =	seq.s32 s10, $0x1;
	s10 =	sld [smem:$0x3FB8]  }
0x3d: {  	_ =	shalt  }
0x3e: {  	_ =	shalt  }
0x3f: {  	_ =	shalt  }
0x40: {  	_ =	shalt  }
0x41: {  	_ =	shalt  }
0x42: {  	_ =	shalt  }
0x43: {  	_ =	shalt  }
0x44: {  	_ =	shalt  }
0x45: {  	_ =	shalt  }
0x46: {  	_ =	shalt  }
0x47: {  	_ =	shalt  }
0x48: {  	_ =	shalt  }
0x49: {  	_ =	shalt  }
0x4a: {  	_ =	shalt  }
0x4b: {  	_ =	shalt  }
0x4c: {  	_ =	shalt  }
0x4d: {  	_ =	shalt  }
0x4e: {  	_ =	shalt  }
0x4f: {  	_ =	shalt  }
0x50: {  	_ =	shalt  }
0x51: {  	_ =	shalt  }
0x52: {  	_ =	shalt  }
0x53: {  	_ =	shalt  }
0x54: {  	_ =	shalt  }
0x55: {  	_ =	shalt  }
0x56: {  	_ =	shalt  }
0x57: {  	_ =	shalt  }
0x58: {  	_ =	shalt  }
0x59: {  	_ =	shalt  }
0x5a: {  	_ =	shalt  }
0x5b: {  	_ =	shalt  }
0x5c: {  	_ =	shalt  }
0x5d: {  	_ =	shalt  }
0x5e: {  	_ =	shalt  }
0x5f: {  	_ =	shalt  }
0x60: {  	_ =	shalt  }
0x61: {  	_ =	shalt  }
0x62: {  	_ =	shalt  }
0x63: {  	_ =	shalt  }
0x64: {  	_ =	shalt  }
0x65: {  	_ =	shalt  }
0x66: {  	_ =	shalt  }
0x67: {  	_ =	shalt  }
0x68: {  	_ =	shalt  }
0x69: {  	_ =	shalt  }
0x6a: {  	_ =	shalt  }
0x6b: {  	_ =	shalt  }
0x6c: {  	_ =	shalt  }
0x6d: {  	_ =	shalt  }
0x6e: {  	_ =	shalt  }
0x6f: {  	_ =	shalt  }
0x70: {  	_ =	shalt  }
0x71: {  	_ =	shalt  }
0x72: {  	_ =	shalt  }
0x73: {  	_ =	shalt  }
0x74: {  	_ =	shalt  }
0x75: {  	_ =	shalt  }
0x76: {  	_ =	shalt  }
0x77: {  	_ =	shalt  }
0x78: {  	_ =	shalt  }
0x79: {  	_ =	shalt  }
0x7a: {  	_ =	shalt  }
0x7b: {  	_ =	shalt  }
0x7c: {  	_ =	shalt  }
0x7d: {  	_ =	shalt  }
0x7e: {  	_ =	shalt  }
0x7f: {  	_ =	shalt  }
0x80: {  	_ =	shalt  }
0x81: {  	_ =	shalt  }
0x82: {  	_ =	shalt  }
0x83: {  	_ =	shalt  }
0x84: {  	_ =	shalt  }
0x85: {  	_ =	shalt  }
0x86: {  	_ =	shalt  }
0x87: {  	_ =	shalt  }
.Lfunc_end0:
.L_simem_size_0:
called_computation.1_lowered:
.L_overlay_start_0:
0x88: {  	s2 =	sld [smem:$0x3FD9]  }
0x89: {  	s3 =	sld [smem:$0x3FFE];
	_ =	sdelay $0x1  }
0x8a: {  	s1 =	srdreg.scid  }
0x8b: {  	s0 =	sand.u32 $0x1, s1  }
0x8c: {  	s17 =	sshll.u32 s0, $0xA;
	s2 =	sadd.s32 s3, s2  }
0x8d: {  	s2 =	sadd.s32 s2, s17  }
0x8e: {  	[smem:$0x3FC4] =	sst s2  }
0x8f: {  	_ = 	snop  }
0x90: {  	s2 =	sld [smem:$0x3FC8]  }
0x91: {  	s18 =	sld [smem:$0x3FD0];
	(tm) =	ssettm $0x1  }
0x92: {  	s4 =	sld [smem:$0x3FFB];
	_ =	sdelay $0x3  }
0x93: {  	_ =	strace s4  }
0x94: {  	s4 =	sld [smem:$0x3FFC];
	_ =	sdelay $0x3  }
0x95: {  	_ =	strace s4  }
0x96: {  	s4 =	sld [smem:$0x3FFD];
	_ =	sdelay $0x3  }
0x97: {  	_ =	strace s4  }
0x98: {  	_ =	strace $0x8FFFFFFF  }
0x99: {  	s19 =	sld [smem:$0x3FDB];
	_ =	sdelay $0x1  }
0x9a: {  	s5 =	simm.s32 $_scs_section_size  }
0x9b: {  	s6 =	simm.s32 $_size__tile_overlayer_lowered;
	s7 =	simm.s32 $_tile_overlayer_lowered  }
0x9c: {  	s22 =	simm.s32 $0x1BFF;
	s21 =	sshll.u32 s7, $0x1;
	s4 =	sadd.s32 s5, s19  }
0x9d: {  	s8 =	simm.s32 $0x0;
	s20 =	sshll.u32 s6, $0x1;
	s6 =	sadd.s32 s21, s4  }
0x9e: {  	[timem:s8], [sflag:s22] =	dma.local [hbm:s6], s20  }
0x9f: {  	_ =	swait.ge [sflag:s22], s20  }
0xa0: {  	s5 =	ssub.s32 $0x0, s20;
	[sflag:s22] =	ssyncset.done $0x0  }
0xa1: {  	[sflag:s22] =	ssyncadd.s32 s5;
	_ =	sdelay $0x1  }
0xa2: {  	s23 =	simm.s32 $0x1B8B  }
0xa3: {  	_ =	swait.ge [sflag:s23], $0x1  }
0xa4: {  	[sflag:s23] =	ssyncset.done $0x0  }
0xa5: {  	s25 =	simm.s32 $0x1B8E;
	s24 =	sld [smem:$0x3FFE];
	[sflag:s23] =	ssyncadd.s32 $0xFFFFFFFF  }
0xa6: {  	s26 =	simm.s32 $execute0_lowered;
	[smem:$0x3FD2] =	sst s25  }
0xa7: {  	s6 =	sshll.u32 s26, $0x1;
	_ =	strace $0x80000046;
	[dreg:$0x1] =	wrdreg $0xFFFFFFFF  }
0xa8: {  	s28 =	simm.s32 $_size_execute0_lowered;
	s4 =	sadd.s32 s4, s6;
	[dreg:$0x0] =	wrdreg $0x0  }
0xa9: {  	s6 =	sshll.u32 s28, $0x1;
	[dreg:$0x2] =	wrdreg s4  }
0xaa: {  	[dreg:$0x3] =	wrdreg s6  }
0xab: {  	[dreg:$0x4] =	wrdreg $0xC0  }
0xac: {  	_ =	task [dreg:s8], $0x5FFFF  }
0xad: {  	[dreg:$0x1] =	wrdreg $0xFFFFFFFF  }
0xae: {  	[dreg:$0x0] =	wrdreg $0x60  }
0xaf: {  	[dreg:$0x2] =	wrdreg s24  }
0xb0: {  	[dreg:$0x3] =	wrdreg s2  }
0xb1: {  	[dreg:$0x4] =	wrdreg s18  }
0xb2: {  	[dreg:$0x5] =	wrdreg $0x9  }
0xb3: {  	_ =	task.clear_ibuf [dreg:s8], $0x6FFFF;
	_ =	strace $0x90000046  }
0xb4: {  	s29 =	simm.s32 $0x9;
	_ =	strace $0x80000048  }
0xb5: {  	_ =	swait.ge [sflag:s29], $0x1  }
0xb6: {  	[sflag:s29] =	ssyncadd.s32 $0xFFFFFFFF  }
0xb7: {  	_ =	strace $0x90000048  }
0xb8: {  	_ =	sfence  }
0xb9: {  	s30 =	sld [smem:$0x0];
	_ =	sdelay $0x2  }
0xba: {  	s31 =	sshll.u32 s1, $0xD;
	s1 =	sshrl.u32 s1, $0x2  }
0xbb: {  	s3 =	sand.u32 $0x4000, s31;
	s1 =	sadd.s32 s1, s30  }
0xbc: {  	s0 =	sor.u32 s3, s0;
	s1 =	sshll.u32 s1, $0x11  }
0xbd: {  	s0 =	sor.u32 s1, s0  }
0xbe: {  	s0 =	sadd.s32 $0x8F2B, s0  }
0xbf: {  	[sflag:s0] =	ssyncadd.remote.s32 $0x1  }
0xc0: {  	_ =	sfence.sel $0xFFFF  }
0xc1: {  	[dreg:$0x0] =	wrdreg $0xFFFFFFFF;
	(pc) =	sbr.abs _section_cstart, $3  }
0xc2: {  	[dreg:$0x1] =	wrdreg $0xFFFFFFFF  }
0xc3: {  	_ =	task.clear_ibuf [dreg:s8], $0x2FFFF;
	_ =	strace $0x9FFFFFFF  }
0xc4: {  	(tm) =	ssettm $0x7FFFFFFF  }
0xc5: {  	_ =	shalt  }
tec
execute0_lowered:
.L_overlay_start_1:
0x0: {  	(tag) =	ssettag $0x1  }
0x1: {  	s4 =	rddreg [dreg:$0x0]  }
0x2: {  	s8 =	rddreg [dreg:$0x1]  }
0x3: {  	s2 =	rddreg [dreg:$0x2]  }
0x4: {  	s0 =	rddreg [dreg:$0x3];
	s1 =	stileid.u32  }
0x5: {  	s5 =	srdreg.scid;
	s3 =	simm.s32 $0x0;
	s12 =	simm.s32 $0x15570  }
0x6: {  	s13 =	simm.s32 $0x1B170;
	s6 =	smul.u32 $0xB80, s1;
	s14 =	sand.u32 $0x1, s5  }
0x7: {  	[smem:$0x7FF] =	sst s3;
	s11 =	sshll.u32 s1, $0x3;
	s5 =	smul.u32 $0x129A, s14  }
0x8: {  	s7 =	ssub.s32 $0x2, s14;
	_ =	strace $0x80000047;
	s8 =	sadd.s32 s8, s11  }
0x9: {  	p0 =	seq.s32 s14, $0x1;
	s11 =	simm.s32 $0xF970;
	p1 =	seq.s32 s14, $0x0  }
0xa: {  	p2 =	sne.s32 s14, $0x0;
	s14 =	simm.s32 $0x0;
	s9 =	sshrl.u32 s7, $0x1  }
0xb: {  	s10 =	sadd.s32 s6, s4;
	s5 =	sadd.s32 s5, s4;
	s9 =	ssub.s32 s7, s9  }
0xc: {  	s4 =	sshll.u32 s1, $0x6;
	s6 =	sadd.s32 $0xE800, s10;
	s7 =	sadd.s32 $0x3000, s10  }
0xd: {  	s10 =	simm.s32 $0x3;
	s5 =	sadd.s32 $0xA00, s5;
	s9 =	smax.u32 s9, $0x1  }
.LBB2_1:
0xe: {  	[tilespmem:s3], [sflag:$0x3] =	stream.linear.gather [hbm4b:s5+s3], $0x94D0, $0x38;
	[tilespmem:$0x1B1B0] =	vst v63  }
0xf: {  	_ =	swait.ge [sflag:s10], $0x94D0  }
0x10: {  	[sflag:s10] =	ssyncset.done $0x0  }
0x11: {  	[sflag:s10] =	ssyncadd.s32 $0xFFFF6B30  }
0x12: {  	[tilespmem:s11], [sflag:$0x3] =	stream.linear.gather [hbm4b:s6+s3], $0x5C00, $0x38;
	[tilespmem:$0x1B1B0] =	vst v63  }
0x13: {  	_ =	swait.ge [sflag:s10], $0x5C00  }
0x14: {  	[sflag:s10] =	ssyncset.done $0x0  }
0x15: {  	[sflag:s10] =	ssyncadd.s32 $0xFFFFA400  }
0x16: {  	[tilespmem:s12], [sflag:$0x3] =	stream.linear.gather [hbm4b:s7+s3], $0x5C00, $0x38;
	[tilespmem:$0x1B1B0] =	vst v63  }
0x17: {  	_ =	swait.ge [sflag:s10], $0x5C00  }
0x18: {  	[sflag:s10] =	ssyncset.done $0x0  }
0x19: {  	[sflag:s10] =	ssyncadd.s32 $0xFFFFA400  }
0x1a: {  	[tilespmem:s13], [sflag:$0x3] =	stream.linear.gather [hbm4b:s8+s3], $0x40, $0x38;
	[tilespmem:$0x1B1B0] =	vst v63  }
0x1b: {  	s15 =	simm.s32 $0xF980;
	_ =	swait.ge [sflag:s10], $0x40  }
0x1c: {  	s16 =	simm.s32 $0x15580;
	s17 =	simm.s32 $0xFAE0;
	[sflag:s10] =	ssyncset.done $0x0  }
0x1d: {  	s18 =	simm.s32 $0x156F0;
	s19 =	simm.s32 $0x0;
	[sflag:s10] =	ssyncadd.s32 $0xFFFFFFC0  }
.LBB2_2:
0x1e: {  	s20 =	sshll.u32 s19, $0x1  }
0x1f: {  	v0 =	vmov s20  }
0x20: {  	v0 =	vbroadcast v0, $0x0;
	_ =	sdelay $0x1  }
0x21: {  	p4 =	sne.s32 s19, $0x0  }
0x22: {  	p3 =	por !p1, !p4  }
0x23: {  	p3 =	por !p3, !p3  }
0x24: {  	s21 =	simm.s32 @p3 $0x1  }
0x25: {  	p4 =	por !p4, !p0;
	v0 =	vld.idx.msk [tilespmem:v0+s13+$0x0], $0xffff;
	_ =	swait.ge @p3 [sflag:s21], $0x3250  }
0x26: {  	p4 =	por !p4, !p4;
	[sflag:s21] =	ssyncset.done @p3 $0x0  }
0x27: {  	v1 =	vmov s15;
	s22 =	simm.s32 @p4 $0x1;
	[sflag:s21] =	ssyncadd.s32 @p3 $0xFFFFCDB0  }
0x28: {  	v2 =	vmov s16;
	_ =	swait.ge @p4 [sflag:s22], $0x2E00  }
0x29: {  	s23 =	simm.s32 $0x0;
	[sflag:s22] =	ssyncset.done @p4 $0x0  }
0x2a: {  	s21 =	sor.u32 s4, s20;
	[sflag:s22] =	ssyncadd.s32 @p4 $0xFFFFD200;
	s22 =	smul.u32 $0x2E0, s19  }
.LBB2_3:
0x2b: {  	s24 =	sshra.s32 s23, $0x2  }
0x2c: {  	v3 =	vld.idx.msk [tilespmem:v1+s24+$0xFFFFFFF0 ss:$0x1], $0xffff  }
0x2d: {  	v4 =	vld.idx.msk [tilespmem:v2+s24+$0xFFFFFFF0 ss:$0x1], $0xffff;
	_ =	sdelay $0x4  }
0x2e: {  	vm0 =	veq.s32 v4, $0x0;
	v5 =	vand.u32 $0xFFFF, v3  }
0x2f: {  	v3 =	vshrl.u32 v3, $0x10;
	v5 =	vnsel vm0, $0x94C, v5  }
0x30: {  	v3 =	vnsel vm0, $0x94C, v3  }
0x31: {  	v6 =	vadd.s32 $0x94D, v5  }
0x32: {  	v7 =	vadd.s32 $0x94D, v3  }
0x33: {  	v8 =	vadd.s32 $0x129A, v5  }
0x34: {  	v10 =	vadd.s32 $0x129A, v3;
	v9 =	vld.idx.msk [tilespmem:v5+s3+$0x0], $0xffff  }
0x35: {  	v12 =	vadd.s32 $0x1BE7, v5;
	v11 =	vld.idx.msk [tilespmem:v3+s3+$0x0], $0xffff  }
0x36: {  	v13 =	vadd.s32 $0x1BE7, v3;
	v6 =	vld.idx.msk [tilespmem:v6+s3+$0x0], $0xffff  }
0x37: {  	v14 =	vadd.s32 $0x2534, v5;
	v7 =	vld.idx.msk [tilespmem:v7+s3+$0x0], $0xffff  }
0x38: {  	v15 =	vadd.s32 $0x2534, v3;
	v8 =	vld.idx.msk [tilespmem:v8+s3+$0x0], $0xffff  }
0x39: {  	v16 =	vadd.s32 $0x2E81, v5;
	v10 =	vld.idx.msk [tilespmem:v10+s3+$0x0], $0xffff  }
0x3a: {  	v17 =	vadd.s32 $0x2E81, v3;
	v12 =	vld.idx.msk [tilespmem:v12+s3+$0x0], $0xffff  }
0x3b: {  	v18 =	vadd.s32 $0x37CE, v5;
	v13 =	vld.idx.msk [tilespmem:v13+s3+$0x0], $0xffff  }
0x3c: {  	v19 =	vadd.s32 $0x37CE, v3;
	v14 =	vld.idx.msk [tilespmem:v14+s3+$0x0], $0xffff  }
0x3d: {  	v20 =	vadd.s32 $0x411B, v5;
	v15 =	vld.idx.msk [tilespmem:v15+s3+$0x0], $0xffff  }
0x3e: {  	v21 =	vadd.s32 $0x411B, v3;
	v16 =	vld.idx.msk [tilespmem:v16+s3+$0x0], $0xffff  }
0x3f: {  	v59 =	vadd.s32 $0x53B5, v5;
	v17 =	vld.idx.msk [tilespmem:v17+s3+$0x0], $0xffff  }
0x40: {  	v25 =	vadd.s32 $0x53B5, v3;
	v18 =	vld.idx.msk [tilespmem:v18+s3+$0x0], $0xffff  }
0x41: {  	v26 =	vadd.s32 $0x5D02, v5;
	v19 =	vld.idx.msk [tilespmem:v19+s3+$0x0], $0xffff  }
0x42: {  	v27 =	vadd.s32 $0x5D02, v3;
	v20 =	vld.idx.msk [tilespmem:v20+s3+$0x0], $0xffff  }
0x43: {  	v24 =	vadd.s32 $0x4A68, v3;
	v28 =	vadd.s32 $0x664F, v5;
	v21 =	vld.idx.msk [tilespmem:v21+s3+$0x0], $0xffff  }
0x44: {  	v29 =	vadd.s32 $0x664F, v3;
	v57 =	vand.u32 $0x1FFF8, v24;
	v24 =	vld.idx.msk [tilespmem:v59+s3+$0x0], $0xffff  }
0x45: {  	v30 =	vadd.s32 $0x6F9C, v5;
	v25 =	vld.idx.msk [tilespmem:v25+s3+$0x0], $0xffff  }
0x46: {  	v31 =	vadd.s32 $0x6F9C, v3;
	v26 =	vld.idx.msk [tilespmem:v26+s3+$0x0], $0xffff  }
0x47: {  	v32 =	vadd.s32 $0x78E9, v5;
	v27 =	vld.idx.msk [tilespmem:v27+s3+$0x0], $0xffff  }
0x48: {  	v33 =	vadd.s32 $0x78E9, v3;
	v28 =	vld.idx.msk [tilespmem:v28+s3+$0x0], $0xffff  }
0x49: {  	v22 =	vadd.s32 $0x4A68, v5;
	v34 =	vadd.s32 $0x8236, v5;
	v29 =	vld.idx.msk [tilespmem:v29+s3+$0x0], $0xffff  }
0x4a: {  	v23 =	vand.u32 $0x7, v5;
	v35 =	vadd.s32 $0x8236, v3;
	v22 =	vand.u32 $0x1FFF8, v22;
	v30 =	vld.idx.msk [tilespmem:v30+s3+$0x0], $0xffff  }
0x4b: {  	v58 =	vand.u32 $0x7, v3;
	v22 =	vor.u32 v23, v22;
	v31 =	vld.idx.msk [tilespmem:v31+s3+$0x0], $0xffff  }
0x4c: {  	v23 =	vor.u32 v58, v57;
	v32 =	vld.idx.msk [tilespmem:v32+s3+$0x0], $0xffff  }
0x4d: {  	v5 =	vadd.s32 $0x8B83, v5;
	v33 =	vld.idx.msk [tilespmem:v33+s3+$0x0], $0xffff  }
0x4e: {  	v3 =	vadd.s32 $0x8B83, v3;
	v34 =	vld.idx.msk [tilespmem:v34+s3+$0x0], $0xffff  }
0x4f: {  	v35 =	vld.idx.msk [tilespmem:v35+s3+$0x0], $0xffff  }
0x50: {  	v22 =	vld.idx.msk [tilespmem:v22+s3+$0x0], $0xffff  }
0x51: {  	v23 =	vld.idx.msk [tilespmem:v23+s3+$0x0], $0xffff  }
0x52: {  	s25 =	sshra.s32 @!p2 s23, $0x2;
	v36 =	vshll.u32 @!p2 v4, $0x10;
	v4 =	vand.u32 @!p2 $0xFFFF0000, v4;
	v5 =	vld.idx.msk [tilespmem:v5+s3+$0x0], $0xffff;
	v37 =	vshll.u32 v9, $0x10  }
0x53: {  	v3 =	vld.idx.msk [tilespmem:v3+s3+$0x0], $0xffff;
	[tilespmem:s25+$0x94D0] =	vst @!p2 v36;
	v60 =	vshll.u32 v11, $0x10;
	v9 =	vand.u32 $0xFFFF0000, v9;
	v11 =	vand.u32 $0xFFFF0000, v11  }
0x54: {  	[tilespmem:s25+$0x9640] =	vst @!p2 v4;
	v36 =	vadd.f32 v60, v37;
	v61 =	vadd.f32 v11, v9;
	v62 =	vshll.u32 v6, $0x10  }
0x55: {  	[tilespmem:s25+$0x97B0] =	vst @!p2 v0;
	v63 =	vshll.u32 v7, $0x10;
	v6 =	vand.u32 $0xFFFF0000, v6;
	v7 =	vand.u32 $0xFFFF0000, v7  }
0x56: {  	v37 =	vshll.u32 v10, $0x10;
	v38 =	vand.u32 $0xFFFF0000, v8;
	v9 =	vadd.f32 v63, v62;
	[tilespmem:s24+$0x9920] =	vst v36  }
0x57: {  	v39 =	vand.u32 $0xFFFF0000, v10;
	v40 =	vshll.u32 v12, $0x10;
	v6 =	vadd.f32 v7, v6;
	[tilespmem:s24+$0x9A90] =	vst v61  }
0x58: {  	v41 =	vshll.u32 v13, $0x10;
	v42 =	vand.u32 $0xFFFF0000, v12;
	v4 =	vadd.f32 v39, v38;
	[tilespmem:s24+$0x9C00] =	vst v9  }
0x59: {  	v43 =	vand.u32 $0xFFFF0000, v13;
	v36 =	vshll.u32 v8, $0x10;
	v8 =	vadd.f32 v41, v40;
	[tilespmem:s24+$0x9D70] =	vst v6  }
0x5a: {  	v44 =	vshll.u32 v14, $0x10;
	v45 =	vshll.u32 v15, $0x10;
	v7 =	vadd.f32 v37, v36;
	[tilespmem:s24+$0xA050] =	vst v4  }
0x5b: {  	v46 =	vand.u32 $0xFFFF0000, v14;
	v47 =	vand.u32 $0xFFFF0000, v15;
	v6 =	vadd.f32 v43, v42;
	[tilespmem:s24+$0xA1C0] =	vst v8  }
0x5c: {  	v48 =	vshll.u32 v16, $0x10;
	v49 =	vshll.u32 v17, $0x10;
	v4 =	vadd.f32 v47, v46;
	[tilespmem:s24+$0x9EE0] =	vst v7  }
0x5d: {  	v50 =	vand.u32 $0xFFFF0000, v16;
	v51 =	vand.u32 $0xFFFF0000, v17;
	v8 =	vadd.f32 v49, v48;
	[tilespmem:s24+$0xA330] =	vst v6  }
0x5e: {  	v52 =	vshll.u32 v18, $0x10;
	v53 =	vshll.u32 v19, $0x10;
	v7 =	vadd.f32 v45, v44;
	[tilespmem:s24+$0xA610] =	vst v4  }
0x5f: {  	v54 =	vand.u32 $0xFFFF0000, v18;
	v55 =	vand.u32 $0xFFFF0000, v19;
	v6 =	vadd.f32 v51, v50;
	[tilespmem:s24+$0xA780] =	vst v8  }
0x60: {  	v36 =	vshll.u32 v5, $0x10;
	v37 =	vshll.u32 v3, $0x10;
	v4 =	vadd.f32 v55, v54;
	[tilespmem:s24+$0xA4A0] =	vst v7  }
0x61: {  	v5 =	vand.u32 $0xFFFF0000, v5;
	v3 =	vand.u32 $0xFFFF0000, v3;
	v38 =	vadd.f32 v37, v36;
	[tilespmem:s24+$0xA8F0] =	vst v6  }
0x62: {  	v56 =	vshll.u32 v20, $0x10;
	v57 =	vshll.u32 v21, $0x10;
	v3 =	vadd.f32 v3, v5;
	[tilespmem:s24+$0xABD0] =	vst v4  }
0x63: {  	v58 =	vand.u32 $0xFFFF0000, v20;
	v59 =	vand.u32 $0xFFFF0000, v21;
	v8 =	vadd.f32 v57, v56;
	[tilespmem:s24+$0xC440] =	vst v38  }
0x64: {  	v12 =	vshll.u32 v24, $0x10;
	v13 =	vshll.u32 v25, $0x10;
	v7 =	vadd.f32 v53, v52;
	[tilespmem:s24+$0xC5B0] =	vst v3  }
0x65: {  	v62 =	vand.u32 $0xFFFF0000, v22;
	v63 =	vand.u32 $0xFFFF0000, v23;
	v6 =	vadd.f32 v59, v58;
	[tilespmem:s24+$0xAD40] =	vst v8  }
0x66: {  	v14 =	vand.u32 $0xFFFF0000, v24;
	v15 =	vand.u32 $0xFFFF0000, v25;
	v4 =	vadd.f32 v63, v62;
	[tilespmem:s24+$0xAA60] =	vst v7  }
0x67: {  	v60 =	vshll.u32 v22, $0x10;
	v61 =	vshll.u32 v23, $0x10;
	v8 =	vadd.f32 v13, v12;
	[tilespmem:s24+$0xAEB0] =	vst v6  }
0x68: {  	v16 =	vshll.u32 v26, $0x10;
	v17 =	vshll.u32 v27, $0x10;
	v7 =	vadd.f32 v61, v60;
	[tilespmem:s24+$0xB190] =	vst v4  }
0x69: {  	v18 =	vand.u32 $0xFFFF0000, v26;
	v19 =	vand.u32 $0xFFFF0000, v27;
	v6 =	vadd.f32 v15, v14;
	[tilespmem:s24+$0xB300] =	vst v8  }
0x6a: {  	v20 =	vshll.u32 v28, $0x10;
	v21 =	vshll.u32 v29, $0x10;
	v4 =	vadd.f32 v19, v18;
	[tilespmem:s24+$0xB020] =	vst v7  }
0x6b: {  	v24 =	vshll.u32 v30, $0x10;
	v25 =	vshll.u32 v31, $0x10;
	v8 =	vadd.f32 v21, v20;
	[tilespmem:s24+$0xB470] =	vst v6  }
0x6c: {  	v22 =	vand.u32 $0xFFFF0000, v28;
	v23 =	vand.u32 $0xFFFF0000, v29;
	v7 =	vadd.f32 v17, v16;
	[tilespmem:s24+$0xB750] =	vst v4  }
0x6d: {  	v26 =	vand.u32 $0xFFFF0000, v30;
	v27 =	vand.u32 $0xFFFF0000, v31;
	v6 =	vadd.f32 v23, v22;
	[tilespmem:s24+$0xB8C0] =	vst v8  }
0x6e: {  	v28 =	vshll.u32 v32, $0x10;
	v29 =	vshll.u32 v33, $0x10;
	v4 =	vadd.f32 v27, v26;
	[tilespmem:s24+$0xB5E0] =	vst v7  }
0x6f: {  	v30 =	vand.u32 $0xFFFF0000, v32;
	v31 =	vand.u32 $0xFFFF0000, v33;
	v8 =	vadd.f32 v29, v28;
	[tilespmem:s24+$0xBA30] =	vst v6  }
0x70: {  	v32 =	vshll.u32 v34, $0x10;
	v33 =	vshll.u32 v35, $0x10;
	v7 =	vadd.f32 v25, v24;
	[tilespmem:s24+$0xBD10] =	vst v4  }
0x71: {  	v34 =	vand.u32 $0xFFFF0000, v34;
	v35 =	vand.u32 $0xFFFF0000, v35;
	v6 =	vadd.f32 v31, v30;
	[tilespmem:s24+$0xBE80] =	vst v8  }
0x72: {  	v4 =	vadd.f32 v35, v34;
	[tilespmem:s24+$0xBBA0] =	vst v7  }
0x73: {  	v7 =	vadd.f32 v33, v32;
	[tilespmem:s24+$0xBFF0] =	vst v6  }
0x74: {  	[tilespmem:s24+$0xC2D0] =	vst v4  }
0x75: {  	[tilespmem:s24+$0xC160] =	vst v7  }
0x76: {  	v3 =	vld.idx.msk [tilespmem:v1+s24+$0x0 ss:$0x1], $0xffff  }
0x77: {  	v4 =	vld.idx.msk [tilespmem:v2+s24+$0x0 ss:$0x1], $0xffff;
	_ =	sdelay $0x4  }
0x78: {  	vm15 =	veq.s32 v4, $0x0;
	v39 =	vand.u32 $0xFFFF, v3  }
0x79: {  	v3 =	vshrl.u32 v3, $0x10;
	v5 =	vnsel vm15, $0x94C, v39  }
0x7a: {  	v3 =	vnsel vm15, $0x94C, v3  }
0x7b: {  	v40 =	vadd.s32 $0x94D, v5  }
0x7c: {  	v41 =	vadd.s32 $0x94D, v3  }
0x7d: {  	v42 =	vadd.s32 $0x129A, v5  }
0x7e: {  	v43 =	vadd.s32 $0x129A, v3;
	v9 =	vld.idx.msk [tilespmem:v5+s3+$0x0], $0xffff  }
0x7f: {  	v44 =	vadd.s32 $0x1BE7, v5;
	v11 =	vld.idx.msk [tilespmem:v3+s3+$0x0], $0xffff  }
0x80: {  	v45 =	vadd.s32 $0x1BE7, v3;
	v6 =	vld.idx.msk [tilespmem:v40+s3+$0x0], $0xffff  }
0x81: {  	v46 =	vadd.s32 $0x2534, v5;
	v7 =	vld.idx.msk [tilespmem:v41+s3+$0x0], $0xffff  }
0x82: {  	v47 =	vadd.s32 $0x2534, v3;
	v8 =	vld.idx.msk [tilespmem:v42+s3+$0x0], $0xffff  }
0x83: {  	v48 =	vadd.s32 $0x2E81, v5;
	v10 =	vld.idx.msk [tilespmem:v43+s3+$0x0], $0xffff  }
0x84: {  	v49 =	vadd.s32 $0x2E81, v3;
	v12 =	vld.idx.msk [tilespmem:v44+s3+$0x0], $0xffff  }
0x85: {  	v50 =	vadd.s32 $0x37CE, v5;
	v13 =	vld.idx.msk [tilespmem:v45+s3+$0x0], $0xffff  }
0x86: {  	v51 =	vadd.s32 $0x37CE, v3;
	v14 =	vld.idx.msk [tilespmem:v46+s3+$0x0], $0xffff  }
0x87: {  	v52 =	vadd.s32 $0x411B, v5;
	v15 =	vld.idx.msk [tilespmem:v47+s3+$0x0], $0xffff  }
0x88: {  	v53 =	vadd.s32 $0x411B, v3;
	v16 =	vld.idx.msk [tilespmem:v48+s3+$0x0], $0xffff  }
0x89: {  	v59 =	vadd.s32 $0x53B5, v5;
	v17 =	vld.idx.msk [tilespmem:v49+s3+$0x0], $0xffff  }
0x8a: {  	v60 =	vadd.s32 $0x53B5, v3;
	v18 =	vld.idx.msk [tilespmem:v50+s3+$0x0], $0xffff  }
0x8b: {  	v61 =	vadd.s32 $0x5D02, v5;
	v19 =	vld.idx.msk [tilespmem:v51+s3+$0x0], $0xffff  }
0x8c: {  	v62 =	vadd.s32 $0x5D02, v3;
	v20 =	vld.idx.msk [tilespmem:v52+s3+$0x0], $0xffff  }
0x8d: {  	v63 =	vadd.s32 $0x664F, v5;
	v21 =	vld.idx.msk [tilespmem:v53+s3+$0x0], $0xffff  }
0x8e: {  	v36 =	vadd.s32 $0x664F, v3;
	v24 =	vld.idx.msk [tilespmem:v59+s3+$0x0], $0xffff  }
0x8f: {  	v37 =	vadd.s32 $0x6F9C, v5;
	v25 =	vld.idx.msk [tilespmem:v60+s3+$0x0], $0xffff  }
0x90: {  	v54 =	vadd.s32 $0x4A68, v5;
	v55 =	vand.u32 $0x7, v5;
	v38 =	vadd.s32 $0x6F9C, v3;
	v26 =	vld.idx.msk [tilespmem:v61+s3+$0x0], $0xffff  }
0x91: {  	v56 =	vadd.s32 $0x4A68, v3;
	v39 =	vadd.s32 $0x78E9, v5;
	v22 =	vand.u32 $0x1FFF8, v54;
	v27 =	vld.idx.msk [tilespmem:v62+s3+$0x0], $0xffff  }
0x92: {  	v58 =	vand.u32 $0x7, v3;
	v57 =	vand.u32 $0x1FFF8, v56;
	v22 =	vor.u32 v55, v22;
	v28 =	vld.idx.msk [tilespmem:v63+s3+$0x0], $0xffff  }
0x93: {  	v23 =	vor.u32 v58, v57;
	v29 =	vld.idx.msk [tilespmem:v36+s3+$0x0], $0xffff  }
0x94: {  	v40 =	vadd.s32 $0x78E9, v3;
	v30 =	vld.idx.msk [tilespmem:v37+s3+$0x0], $0xffff  }
0x95: {  	v41 =	vadd.s32 $0x8236, v5;
	v31 =	vld.idx.msk [tilespmem:v38+s3+$0x0], $0xffff  }
0x96: {  	v42 =	vadd.s32 $0x8236, v3;
	v32 =	vld.idx.msk [tilespmem:v39+s3+$0x0], $0xffff  }
0x97: {  	v5 =	vadd.s32 $0x8B83, v5;
	v22 =	vld.idx.msk [tilespmem:v22+s3+$0x0], $0xffff  }
0x98: {  	v3 =	vadd.s32 $0x8B83, v3;
	v23 =	vld.idx.msk [tilespmem:v23+s3+$0x0], $0xffff  }
0x99: {  	v33 =	vld.idx.msk [tilespmem:v40+s3+$0x0], $0xffff  }
0x9a: {  	v34 =	vld.idx.msk [tilespmem:v41+s3+$0x0], $0xffff  }
0x9b: {  	v35 =	vld.idx.msk [tilespmem:v42+s3+$0x0], $0xffff  }
0x9c: {  	v36 =	vshll.u32 @!p2 v4, $0x10;
	v5 =	vld.idx.msk [tilespmem:v5+s3+$0x0], $0xffff  }
0x9d: {  	v4 =	vand.u32 @!p2 $0xFFFF0000, v4;
	v43 =	vshll.u32 v9, $0x10;
	v44 =	vshll.u32 v11, $0x10;
	v3 =	vld.idx.msk [tilespmem:v3+s3+$0x0], $0xffff;
	[tilespmem:s25+$0x94E0] =	vst @!p2 v36  }
0x9e: {  	v9 =	vand.u32 $0xFFFF0000, v9;
	v11 =	vand.u32 $0xFFFF0000, v11;
	v36 =	vadd.f32 v44, v43;
	[tilespmem:s25+$0x9650] =	vst @!p2 v4  }
0x9f: {  	v45 =	vadd.f32 v11, v9;
	v46 =	vshll.u32 v6, $0x10;
	v47 =	vshll.u32 v7, $0x10;
	[tilespmem:s25+$0x97C0] =	vst @!p2 v0  }
0xa0: {  	v6 =	vand.u32 $0xFFFF0000, v6;
	v7 =	vand.u32 $0xFFFF0000, v7;
	v9 =	vadd.f32 v47, v46;
	[tilespmem:s24+$0x9930] =	vst v36  }
0xa1: {  	v48 =	vshll.u32 v8, $0x10;
	v49 =	vshll.u32 v10, $0x10;
	v6 =	vadd.f32 v7, v6;
	[tilespmem:s24+$0x9AA0] =	vst v45  }
0xa2: {  	v50 =	vand.u32 $0xFFFF0000, v8;
	v51 =	vand.u32 $0xFFFF0000, v10;
	v7 =	vadd.f32 v49, v48;
	[tilespmem:s24+$0x9C10] =	vst v9  }
0xa3: {  	v52 =	vshll.u32 v12, $0x10;
	v53 =	vshll.u32 v13, $0x10;
	v4 =	vadd.f32 v51, v50;
	[tilespmem:s24+$0x9D80] =	vst v6  }
0xa4: {  	v54 =	vand.u32 $0xFFFF0000, v12;
	v55 =	vand.u32 $0xFFFF0000, v13;
	v8 =	vadd.f32 v53, v52;
	[tilespmem:s24+$0x9EF0] =	vst v7  }
0xa5: {  	v56 =	vshll.u32 v14, $0x10;
	v57 =	vshll.u32 v15, $0x10;
	v6 =	vadd.f32 v55, v54;
	[tilespmem:s24+$0xA060] =	vst v4  }
0xa6: {  	v58 =	vand.u32 $0xFFFF0000, v14;
	v59 =	vand.u32 $0xFFFF0000, v15;
	v7 =	vadd.f32 v57, v56;
	[tilespmem:s24+$0xA1D0] =	vst v8  }
0xa7: {  	v60 =	vshll.u32 v16, $0x10;
	v61 =	vshll.u32 v17, $0x10;
	v4 =	vadd.f32 v59, v58;
	[tilespmem:s24+$0xA340] =	vst v6  }
0xa8: {  	v62 =	vand.u32 $0xFFFF0000, v16;
	v63 =	vand.u32 $0xFFFF0000, v17;
	v8 =	vadd.f32 v61, v60;
	[tilespmem:s24+$0xA4B0] =	vst v7  }
0xa9: {  	v12 =	vshll.u32 v18, $0x10;
	v13 =	vshll.u32 v19, $0x10;
	v6 =	vadd.f32 v63, v62;
	[tilespmem:s24+$0xA620] =	vst v4  }
0xaa: {  	v14 =	vand.u32 $0xFFFF0000, v18;
	v15 =	vand.u32 $0xFFFF0000, v19;
	v7 =	vadd.f32 v13, v12;
	[tilespmem:s24+$0xA790] =	vst v8  }
0xab: {  	v16 =	vshll.u32 v20, $0x10;
	v17 =	vshll.u32 v21, $0x10;
	v4 =	vadd.f32 v15, v14;
	[tilespmem:s24+$0xA900] =	vst v6  }
0xac: {  	v8 =	vadd.f32 v17, v16;
	v61 =	vshll.u32 v5, $0x10;
	v62 =	vshll.u32 v3, $0x10;
	[tilespmem:s24+$0xAA70] =	vst v7  }
0xad: {  	v5 =	vand.u32 $0xFFFF0000, v5;
	v3 =	vand.u32 $0xFFFF0000, v3;
	v63 =	vadd.f32 v62, v61;
	[tilespmem:s24+$0xABE0] =	vst v4  }
0xae: {  	v18 =	vand.u32 $0xFFFF0000, v20;
	v19 =	vand.u32 $0xFFFF0000, v21;
	v3 =	vadd.f32 v3, v5;
	[tilespmem:s24+$0xAD50] =	vst v8  }
0xaf: {  	v20 =	vshll.u32 v22, $0x10;
	v21 =	vshll.u32 v23, $0x10;
	v6 =	vadd.f32 v19, v18;
	[tilespmem:s24+$0xC450] =	vst v63  }
0xb0: {  	v22 =	vand.u32 $0xFFFF0000, v22;
	v36 =	vand.u32 $0xFFFF0000, v23;
	v7 =	vadd.f32 v21, v20;
	[tilespmem:s24+$0xC5C0] =	vst v3  }
0xb1: {  	v37 =	vshll.u32 v24, $0x10;
	v38 =	vshll.u32 v25, $0x10;
	v4 =	vadd.f32 v36, v22;
	[tilespmem:s24+$0xAEC0] =	vst v6  }
0xb2: {  	v39 =	vand.u32 $0xFFFF0000, v24;
	v40 =	vand.u32 $0xFFFF0000, v25;
	v8 =	vadd.f32 v38, v37;
	[tilespmem:s24+$0xB030] =	vst v7  }
0xb3: {  	v41 =	vshll.u32 v26, $0x10;
	v42 =	vshll.u32 v27, $0x10;
	v6 =	vadd.f32 v40, v39;
	[tilespmem:s24+$0xB1A0] =	vst v4  }
0xb4: {  	v43 =	vand.u32 $0xFFFF0000, v26;
	v44 =	vand.u32 $0xFFFF0000, v27;
	v7 =	vadd.f32 v42, v41;
	[tilespmem:s24+$0xB310] =	vst v8  }
0xb5: {  	v46 =	vshll.u32 v29, $0x10;
	v45 =	vshll.u32 v28, $0x10;
	v4 =	vadd.f32 v44, v43;
	[tilespmem:s24+$0xB480] =	vst v6  }
0xb6: {  	v47 =	vand.u32 $0xFFFF0000, v28;
	v48 =	vand.u32 $0xFFFF0000, v29;
	v8 =	vadd.f32 v46, v45;
	[tilespmem:s24+$0xB5F0] =	vst v7  }
0xb7: {  	v49 =	vshll.u32 v30, $0x10;
	v50 =	vshll.u32 v31, $0x10;
	v6 =	vadd.f32 v48, v47;
	[tilespmem:s24+$0xB760] =	vst v4  }
0xb8: {  	v51 =	vand.u32 $0xFFFF0000, v30;
	v52 =	vand.u32 $0xFFFF0000, v31;
	v7 =	vadd.f32 v50, v49;
	[tilespmem:s24+$0xB8D0] =	vst v8  }
0xb9: {  	s23 =	sadd.s32 $0x80, s23;
	v53 =	vshll.u32 v32, $0x10;
	v54 =	vshll.u32 v33, $0x10;
	v4 =	vadd.f32 v52, v51;
	[tilespmem:s24+$0xBA40] =	vst v6  }
0xba: {  	p5 =	sne.s32 s23, $0x580;
	v55 =	vand.u32 $0xFFFF0000, v32;
	v56 =	vand.u32 $0xFFFF0000, v33;
	v8 =	vadd.f32 v54, v53;
	[tilespmem:s24+$0xBBB0] =	vst v7  }
.Ltmp0:
0xbb: {  	v57 =	vshll.u32 v34, $0x10;
	v58 =	vshll.u32 v35, $0x10;
	v6 =	vadd.f32 v56, v55;
	[tilespmem:s24+$0xBD20] =	vst v4;
	(pc) =	sbr.rel @p5 .LBB2_3-.Ltmp0, $4  }
0xbc: {  	v59 =	vand.u32 $0xFFFF0000, v34;
	v60 =	vand.u32 $0xFFFF0000, v35;
	v7 =	vadd.f32 v58, v57;
	[tilespmem:s24+$0xBE90] =	vst v8  }
0xbd: {  	v4 =	vadd.f32 v60, v59;
	[tilespmem:s24+$0xC000] =	vst v6  }
0xbe: {  	[tilespmem:s24+$0xC170] =	vst v7  }
0xbf: {  	[tilespmem:s24+$0xC2E0] =	vst v4  }
0xc0: {  	v1 =	vld [tilespmem:s22+$0xFAC9]  }
0xc1: {  	v2 =	vld [tilespmem:s22+$0x156C9];
	_ =	sdelay $0x4  }
0xc2: {  	vm0 =	veq.s32 v2, $0x0;
	v3 =	vand.u32 $0xFFFF, v1  }
0xc3: {  	v1 =	vshrl.u32 v1, $0x10;
	v3 =	vnsel vm0, $0x94C, v3  }
0xc4: {  	v1 =	vnsel vm0, $0x94C, v1  }
0xc5: {  	v4 =	vadd.s32 $0x94D, v3  }
0xc6: {  	v5 =	vadd.s32 $0x94D, v1  }
0xc7: {  	v6 =	vadd.s32 $0x129A, v3  }
0xc8: {  	v8 =	vadd.s32 $0x129A, v1;
	v7 =	vld.idx.msk [tilespmem:v3+s3+$0x0], $0xffff  }
0xc9: {  	v10 =	vadd.s32 $0x1BE7, v3;
	v9 =	vld.idx.msk [tilespmem:v1+s3+$0x0], $0xffff  }
0xca: {  	v11 =	vadd.s32 $0x1BE7, v1;
	v4 =	vld.idx.msk [tilespmem:v4+s3+$0x0], $0xffff  }
0xcb: {  	v12 =	vadd.s32 $0x2534, v3;
	v5 =	vld.idx.msk [tilespmem:v5+s3+$0x0], $0xffff  }
0xcc: {  	v13 =	vadd.s32 $0x2534, v1;
	v6 =	vld.idx.msk [tilespmem:v6+s3+$0x0], $0xffff  }
0xcd: {  	v14 =	vadd.s32 $0x2E81, v3;
	v8 =	vld.idx.msk [tilespmem:v8+s3+$0x0], $0xffff  }
0xce: {  	v15 =	vadd.s32 $0x2E81, v1;
	v10 =	vld.idx.msk [tilespmem:v10+s3+$0x0], $0xffff  }
0xcf: {  	v16 =	vadd.s32 $0x37CE, v3;
	v11 =	vld.idx.msk [tilespmem:v11+s3+$0x0], $0xffff  }
0xd0: {  	v17 =	vadd.s32 $0x37CE, v1;
	v12 =	vld.idx.msk [tilespmem:v12+s3+$0x0], $0xffff  }
0xd1: {  	v18 =	vadd.s32 $0x411B, v3;
	v13 =	vld.idx.msk [tilespmem:v13+s3+$0x0], $0xffff  }
0xd2: {  	v19 =	vadd.s32 $0x411B, v1;
	v14 =	vld.idx.msk [tilespmem:v14+s3+$0x0], $0xffff  }
0xd3: {  	v52 =	vadd.s32 $0x53B5, v3;
	v15 =	vld.idx.msk [tilespmem:v15+s3+$0x0], $0xffff  }
0xd4: {  	v23 =	vadd.s32 $0x53B5, v1;
	v16 =	vld.idx.msk [tilespmem:v16+s3+$0x0], $0xffff  }
0xd5: {  	v24 =	vadd.s32 $0x5D02, v3;
	v17 =	vld.idx.msk [tilespmem:v17+s3+$0x0], $0xffff  }
0xd6: {  	v25 =	vadd.s32 $0x5D02, v1;
	v18 =	vld.idx.msk [tilespmem:v18+s3+$0x0], $0xffff  }
0xd7: {  	v22 =	vadd.s32 $0x4A68, v1;
	v26 =	vadd.s32 $0x664F, v3;
	v19 =	vld.idx.msk [tilespmem:v19+s3+$0x0], $0xffff  }
0xd8: {  	v27 =	vadd.s32 $0x664F, v1;
	v50 =	vand.u32 $0x1FFF8, v22;
	v22 =	vld.idx.msk [tilespmem:v52+s3+$0x0], $0xffff  }
0xd9: {  	v28 =	vadd.s32 $0x6F9C, v3;
	v23 =	vld.idx.msk [tilespmem:v23+s3+$0x0], $0xffff  }
0xda: {  	v29 =	vadd.s32 $0x6F9C, v1;
	v24 =	vld.idx.msk [tilespmem:v24+s3+$0x0], $0xffff  }
0xdb: {  	v30 =	vadd.s32 $0x78E9, v3;
	v25 =	vld.idx.msk [tilespmem:v25+s3+$0x0], $0xffff  }
0xdc: {  	v31 =	vadd.s32 $0x78E9, v1;
	v26 =	vld.idx.msk [tilespmem:v26+s3+$0x0], $0xffff  }
0xdd: {  	v20 =	vadd.s32 $0x4A68, v3;
	v32 =	vadd.s32 $0x8236, v3;
	v27 =	vld.idx.msk [tilespmem:v27+s3+$0x0], $0xffff  }
0xde: {  	v21 =	vand.u32 $0x7, v3;
	v33 =	vadd.s32 $0x8236, v1;
	v20 =	vand.u32 $0x1FFF8, v20;
	v28 =	vld.idx.msk [tilespmem:v28+s3+$0x0], $0xffff  }
0xdf: {  	v51 =	vand.u32 $0x7, v1;
	v20 =	vor.u32 v21, v20;
	v29 =	vld.idx.msk [tilespmem:v29+s3+$0x0], $0xffff  }
0xe0: {  	v21 =	vor.u32 v51, v50;
	v30 =	vld.idx.msk [tilespmem:v30+s3+$0x0], $0xffff  }
0xe1: {  	v3 =	vadd.s32 $0x8B83, v3;
	v31 =	vld.idx.msk [tilespmem:v31+s3+$0x0], $0xffff  }
0xe2: {  	v1 =	vadd.s32 $0x8B83, v1;
	v32 =	vld.idx.msk [tilespmem:v32+s3+$0x0], $0xffff  }
0xe3: {  	v33 =	vld.idx.msk [tilespmem:v33+s3+$0x0], $0xffff  }
0xe4: {  	v20 =	vld.idx.msk [tilespmem:v20+s3+$0x0], $0xffff  }
0xe5: {  	v21 =	vld.idx.msk [tilespmem:v21+s3+$0x0], $0xffff  }
0xe6: {  	v34 =	vshll.u32 @!p2 v2, $0x10;
	v3 =	vld.idx.msk [tilespmem:v3+s3+$0x0], $0xffff  }
0xe7: {  	v2 =	vand.u32 @!p2 $0xFFFF0000, v2;
	v1 =	vld.idx.msk [tilespmem:v1+s3+$0x0], $0xffff;
	v35 =	vshll.u32 v7, $0x10;
	[tilespmem:$0x9629] =	vst @!p2 v34;
	v53 =	vshll.u32 v9, $0x10  }
0xe8: {  	v7 =	vand.u32 $0xFFFF0000, v7;
	v9 =	vand.u32 $0xFFFF0000, v9;
	[tilespmem:$0x9799] =	vst @!p2 v2;
	v34 =	vadd.f32 v53, v35  }
0xe9: {  	[tilespmem:$0x9909] =	vst @!p2 v0;
	v2 =	vadd.f32 v9, v7;
	v54 =	vshll.u32 v4, $0x10;
	v55 =	vshll.u32 v5, $0x10  }
0xea: {  	v0 =	vand.u32 $0xFFFF0000, v4;
	v56 =	vand.u32 $0xFFFF0000, v5;
	v57 =	vadd.f32 v55, v54;
	[tilespmem:$0x9A79] =	vst v34  }
0xeb: {  	v58 =	vshll.u32 v6, $0x10;
	v59 =	vshll.u32 v8, $0x10;
	v0 =	vadd.f32 v56, v0;
	[tilespmem:$0x9BE9] =	vst v2  }
0xec: {  	v61 =	vshll.u32 v10, $0x10;
	v62 =	vshll.u32 v11, $0x10;
	v4 =	vadd.f32 v59, v58;
	[tilespmem:$0x9D59] =	vst v57  }
0xed: {  	v60 =	vand.u32 $0xFFFF0000, v8;
	v5 =	vadd.f32 v62, v61;
	v2 =	vand.u32 $0xFFFF0000, v6;
	[tilespmem:$0x9EC9] =	vst v0  }
0xee: {  	v63 =	vand.u32 $0xFFFF0000, v11;
	v2 =	vadd.f32 v60, v2;
	v0 =	vand.u32 $0xFFFF0000, v10;
	[tilespmem:$0xA039] =	vst v4  }
0xef: {  	v9 =	vshll.u32 v12, $0x10;
	v10 =	vshll.u32 v13, $0x10;
	[tilespmem:$0xA319] =	vst v5;
	v0 =	vadd.f32 v63, v0  }
0xf0: {  	v11 =	vand.u32 $0xFFFF0000, v13;
	v4 =	vadd.f32 v10, v9;
	[tilespmem:$0xA1A9] =	vst v2;
	v2 =	vand.u32 $0xFFFF0000, v12  }
0xf1: {  	v13 =	vshll.u32 v15, $0x10;
	v12 =	vshll.u32 v14, $0x10;
	v2 =	vadd.f32 v11, v2;
	[tilespmem:$0xA489] =	vst v0  }
0xf2: {  	v35 =	vshll.u32 v16, $0x10;
	v36 =	vshll.u32 v17, $0x10;
	v5 =	vadd.f32 v13, v12;
	[tilespmem:$0xA5F9] =	vst v4  }
0xf3: {  	v34 =	vand.u32 $0xFFFF0000, v15;
	v0 =	vand.u32 $0xFFFF0000, v14;
	v4 =	vadd.f32 v36, v35;
	[tilespmem:$0xA769] =	vst v2  }
0xf4: {  	v38 =	vshll.u32 v18, $0x10;
	v39 =	vshll.u32 v19, $0x10;
	v0 =	vadd.f32 v34, v0;
	[tilespmem:$0xA8D9] =	vst v5  }
0xf5: {  	v41 =	vshll.u32 v20, $0x10;
	v42 =	vshll.u32 v21, $0x10;
	v5 =	vadd.f32 v39, v38;
	[tilespmem:$0xABB9] =	vst v4  }
0xf6: {  	v37 =	vand.u32 $0xFFFF0000, v17;
	v2 =	vand.u32 $0xFFFF0000, v16;
	v4 =	vadd.f32 v42, v41;
	[tilespmem:$0xAA49] =	vst v0  }
0xf7: {  	v40 =	vand.u32 $0xFFFF0000, v19;
	v2 =	vadd.f32 v37, v2;
	v0 =	vand.u32 $0xFFFF0000, v18;
	[tilespmem:$0xAE99] =	vst v5  }
0xf8: {  	v44 =	vshll.u32 v22, $0x10;
	v45 =	vshll.u32 v23, $0x10;
	v0 =	vadd.f32 v40, v0;
	[tilespmem:$0xB179] =	vst v4  }
0xf9: {  	v47 =	vshll.u32 v24, $0x10;
	v48 =	vshll.u32 v25, $0x10;
	v5 =	vadd.f32 v45, v44;
	[tilespmem:$0xAD29] =	vst v2  }
0xfa: {  	v43 =	vand.u32 $0xFFFF0000, v21;
	v4 =	vadd.f32 v48, v47;
	v2 =	vand.u32 $0xFFFF0000, v20;
	[tilespmem:$0xB009] =	vst v0  }
0xfb: {  	v50 =	vshll.u32 v26, $0x10;
	v51 =	vshll.u32 v27, $0x10;
	v2 =	vadd.f32 v43, v2;
	[tilespmem:$0xB459] =	vst v5  }
0xfc: {  	v53 =	vshll.u32 v28, $0x10;
	v54 =	vshll.u32 v29, $0x10;
	v5 =	vadd.f32 v51, v50;
	[tilespmem:$0xB739] =	vst v4  }
0xfd: {  	v46 =	vand.u32 $0xFFFF0000, v23;
	v0 =	vand.u32 $0xFFFF0000, v22;
	v4 =	vadd.f32 v54, v53;
	[tilespmem:$0xB2E9] =	vst v2  }
0xfe: {  	v49 =	vand.u32 $0xFFFF0000, v25;
	v0 =	vadd.f32 v46, v0;
	v2 =	vand.u32 $0xFFFF0000, v24;
	[tilespmem:$0xBA19] =	vst v5  }
0xff: {  	v56 =	vshll.u32 v30, $0x10;
	v57 =	vshll.u32 v31, $0x10;
	[tilespmem:$0xBCF9] =	vst v4;
	v2 =	vadd.f32 v49, v2  }
0x100: {  	v52 =	vand.u32 $0xFFFF0000, v27;
	v5 =	vadd.f32 v57, v56;
	[tilespmem:$0xB5C9] =	vst v0;
	v0 =	vand.u32 $0xFFFF0000, v26  }
0x101: {  	v55 =	vand.u32 $0xFFFF0000, v29;
	v0 =	vadd.f32 v52, v0;
	[tilespmem:$0xB8A9] =	vst v2;
	v2 =	vand.u32 $0xFFFF0000, v28  }
0x102: {  	v59 =	vshll.u32 v32, $0x10;
	v60 =	vshll.u32 v33, $0x10;
	[tilespmem:$0xBFD9] =	vst v5;
	v2 =	vadd.f32 v55, v2  }
0x103: {  	v58 =	vand.u32 $0xFFFF0000, v31;
	v4 =	vadd.f32 v60, v59;
	[tilespmem:$0xBB89] =	vst v0;
	v0 =	vand.u32 $0xFFFF0000, v30  }
0x104: {  	v61 =	vand.u32 $0xFFFF0000, v33;
	v0 =	vadd.f32 v58, v0;
	[tilespmem:$0xBE69] =	vst v2;
	v2 =	vand.u32 $0xFFFF0000, v32  }
0x105: {  	v62 =	vshll.u32 v3, $0x10;
	v63 =	vshll.u32 v1, $0x10;
	[tilespmem:$0xC2B9] =	vst v4;
	v2 =	vadd.f32 v61, v2  }
0x106: {  	s22 =	smul.u32 @!p2 $0xC0A, s21;
	v1 =	vand.u32 $0xFFFF0000, v1;
	[tilespmem:$0xC149] =	vst v0;
	v0 =	vand.u32 $0xFFFF0000, v3;
	v3 =	vadd.f32 v63, v62  }
0x107: {  	s21 =	smul.u32 @p0 $0x6050, s21;
	v0 =	vadd.f32 v1, v0;
	[tilespmem:$0xC429] =	vst v2  }
0x108: {  	s23 =	simm.s32 @!p2 $0x0;
	[tilespmem:$0xC599] =	vst v3  }
0x109: {  	s24 =	simm.s32 @!p2 $0x94D0;
	s25 =	sor.u32 $0x1, s20;
	s20 =	sshrl.u32 @p0 s21, $0x3;
	[tilespmem:$0xC709] =	vst v0  }
0x10a: {  	s22 =	sadd.s32 @!p2 s2, s22;
	s20 =	sadd.s32 @p0 s2, s20;
	v0 =	vmov s25;
	[bflag:$0x0] =	sbarrier.arrive $0xFFFF  }
0x10b: {  	[hbm4b:s22+s23] =	stream.linear.scatter @!p2 [tilespmem:s24], [sflag:$0x1], $0x3250, $0x38;
	[tilespmem:$0x1B1B0] =	vst v63  }
0x10c: {  	s21 =	simm.s32 @p0 $0x0;
	s20 =	sadd.s32 @p0 $0x64A, s20;
	s22 =	simm.s32 @p0 $0x9920  }
0x10d: {  	[hbm4b:s20+s21] =	stream.linear.scatter @p0 [tilespmem:s22], [sflag:$0x1], $0x2E00, $0x38;
	[tilespmem:$0x1B1B0] =	vst v63  }
0x10e: {  	s20 =	simm.s32 @p3 $0x2  }
0x10f: {  	v0 =	vld.idx.msk [tilespmem:v0+s13+$0x0], $0xffff;
	_ =	swait.ge @p3 [sflag:s20], $0x3250  }
0x110: {  	[sflag:s20] =	ssyncset.done @p3 $0x0  }
0x111: {  	v1 =	vmov s17;
	s21 =	simm.s32 @p4 $0x2;
	[sflag:s20] =	ssyncadd.s32 @p3 $0xFFFFCDB0  }
0x112: {  	v2 =	vmov s18;
	_ =	swait.ge @p4 [sflag:s21], $0x2E00  }
0x113: {  	s22 =	simm.s32 $0x0;
	[sflag:s21] =	ssyncset.done @p4 $0x0  }
0x114: {  	s20 =	sor.u32 s4, s25;
	[sflag:s21] =	ssyncadd.s32 @p4 $0xFFFFD200;
	s21 =	smul.u32 $0x170, s25  }
.LBB2_5:
0x115: {  	s23 =	sshra.s32 s22, $0x2  }
0x116: {  	v3 =	vld.idx.msk [tilespmem:v1+s23+$0x0 ss:$0x1], $0xffff  }
0x117: {  	v4 =	vld.idx.msk [tilespmem:v2+s23+$0xFFFFFFF0 ss:$0x1], $0xffff;
	_ =	sdelay $0x4  }
0x118: {  	vm0 =	veq.s32 v4, $0x0;
	v5 =	vand.u32 $0xFFFF, v3  }
0x119: {  	v3 =	vshrl.u32 v3, $0x10;
	v5 =	vnsel vm0, $0x94C, v5  }
0x11a: {  	v3 =	vnsel vm0, $0x94C, v3  }
0x11b: {  	v6 =	vadd.s32 $0x94D, v5  }
0x11c: {  	v7 =	vadd.s32 $0x94D, v3  }
0x11d: {  	v8 =	vadd.s32 $0x129A, v5  }
0x11e: {  	v10 =	vadd.s32 $0x129A, v3;
	v9 =	vld.idx.msk [tilespmem:v5+s3+$0x0], $0xffff  }
0x11f: {  	v12 =	vadd.s32 $0x1BE7, v5;
	v11 =	vld.idx.msk [tilespmem:v3+s3+$0x0], $0xffff  }
0x120: {  	v13 =	vadd.s32 $0x1BE7, v3;
	v6 =	vld.idx.msk [tilespmem:v6+s3+$0x0], $0xffff  }
0x121: {  	v14 =	vadd.s32 $0x2534, v5;
	v7 =	vld.idx.msk [tilespmem:v7+s3+$0x0], $0xffff  }
0x122: {  	v15 =	vadd.s32 $0x2534, v3;
	v8 =	vld.idx.msk [tilespmem:v8+s3+$0x0], $0xffff  }
0x123: {  	v16 =	vadd.s32 $0x2E81, v5;
	v10 =	vld.idx.msk [tilespmem:v10+s3+$0x0], $0xffff  }
0x124: {  	v17 =	vadd.s32 $0x2E81, v3;
	v12 =	vld.idx.msk [tilespmem:v12+s3+$0x0], $0xffff  }
0x125: {  	v18 =	vadd.s32 $0x37CE, v5;
	v13 =	vld.idx.msk [tilespmem:v13+s3+$0x0], $0xffff  }
0x126: {  	v19 =	vadd.s32 $0x37CE, v3;
	v14 =	vld.idx.msk [tilespmem:v14+s3+$0x0], $0xffff  }
0x127: {  	v20 =	vadd.s32 $0x411B, v5;
	v15 =	vld.idx.msk [tilespmem:v15+s3+$0x0], $0xffff  }
0x128: {  	v21 =	vadd.s32 $0x411B, v3;
	v16 =	vld.idx.msk [tilespmem:v16+s3+$0x0], $0xffff  }
0x129: {  	v59 =	vadd.s32 $0x53B5, v5;
	v17 =	vld.idx.msk [tilespmem:v17+s3+$0x0], $0xffff  }
0x12a: {  	v25 =	vadd.s32 $0x53B5, v3;
	v18 =	vld.idx.msk [tilespmem:v18+s3+$0x0], $0xffff  }
0x12b: {  	v26 =	vadd.s32 $0x5D02, v5;
	v19 =	vld.idx.msk [tilespmem:v19+s3+$0x0], $0xffff  }
0x12c: {  	v27 =	vadd.s32 $0x5D02, v3;
	v20 =	vld.idx.msk [tilespmem:v20+s3+$0x0], $0xffff  }
0x12d: {  	v24 =	vadd.s32 $0x4A68, v3;
	v28 =	vadd.s32 $0x664F, v5;
	v21 =	vld.idx.msk [tilespmem:v21+s3+$0x0], $0xffff  }
0x12e: {  	v29 =	vadd.s32 $0x664F, v3;
	v57 =	vand.u32 $0x1FFF8, v24;
	v24 =	vld.idx.msk [tilespmem:v59+s3+$0x0], $0xffff  }
0x12f: {  	v30 =	vadd.s32 $0x6F9C, v5;
	v25 =	vld.idx.msk [tilespmem:v25+s3+$0x0], $0xffff  }
0x130: {  	v31 =	vadd.s32 $0x6F9C, v3;
	v26 =	vld.idx.msk [tilespmem:v26+s3+$0x0], $0xffff  }
0x131: {  	v32 =	vadd.s32 $0x78E9, v5;
	v27 =	vld.idx.msk [tilespmem:v27+s3+$0x0], $0xffff  }
0x132: {  	v33 =	vadd.s32 $0x78E9, v3;
	v28 =	vld.idx.msk [tilespmem:v28+s3+$0x0], $0xffff  }
0x133: {  	v22 =	vadd.s32 $0x4A68, v5;
	v34 =	vadd.s32 $0x8236, v5;
	v29 =	vld.idx.msk [tilespmem:v29+s3+$0x0], $0xffff  }
0x134: {  	v23 =	vand.u32 $0x7, v5;
	v35 =	vadd.s32 $0x8236, v3;
	v22 =	vand.u32 $0x1FFF8, v22;
	v30 =	vld.idx.msk [tilespmem:v30+s3+$0x0], $0xffff  }
0x135: {  	v58 =	vand.u32 $0x7, v3;
	v22 =	vor.u32 v23, v22;
	v31 =	vld.idx.msk [tilespmem:v31+s3+$0x0], $0xffff  }
0x136: {  	v23 =	vor.u32 v58, v57;
	v32 =	vld.idx.msk [tilespmem:v32+s3+$0x0], $0xffff  }
0x137: {  	v5 =	vadd.s32 $0x8B83, v5;
	v33 =	vld.idx.msk [tilespmem:v33+s3+$0x0], $0xffff  }
0x138: {  	v3 =	vadd.s32 $0x8B83, v3;
	v34 =	vld.idx.msk [tilespmem:v34+s3+$0x0], $0xffff  }
0x139: {  	v35 =	vld.idx.msk [tilespmem:v35+s3+$0x0], $0xffff  }
0x13a: {  	v22 =	vld.idx.msk [tilespmem:v22+s3+$0x0], $0xffff  }
0x13b: {  	v23 =	vld.idx.msk [tilespmem:v23+s3+$0x0], $0xffff  }
0x13c: {  	s24 =	sshra.s32 @!p2 s22, $0x2;
	v36 =	vshll.u32 @!p2 v4, $0x10;
	v4 =	vand.u32 @!p2 $0xFFFF0000, v4;
	v5 =	vld.idx.msk [tilespmem:v5+s3+$0x0], $0xffff;
	v37 =	vshll.u32 v9, $0x10  }
0x13d: {  	v3 =	vld.idx.msk [tilespmem:v3+s3+$0x0], $0xffff;
	[tilespmem:s24+$0xC720] =	vst @!p2 v36;
	v60 =	vshll.u32 v11, $0x10;
	v9 =	vand.u32 $0xFFFF0000, v9;
	v11 =	vand.u32 $0xFFFF0000, v11  }
0x13e: {  	[tilespmem:s24+$0xC890] =	vst @!p2 v4;
	v36 =	vadd.f32 v60, v37;
	v61 =	vadd.f32 v11, v9;
	v62 =	vshll.u32 v6, $0x10  }
0x13f: {  	[tilespmem:s24+$0xCA00] =	vst @!p2 v0;
	v63 =	vshll.u32 v7, $0x10;
	v6 =	vand.u32 $0xFFFF0000, v6;
	v7 =	vand.u32 $0xFFFF0000, v7  }
0x140: {  	v37 =	vshll.u32 v10, $0x10;
	v38 =	vand.u32 $0xFFFF0000, v8;
	v9 =	vadd.f32 v63, v62;
	[tilespmem:s23+$0xCB70] =	vst v36  }
0x141: {  	v39 =	vand.u32 $0xFFFF0000, v10;
	v40 =	vshll.u32 v12, $0x10;
	v6 =	vadd.f32 v7, v6;
	[tilespmem:s23+$0xCCE0] =	vst v61  }
0x142: {  	v41 =	vshll.u32 v13, $0x10;
	v42 =	vand.u32 $0xFFFF0000, v12;
	v4 =	vadd.f32 v39, v38;
	[tilespmem:s23+$0xCE50] =	vst v9  }
0x143: {  	v43 =	vand.u32 $0xFFFF0000, v13;
	v36 =	vshll.u32 v8, $0x10;
	v8 =	vadd.f32 v41, v40;
	[tilespmem:s23+$0xCFC0] =	vst v6  }
0x144: {  	v44 =	vshll.u32 v14, $0x10;
	v45 =	vshll.u32 v15, $0x10;
	v7 =	vadd.f32 v37, v36;
	[tilespmem:s23+$0xD2A0] =	vst v4  }
0x145: {  	v46 =	vand.u32 $0xFFFF0000, v14;
	v47 =	vand.u32 $0xFFFF0000, v15;
	v6 =	vadd.f32 v43, v42;
	[tilespmem:s23+$0xD410] =	vst v8  }
0x146: {  	v48 =	vshll.u32 v16, $0x10;
	v49 =	vshll.u32 v17, $0x10;
	v4 =	vadd.f32 v47, v46;
	[tilespmem:s23+$0xD130] =	vst v7  }
0x147: {  	v50 =	vand.u32 $0xFFFF0000, v16;
	v51 =	vand.u32 $0xFFFF0000, v17;
	v8 =	vadd.f32 v49, v48;
	[tilespmem:s23+$0xD580] =	vst v6  }
0x148: {  	v52 =	vshll.u32 v18, $0x10;
	v53 =	vshll.u32 v19, $0x10;
	v7 =	vadd.f32 v45, v44;
	[tilespmem:s23+$0xD860] =	vst v4  }
0x149: {  	v54 =	vand.u32 $0xFFFF0000, v18;
	v55 =	vand.u32 $0xFFFF0000, v19;
	v6 =	vadd.f32 v51, v50;
	[tilespmem:s23+$0xD9D0] =	vst v8  }
0x14a: {  	v36 =	vshll.u32 v5, $0x10;
	v37 =	vshll.u32 v3, $0x10;
	v4 =	vadd.f32 v55, v54;
	[tilespmem:s23+$0xD6F0] =	vst v7  }
0x14b: {  	v5 =	vand.u32 $0xFFFF0000, v5;
	v3 =	vand.u32 $0xFFFF0000, v3;
	v38 =	vadd.f32 v37, v36;
	[tilespmem:s23+$0xDB40] =	vst v6  }
0x14c: {  	v56 =	vshll.u32 v20, $0x10;
	v57 =	vshll.u32 v21, $0x10;
	v3 =	vadd.f32 v3, v5;
	[tilespmem:s23+$0xDE20] =	vst v4  }
0x14d: {  	v58 =	vand.u32 $0xFFFF0000, v20;
	v59 =	vand.u32 $0xFFFF0000, v21;
	v8 =	vadd.f32 v57, v56;
	[tilespmem:s23+$0xF690] =	vst v38  }
0x14e: {  	v12 =	vshll.u32 v24, $0x10;
	v13 =	vshll.u32 v25, $0x10;
	v7 =	vadd.f32 v53, v52;
	[tilespmem:s23+$0xF800] =	vst v3  }
0x14f: {  	v62 =	vand.u32 $0xFFFF0000, v22;
	v63 =	vand.u32 $0xFFFF0000, v23;
	v6 =	vadd.f32 v59, v58;
	[tilespmem:s23+$0xDF90] =	vst v8  }
0x150: {  	v14 =	vand.u32 $0xFFFF0000, v24;
	v15 =	vand.u32 $0xFFFF0000, v25;
	v4 =	vadd.f32 v63, v62;
	[tilespmem:s23+$0xDCB0] =	vst v7  }
0x151: {  	v60 =	vshll.u32 v22, $0x10;
	v61 =	vshll.u32 v23, $0x10;
	v8 =	vadd.f32 v13, v12;
	[tilespmem:s23+$0xE100] =	vst v6  }
0x152: {  	v16 =	vshll.u32 v26, $0x10;
	v17 =	vshll.u32 v27, $0x10;
	v7 =	vadd.f32 v61, v60;
	[tilespmem:s23+$0xE3E0] =	vst v4  }
0x153: {  	v18 =	vand.u32 $0xFFFF0000, v26;
	v19 =	vand.u32 $0xFFFF0000, v27;
	v6 =	vadd.f32 v15, v14;
	[tilespmem:s23+$0xE550] =	vst v8  }
0x154: {  	v20 =	vshll.u32 v28, $0x10;
	v21 =	vshll.u32 v29, $0x10;
	v4 =	vadd.f32 v19, v18;
	[tilespmem:s23+$0xE270] =	vst v7  }
0x155: {  	v24 =	vshll.u32 v30, $0x10;
	v25 =	vshll.u32 v31, $0x10;
	v8 =	vadd.f32 v21, v20;
	[tilespmem:s23+$0xE6C0] =	vst v6  }
0x156: {  	v22 =	vand.u32 $0xFFFF0000, v28;
	v23 =	vand.u32 $0xFFFF0000, v29;
	v7 =	vadd.f32 v17, v16;
	[tilespmem:s23+$0xE9A0] =	vst v4  }
0x157: {  	v26 =	vand.u32 $0xFFFF0000, v30;
	v27 =	vand.u32 $0xFFFF0000, v31;
	v6 =	vadd.f32 v23, v22;
	[tilespmem:s23+$0xEB10] =	vst v8  }
0x158: {  	v28 =	vshll.u32 v32, $0x10;
	v29 =	vshll.u32 v33, $0x10;
	v4 =	vadd.f32 v27, v26;
	[tilespmem:s23+$0xE830] =	vst v7  }
0x159: {  	v30 =	vand.u32 $0xFFFF0000, v32;
	v31 =	vand.u32 $0xFFFF0000, v33;
	v8 =	vadd.f32 v29, v28;
	[tilespmem:s23+$0xEC80] =	vst v6  }
0x15a: {  	v32 =	vshll.u32 v34, $0x10;
	v33 =	vshll.u32 v35, $0x10;
	v7 =	vadd.f32 v25, v24;
	[tilespmem:s23+$0xEF60] =	vst v4  }
0x15b: {  	v34 =	vand.u32 $0xFFFF0000, v34;
	v35 =	vand.u32 $0xFFFF0000, v35;
	v6 =	vadd.f32 v31, v30;
	[tilespmem:s23+$0xF0D0] =	vst v8  }
0x15c: {  	v4 =	vadd.f32 v35, v34;
	[tilespmem:s23+$0xEDF0] =	vst v7  }
0x15d: {  	v7 =	vadd.f32 v33, v32;
	[tilespmem:s23+$0xF240] =	vst v6  }
0x15e: {  	[tilespmem:s23+$0xF520] =	vst v4  }
0x15f: {  	[tilespmem:s23+$0xF3B0] =	vst v7  }
0x160: {  	v3 =	vld.idx.msk [tilespmem:v1+s23+$0x10 ss:$0x1], $0xffff  }
0x161: {  	v4 =	vld.idx.msk [tilespmem:v2+s23+$0x0 ss:$0x1], $0xffff;
	_ =	sdelay $0x4  }
0x162: {  	vm15 =	veq.s32 v4, $0x0;
	v39 =	vand.u32 $0xFFFF, v3  }
0x163: {  	v3 =	vshrl.u32 v3, $0x10;
	v5 =	vnsel vm15, $0x94C, v39  }
0x164: {  	v3 =	vnsel vm15, $0x94C, v3  }
0x165: {  	v40 =	vadd.s32 $0x94D, v5  }
0x166: {  	v41 =	vadd.s32 $0x94D, v3  }
0x167: {  	v42 =	vadd.s32 $0x129A, v5  }
0x168: {  	v43 =	vadd.s32 $0x129A, v3;
	v9 =	vld.idx.msk [tilespmem:v5+s3+$0x0], $0xffff  }
0x169: {  	v44 =	vadd.s32 $0x1BE7, v5;
	v11 =	vld.idx.msk [tilespmem:v3+s3+$0x0], $0xffff  }
0x16a: {  	v45 =	vadd.s32 $0x1BE7, v3;
	v6 =	vld.idx.msk [tilespmem:v40+s3+$0x0], $0xffff  }
0x16b: {  	v46 =	vadd.s32 $0x2534, v5;
	v7 =	vld.idx.msk [tilespmem:v41+s3+$0x0], $0xffff  }
0x16c: {  	v47 =	vadd.s32 $0x2534, v3;
	v8 =	vld.idx.msk [tilespmem:v42+s3+$0x0], $0xffff  }
0x16d: {  	v48 =	vadd.s32 $0x2E81, v5;
	v10 =	vld.idx.msk [tilespmem:v43+s3+$0x0], $0xffff  }
0x16e: {  	v49 =	vadd.s32 $0x2E81, v3;
	v12 =	vld.idx.msk [tilespmem:v44+s3+$0x0], $0xffff  }
0x16f: {  	v50 =	vadd.s32 $0x37CE, v5;
	v13 =	vld.idx.msk [tilespmem:v45+s3+$0x0], $0xffff  }
0x170: {  	v51 =	vadd.s32 $0x37CE, v3;
	v14 =	vld.idx.msk [tilespmem:v46+s3+$0x0], $0xffff  }
0x171: {  	v52 =	vadd.s32 $0x411B, v5;
	v15 =	vld.idx.msk [tilespmem:v47+s3+$0x0], $0xffff  }
0x172: {  	v53 =	vadd.s32 $0x411B, v3;
	v16 =	vld.idx.msk [tilespmem:v48+s3+$0x0], $0xffff  }
0x173: {  	v59 =	vadd.s32 $0x53B5, v5;
	v17 =	vld.idx.msk [tilespmem:v49+s3+$0x0], $0xffff  }
0x174: {  	v60 =	vadd.s32 $0x53B5, v3;
	v18 =	vld.idx.msk [tilespmem:v50+s3+$0x0], $0xffff  }
0x175: {  	v61 =	vadd.s32 $0x5D02, v5;
	v19 =	vld.idx.msk [tilespmem:v51+s3+$0x0], $0xffff  }
0x176: {  	v62 =	vadd.s32 $0x5D02, v3;
	v20 =	vld.idx.msk [tilespmem:v52+s3+$0x0], $0xffff  }
0x177: {  	v63 =	vadd.s32 $0x664F, v5;
	v21 =	vld.idx.msk [tilespmem:v53+s3+$0x0], $0xffff  }
0x178: {  	v36 =	vadd.s32 $0x664F, v3;
	v24 =	vld.idx.msk [tilespmem:v59+s3+$0x0], $0xffff  }
0x179: {  	v37 =	vadd.s32 $0x6F9C, v5;
	v25 =	vld.idx.msk [tilespmem:v60+s3+$0x0], $0xffff  }
0x17a: {  	v54 =	vadd.s32 $0x4A68, v5;
	v55 =	vand.u32 $0x7, v5;
	v38 =	vadd.s32 $0x6F9C, v3;
	v26 =	vld.idx.msk [tilespmem:v61+s3+$0x0], $0xffff  }
0x17b: {  	v56 =	vadd.s32 $0x4A68, v3;
	v39 =	vadd.s32 $0x78E9, v5;
	v22 =	vand.u32 $0x1FFF8, v54;
	v27 =	vld.idx.msk [tilespmem:v62+s3+$0x0], $0xffff  }
0x17c: {  	v58 =	vand.u32 $0x7, v3;
	v57 =	vand.u32 $0x1FFF8, v56;
	v22 =	vor.u32 v55, v22;
	v28 =	vld.idx.msk [tilespmem:v63+s3+$0x0], $0xffff  }
0x17d: {  	v23 =	vor.u32 v58, v57;
	v29 =	vld.idx.msk [tilespmem:v36+s3+$0x0], $0xffff  }
0x17e: {  	v40 =	vadd.s32 $0x78E9, v3;
	v30 =	vld.idx.msk [tilespmem:v37+s3+$0x0], $0xffff  }
0x17f: {  	v41 =	vadd.s32 $0x8236, v5;
	v31 =	vld.idx.msk [tilespmem:v38+s3+$0x0], $0xffff  }
0x180: {  	v42 =	vadd.s32 $0x8236, v3;
	v32 =	vld.idx.msk [tilespmem:v39+s3+$0x0], $0xffff  }
0x181: {  	v5 =	vadd.s32 $0x8B83, v5;
	v22 =	vld.idx.msk [tilespmem:v22+s3+$0x0], $0xffff  }
0x182: {  	v3 =	vadd.s32 $0x8B83, v3;
	v23 =	vld.idx.msk [tilespmem:v23+s3+$0x0], $0xffff  }
0x183: {  	v33 =	vld.idx.msk [tilespmem:v40+s3+$0x0], $0xffff  }
0x184: {  	v34 =	vld.idx.msk [tilespmem:v41+s3+$0x0], $0xffff  }
0x185: {  	v35 =	vld.idx.msk [tilespmem:v42+s3+$0x0], $0xffff  }
0x186: {  	v36 =	vshll.u32 @!p2 v4, $0x10;
	v5 =	vld.idx.msk [tilespmem:v5+s3+$0x0], $0xffff  }
0x187: {  	v4 =	vand.u32 @!p2 $0xFFFF0000, v4;
	v43 =	vshll.u32 v9, $0x10;
	v44 =	vshll.u32 v11, $0x10;
	v3 =	vld.idx.msk [tilespmem:v3+s3+$0x0], $0xffff;
	[tilespmem:s24+$0xC730] =	vst @!p2 v36  }
0x188: {  	v9 =	vand.u32 $0xFFFF0000, v9;
	v11 =	vand.u32 $0xFFFF0000, v11;
	v36 =	vadd.f32 v44, v43;
	[tilespmem:s24+$0xC8A0] =	vst @!p2 v4  }
0x189: {  	v45 =	vadd.f32 v11, v9;
	v46 =	vshll.u32 v6, $0x10;
	v47 =	vshll.u32 v7, $0x10;
	[tilespmem:s24+$0xCA10] =	vst @!p2 v0  }
0x18a: {  	v6 =	vand.u32 $0xFFFF0000, v6;
	v7 =	vand.u32 $0xFFFF0000, v7;
	v9 =	vadd.f32 v47, v46;
	[tilespmem:s23+$0xCB80] =	vst v36  }
0x18b: {  	v48 =	vshll.u32 v8, $0x10;
	v49 =	vshll.u32 v10, $0x10;
	v6 =	vadd.f32 v7, v6;
	[tilespmem:s23+$0xCCF0] =	vst v45  }
0x18c: {  	v50 =	vand.u32 $0xFFFF0000, v8;
	v51 =	vand.u32 $0xFFFF0000, v10;
	v7 =	vadd.f32 v49, v48;
	[tilespmem:s23+$0xCE60] =	vst v9  }
0x18d: {  	v52 =	vshll.u32 v12, $0x10;
	v53 =	vshll.u32 v13, $0x10;
	v4 =	vadd.f32 v51, v50;
	[tilespmem:s23+$0xCFD0] =	vst v6  }
0x18e: {  	v54 =	vand.u32 $0xFFFF0000, v12;
	v55 =	vand.u32 $0xFFFF0000, v13;
	v8 =	vadd.f32 v53, v52;
	[tilespmem:s23+$0xD140] =	vst v7  }
0x18f: {  	v56 =	vshll.u32 v14, $0x10;
	v57 =	vshll.u32 v15, $0x10;
	v6 =	vadd.f32 v55, v54;
	[tilespmem:s23+$0xD2B0] =	vst v4  }
0x190: {  	v58 =	vand.u32 $0xFFFF0000, v14;
	v59 =	vand.u32 $0xFFFF0000, v15;
	v7 =	vadd.f32 v57, v56;
	[tilespmem:s23+$0xD420] =	vst v8  }
0x191: {  	v60 =	vshll.u32 v16, $0x10;
	v61 =	vshll.u32 v17, $0x10;
	v4 =	vadd.f32 v59, v58;
	[tilespmem:s23+$0xD590] =	vst v6  }
0x192: {  	v62 =	vand.u32 $0xFFFF0000, v16;
	v63 =	vand.u32 $0xFFFF0000, v17;
	v8 =	vadd.f32 v61, v60;
	[tilespmem:s23+$0xD700] =	vst v7  }
0x193: {  	v12 =	vshll.u32 v18, $0x10;
	v13 =	vshll.u32 v19, $0x10;
	v6 =	vadd.f32 v63, v62;
	[tilespmem:s23+$0xD870] =	vst v4  }
0x194: {  	v14 =	vand.u32 $0xFFFF0000, v18;
	v15 =	vand.u32 $0xFFFF0000, v19;
	v7 =	vadd.f32 v13, v12;
	[tilespmem:s23+$0xD9E0] =	vst v8  }
0x195: {  	v16 =	vshll.u32 v20, $0x10;
	v17 =	vshll.u32 v21, $0x10;
	v4 =	vadd.f32 v15, v14;
	[tilespmem:s23+$0xDB50] =	vst v6  }
0x196: {  	v8 =	vadd.f32 v17, v16;
	v61 =	vshll.u32 v5, $0x10;
	v62 =	vshll.u32 v3, $0x10;
	[tilespmem:s23+$0xDCC0] =	vst v7  }
0x197: {  	v5 =	vand.u32 $0xFFFF0000, v5;
	v3 =	vand.u32 $0xFFFF0000, v3;
	v63 =	vadd.f32 v62, v61;
	[tilespmem:s23+$0xDE30] =	vst v4  }
0x198: {  	v18 =	vand.u32 $0xFFFF0000, v20;
	v19 =	vand.u32 $0xFFFF0000, v21;
	v3 =	vadd.f32 v3, v5;
	[tilespmem:s23+$0xDFA0] =	vst v8  }
0x199: {  	v20 =	vshll.u32 v22, $0x10;
	v21 =	vshll.u32 v23, $0x10;
	v6 =	vadd.f32 v19, v18;
	[tilespmem:s23+$0xF6A0] =	vst v63  }
0x19a: {  	v22 =	vand.u32 $0xFFFF0000, v22;
	v36 =	vand.u32 $0xFFFF0000, v23;
	v7 =	vadd.f32 v21, v20;
	[tilespmem:s23+$0xF810] =	vst v3  }
0x19b: {  	v37 =	vshll.u32 v24, $0x10;
	v38 =	vshll.u32 v25, $0x10;
	v4 =	vadd.f32 v36, v22;
	[tilespmem:s23+$0xE110] =	vst v6  }
0x19c: {  	v39 =	vand.u32 $0xFFFF0000, v24;
	v40 =	vand.u32 $0xFFFF0000, v25;
	v8 =	vadd.f32 v38, v37;
	[tilespmem:s23+$0xE280] =	vst v7  }
0x19d: {  	v41 =	vshll.u32 v26, $0x10;
	v42 =	vshll.u32 v27, $0x10;
	v6 =	vadd.f32 v40, v39;
	[tilespmem:s23+$0xE3F0] =	vst v4  }
0x19e: {  	v43 =	vand.u32 $0xFFFF0000, v26;
	v44 =	vand.u32 $0xFFFF0000, v27;
	v7 =	vadd.f32 v42, v41;
	[tilespmem:s23+$0xE560] =	vst v8  }
0x19f: {  	v46 =	vshll.u32 v29, $0x10;
	v45 =	vshll.u32 v28, $0x10;
	v4 =	vadd.f32 v44, v43;
	[tilespmem:s23+$0xE6D0] =	vst v6  }
0x1a0: {  	v47 =	vand.u32 $0xFFFF0000, v28;
	v48 =	vand.u32 $0xFFFF0000, v29;
	v8 =	vadd.f32 v46, v45;
	[tilespmem:s23+$0xE840] =	vst v7  }
0x1a1: {  	v49 =	vshll.u32 v30, $0x10;
	v50 =	vshll.u32 v31, $0x10;
	v6 =	vadd.f32 v48, v47;
	[tilespmem:s23+$0xE9B0] =	vst v4  }
0x1a2: {  	v51 =	vand.u32 $0xFFFF0000, v30;
	v52 =	vand.u32 $0xFFFF0000, v31;
	v7 =	vadd.f32 v50, v49;
	[tilespmem:s23+$0xEB20] =	vst v8  }
0x1a3: {  	s22 =	sadd.s32 $0x80, s22;
	v53 =	vshll.u32 v32, $0x10;
	v54 =	vshll.u32 v33, $0x10;
	v4 =	vadd.f32 v52, v51;
	[tilespmem:s23+$0xEC90] =	vst v6  }
0x1a4: {  	p3 =	sne.s32 s22, $0x580;
	v55 =	vand.u32 $0xFFFF0000, v32;
	v56 =	vand.u32 $0xFFFF0000, v33;
	v8 =	vadd.f32 v54, v53;
	[tilespmem:s23+$0xEE00] =	vst v7  }
.Ltmp1:
0x1a5: {  	v57 =	vshll.u32 v34, $0x10;
	v58 =	vshll.u32 v35, $0x10;
	v6 =	vadd.f32 v56, v55;
	[tilespmem:s23+$0xEF70] =	vst v4;
	(pc) =	sbr.rel @p3 .LBB2_5-.Ltmp1, $4  }
0x1a6: {  	v59 =	vand.u32 $0xFFFF0000, v34;
	v60 =	vand.u32 $0xFFFF0000, v35;
	v7 =	vadd.f32 v58, v57;
	[tilespmem:s23+$0xF0E0] =	vst v8  }
0x1a7: {  	v4 =	vadd.f32 v60, v59;
	[tilespmem:s23+$0xF250] =	vst v6  }
0x1a8: {  	[tilespmem:s23+$0xF3C0] =	vst v7  }
0x1a9: {  	[tilespmem:s23+$0xF530] =	vst v4  }
0x1aa: {  	v1 =	vld [tilespmem:s21+$0xFAC9]  }
0x1ab: {  	v2 =	vld [tilespmem:s21+$0x156C9];
	_ =	sdelay $0x4  }
0x1ac: {  	vm0 =	veq.s32 v2, $0x0;
	v3 =	vand.u32 $0xFFFF, v1  }
0x1ad: {  	v1 =	vshrl.u32 v1, $0x10;
	v3 =	vnsel vm0, $0x94C, v3  }
0x1ae: {  	v1 =	vnsel vm0, $0x94C, v1  }
0x1af: {  	v4 =	vadd.s32 $0x94D, v3  }
0x1b0: {  	v5 =	vadd.s32 $0x94D, v1  }
0x1b1: {  	v6 =	vadd.s32 $0x129A, v3  }
0x1b2: {  	v8 =	vadd.s32 $0x129A, v1;
	v7 =	vld.idx.msk [tilespmem:v3+s3+$0x0], $0xffff  }
0x1b3: {  	v10 =	vadd.s32 $0x1BE7, v3;
	v9 =	vld.idx.msk [tilespmem:v1+s3+$0x0], $0xffff  }
0x1b4: {  	v11 =	vadd.s32 $0x1BE7, v1;
	v4 =	vld.idx.msk [tilespmem:v4+s3+$0x0], $0xffff  }
0x1b5: {  	v12 =	vadd.s32 $0x2534, v3;
	v5 =	vld.idx.msk [tilespmem:v5+s3+$0x0], $0xffff  }
0x1b6: {  	v13 =	vadd.s32 $0x2534, v1;
	v6 =	vld.idx.msk [tilespmem:v6+s3+$0x0], $0xffff  }
0x1b7: {  	v14 =	vadd.s32 $0x2E81, v3;
	v8 =	vld.idx.msk [tilespmem:v8+s3+$0x0], $0xffff  }
0x1b8: {  	v15 =	vadd.s32 $0x2E81, v1;
	v10 =	vld.idx.msk [tilespmem:v10+s3+$0x0], $0xffff  }
0x1b9: {  	v16 =	vadd.s32 $0x37CE, v3;
	v11 =	vld.idx.msk [tilespmem:v11+s3+$0x0], $0xffff  }
0x1ba: {  	v17 =	vadd.s32 $0x37CE, v1;
	v12 =	vld.idx.msk [tilespmem:v12+s3+$0x0], $0xffff  }
0x1bb: {  	v18 =	vadd.s32 $0x411B, v3;
	v13 =	vld.idx.msk [tilespmem:v13+s3+$0x0], $0xffff  }
0x1bc: {  	v19 =	vadd.s32 $0x411B, v1;
	v14 =	vld.idx.msk [tilespmem:v14+s3+$0x0], $0xffff  }
0x1bd: {  	v41 =	vadd.s32 $0x53B5, v3;
	v15 =	vld.idx.msk [tilespmem:v15+s3+$0x0], $0xffff  }
0x1be: {  	v23 =	vadd.s32 $0x53B5, v1;
	v16 =	vld.idx.msk [tilespmem:v16+s3+$0x0], $0xffff  }
0x1bf: {  	v24 =	vadd.s32 $0x5D02, v3;
	v17 =	vld.idx.msk [tilespmem:v17+s3+$0x0], $0xffff  }
0x1c0: {  	v25 =	vadd.s32 $0x5D02, v1;
	v18 =	vld.idx.msk [tilespmem:v18+s3+$0x0], $0xffff  }
0x1c1: {  	v22 =	vadd.s32 $0x4A68, v1;
	v26 =	vadd.s32 $0x664F, v3;
	v19 =	vld.idx.msk [tilespmem:v19+s3+$0x0], $0xffff  }
0x1c2: {  	v27 =	vadd.s32 $0x664F, v1;
	v39 =	vand.u32 $0x1FFF8, v22;
	v22 =	vld.idx.msk [tilespmem:v41+s3+$0x0], $0xffff  }
0x1c3: {  	v28 =	vadd.s32 $0x6F9C, v3;
	v23 =	vld.idx.msk [tilespmem:v23+s3+$0x0], $0xffff  }
0x1c4: {  	v29 =	vadd.s32 $0x6F9C, v1;
	v24 =	vld.idx.msk [tilespmem:v24+s3+$0x0], $0xffff  }
0x1c5: {  	v30 =	vadd.s32 $0x78E9, v3;
	v25 =	vld.idx.msk [tilespmem:v25+s3+$0x0], $0xffff  }
0x1c6: {  	v31 =	vadd.s32 $0x78E9, v1;
	v26 =	vld.idx.msk [tilespmem:v26+s3+$0x0], $0xffff  }
0x1c7: {  	v20 =	vadd.s32 $0x4A68, v3;
	v32 =	vadd.s32 $0x8236, v3;
	v27 =	vld.idx.msk [tilespmem:v27+s3+$0x0], $0xffff  }
0x1c8: {  	v21 =	vand.u32 $0x7, v3;
	v33 =	vadd.s32 $0x8236, v1;
	v20 =	vand.u32 $0x1FFF8, v20;
	v28 =	vld.idx.msk [tilespmem:v28+s3+$0x0], $0xffff  }
0x1c9: {  	v40 =	vand.u32 $0x7, v1;
	v20 =	vor.u32 v21, v20;
	v29 =	vld.idx.msk [tilespmem:v29+s3+$0x0], $0xffff  }
0x1ca: {  	v21 =	vor.u32 v40, v39;
	v30 =	vld.idx.msk [tilespmem:v30+s3+$0x0], $0xffff  }
0x1cb: {  	v3 =	vadd.s32 $0x8B83, v3;
	v31 =	vld.idx.msk [tilespmem:v31+s3+$0x0], $0xffff  }
0x1cc: {  	v1 =	vadd.s32 $0x8B83, v1;
	v32 =	vld.idx.msk [tilespmem:v32+s3+$0x0], $0xffff  }
0x1cd: {  	v33 =	vld.idx.msk [tilespmem:v33+s3+$0x0], $0xffff  }
0x1ce: {  	v20 =	vld.idx.msk [tilespmem:v20+s3+$0x0], $0xffff  }
0x1cf: {  	v21 =	vld.idx.msk [tilespmem:v21+s3+$0x0], $0xffff  }
0x1d0: {  	v34 =	vshll.u32 @!p2 v2, $0x10;
	v3 =	vld.idx.msk [tilespmem:v3+s3+$0x0], $0xffff  }
0x1d1: {  	v2 =	vand.u32 @!p2 $0xFFFF0000, v2;
	v1 =	vld.idx.msk [tilespmem:v1+s3+$0x0], $0xffff;
	v35 =	vshll.u32 v7, $0x10;
	[tilespmem:$0xC879] =	vst @!p2 v34;
	v42 =	vshll.u32 v9, $0x10  }
0x1d2: {  	v7 =	vand.u32 $0xFFFF0000, v7;
	v9 =	vand.u32 $0xFFFF0000, v9;
	[tilespmem:$0xC9E9] =	vst @!p2 v2;
	v34 =	vadd.f32 v42, v35  }
0x1d3: {  	[tilespmem:$0xCB59] =	vst @!p2 v0;
	v43 =	vadd.f32 v9, v7;
	v44 =	vshll.u32 v4, $0x10;
	v45 =	vshll.u32 v5, $0x10  }
0x1d4: {  	v46 =	vand.u32 $0xFFFF0000, v4;
	v47 =	vand.u32 $0xFFFF0000, v5;
	v48 =	vadd.f32 v45, v44;
	[tilespmem:$0xCCC9] =	vst v34  }
0x1d5: {  	v49 =	vshll.u32 v6, $0x10;
	v50 =	vshll.u32 v8, $0x10;
	v0 =	vadd.f32 v47, v46;
	[tilespmem:$0xCE39] =	vst v43  }
0x1d6: {  	v51 =	vand.u32 $0xFFFF0000, v6;
	v52 =	vand.u32 $0xFFFF0000, v8;
	v4 =	vadd.f32 v50, v49;
	[tilespmem:$0xCFA9] =	vst v48  }
0x1d7: {  	v53 =	vshll.u32 v10, $0x10;
	v54 =	vshll.u32 v11, $0x10;
	v2 =	vadd.f32 v52, v51;
	[tilespmem:$0xD119] =	vst v0  }
0x1d8: {  	v55 =	vand.u32 $0xFFFF0000, v10;
	v56 =	vand.u32 $0xFFFF0000, v11;
	v5 =	vadd.f32 v54, v53;
	[tilespmem:$0xD289] =	vst v4  }
0x1d9: {  	v57 =	vshll.u32 v12, $0x10;
	v58 =	vshll.u32 v13, $0x10;
	v0 =	vadd.f32 v56, v55;
	[tilespmem:$0xD3F9] =	vst v2  }
0x1da: {  	v59 =	vand.u32 $0xFFFF0000, v12;
	v60 =	vand.u32 $0xFFFF0000, v13;
	v4 =	vadd.f32 v58, v57;
	[tilespmem:$0xD569] =	vst v5  }
0x1db: {  	v61 =	vshll.u32 v14, $0x10;
	v62 =	vshll.u32 v15, $0x10;
	v2 =	vadd.f32 v60, v59;
	[tilespmem:$0xD6D9] =	vst v0  }
0x1dc: {  	v63 =	vand.u32 $0xFFFF0000, v14;
	v9 =	vand.u32 $0xFFFF0000, v15;
	v5 =	vadd.f32 v62, v61;
	[tilespmem:$0xD849] =	vst v4  }
0x1dd: {  	v10 =	vshll.u32 v16, $0x10;
	v11 =	vshll.u32 v17, $0x10;
	v0 =	vadd.f32 v9, v63;
	[tilespmem:$0xD9B9] =	vst v2  }
0x1de: {  	v12 =	vand.u32 $0xFFFF0000, v16;
	v13 =	vand.u32 $0xFFFF0000, v17;
	v4 =	vadd.f32 v11, v10;
	[tilespmem:$0xDB29] =	vst v5  }
0x1df: {  	v14 =	vshll.u32 v18, $0x10;
	v15 =	vshll.u32 v19, $0x10;
	v2 =	vadd.f32 v13, v12;
	[tilespmem:$0xDC99] =	vst v0  }
0x1e0: {  	v60 =	vshll.u32 v3, $0x10;
	v61 =	vshll.u32 v1, $0x10;
	v5 =	vadd.f32 v15, v14;
	[tilespmem:$0xDE09] =	vst v4  }
0x1e1: {  	v16 =	vand.u32 $0xFFFF0000, v18;
	v17 =	vand.u32 $0xFFFF0000, v19;
	v63 =	vadd.f32 v61, v60;
	[tilespmem:$0xDF79] =	vst v2  }
0x1e2: {  	v18 =	vshll.u32 v20, $0x10;
	v19 =	vshll.u32 v21, $0x10;
	v0 =	vadd.f32 v17, v16;
	[tilespmem:$0xE0E9] =	vst v5  }
0x1e3: {  	v34 =	vand.u32 $0xFFFF0000, v20;
	v35 =	vand.u32 $0xFFFF0000, v21;
	v4 =	vadd.f32 v19, v18;
	[tilespmem:$0xF7E9] =	vst v63  }
0x1e4: {  	v36 =	vshll.u32 v22, $0x10;
	v37 =	vshll.u32 v23, $0x10;
	v2 =	vadd.f32 v35, v34;
	[tilespmem:$0xE259] =	vst v0  }
0x1e5: {  	v38 =	vand.u32 $0xFFFF0000, v22;
	v39 =	vand.u32 $0xFFFF0000, v23;
	v5 =	vadd.f32 v37, v36;
	[tilespmem:$0xE3C9] =	vst v4  }
0x1e6: {  	v40 =	vshll.u32 v24, $0x10;
	v41 =	vshll.u32 v25, $0x10;
	v0 =	vadd.f32 v39, v38;
	[tilespmem:$0xE539] =	vst v2  }
0x1e7: {  	v42 =	vand.u32 $0xFFFF0000, v24;
	v43 =	vand.u32 $0xFFFF0000, v25;
	v4 =	vadd.f32 v41, v40;
	[tilespmem:$0xE6A9] =	vst v5  }
0x1e8: {  	v44 =	vshll.u32 v26, $0x10;
	v45 =	vshll.u32 v27, $0x10;
	v2 =	vadd.f32 v43, v42;
	[tilespmem:$0xE819] =	vst v0  }
0x1e9: {  	v46 =	vand.u32 $0xFFFF0000, v26;
	v47 =	vand.u32 $0xFFFF0000, v27;
	v5 =	vadd.f32 v45, v44;
	[tilespmem:$0xE989] =	vst v4  }
0x1ea: {  	v49 =	vshll.u32 v29, $0x10;
	v48 =	vshll.u32 v28, $0x10;
	v0 =	vadd.f32 v47, v46;
	[tilespmem:$0xEAF9] =	vst v2  }
0x1eb: {  	v50 =	vand.u32 $0xFFFF0000, v28;
	v51 =	vand.u32 $0xFFFF0000, v29;
	v4 =	vadd.f32 v49, v48;
	[tilespmem:$0xEC69] =	vst v5  }
0x1ec: {  	v52 =	vshll.u32 v30, $0x10;
	v53 =	vshll.u32 v31, $0x10;
	v2 =	vadd.f32 v51, v50;
	[tilespmem:$0xEDD9] =	vst v0  }
0x1ed: {  	v54 =	vand.u32 $0xFFFF0000, v30;
	v55 =	vand.u32 $0xFFFF0000, v31;
	v5 =	vadd.f32 v53, v52;
	[tilespmem:$0xEF49] =	vst v4  }
0x1ee: {  	v56 =	vshll.u32 v32, $0x10;
	v57 =	vshll.u32 v33, $0x10;
	v0 =	vadd.f32 v55, v54;
	[tilespmem:$0xF0B9] =	vst v2  }
0x1ef: {  	v58 =	vand.u32 $0xFFFF0000, v32;
	v59 =	vand.u32 $0xFFFF0000, v33;
	v4 =	vadd.f32 v57, v56;
	[tilespmem:$0xF229] =	vst v5  }
0x1f0: {  	s21 =	smul.u32 @!p2 $0xC0A, s20;
	s22 =	simm.s32 @!p2 $0x0;
	s23 =	simm.s32 @!p2 $0xC720;
	v62 =	vand.u32 $0xFFFF0000, v3;
	v1 =	vand.u32 $0xFFFF0000, v1;
	v2 =	vadd.f32 v59, v58;
	[tilespmem:$0xF399] =	vst v0  }
0x1f1: {  	s20 =	smul.u32 @p0 $0x6050, s20;
	s19 =	sadd.s32 $0x1, s19;
	s15 =	sadd.s32 $0x2E0, s15;
	[tilespmem:$0xF509] =	vst v4;
	v0 =	vadd.f32 v1, v62  }
0x1f2: {  	s16 =	sadd.s32 $0x2E0, s16;
	s17 =	sadd.s32 $0x2E0, s17;
	p3 =	sne.s32 s19, $0x20;
	[tilespmem:$0xF679] =	vst v2  }
.Ltmp2:
0x1f3: {  	s18 =	sadd.s32 $0x2E0, s18;
	s20 =	sshrl.u32 @p0 s20, $0x3;
	[tilespmem:$0xF959] =	vst v0;
	(pc) =	sbr.rel @p3 .LBB2_2-.Ltmp2, $4  }
0x1f4: {  	s21 =	sadd.s32 @!p2 s2, s21;
	s20 =	sadd.s32 @p0 s2, s20;
	[bflag:$0x0] =	sbarrier.arrive $0xFFFF  }
0x1f5: {  	[hbm4b:s21+s22] =	stream.linear.scatter @!p2 [tilespmem:s23], [sflag:$0x2], $0x3250, $0x38;
	[tilespmem:$0x1B1B0] =	vst v63  }
0x1f6: {  	s20 =	sadd.s32 @p0 $0x64A, s20;
	s21 =	simm.s32 @p0 $0x0;
	s22 =	simm.s32 @p0 $0xCB70  }
0x1f7: {  	[hbm4b:s20+s21] =	stream.linear.scatter @p0 [tilespmem:s22], [sflag:$0x2], $0x2E00, $0x38;
	[tilespmem:$0x1B1B0] =	vst v63  }
0x1f8: {  	s15 =	simm.s32 @p2 $0x1  }
0x1f9: {  	_ =	swait.ge @p2 [sflag:s15], $0x2E00  }
0x1fa: {  	[sflag:s15] =	ssyncset.done @p2 $0x0  }
0x1fb: {  	[sflag:s15] =	ssyncadd.s32 @p2 $0xFFFFD200;
	s15 =	simm.s32 @p2 $0x2  }
0x1fc: {  	_ =	swait.ge @p2 [sflag:s15], $0x2E00  }
0x1fd: {  	[sflag:s15] =	ssyncset.done @p2 $0x0  }
0x1fe: {  	s14 =	sadd.s32 $0x1, s14;
	[sflag:s15] =	ssyncadd.s32 @p2 $0xFFFFD200;
	s15 =	simm.s32 @!p2 $0x1  }
0x1ff: {  	p3 =	sne.s32 s14, s9;
	_ =	swait.ge @!p2 [sflag:s15], $0x3250  }
.Ltmp3:
0x200: {  	[sflag:s15] =	ssyncset.done @!p2 $0x0;
	(pc) =	sbr.rel @p3 .LBB2_1-.Ltmp3, $4  }
0x201: {  	[sflag:s15] =	ssyncadd.s32 @!p2 $0xFFFFCDB0;
	s15 =	simm.s32 @!p2 $0x2  }
0x202: {  	_ =	swait.ge @!p2 [sflag:s15], $0x3250  }
0x203: {  	[sflag:s15] =	ssyncset.done @!p2 $0x0  }
0x204: {  	[sflag:s15] =	ssyncadd.s32 @!p2 $0xFFFFCDB0  }
0x205: {  	_ =	sfence.sel $0x180000  }
0x206: {  	[bflag:$0x0] =	sbarrier.arrive $0xFFFF  }
0x207: {  	p0 =	sne.s32 s1, $0x0;
	_ =	strace $0x90000047  }
0x208: {  	s0 =	sadd.s32 @!p0 $0x100000, s0;
	[bflag:$0x2] =	sbarrier.arrive $0xFFFF  }
0x209: {  	[sflag:s0] =	ssyncadd.tile.s32 @!p0 $0x1;
	_ =	shalt  }
.Lfunc_end2:
_tile_overlayer_lowered:
.L_overlay_start_2:
0x20a: {  	(tag) =	ssettag $0x2  }
0x20b: {  	s0 =	rddreg [dreg:$0x0];
	s2 =	stileid.u32  }
0x20c: {  	s1 =	rddreg [dreg:$0x1];
	p0 =	sne.s32 s2, $0x0  }
0x20d: {  	s3 =	rddreg [dreg:$0x2];
	[bflag:$0x3] =	sbarrier.arrive $0xFFFF;
	s2 =	simm.s32 @!p0 $0x1C03  }
0x20e: {  	[timem:s3], [sflag:s2] =	dma.local @!p0 [hbm:s0], s1  }
0x20f: {  	s0 =	simm.s32 @!p0 $0x3  }
0x210: {  	_ =	swait.ge @!p0 [sflag:s0], s1  }
0x211: {  	s1 =	ssub.s32 @!p0 $0x0, s1;
	[sflag:s0] =	ssyncset.done @!p0 $0x0  }
0x212: {  	[sflag:s0] =	ssyncadd.s32 @!p0 s1  }
0x213: {  	[bflag:$0x3] =	sbarrier.arrive $0xFFFF  }
0x214: {  	_ =	shalt  }

// kernel: sparse-core-data-format-call.cloned.1.call-start
scs
called_computation_lowered:
.L_overlay_start_0:
0x0: {  	s2 =	sld [smem:$0x3FD9]  }
0x1: {  	s3 =	sld [smem:$0x3FFE];
	_ =	sdelay $0x1  }
0x2: {  	s1 =	srdreg.scid  }
0x3: {  	s0 =	sand.u32 $0x1, s1  }
0x4: {  	s18 =	sshll.u32 s0, $0xA;
	s2 =	sadd.s32 s3, s2  }
0x5: {  	s2 =	sadd.s32 s2, s18  }
0x6: {  	[smem:$0x3FC4] =	sst s2  }
0x7: {  	_ = 	snop  }
0x8: {  	s2 =	sld [smem:$0x3FD0];
	(tm) =	ssettm $0x1  }
0x9: {  	s19 =	sld [smem:$0x3FFB];
	_ =	sdelay $0x3  }
0xa: {  	_ =	strace s19  }
0xb: {  	s3 =	sld [smem:$0x3FFC];
	_ =	sdelay $0x3  }
0xc: {  	_ =	strace s3  }
0xd: {  	s3 =	sld [smem:$0x3FFD];
	_ =	sdelay $0x3  }
0xe: {  	_ =	strace s3  }
0xf: {  	_ =	strace $0x8FFFFFFF  }
0x10: {  	s20 =	sld [smem:$0x3FDB];
	_ =	sdelay $0x1  }
0x11: {  	s4 =	simm.s32 $_scs_section_size  }
0x12: {  	s5 =	simm.s32 $_size__tile_overlayer_lowered;
	s6 =	simm.s32 $_tile_overlayer_lowered  }
0x13: {  	s23 =	simm.s32 $0x1BFF;
	s22 =	sshll.u32 s6, $0x1;
	s3 =	sadd.s32 s4, s20  }
0x14: {  	s7 =	simm.s32 $0x0;
	s21 =	sshll.u32 s5, $0x1;
	s5 =	sadd.s32 s22, s3  }
0x15: {  	[timem:s7], [sflag:s23] =	dma.local [hbm:s5], s21  }
0x16: {  	_ =	swait.ge [sflag:s23], s21  }
0x17: {  	s4 =	ssub.s32 $0x0, s21;
	[sflag:s23] =	ssyncset.done $0x0  }
0x18: {  	[sflag:s23] =	ssyncadd.s32 s4;
	_ =	sdelay $0x1  }
0x19: {  	s24 =	simm.s32 $0x1B8B  }
0x1a: {  	_ =	swait.ge [sflag:s24], $0x1  }
0x1b: {  	[sflag:s24] =	ssyncset.done $0x0  }
0x1c: {  	s26 =	simm.s32 $0x1B8E;
	s25 =	sld [smem:$0x3FFE];
	[sflag:s24] =	ssyncadd.s32 $0xFFFFFFFF  }
0x1d: {  	s27 =	simm.s32 $execute0_lowered;
	[smem:$0x3FD2] =	sst s26  }
0x1e: {  	s5 =	sshll.u32 s27, $0x1;
	_ =	strace $0x80000049;
	[dreg:$0x1] =	wrdreg $0xFFFFFFFF  }
0x1f: {  	s28 =	simm.s32 $_size_execute0_lowered;
	s3 =	sadd.s32 s3, s5;
	[dreg:$0x0] =	wrdreg $0x0  }
0x20: {  	s5 =	sshll.u32 s28, $0x1;
	[dreg:$0x2] =	wrdreg s3  }
0x21: {  	[dreg:$0x3] =	wrdreg s5  }
0x22: {  	[dreg:$0x4] =	wrdreg $0xC0  }
0x23: {  	_ =	task [dreg:s7], $0x5FFFF  }
0x24: {  	[dreg:$0x1] =	wrdreg $0xFFFFFFFF  }
0x25: {  	[dreg:$0x0] =	wrdreg $0x60  }
0x26: {  	[dreg:$0x2] =	wrdreg s25  }
0x27: {  	[dreg:$0x3] =	wrdreg s2  }
0x28: {  	[dreg:$0x4] =	wrdreg $0x9  }
0x29: {  	_ =	task.clear_ibuf [dreg:s7], $0x5FFFF;
	_ =	strace $0x90000049  }
0x2a: {  	s29 =	simm.s32 $0x9;
	_ =	strace $0x8000004B  }
0x2b: {  	_ =	swait.ge [sflag:s29], $0x1  }
0x2c: {  	[sflag:s29] =	ssyncadd.s32 $0xFFFFFFFF  }
0x2d: {  	_ =	strace $0x9000004B  }
0x2e: {  	_ =	sfence  }
0x2f: {  	s30 =	sld [smem:$0x0];
	_ =	sdelay $0x2  }
0x30: {  	s31 =	sshll.u32 s1, $0xD;
	s1 =	sshrl.u32 s1, $0x2  }
0x31: {  	s3 =	sand.u32 $0x4000, s31;
	s1 =	sadd.s32 s1, s30  }
0x32: {  	s0 =	sor.u32 s3, s0;
	s1 =	sshll.u32 s1, $0x11  }
0x33: {  	s0 =	sor.u32 s1, s0  }
0x34: {  	s0 =	sadd.s32 $0x8F2B, s0  }
0x35: {  	[sflag:s0] =	ssyncadd.remote.s32 $0x1  }
0x36: {  	_ =	sfence.sel $0xFFFF  }
0x37: {  	[dreg:$0x0] =	wrdreg $0xFFFFFFFF;
	(pc) =	sbr.abs _section_cstart, $3  }
0x38: {  	[dreg:$0x1] =	wrdreg $0xFFFFFFFF  }
0x39: {  	_ =	task.clear_ibuf [dreg:s7], $0x2FFFF;
	_ =	strace $0x9FFFFFFF  }
0x3a: {  	(tm) =	ssettm $0x7FFFFFFF  }
0x3b: {  	_ =	shalt  }
tec
execute0_lowered:
.L_overlay_start_1:
0x0: {  	(tag) =	ssettag $0x1  }
0x1: {  	s0 =	stileid.u32  }
0x2: {  	s7 =	rddreg [dreg:$0x0];
	s1 =	srdreg.scid  }
0x3: {  	s3 =	rddreg [dreg:$0x1];
	s9 =	simm.s32 $0x2;
	s17 =	simm.s32 $0x0  }
0x4: {  	s10 =	simm.s32 $0x2000;
	s19 =	simm.s32 $0x0;
	s18 =	simm.s32 $0x0  }
0x5: {  	s11 =	simm.s32 $0x0;
	s12 =	simm.s32 $0x0;
	s13 =	simm.s32 $0x0  }
0x6: {  	s14 =	simm.s32 $0x0;
	s16 =	simm.s32 $0x0;
	s2 =	sshll.u32 s0, $0x7  }
0x7: {  	s4 =	sshll.u32 s0, $0x4;
	s1 =	sshll.u32 s1, $0x8;
	s2 =	sand.u32 $0x380, s2  }
0x8: {  	s4 =	sor.u32 s4, s1;
	s1 =	rddreg [dreg:$0x2];
	s5 =	ssub.s32 $0x400, s2  }
0x9: {  	_ =	strace $0x8000004A;
	s4 =	sand.u32 $0x180, s4;
	s6 =	sand.u32 $0x380, s5  }
0xa: {  	s8 =	ssub.s32 $0x169, s4;
	p0 =	sne.s32 s6, $0x0;
	s6 =	simm.s32 $0x1  }
0xb: {  	s5 =	sshrl.u32 s5, $0xA;
	s6 =	simm.s32 @!p0 $0x0;
	p0 =	sgt.s32 s8, $0x0  }
.Ltmp0:
0xc: {  	s6 =	sadd.s32 s6, s5;
	s8 =	simm.s32 @!p0 $0x0;
	(pc) =	sbr.rel .LBB1_1-.Ltmp0, $4  }
0xd: {  	s5 =	simm.s32 $0x1;
	s8 =	sand.u32 $0x1E9, s8;
	s6 =	smul.u32 $0x43, s6  }
0xe: {  	s7 =	sadd.s32 $0xA00, s7;
	[sflag:s5] =	ssyncpa.u1 $0x0;
	p0 =	seq.s32 s8, $0x0  }
0xf: {  	s15 =	smov.u32 s2;
	[sflag:s9] =	ssyncpa.u1 $0x0;
	s6 =	simm.s32 @p0 $0x0  }
0x10: {  	s8 =	sshll.u32 s4, $0x3;
	p0 =	por $0x0, $0x0;
	s9 =	sadd.s32 $0x1, s6  }
.LBB1_4:
0x11: {  	s24 =	sshra.s32 s24, $0x2;
	s28 =	sshrl.u32 s13, $0x7;
	p1 =	sgt.s32 s12, $0x42  }
0x12: {  	s25 =	smov.u32 s12;
	s26 =	sshra.s32 s12, $0x1F;
	s27 =	sshra.s32 s13, $0x1F  }
0x13: {  	s23 =	sadd.s32 s24, s23;
	s24 =	sadd.s32 s28, s11;
	s25 =	simm.s32 @!p1 $0x42  }
0x14: {  	v5 =	vld [tilespmem:s21+$0xFFFFFFD0];
	s26 =	sand.u32 s26, s12;
	p1 =	sgt.s32 s13, $0x380;
	s28 =	smov.u32 s11  }
0x15: {  	[tilespmem:s22+$0x2040 ss:$0x81] =	vst.msk $0xffff, v4;
	v58 =	vld [tilespmem:s21+$0xFFFFFFE0];
	s27 =	sand.u32 s27, s13;
	s25 =	ssub.s32 s25, s26;
	s26 =	smov.u32 s13  }
0x16: {  	[tilespmem:s22+$0x2850 ss:$0x81] =	vst.msk $0xffff, v3;
	s24 =	sand.u32 $0x3FFFFF, s24;
	s26 =	simm.s32 @!p1 $0x380;
	p1 =	sgt.s32 s11, $0xF0  }
0x17: {  	v59 =	vld [tilespmem:s21+$0xFFFFFFF0];
	[tilespmem:s22+$0x3060 ss:$0x81] =	vst.msk $0xffff, v2;
	s29 =	smulhi.u32 $0xB21643, s24;
	s26 =	ssub.s32 s26, s27;
	s28 =	simm.s32 @!p1 $0xF0  }
0x18: {  	v60 =	vld [tilespmem:s21+$0x0];
	[tilespmem:s22+$0x0 ss:$0x81] =	vst.msk $0xffff, v0;
	p1 =	sgt.u32 s11, $0x16F;
	s22 =	ssub.s32 $0x170, s28;
	s30 =	sadd.s32 $0xFFFFFC80, s26  }
0x19: {  	v61 =	vld [tilespmem:s21+$0x10];
	[tilespmem:s23+$0x3870 ss:$0x81] =	vst.msk $0xffff, v1;
	s26 =	ssub.s32 $0x400, s26;
	s22 =	simm.s32 @p1 $0x0;
	p1 =	sgt.s32 s30, $0x7F  }
0x1a: {  	v62 =	vld [tilespmem:s21+$0x20];
	[tilespmem:s23+$0x810 ss:$0x81] =	vst.msk $0xffff, v5;
	s27 =	smul.u32 $0x170, s29;
	s26 =	simm.s32 @p1 $0x0  }
0x1b: {  	v63 =	vld [tilespmem:s21+$0xFFFFFFC0];
	s31 =	sadd.s32 $0xFFFFFFBE, s25;
	s21 =	ssub.s32 $0x43, s25;
	[tilespmem:s23+$0x1020 ss:$0x81] =	vst.msk $0xffff, v58;
	s22 =	smul.u32 s22, s26  }
0x1c: {  	[tilespmem:s23+$0x1830 ss:$0x81] =	vst.msk $0xffff, v59;
	s28 =	sshrl.u32 s13, $0x3;
	p1 =	sgt.s32 s31, $0x0;
	s26 =	smul.u32 $0xB800, s12  }
0x1d: {  	[tilespmem:s23+$0x2040 ss:$0x81] =	vst.msk $0xffff, v60;
	s29 =	sand.u32 $0x7, s13;
	s24 =	ssub.s32 s24, s27;
	s21 =	simm.s32 @p1 $0x0  }
0x1e: {  	[tilespmem:s23+$0x2850 ss:$0x81] =	vst.msk $0xffff, v61;
	s21 =	smul.u32 s21, s22;
	s22 =	sand.u32 $0xF, s28;
	s25 =	sadd.s32 s3, s26  }
0x1f: {  	[tilespmem:s23+$0x3060 ss:$0x81] =	vst.msk $0xffff, v62;
	s30 =	sshll.u32 s29, $0x12;
	s24 =	sshll.u32 s24, $0x7;
	s22 =	sadd.s32 s22, s25  }
0x20: {  	[tilespmem:s23+$0x0 ss:$0x81] =	vst.msk $0xffff, v63;
	s31 =	sor.u32 $0x400, s30;
	s21 =	sand.u32 $0x3FFFFFFF, s21;
	s22 =	sadd.s32 s24, s22  }
0x21: {  	[hbm4b:s22+s31] =	stream.strided.scatter [tilespmem:s20], [sflag:$0x2], s21, s10, s31, $0x20;
	[tilespmem:$0x10100] =	vst v63  }
.LBB1_5:
0x22: {  	p1 =	slt.u32 s16, $0x2;
	s22 =	smov.u32 s15  }
0x23: {  	p2 =	sgt.s32 @!p1 s19, $0x42;
	s20 =	sshra.s32 @!p1 s19, $0x1F;
	p3 =	sgt.s32 @!p1 s18, $0x380  }
0x24: {  	s21 =	sshra.s32 @!p1 s18, $0x1F;
	p2 =	por !p2, p1;
	s20 =	sand.u32 @!p1 s20, s19  }
0x25: {  	p3 =	por !p3, p1;
	s21 =	sand.u32 @!p1 s21, s18;
	s19 =	simm.s32 @p2 $0x42  }
0x26: {  	p2 =	sgt.s32 @!p1 s17, $0xF0;
	s18 =	simm.s32 @p3 $0x380;
	p3 =	sgt.s32 @!p1 s17, $0x16F  }
0x27: {  	p2 =	por !p2, p1;
	s18 =	ssub.s32 @!p1 s18, s21;
	s19 =	ssub.s32 @!p1 s19, s20  }
0x28: {  	p3 =	por !p3, p1;
	s17 =	simm.s32 @p2 $0xF0;
	s20 =	sadd.s32 @!p1 $0xFFFFFC80, s18  }
0x29: {  	s21 =	sadd.s32 @!p1 $0xFFFFFFBE, s19;
	s18 =	ssub.s32 @!p1 $0x400, s18;
	p2 =	sgt.s32 @!p1 s20, $0x7F  }
0x2a: {  	s19 =	ssub.s32 @!p1 $0x43, s19;
	s17 =	ssub.s32 @!p1 $0x170, s17;
	p2 =	por !p2, p1  }
0x2b: {  	s17 =	simm.s32 @!p3 $0x0;
	p3 =	sgt.s32 @!p1 s21, $0x0;
	s18 =	simm.s32 @!p2 $0x0  }
0x2c: {  	s20 =	sadd.s32 $0x1, s14;
	p2 =	por !p3, p1;
	s17 =	smul.u32 @!p1 s17, s18  }
0x2d: {  	s19 =	simm.s32 @!p2 $0x0;
	p2 =	sgt.s32 s20, $0x42;
	s18 =	sadd.s32 $0x400, s15  }
0x2e: {  	s24 =	sadd.s32 $0x1, s16;
	p0 =	por !p0, !p0;
	s22 =	smov.u32 @p2 s18  }
0x2f: {  	s21 =	simm.s32 @!p1 $0x2;
	s20 =	simm.s32 @p2 $0x0;
	p2 =	sgt.s32 s22, $0x3FF  }
0x30: {  	s17 =	smul.u32 @!p1 s19, s17;
	s22 =	smov.u32 @p2 s2;
	p2 =	sne.s32 s16, s9  }
.Ltmp1:
0x31: {  	s18 =	smov.u32 s13;
	s13 =	smov.u32 s15;
	(pc) =	sbr.rel @!p2 .LBB1_6-.Ltmp1, $4  }
0x32: {  	s19 =	smov.u32 s12;
	s12 =	smov.u32 s14;
	s17 =	sand.u32 @!p1 $0x3FFFFFFF, s17  }
0x33: {  	s14 =	smov.u32 s20;
	s16 =	smov.u32 s24;
	_ =	swait.ge @!p1 [sflag:s21], s17  }
0x34: {  	s15 =	smov.u32 s22;
	s23 =	ssub.s32 @!p1 $0x0, s17;
	[sflag:s21] =	ssyncset.done @!p1 $0x0  }
0x35: {  	s17 =	smov.u32 s11;
	s11 =	smov.u32 s4;
	[sflag:s21] =	ssyncadd.s32 @!p1 s23  }
.LBB1_1:
0x36: {  	p1 =	sge.u32 s16, s6  }
0x37: {  	s20 =	sshrl.u32 @!p1 s14, $0x3  }
0x38: {  	s20 =	smul.u32 @!p1 $0xC00, s20  }
0x39: {  	s21 =	sshll.u32 @!p1 s14, $0x7  }
0x3a: {  	s21 =	sand.u32 @!p1 $0x380, s21;
	s20 =	sadd.s32 @!p1 s8, s20  }
0x3b: {  	s20 =	sor.u32 @!p1 s21, s20  }
0x3c: {  	s21 =	smulhi.u32 @!p1 $0xAAAAAAAB, s20;
	_ =	sdelay $0x1  }
0x3d: {  	s21 =	sshrl.u32 @!p1 s21, $0x8  }
0x3e: {  	s22 =	smulhi.u32 @!p1 $0x38E38E4, s21  }
0x3f: {  	s23 =	smul.u32 @!p1 $0x180, s21  }
0x40: {  	s22 =	smul.u32 @!p1 $0x48, s22  }
0x41: {  	s31 =	sadd.s32 $0xFFFFFFFF, s16;
	s25 =	smul.u32 @!p1 $0xD80, s15  }
0x42: {  	s24 =	sxor.u32 @!p1 $0xFFFFFFFF, s16;
	s20 =	ssub.s32 @!p1 s20, s23;
	s21 =	ssub.s32 @!p1 s21, s22  }
0x43: {  	s23 =	sadd.s32 @!p1 s7, s25;
	s20 =	sshrl.u32 @!p1 s20, $0x3;
	s21 =	smul.u32 @!p1 $0x30, s21  }
0x44: {  	s22 =	sshll.u32 @!p1 s24, $0xE;
	s20 =	sadd.s32 @!p1 s20, s23;
	s23 =	simm.s32 @!p1 $0x6C00  }
0x45: {  	s22 =	sand.u32 @!p1 $0x4000, s22;
	s20 =	sadd.s32 @!p1 s21, s20;
	s21 =	simm.s32 @!p1 $0x80  }
0x46: {  	[tilespmem:s22], [sflag:$0x1] =	stream.strided.gather @!p1 [hbm4b:s20+s21], $0x4000, s23, s21, $0x38;
	[tilespmem:$0x10100] =	vst v63  }
0x47: {  	p1 =	sge.u32 s31, s6  }
.Ltmp2:
0x48: {  	_ = 	snop;
	(pc) =	sbr.rel @p1 .LBB1_5-.Ltmp2, $1  }
0x49: {  	_ =	sdelay $0x3  }
0x4a: {  	s20 =	simm.s32 $0x1  }
0x4b: {  	_ =	swait.ge [sflag:s5], $0x4000;
	s20 =	simm.s32 @!p0 $0x0  }
0x4c: {  	[sflag:s5] =	ssyncset.done $0x0;
	s21 =	sshll.u32 s20, $0xE  }
0x4d: {  	[sflag:s5] =	ssyncadd.s32 $0xFFFFC000;
	s21 =	sor.u32 $0x40, s21  }
0x4e: {  	s20 =	smul.u32 $0x10200, s20;
	v0 =	vld [tilespmem:s21+$0x30]  }
0x4f: {  	v1 =	vld [tilespmem:s21+$0xFFFFFFD0]  }
0x50: {  	s20 =	sshrl.u32 s20, $0x2;
	v5 =	vld [tilespmem:s21+$0xFFFFFFE0]  }
0x51: {  	v6 =	vld [tilespmem:s21+$0xFFFFFFF0];
	s23 =	sor.u32 $0x8000, s20  }
0x52: {  	s31 =	sand.u32 $0x1, s16;
	v4 =	vld [tilespmem:s21+$0x0];
	s22 =	sadd.s32 $0x0, s23  }
0x53: {  	v3 =	vld [tilespmem:s21+$0x10];
	s20 =	smul.u32 $0x10200, s31;
	[tilespmem:s22+$0x3870 ss:$0x81] =	vst.msk $0xffff, v0  }
0x54: {  	v2 =	vld [tilespmem:s21+$0x20];
	[tilespmem:s22+$0x810 ss:$0x81] =	vst.msk $0xffff, v1  }
0x55: {  	s20 =	sshrl.u32 s20, $0x2;
	v0 =	vld [tilespmem:s21+$0xFFFFFFC0];
	[tilespmem:s22+$0x1020 ss:$0x81] =	vst.msk $0xffff, v5;
	s21 =	sadd.s32 $0x80, s21  }
0x56: {  	s24 =	simm.s32 $0x4;
	s25 =	simm.s32 $0x8;
	s20 =	sor.u32 $0x8000, s20;
	[tilespmem:s22+$0x1830 ss:$0x81] =	vst.msk $0xffff, v6;
	v1 =	vld [tilespmem:s21+$0x30]  }
.LBB1_3:
0x57: {  	p1 =	sne.s32 s25, $0x1FC;
	v5 =	vld [tilespmem:s21+$0xFFFFFFD0];
	[tilespmem:s22+$0x2040 ss:$0x81] =	vst.msk $0xffff, v4  }
0x58: {  	v6 =	vld [tilespmem:s21+$0xFFFFFFE0];
	[tilespmem:s22+$0x2850 ss:$0x81] =	vst.msk $0xffff, v3  }
0x59: {  	s26 =	sshra.s32 s24, $0x2;
	s24 =	smov.u32 s25;
	v7 =	vld [tilespmem:s21+$0xFFFFFFF0];
	[tilespmem:s22+$0x3060 ss:$0x81] =	vst.msk $0xffff, v2  }
.Ltmp3:
0x5a: {  	v4 =	vld [tilespmem:s21+$0x0];
	[tilespmem:s22+$0x0 ss:$0x81] =	vst.msk $0xffff, v0;
	s22 =	sadd.s32 s26, s23;
	(pc) =	sbr.rel @p1 .LBB1_3-.Ltmp3, $4  }
0x5b: {  	v3 =	vld [tilespmem:s21+$0x10];
	[tilespmem:s22+$0x3870 ss:$0x81] =	vst.msk $0xffff, v1  }
0x5c: {  	[tilespmem:s22+$0x810 ss:$0x81] =	vst.msk $0xffff, v5;
	v2 =	vld [tilespmem:s21+$0x20]  }
0x5d: {  	v0 =	vld [tilespmem:s21+$0xFFFFFFC0];
	[tilespmem:s22+$0x1020 ss:$0x81] =	vst.msk $0xffff, v6;
	s21 =	sadd.s32 $0x80, s21  }
0x5e: {  	s25 =	sadd.s32 $0x4, s25;
	v1 =	vld [tilespmem:s21+$0x30];
	[tilespmem:s22+$0x1830 ss:$0x81] =	vst.msk $0xffff, v7  }
.Ltmp4:
0x5f: {  	_ = 	snop;
	(pc) =	sbr.rel .LBB1_4-.Ltmp4, $1  }
0x60: {  	_ =	sdelay $0x3  }
.LBB1_6:
0x61: {  	_ =	sfence.sel $0x180000  }
0x62: {  	s2 =	simm.s32 $0x1;
	[bflag:$0x0] =	sbarrier.arrive $0xFFFF  }
0x63: {  	s31 =	simm.s32 $0x2;
	[sflag:s2] =	ssyncpa.u1 $0x1  }
0x64: {  	[sflag:s31] =	ssyncpa.u1 $0x1  }
0x65: {  	p0 =	sne.s32 s0, $0x0;
	_ =	strace $0x9000004A  }
0x66: {  	s0 =	sadd.s32 @!p0 $0x100000, s1;
	[bflag:$0x2] =	sbarrier.arrive $0xFFFF  }
0x67: {  	[sflag:s0] =	ssyncadd.tile.s32 @!p0 $0x1;
	_ =	shalt  }
.Lfunc_end1:
_tile_overlayer_lowered:
.L_overlay_start_2:
0x68: {  	(tag) =	ssettag $0x2  }
0x69: {  	s0 =	rddreg [dreg:$0x0];
	s2 =	stileid.u32  }
0x6a: {  	s1 =	rddreg [dreg:$0x1];
	p0 =	sne.s32 s2, $0x0  }
0x6b: {  	s3 =	rddreg [dreg:$0x2];
	[bflag:$0x3] =	sbarrier.arrive $0xFFFF;
	s2 =	simm.s32 @!p0 $0x1C01  }
0x6c: {  	[timem:s3], [sflag:s2] =	dma.local @!p0 [hbm:s0], s1  }
0x6d: {  	s0 =	simm.s32 @!p0 $0x1  }
0x6e: {  	_ =	swait.ge @!p0 [sflag:s0], s1  }
0x6f: {  	s1 =	ssub.s32 @!p0 $0x0, s1;
	[sflag:s0] =	ssyncset.done @!p0 $0x0  }
0x70: {  	[sflag:s0] =	ssyncadd.s32 @!p0 s1  }
0x71: {  	[bflag:$0x3] =	sbarrier.arrive $0xFFFF  }
0x72: {  	_ =	shalt  }

</sc_bundles>
